<compile_context>
chip_gen: v7x
topology: tpu7x:2x2x1
jax: 0.10.2.dev20260603
libtpu: 0.0.44.dev20260713+nightly
codegen_flags: <defaults>
</compile_context>

<pallas_src>
import functools

import jax
import jax.numpy as jnp
from jax import lax
from jax.experimental import pallas as pl
from jax.experimental.pallas import tpu as pltpu
from jax.experimental.pallas import tpu_sc as plsc

NUM_EMB = 1000000
DIM = 32
BATCH = 16384
BLK = 128
WIN = 128

_info = plsc.get_sparse_core_info()
_NC, _NS, _L = _info.num_cores, _info.num_subcores, _info.num_lanes
_NW = _NC * _NS
_BPW = BATCH // _NW
_GROUPS = _BPW // _L
_H = _L // 2


def _sc_lookup(tin_hbm, idx_hbm, out_hbm, idx_v, blk_v, out_v, sem_a, sem_b):
    wid = lax.axis_index("s") * _NC + lax.axis_index("c")
    base = wid * _BPW

    pltpu.sync_copy(idx_hbm.at[pl.ds(base, _BPW)], idx_v)

    iota = lax.iota(jnp.int32, _L)
    mask_a = iota < _H
    mask_b = iota >= _H
    jvecs = [jnp.full((_L,), j, jnp.int32) for j in range(DIM)]

    def fire(chunk, lanes, sem):
        cp = None
        for lane in lanes:
            ic = jnp.minimum(chunk[lane], NUM_EMB - 1)
            wstart = pl.multiple_of((ic >> 7) << 7, BLK)
            cp = pltpu.async_copy(
                tin_hbm.at[:, pl.ds(wstart, WIN)], blk_v.at[lane], sem
            )
        return cp

    def extract(g, rvec, mask):
        kvec = iota + g * _L
        for j in range(DIM):
            val = plsc.load_gather(blk_v, [iota, jvecs[j], rvec])
            plsc.store_scatter(out_v, [jvecs[j], kvec], val, mask=mask)

    def _wait_one(sem):
        pltpu.make_async_copy(
            tin_hbm.at[:, pl.ds(0, WIN)], blk_v.at[0], sem
        ).wait()

    def loop_body(p, bad):
        chunk = idx_v[pl.ds(p * _L, _L)]
        bad = jnp.maximum(bad, (chunk == NUM_EMB).astype(jnp.int32))
        rvec = jnp.minimum(chunk, NUM_EMB - 1) & (BLK - 1)

        cpb = fire(chunk, range(_H, _L), sem_b)
        for _ in range(_H):
            _wait_one(sem_a)
        extract(p, rvec, mask_a)

        @pl.when(p < _GROUPS - 1)
        def _():
            nxt = idx_v[pl.ds((p + 1) * _L, _L)]
            fire(nxt, range(0, _H), sem_a)

        for _ in range(_H):
            cpb.wait()
        extract(p, rvec, mask_b)
        return bad

    chunk0 = idx_v[pl.ds(0, _L)]
    fire(chunk0, range(0, _H), sem_a)

    bad = lax.fori_loop(
        0, _GROUPS, loop_body, jnp.zeros((_L,), jnp.int32)
    )
    haspad = jnp.max(bad)

    @pl.when(haspad > 0)
    def _():
        zeros16 = jnp.zeros((_L,), jnp.float32)
        for g in range(_GROUPS):
            v = idx_v[pl.ds(g * _L, _L)]
            pad = v == NUM_EMB
            kvec = lax.iota(jnp.int32, _L) + g * _L
            for j in range(DIM):
                plsc.store_scatter(out_v, [jvecs[j], kvec], zeros16, mask=pad)

    pltpu.sync_copy(out_v, out_hbm.at[:, pl.ds(base, _BPW)])


@jax.jit
def kernel(embeddings, indices):
    idx = indices.astype(jnp.int32)
    table_t = embeddings.T
    mesh = plsc.VectorSubcoreMesh(core_axis_name="c", subcore_axis_name="s")
    f = functools.partial(
        pl.kernel,
        out_type=jax.ShapeDtypeStruct((DIM, BATCH), jnp.float32),
        mesh=mesh,
        scratch_types=[
            pltpu.VMEM((_BPW,), jnp.int32),
            pltpu.VMEM((_L, DIM, WIN), jnp.float32),
            pltpu.VMEM((DIM, _BPW), jnp.float32),
            pltpu.SemaphoreType.DMA,
            pltpu.SemaphoreType.DMA,
        ],
        compiler_params=pltpu.CompilerParams(needs_layout_passes=False),
    )(_sc_lookup)
    return f(table_t, idx).T

# --- scband reference (transcript-rebuilt; emitter-appended) ---
"""Pipeline reference for scband-embedding-layer-27358941675531 (READ-ONLY COPY).

The authoritative reference and input builder live on the scoring server;
editing this copy changes nothing except your own understanding.
"""

import jax, jax.numpy as jnp
import numpy as np

NUM_EMBEDDINGS = 1000000
EMBEDDING_DIM = 32
BATCH = 16384

def setup_inputs(seed: int = 0) -> dict:
    key = jax.random.key(seed)
    k1, k2 = jax.random.split(key)
    # learned embedding table (trainable part, without the appended zero row)
    embeddings = jax.random.normal(k1, (NUM_EMBEDDINGS, EMBEDDING_DIM), dtype=jnp.float32)
    # lookup ids; may include index == NUM_EMBEDDINGS which maps to the zero padding row
    indices = jax.random.randint(k2, (BATCH,), 0, NUM_EMBEDDINGS + 1, dtype=jnp.int64 if jax.config.jax_enable_x64 else jnp.int32)
    return {"embeddings": embeddings, "indices": indices}

def reference(embeddings, indices):
    # Faithful to EmbeddingLayer: concat a zero row, then embedding_lookup.
    table = jnp.concatenate([embeddings, jnp.zeros((1, EMBEDDING_DIM), dtype=jnp.float32)], axis=0)
    activations = jnp.take(table, indices, axis=0)
    # No activation function, no layer norm, no dropout (defaults)
    return activations

if __name__ == "__main__":
    import jax
    _d = setup_inputs()
    print(jax.jit(kernel)(*tuple(_d.values())))

</pallas_src>

<mosaic_0001>
#map = affine_map<(d0, d1) -> (0, 0)>
#map1 = affine_map<(d0, d1) -> (0)>
module attributes {stable_mosaic.version = 14 : i64} {
  func.func @_sc_lookup(%arg0: i32, %arg1: i32, %arg2: memref<32x1000000xf32, #tpu.memory_space<hbm>>, %arg3: memref<16384xi32, #tpu.memory_space<hbm>>, %arg4: memref<32x16384xf32, #tpu.memory_space<hbm>>, %arg5: memref<512xi32, #tpu.memory_space<vmem>>, %arg6: memref<16x32x128xf32, #tpu.memory_space<vmem>>, %arg7: memref<32x512xf32, #tpu.memory_space<vmem>>, %arg8: memref<!tpu.dma_semaphore, #tpu.memory_space<semaphore_mem>>, %arg9: memref<!tpu.dma_semaphore, #tpu.memory_space<semaphore_mem>>) attributes {dimension_semantics = [#tpu.dimension_semantics<core_parallel>, #tpu.dimension_semantics<subcore_parallel>], iteration_bounds = array<i64: 2, 16>, scalar_prefetch = 0 : i64, scratch_operands = 5 : i64, tpu.core_type = #tpu.core_type<sc_vector_subcore>, window_params = [{transform_indices = #map}, {transform_indices = #map1}, {transform_indices = #map}]} {
    %mul3A = arith.constant 2 : i32
    %mul3A_0 = arith.muli %arg1, %mul3A : i32
    %add3A = arith.addi %mul3A_0, %arg0 : i32
    %mul3A_1 = arith.constant 512 : i32
    %mul3A_2 = arith.muli %add3A, %mul3A_1 : i32
    "tpu.region"() ({
      %run_scoped3A = tpu.sem_alloc : memref<!tpu.dma_semaphore, #tpu.memory_space<semaphore_mem>>
      %dma_start3A_256 = tpu.memref_slice %arg3[%mul3A_2] : memref<16384xi32, #tpu.memory_space<hbm>> -> memref<512xi32, #tpu.memory_space<hbm>>
      %dma_start3A_257 = tpu.memref_slice %arg3[%mul3A_2] : memref<16384xi32, #tpu.memory_space<hbm>> -> memref<512xi32, #tpu.memory_space<hbm>>
      tpu.enqueue_dma source(%dma_start3A_257 : memref<512xi32, #tpu.memory_space<hbm>>) target(%arg5 : memref<512xi32, #tpu.memory_space<vmem>>) target_semaphore(%run_scoped3A : memref<!tpu.dma_semaphore, #tpu.memory_space<semaphore_mem>>)
      %dma_wait3A = tpu.memref_slice %arg3[%mul3A_2] : memref<16384xi32, #tpu.memory_space<hbm>> -> memref<512xi32, #tpu.memory_space<hbm>>
      %dma_wait3A_258 = tpu.memref_slice %arg3[%mul3A_2] : memref<16384xi32, #tpu.memory_space<hbm>> -> memref<512xi32, #tpu.memory_space<hbm>>
      tpu.wait_dma2 semaphore(%run_scoped3A : memref<!tpu.dma_semaphore, #tpu.memory_space<semaphore_mem>>) src(%dma_wait3A_258 : memref<512xi32, #tpu.memory_space<hbm>>) dst(%arg5 : memref<512xi32, #tpu.memory_space<vmem>>)
      tpu.yield
    }) : () -> ()
    %iota3A = tpu.iota {dimensions = array<i32: 0>} : vector<16xi32>
    %lt3A = arith.constant 8 : i32
    %lt3A_3 = vector.broadcast %lt3A : i32 to vector<16xi32>
    %lt3A_4 = arith.cmpi slt, %iota3A, %lt3A_3 : vector<16xi32>
    %ge3A = arith.constant 8 : i32
    %ge3A_5 = vector.broadcast %ge3A : i32 to vector<16xi32>
    %ge3A_6 = arith.cmpi sge, %iota3A, %ge3A_5 : vector<16xi32>
    %broadcast_in_dim3A = arith.constant 0 : i32
    %broadcast_in_dim3A_7 = vector.broadcast %broadcast_in_dim3A : i32 to vector<16xi32>
    %broadcast_in_dim3A_8 = arith.constant 1 : i32
    %broadcast_in_dim3A_9 = vector.broadcast %broadcast_in_dim3A_8 : i32 to vector<16xi32>
    %broadcast_in_dim3A_10 = arith.constant 2 : i32
    %broadcast_in_dim3A_11 = vector.broadcast %broadcast_in_dim3A_10 : i32 to vector<16xi32>
    %broadcast_in_dim3A_12 = arith.constant 3 : i32
    %broadcast_in_dim3A_13 = vector.broadcast %broadcast_in_dim3A_12 : i32 to vector<16xi32>
    %broadcast_in_dim3A_14 = arith.constant 4 : i32
    %broadcast_in_dim3A_15 = vector.broadcast %broadcast_in_dim3A_14 : i32 to vector<16xi32>
    %broadcast_in_dim3A_16 = arith.constant 5 : i32
    %broadcast_in_dim3A_17 = vector.broadcast %broadcast_in_dim3A_16 : i32 to vector<16xi32>
    %broadcast_in_dim3A_18 = arith.constant 6 : i32
    %broadcast_in_dim3A_19 = vector.broadcast %broadcast_in_dim3A_18 : i32 to vector<16xi32>
    %broadcast_in_dim3A_20 = arith.constant 7 : i32
    %broadcast_in_dim3A_21 = vector.broadcast %broadcast_in_dim3A_20 : i32 to vector<16xi32>
    %broadcast_in_dim3A_22 = arith.constant 8 : i32
    %broadcast_in_dim3A_23 = vector.broadcast %broadcast_in_dim3A_22 : i32 to vector<16xi32>
    %broadcast_in_dim3A_24 = arith.constant 9 : i32
    %broadcast_in_dim3A_25 = vector.broadcast %broadcast_in_dim3A_24 : i32 to vector<16xi32>
    %broadcast_in_dim3A_26 = arith.constant 10 : i32
    %broadcast_in_dim3A_27 = vector.broadcast %broadcast_in_dim3A_26 : i32 to vector<16xi32>
    %broadcast_in_dim3A_28 = arith.constant 11 : i32
    %broadcast_in_dim3A_29 = vector.broadcast %broadcast_in_dim3A_28 : i32 to vector<16xi32>
    %broadcast_in_dim3A_30 = arith.constant 12 : i32
    %broadcast_in_dim3A_31 = vector.broadcast %broadcast_in_dim3A_30 : i32 to vector<16xi32>
    %broadcast_in_dim3A_32 = arith.constant 13 : i32
    %broadcast_in_dim3A_33 = vector.broadcast %broadcast_in_dim3A_32 : i32 to vector<16xi32>
    %broadcast_in_dim3A_34 = arith.constant 14 : i32
    %broadcast_in_dim3A_35 = vector.broadcast %broadcast_in_dim3A_34 : i32 to vector<16xi32>
    %broadcast_in_dim3A_36 = arith.constant 15 : i32
    %broadcast_in_dim3A_37 = vector.broadcast %broadcast_in_dim3A_36 : i32 to vector<16xi32>
    %broadcast_in_dim3A_38 = arith.constant 16 : i32
    %broadcast_in_dim3A_39 = vector.broadcast %broadcast_in_dim3A_38 : i32 to vector<16xi32>
    %broadcast_in_dim3A_40 = arith.constant 17 : i32
    %broadcast_in_dim3A_41 = vector.broadcast %broadcast_in_dim3A_40 : i32 to vector<16xi32>
    %broadcast_in_dim3A_42 = arith.constant 18 : i32
    %broadcast_in_dim3A_43 = vector.broadcast %broadcast_in_dim3A_42 : i32 to vector<16xi32>
    %broadcast_in_dim3A_44 = arith.constant 19 : i32
    %broadcast_in_dim3A_45 = vector.broadcast %broadcast_in_dim3A_44 : i32 to vector<16xi32>
    %broadcast_in_dim3A_46 = arith.constant 20 : i32
    %broadcast_in_dim3A_47 = vector.broadcast %broadcast_in_dim3A_46 : i32 to vector<16xi32>
    %broadcast_in_dim3A_48 = arith.constant 21 : i32
    %broadcast_in_dim3A_49 = vector.broadcast %broadcast_in_dim3A_48 : i32 to vector<16xi32>
    %broadcast_in_dim3A_50 = arith.constant 22 : i32
    %broadcast_in_dim3A_51 = vector.broadcast %broadcast_in_dim3A_50 : i32 to vector<16xi32>
    %broadcast_in_dim3A_52 = arith.constant 23 : i32
    %broadcast_in_dim3A_53 = vector.broadcast %broadcast_in_dim3A_52 : i32 to vector<16xi32>
    %broadcast_in_dim3A_54 = arith.constant 24 : i32
    %broadcast_in_dim3A_55 = vector.broadcast %broadcast_in_dim3A_54 : i32 to vector<16xi32>
    %broadcast_in_dim3A_56 = arith.constant 25 : i32
    %broadcast_in_dim3A_57 = vector.broadcast %broadcast_in_dim3A_56 : i32 to vector<16xi32>
    %broadcast_in_dim3A_58 = arith.constant 26 : i32
    %broadcast_in_dim3A_59 = vector.broadcast %broadcast_in_dim3A_58 : i32 to vector<16xi32>
    %broadcast_in_dim3A_60 = arith.constant 27 : i32
    %broadcast_in_dim3A_61 = vector.broadcast %broadcast_in_dim3A_60 : i32 to vector<16xi32>
    %broadcast_in_dim3A_62 = arith.constant 28 : i32
    %broadcast_in_dim3A_63 = vector.broadcast %broadcast_in_dim3A_62 : i32 to vector<16xi32>
    %broadcast_in_dim3A_64 = arith.constant 29 : i32
    %broadcast_in_dim3A_65 = vector.broadcast %broadcast_in_dim3A_64 : i32 to vector<16xi32>
    %broadcast_in_dim3A_66 = arith.constant 30 : i32
    %broadcast_in_dim3A_67 = vector.broadcast %broadcast_in_dim3A_66 : i32 to vector<16xi32>
    %broadcast_in_dim3A_68 = arith.constant 31 : i32
    %broadcast_in_dim3A_69 = vector.broadcast %broadcast_in_dim3A_68 : i32 to vector<16xi32>
    %get3A = arith.constant 0 : index
    %get3A_70 = tpu.vector_load %arg5[%get3A] {strides = array<i32>} : memref<512xi32, #tpu.memory_space<vmem>>, vector<16xi32>,
    %slice3A = vector.extract_strided_slice %get3A_70 {offsets = [0], sizes = [1], strides = [1]} : vector<16xi32> to vector<1xi32>
    %squeeze3A = vector.extract %slice3A[0] : i32 from vector<1xi32>
    %min3A = arith.constant 999999 : i32
    %min3A_71 = arith.minsi %squeeze3A, %min3A : i32
    %shift_right_arithmetic3A = arith.constant 7 : i32
    %shift_right_arithmetic3A_72 = arith.shrsi %min3A_71, %shift_right_arithmetic3A : i32
    %shift_left3A = arith.constant 7 : i32
    %shift_left3A_73 = arith.shli %shift_right_arithmetic3A_72, %shift_left3A : i32
    %multiple_of3A = tpu.assume_multiple %shift_left3A_73, 128 : i32
    %dma_start3A = arith.constant 0 : i32
    %dma_start3A_74 = arith.constant 0 : i32
    %dma_start3A_75 = arith.constant 0 : i32
    %dma_start3A_76 = tpu.memref_slice %arg6[%dma_start3A, %dma_start3A_74, %dma_start3A_75] : memref<16x32x128xf32, #tpu.memory_space<vmem>> -> memref<1x32x128xf32, #tpu.memory_space<vmem>>
    %dma_start3A_77 = tpu.memref_squeeze %dma_start3A_76 : memref<1x32x128xf32, #tpu.memory_space<vmem>> -> memref<32x128xf32, #tpu.memory_space<vmem>>
    %dma_start3A_78 = arith.constant 0 : i32
    %dma_start3A_79 = tpu.memref_slice %arg2[%dma_start3A_78, %multiple_of3A] : memref<32x1000000xf32, #tpu.memory_space<hbm>> -> memref<32x128xf32, #tpu.memory_space<hbm>>
    %dma_start3A_80 = arith.constant 0 : i32
    %dma_start3A_81 = arith.constant 0 : i32
    %dma_start3A_82 = tpu.memref_slice %arg6[%dma_start3A, %dma_start3A_80, %dma_start3A_81] : memref<16x32x128xf32, #tpu.memory_space<vmem>> -> memref<1x32x128xf32, #tpu.memory_space<vmem>>
    %dma_start3A_83 = tpu.memref_squeeze %dma_start3A_82 : memref<1x32x128xf32, #tpu.memory_space<vmem>> -> memref<32x128xf32, #tpu.memory_space<vmem>>
    %dma_start3A_84 = arith.constant 0 : i32
    %dma_start3A_85 = tpu.memref_slice %arg2[%dma_start3A_84, %multiple_of3A] : memref<32x1000000xf32, #tpu.memory_space<hbm>> -> memref<32x128xf32, #tpu.memory_space<hbm>>
    tpu.enqueue_dma source(%dma_start3A_85 : memref<32x128xf32, #tpu.memory_space<hbm>>) target(%dma_start3A_83 : memref<32x128xf32, #tpu.memory_space<vmem>>) target_semaphore(%arg8 : memref<!tpu.dma_semaphore, #tpu.memory_space<semaphore_mem>>)
    %slice3A_86 = vector.extract_strided_slice %get3A_70 {offsets = [1], sizes = [1], strides = [1]} : vector<16xi32> to vector<1xi32>
    %squeeze3A_87 = vector.extract %slice3A_86[0] : i32 from vector<1xi32>
    %min3A_88 = arith.constant 999999 : i32
    %min3A_89 = arith.minsi %squeeze3A_87, %min3A_88 : i32
    %shift_right_arithmetic3A_90 = arith.constant 7 : i32
    %shift_right_arithmetic3A_91 = arith.shrsi %min3A_89, %shift_right_arithmetic3A_90 : i32
    %shift_left3A_92 = arith.constant 7 : i32
    %shift_left3A_93 = arith.shli %shift_right_arithmetic3A_91, %shift_left3A_92 : i32
    %multiple_of3A_94 = tpu.assume_multiple %shift_left3A_93, 128 : i32
    %dma_start3A_95 = arith.constant 1 : i32
    %dma_start3A_96 = arith.constant 0 : i32
    %dma_start3A_97 = arith.constant 0 : i32
    %dma_start3A_98 = tpu.memref_slice %arg6[%dma_start3A_95, %dma_start3A_96, %dma_start3A_97] : memref<16x32x128xf32, #tpu.memory_space<vmem>> -> memref<1x32x128xf32, #tpu.memory_space<vmem>>
    %dma_start3A_99 = tpu.memref_squeeze %dma_start3A_98 : memref<1x32x128xf32, #tpu.memory_space<vmem>> -> memref<32x128xf32, #tpu.memory_space<vmem>>
    %dma_start3A_100 = arith.constant 0 : i32
    %dma_start3A_101 = tpu.memref_slice %arg2[%dma_start3A_100, %multiple_of3A_94] : memref<32x1000000xf32, #tpu.memory_space<hbm>> -> memref<32x128xf32, #tpu.memory_space<hbm>>
    %dma_start3A_102 = arith.constant 0 : i32
    %dma_start3A_103 = arith.constant 0 : i32
    %dma_start3A_104 = tpu.memref_slice %arg6[%dma_start3A_95, %dma_start3A_102, %dma_start3A_103] : memref<16x32x128xf32, #tpu.memory_space<vmem>> -> memref<1x32x128xf32, #tpu.memory_space<vmem>>
    %dma_start3A_105 = tpu.memref_squeeze %dma_start3A_104 : memref<1x32x128xf32, #tpu.memory_space<vmem>> -> memref<32x128xf32, #tpu.memory_space<vmem>>
    %dma_start3A_106 = arith.constant 0 : i32
    %dma_start3A_107 = tpu.memref_slice %arg2[%dma_start3A_106, %multiple_of3A_94] : memref<32x1000000xf32, #tpu.memory_space<hbm>> -> memref<32x128xf32, #tpu.memory_space<hbm>>
    tpu.enqueue_dma source(%dma_start3A_107 : memref<32x128xf32, #tpu.memory_space<hbm>>) target(%dma_start3A_105 : memref<32x128xf32, #tpu.memory_space<vmem>>) target_semaphore(%arg8 : memref<!tpu.dma_semaphore, #tpu.memory_space<semaphore_mem>>)
    %slice3A_108 = vector.extract_strided_slice %get3A_70 {offsets = [2], sizes = [1], strides = [1]} : vector<16xi32> to vector<1xi32>
    %squeeze3A_109 = vector.extract %slice3A_108[0] : i32 from vector<1xi32>
    %min3A_110 = arith.constant 999999 : i32
    %min3A_111 = arith.minsi %squeeze3A_109, %min3A_110 : i32
    %shift_right_arithmetic3A_112 = arith.constant 7 : i32
    %shift_right_arithmetic3A_113 = arith.shrsi %min3A_111, %shift_right_arithmetic3A_112 : i32
    %shift_left3A_114 = arith.constant 7 : i32
    %shift_left3A_115 = arith.shli %shift_right_arithmetic3A_113, %shift_left3A_114 : i32
    %multiple_of3A_116 = tpu.assume_multiple %shift_left3A_115, 128 : i32
    %dma_start3A_117 = arith.constant 2 : i32
    %dma_start3A_118 = arith.constant 0 : i32
    %dma_start3A_119 = arith.constant 0 : i32
    %dma_start3A_120 = tpu.memref_slice %arg6[%dma_start3A_117, %dma_start3A_118, %dma_start3A_119] : memref<16x32x128xf32, #tpu.memory_space<vmem>> -> memref<1x32x128xf32, #tpu.memory_space<vmem>>
    %dma_start3A_121 = tpu.memref_squeeze %dma_start3A_120 : memref<1x32x128xf32, #tpu.memory_space<vmem>> -> memref<32x128xf32, #tpu.memory_space<vmem>>
    %dma_start3A_122 = arith.constant 0 : i32
    %dma_start3A_123 = tpu.memref_slice %arg2[%dma_start3A_122, %multiple_of3A_116] : memref<32x1000000xf32, #tpu.memory_space<hbm>> -> memref<32x128xf32, #tpu.memory_space<hbm>>
    %dma_start3A_124 = arith.constant 0 : i32
    %dma_start3A_125 = arith.constant 0 : i32
    %dma_start3A_126 = tpu.memref_slice %arg6[%dma_start3A_117, %dma_start3A_124, %dma_start3A_125] : memref<16x32x128xf32, #tpu.memory_space<vmem>> -> memref<1x32x128xf32, #tpu.memory_space<vmem>>
    %dma_start3A_127 = tpu.memref_squeeze %dma_start3A_126 : memref<1x32x128xf32, #tpu.memory_space<vmem>> -> memref<32x128xf32, #tpu.memory_space<vmem>>
    %dma_start3A_128 = arith.constant 0 : i32
    %dma_start3A_129 = tpu.memref_slice %arg2[%dma_start3A_128, %multiple_of3A_116] : memref<32x1000000xf32, #tpu.memory_space<hbm>> -> memref<32x128xf32, #tpu.memory_space<hbm>>
    tpu.enqueue_dma source(%dma_start3A_129 : memref<32x128xf32, #tpu.memory_space<hbm>>) target(%dma_start3A_127 : memref<32x128xf32, #tpu.memory_space<vmem>>) target_semaphore(%arg8 : memref<!tpu.dma_semaphore, #tpu.memory_space<semaphore_mem>>)
    %slice3A_130 = vector.extract_strided_slice %get3A_70 {offsets = [3], sizes = [1], strides = [1]} : vector<16xi32> to vector<1xi32>
    %squeeze3A_131 = vector.extract %slice3A_130[0] : i32 from vector<1xi32>
    %min3A_132 = arith.constant 999999 : i32
    %min3A_133 = arith.minsi %squeeze3A_131, %min3A_132 : i32
    %shift_right_arithmetic3A_134 = arith.constant 7 : i32
    %shift_right_arithmetic3A_135 = arith.shrsi %min3A_133, %shift_right_arithmetic3A_134 : i32
    %shift_left3A_136 = arith.constant 7 : i32
    %shift_left3A_137 = arith.shli %shift_right_arithmetic3A_135, %shift_left3A_136 : i32
    %multiple_of3A_138 = tpu.assume_multiple %shift_left3A_137, 128 : i32
    %dma_start3A_139 = arith.constant 3 : i32
    %dma_start3A_140 = arith.constant 0 : i32
    %dma_start3A_141 = arith.constant 0 : i32
    %dma_start3A_142 = tpu.memref_slice %arg6[%dma_start3A_139, %dma_start3A_140, %dma_start3A_141] : memref<16x32x128xf32, #tpu.memory_space<vmem>> -> memref<1x32x128xf32, #tpu.memory_space<vmem>>
    %dma_start3A_143 = tpu.memref_squeeze %dma_start3A_142 : memref<1x32x128xf32, #tpu.memory_space<vmem>> -> memref<32x128xf32, #tpu.memory_space<vmem>>
    %dma_start3A_144 = arith.constant 0 : i32
    %dma_start3A_145 = tpu.memref_slice %arg2[%dma_start3A_144, %multiple_of3A_138] : memref<32x1000000xf32, #tpu.memory_space<hbm>> -> memref<32x128xf32, #tpu.memory_space<hbm>>
    %dma_start3A_146 = arith.constant 0 : i32
    %dma_start3A_147 = arith.constant 0 : i32
    %dma_start3A_148 = tpu.memref_slice %arg6[%dma_start3A_139, %dma_start3A_146, %dma_start3A_147] : memref<16x32x128xf32, #tpu.memory_space<vmem>> -> memref<1x32x128xf32, #tpu.memory_space<vmem>>
    %dma_start3A_149 = tpu.memref_squeeze %dma_start3A_148 : memref<1x32x128xf32, #tpu.memory_space<vmem>> -> memref<32x128xf32, #tpu.memory_space<vmem>>
    %dma_start3A_150 = arith.constant 0 : i32
    %dma_start3A_151 = tpu.memref_slice %arg2[%dma_start3A_150, %multiple_of3A_138] : memref<32x1000000xf32, #tpu.memory_space<hbm>> -> memref<32x128xf32, #tpu.memory_space<hbm>>
    tpu.enqueue_dma source(%dma_start3A_151 : memref<32x128xf32, #tpu.memory_space<hbm>>) target(%dma_start3A_149 : memref<32x128xf32, #tpu.memory_space<vmem>>) target_semaphore(%arg8 : memref<!tpu.dma_semaphore, #tpu.memory_space<semaphore_mem>>)
    %slice3A_152 = vector.extract_strided_slice %get3A_70 {offsets = [4], sizes = [1], strides = [1]} : vector<16xi32> to vector<1xi32>
    %squeeze3A_153 = vector.extract %slice3A_152[0] : i32 from vector<1xi32>
    %min3A_154 = arith.constant 999999 : i32
    %min3A_155 = arith.minsi %squeeze3A_153, %min3A_154 : i32
    %shift_right_arithmetic3A_156 = arith.constant 7 : i32
    %shift_right_arithmetic3A_157 = arith.shrsi %min3A_155, %shift_right_arithmetic3A_156 : i32
    %shift_left3A_158 = arith.constant 7 : i32
    %shift_left3A_159 = arith.shli %shift_right_arithmetic3A_157, %shift_left3A_158 : i32
    %multiple_of3A_160 = tpu.assume_multiple %shift_left3A_159, 128 : i32
    %dma_start3A_161 = arith.constant 4 : i32
    %dma_start3A_162 = arith.constant 0 : i32
    %dma_start3A_163 = arith.constant 0 : i32
    %dma_start3A_164 = tpu.memref_slice %arg6[%dma_start3A_161, %dma_start3A_162, %dma_start3A_163] : memref<16x32x128xf32, #tpu.memory_space<vmem>> -> memref<1x32x128xf32, #tpu.memory_space<vmem>>
    %dma_start3A_165 = tpu.memref_squeeze %dma_start3A_164 : memref<1x32x128xf32, #tpu.memory_space<vmem>> -> memref<32x128xf32, #tpu.memory_space<vmem>>
    %dma_start3A_166 = arith.constant 0 : i32
    %dma_start3A_167 = tpu.memref_slice %arg2[%dma_start3A_166, %multiple_of3A_160] : memref<32x1000000xf32, #tpu.memory_space<hbm>> -> memref<32x128xf32, #tpu.memory_space<hbm>>
    %dma_start3A_168 = arith.constant 0 : i32
    %dma_start3A_169 = arith.constant 0 : i32
    %dma_start3A_170 = tpu.memref_slice %arg6[%dma_start3A_161, %dma_start3A_168, %dma_start3A_169] : memref<16x32x128xf32, #tpu.memory_space<vmem>> -> memref<1x32x128xf32, #tpu.memory_space<vmem>>
    %dma_start3A_171 = tpu.memref_squeeze %dma_start3A_170 : memref<1x32x128xf32, #tpu.memory_space<vmem>> -> memref<32x128xf32, #tpu.memory_space<vmem>>
    %dma_start3A_172 = arith.constant 0 : i32
    %dma_start3A_173 = tpu.memref_slice %arg2[%dma_start3A_172, %multiple_of3A_160] : memref<32x1000000xf32, #tpu.memory_space<hbm>> -> memref<32x128xf32, #tpu.memory_space<hbm>>
    tpu.enqueue_dma source(%dma_start3A_173 : memref<32x128xf32, #tpu.memory_space<hbm>>) target(%dma_start3A_171 : memref<32x128xf32, #tpu.memory_space<vmem>>) target_semaphore(%arg8 : memref<!tpu.dma_semaphore, #tpu.memory_space<semaphore_mem>>)
    %slice3A_174 = vector.extract_strided_slice %get3A_70 {offsets = [5], sizes = [1], strides = [1]} : vector<16xi32> to vector<1xi32>
    %squeeze3A_175 = vector.extract %slice3A_174[0] : i32 from vector<1xi32>
    %min3A_176 = arith.constant 999999 : i32
    %min3A_177 = arith.minsi %squeeze3A_175, %min3A_176 : i32
    %shift_right_arithmetic3A_178 = arith.constant 7 : i32
    %shift_right_arithmetic3A_179 = arith.shrsi %min3A_177, %shift_right_arithmetic3A_178 : i32
    %shift_left3A_180 = arith.constant 7 : i32
    %shift_left3A_181 = arith.shli %shift_right_arithmetic3A_179, %shift_left3A_180 : i32
    %multiple_of3A_182 = tpu.assume_multiple %shift_left3A_181, 128 : i32
    %dma_start3A_183 = arith.constant 5 : i32
    %dma_start3A_184 = arith.constant 0 : i32
    %dma_start3A_185 = arith.constant 0 : i32
    %dma_start3A_186 = tpu.memref_slice %arg6[%dma_start3A_183, %dma_start3A_184, %dma_start3A_185] : memref<16x32x128xf32, #tpu.memory_space<vmem>> -> memref<1x32x128xf32, #tpu.memory_space<vmem>>
    %dma_start3A_187 = tpu.memref_squeeze %dma_start3A_186 : memref<1x32x128xf32, #tpu.memory_space<vmem>> -> memref<32x128xf32, #tpu.memory_space<vmem>>
    %dma_start3A_188 = arith.constant 0 : i32
    %dma_start3A_189 = tpu.memref_slice %arg2[%dma_start3A_188, %multiple_of3A_182] : memref<32x1000000xf32, #tpu.memory_space<hbm>> -> memref<32x128xf32, #tpu.memory_space<hbm>>
    %dma_start3A_190 = arith.constant 0 : i32
    %dma_start3A_191 = arith.constant 0 : i32
    %dma_start3A_192 = tpu.memref_slice %arg6[%dma_start3A_183, %dma_start3A_190, %dma_start3A_191] : memref<16x32x128xf32, #tpu.memory_space<vmem>> -> memref<1x32x128xf32, #tpu.memory_space<vmem>>
    %dma_start3A_193 = tpu.memref_squeeze %dma_start3A_192 : memref<1x32x128xf32, #tpu.memory_space<vmem>> -> memref<32x128xf32, #tpu.memory_space<vmem>>
    %dma_start3A_194 = arith.constant 0 : i32
    %dma_start3A_195 = tpu.memref_slice %arg2[%dma_start3A_194, %multiple_of3A_182] : memref<32x1000000xf32, #tpu.memory_space<hbm>> -> memref<32x128xf32, #tpu.memory_space<hbm>>
    tpu.enqueue_dma source(%dma_start3A_195 : memref<32x128xf32, #tpu.memory_space<hbm>>) target(%dma_start3A_193 : memref<32x128xf32, #tpu.memory_space<vmem>>) target_semaphore(%arg8 : memref<!tpu.dma_semaphore, #tpu.memory_space<semaphore_mem>>)
    %slice3A_196 = vector.extract_strided_slice %get3A_70 {offsets = [6], sizes = [1], strides = [1]} : vector<16xi32> to vector<1xi32>
    %squeeze3A_197 = vector.extract %slice3A_196[0] : i32 from vector<1xi32>
    %min3A_198 = arith.constant 999999 : i32
    %min3A_199 = arith.minsi %squeeze3A_197, %min3A_198 : i32
    %shift_right_arithmetic3A_200 = arith.constant 7 : i32
    %shift_right_arithmetic3A_201 = arith.shrsi %min3A_199, %shift_right_arithmetic3A_200 : i32
    %shift_left3A_202 = arith.constant 7 : i32
    %shift_left3A_203 = arith.shli %shift_right_arithmetic3A_201, %shift_left3A_202 : i32
    %multiple_of3A_204 = tpu.assume_multiple %shift_left3A_203, 128 : i32
    %dma_start3A_205 = arith.constant 6 : i32
    %dma_start3A_206 = arith.constant 0 : i32
    %dma_start3A_207 = arith.constant 0 : i32
    %dma_start3A_208 = tpu.memref_slice %arg6[%dma_start3A_205, %dma_start3A_206, %dma_start3A_207] : memref<16x32x128xf32, #tpu.memory_space<vmem>> -> memref<1x32x128xf32, #tpu.memory_space<vmem>>
    %dma_start3A_209 = tpu.memref_squeeze %dma_start3A_208 : memref<1x32x128xf32, #tpu.memory_space<vmem>> -> memref<32x128xf32, #tpu.memory_space<vmem>>
    %dma_start3A_210 = arith.constant 0 : i32
    %dma_start3A_211 = tpu.memref_slice %arg2[%dma_start3A_210, %multiple_of3A_204] : memref<32x1000000xf32, #tpu.memory_space<hbm>> -> memref<32x128xf32, #tpu.memory_space<hbm>>
    %dma_start3A_212 = arith.constant 0 : i32
    %dma_start3A_213 = arith.constant 0 : i32
    %dma_start3A_214 = tpu.memref_slice %arg6[%dma_start3A_205, %dma_start3A_212, %dma_start3A_213] : memref<16x32x128xf32, #tpu.memory_space<vmem>> -> memref<1x32x128xf32, #tpu.memory_space<vmem>>
    %dma_start3A_215 = tpu.memref_squeeze %dma_start3A_214 : memref<1x32x128xf32, #tpu.memory_space<vmem>> -> memref<32x128xf32, #tpu.memory_space<vmem>>
    %dma_start3A_216 = arith.constant 0 : i32
    %dma_start3A_217 = tpu.memref_slice %arg2[%dma_start3A_216, %multiple_of3A_204] : memref<32x1000000xf32, #tpu.memory_space<hbm>> -> memref<32x128xf32, #tpu.memory_space<hbm>>
    tpu.enqueue_dma source(%dma_start3A_217 : memref<32x128xf32, #tpu.memory_space<hbm>>) target(%dma_start3A_215 : memref<32x128xf32, #tpu.memory_space<vmem>>) target_semaphore(%arg8 : memref<!tpu.dma_semaphore, #tpu.memory_space<semaphore_mem>>)
    %slice3A_218 = vector.extract_strided_slice %get3A_70 {offsets = [7], sizes = [1], strides = [1]} : vector<16xi32> to vector<1xi32>
    %squeeze3A_219 = vector.extract %slice3A_218[0] : i32 from vector<1xi32>
    %min3A_220 = arith.constant 999999 : i32
    %min3A_221 = arith.minsi %squeeze3A_219, %min3A_220 : i32
    %shift_right_arithmetic3A_222 = arith.constant 7 : i32
    %shift_right_arithmetic3A_223 = arith.shrsi %min3A_221, %shift_right_arithmetic3A_222 : i32
    %shift_left3A_224 = arith.constant 7 : i32
    %shift_left3A_225 = arith.shli %shift_right_arithmetic3A_223, %shift_left3A_224 : i32
    %multiple_of3A_226 = tpu.assume_multiple %shift_left3A_225, 128 : i32
    %dma_start3A_227 = arith.constant 7 : i32
    %dma_start3A_228 = arith.constant 0 : i32
    %dma_start3A_229 = arith.constant 0 : i32
    %dma_start3A_230 = tpu.memref_slice %arg6[%dma_start3A_227, %dma_start3A_228, %dma_start3A_229] : memref<16x32x128xf32, #tpu.memory_space<vmem>> -> memref<1x32x128xf32, #tpu.memory_space<vmem>>
    %dma_start3A_231 = tpu.memref_squeeze %dma_start3A_230 : memref<1x32x128xf32, #tpu.memory_space<vmem>> -> memref<32x128xf32, #tpu.memory_space<vmem>>
    %dma_start3A_232 = arith.constant 0 : i32
    %dma_start3A_233 = tpu.memref_slice %arg2[%dma_start3A_232, %multiple_of3A_226] : memref<32x1000000xf32, #tpu.memory_space<hbm>> -> memref<32x128xf32, #tpu.memory_space<hbm>>
    %dma_start3A_234 = arith.constant 0 : i32
    %dma_start3A_235 = arith.constant 0 : i32
    %dma_start3A_236 = tpu.memref_slice %arg6[%dma_start3A_227, %dma_start3A_234, %dma_start3A_235] : memref<16x32x128xf32, #tpu.memory_space<vmem>> -> memref<1x32x128xf32, #tpu.memory_space<vmem>>
    %dma_start3A_237 = tpu.memref_squeeze %dma_start3A_236 : memref<1x32x128xf32, #tpu.memory_space<vmem>> -> memref<32x128xf32, #tpu.memory_space<vmem>>
    %dma_start3A_238 = arith.constant 0 : i32
    %dma_start3A_239 = tpu.memref_slice %arg2[%dma_start3A_238, %multiple_of3A_226] : memref<32x1000000xf32, #tpu.memory_space<hbm>> -> memref<32x128xf32, #tpu.memory_space<hbm>>
    tpu.enqueue_dma source(%dma_start3A_239 : memref<32x128xf32, #tpu.memory_space<hbm>>) target(%dma_start3A_237 : memref<32x128xf32, #tpu.memory_space<vmem>>) target_semaphore(%arg8 : memref<!tpu.dma_semaphore, #tpu.memory_space<semaphore_mem>>)
    %broadcast_in_dim3A_240 = arith.constant 0 : i32
    %broadcast_in_dim3A_241 = vector.broadcast %broadcast_in_dim3A_240 : i32 to vector<16xi32>
    %scan3A = arith.constant 0 : i32
    %scan3A_242 = arith.constant 32 : i32
    %scan3A_243 = arith.addi %scan3A, %scan3A_242 : i32
    %scan3A_244 = arith.constant 1 : i32
    %scan3A_245 = scf.for %scan3A_256 = %scan3A to %scan3A_243 step %scan3A_244 iter_args(%scan3A_257 = %broadcast_in_dim3A_241) -> (vector<16xi32>)  : i32 {
      %mul3A_258 = arith.constant 16 : i32
      %mul3A_259 = arith.muli %scan3A_256, %mul3A_258 : i32
      %get3A_260 = arith.index_cast %mul3A_259 : i32 to index
      %get3A_261 = tpu.vector_load %arg5[%get3A_260] {strides = array<i32>} : memref<512xi32, #tpu.memory_space<vmem>>, vector<16xi32>,
      %eq3A = arith.constant 1000000 : i32
      %eq3A_262 = vector.broadcast %eq3A : i32 to vector<16xi32>
      %eq3A_263 = arith.cmpi eq, %get3A_261, %eq3A_262 : vector<16xi32>
      %convert_element_type3A_264 = arith.extui %eq3A_263 : vector<16xi1> to vector<16xi32>
      %max3A = arith.maxsi %scan3A_257, %convert_element_type3A_264 : vector<16xi32>
      %min3A_265 = arith.constant 999999 : i32
      %min3A_266 = vector.broadcast %min3A_265 : i32 to vector<16xi32>
      %min3A_267 = arith.minsi %get3A_261, %min3A_266 : vector<16xi32>
      %and3A = arith.constant 127 : i32
      %and3A_268 = vector.broadcast %and3A : i32 to vector<16xi32>
      %and3A_269 = arith.andi %min3A_267, %and3A_268 : vector<16xi32>
      %slice3A_270 = vector.extract_strided_slice %get3A_261 {offsets = [8], sizes = [1], strides = [1]} : vector<16xi32> to vector<1xi32>
      %squeeze3A_271 = vector.extract %slice3A_270[0] : i32 from vector<1xi32>
      %min3A_272 = arith.constant 999999 : i32
      %min3A_273 = arith.minsi %squeeze3A_271, %min3A_272 : i32
      %shift_right_arithmetic3A_274 = arith.constant 7 : i32
      %shift_right_arithmetic3A_275 = arith.shrsi %min3A_273, %shift_right_arithmetic3A_274 : i32
      %shift_left3A_276 = arith.constant 7 : i32
      %shift_left3A_277 = arith.shli %shift_right_arithmetic3A_275, %shift_left3A_276 : i32
      %multiple_of3A_278 = tpu.assume_multiple %shift_left3A_277, 128 : i32
      %dma_start3A_279 = arith.constant 8 : i32
      %dma_start3A_280 = arith.constant 0 : i32
      %dma_start3A_281 = arith.constant 0 : i32
      %dma_start3A_282 = tpu.memref_slice %arg6[%dma_start3A_279, %dma_start3A_280, %dma_start3A_281] : memref<16x32x128xf32, #tpu.memory_space<vmem>> -> memref<1x32x128xf32, #tpu.memory_space<vmem>>
      %dma_start3A_283 = tpu.memref_squeeze %dma_start3A_282 : memref<1x32x128xf32, #tpu.memory_space<vmem>> -> memref<32x128xf32, #tpu.memory_space<vmem>>
      %dma_start3A_284 = arith.constant 0 : i32
      %dma_start3A_285 = tpu.memref_slice %arg2[%dma_start3A_284, %multiple_of3A_278] : memref<32x1000000xf32, #tpu.memory_space<hbm>> -> memref<32x128xf32, #tpu.memory_space<hbm>>
      %dma_start3A_286 = arith.constant 0 : i32
      %dma_start3A_287 = arith.constant 0 : i32
      %dma_start3A_288 = tpu.memref_slice %arg6[%dma_start3A_279, %dma_start3A_286, %dma_start3A_287] : memref<16x32x128xf32, #tpu.memory_space<vmem>> -> memref<1x32x128xf32, #tpu.memory_space<vmem>>
      %dma_start3A_289 = tpu.memref_squeeze %dma_start3A_288 : memref<1x32x128xf32, #tpu.memory_space<vmem>> -> memref<32x128xf32, #tpu.memory_space<vmem>>
      %dma_start3A_290 = arith.constant 0 : i32
      %dma_start3A_291 = tpu.memref_slice %arg2[%dma_start3A_290, %multiple_of3A_278] : memref<32x1000000xf32, #tpu.memory_space<hbm>> -> memref<32x128xf32, #tpu.memory_space<hbm>>
      tpu.enqueue_dma source(%dma_start3A_291 : memref<32x128xf32, #tpu.memory_space<hbm>>) target(%dma_start3A_289 : memref<32x128xf32, #tpu.memory_space<vmem>>) target_semaphore(%arg9 : memref<!tpu.dma_semaphore, #tpu.memory_space<semaphore_mem>>)
      %slice3A_292 = vector.extract_strided_slice %get3A_261 {offsets = [9], sizes = [1], strides = [1]} : vector<16xi32> to vector<1xi32>
      %squeeze3A_293 = vector.extract %slice3A_292[0] : i32 from vector<1xi32>
      %min3A_294 = arith.constant 999999 : i32
      %min3A_295 = arith.minsi %squeeze3A_293, %min3A_294 : i32
      %shift_right_arithmetic3A_296 = arith.constant 7 : i32
      %shift_right_arithmetic3A_297 = arith.shrsi %min3A_295, %shift_right_arithmetic3A_296 : i32
      %shift_left3A_298 = arith.constant 7 : i32
      %shift_left3A_299 = arith.shli %shift_right_arithmetic3A_297, %shift_left3A_298 : i32
      %multiple_of3A_300 = tpu.assume_multiple %shift_left3A_299, 128 : i32
      %dma_start3A_301 = arith.constant 9 : i32
      %dma_start3A_302 = arith.constant 0 : i32
      %dma_start3A_303 = arith.constant 0 : i32
      %dma_start3A_304 = tpu.memref_slice %arg6[%dma_start3A_301, %dma_start3A_302, %dma_start3A_303] : memref<16x32x128xf32, #tpu.memory_space<vmem>> -> memref<1x32x128xf32, #tpu.memory_space<vmem>>
      %dma_start3A_305 = tpu.memref_squeeze %dma_start3A_304 : memref<1x32x128xf32, #tpu.memory_space<vmem>> -> memref<32x128xf32, #tpu.memory_space<vmem>>
      %dma_start3A_306 = arith.constant 0 : i32
      %dma_start3A_307 = tpu.memref_slice %arg2[%dma_start3A_306, %multiple_of3A_300] : memref<32x1000000xf32, #tpu.memory_space<hbm>> -> memref<32x128xf32, #tpu.memory_space<hbm>>
      %dma_start3A_308 = arith.constant 0 : i32
      %dma_start3A_309 = arith.constant 0 : i32
      %dma_start3A_310 = tpu.memref_slice %arg6[%dma_start3A_301, %dma_start3A_308, %dma_start3A_309] : memref<16x32x128xf32, #tpu.memory_space<vmem>> -> memref<1x32x128xf32, #tpu.memory_space<vmem>>
      %dma_start3A_311 = tpu.memref_squeeze %dma_start3A_310 : memref<1x32x128xf32, #tpu.memory_space<vmem>> -> memref<32x128xf32, #tpu.memory_space<vmem>>
      %dma_start3A_312 = arith.constant 0 : i32
      %dma_start3A_313 = tpu.memref_slice %arg2[%dma_start3A_312, %multiple_of3A_300] : memref<32x1000000xf32, #tpu.memory_space<hbm>> -> memref<32x128xf32, #tpu.memory_space<hbm>>
      tpu.enqueue_dma source(%dma_start3A_313 : memref<32x128xf32, #tpu.memory_space<hbm>>) target(%dma_start3A_311 : memref<32x128xf32, #tpu.memory_space<vmem>>) target_semaphore(%arg9 : memref<!tpu.dma_semaphore, #tpu.memory_space<semaphore_mem>>)
      %slice3A_314 = vector.extract_strided_slice %get3A_261 {offsets = [10], sizes = [1], strides = [1]} : vector<16xi32> to vector<1xi32>
      %squeeze3A_315 = vector.extract %slice3A_314[0] : i32 from vector<1xi32>
      %min3A_316 = arith.constant 999999 : i32
      %min3A_317 = arith.minsi %squeeze3A_315, %min3A_316 : i32
      %shift_right_arithmetic3A_318 = arith.constant 7 : i32
      %shift_right_arithmetic3A_319 = arith.shrsi %min3A_317, %shift_right_arithmetic3A_318 : i32
      %shift_left3A_320 = arith.constant 7 : i32
      %shift_left3A_321 = arith.shli %shift_right_arithmetic3A_319, %shift_left3A_320 : i32
      %multiple_of3A_322 = tpu.assume_multiple %shift_left3A_321, 128 : i32
      %dma_start3A_323 = arith.constant 10 : i32
      %dma_start3A_324 = arith.constant 0 : i32
      %dma_start3A_325 = arith.constant 0 : i32
      %dma_start3A_326 = tpu.memref_slice %arg6[%dma_start3A_323, %dma_start3A_324, %dma_start3A_325] : memref<16x32x128xf32, #tpu.memory_space<vmem>> -> memref<1x32x128xf32, #tpu.memory_space<vmem>>
      %dma_start3A_327 = tpu.memref_squeeze %dma_start3A_326 : memref<1x32x128xf32, #tpu.memory_space<vmem>> -> memref<32x128xf32, #tpu.memory_space<vmem>>
      %dma_start3A_328 = arith.constant 0 : i32
      %dma_start3A_329 = tpu.memref_slice %arg2[%dma_start3A_328, %multiple_of3A_322] : memref<32x1000000xf32, #tpu.memory_space<hbm>> -> memref<32x128xf32, #tpu.memory_space<hbm>>
      %dma_start3A_330 = arith.constant 0 : i32
      %dma_start3A_331 = arith.constant 0 : i32
      %dma_start3A_332 = tpu.memref_slice %arg6[%dma_start3A_323, %dma_start3A_330, %dma_start3A_331] : memref<16x32x128xf32, #tpu.memory_space<vmem>> -> memref<1x32x128xf32, #tpu.memory_space<vmem>>
      %dma_start3A_333 = tpu.memref_squeeze %dma_start3A_332 : memref<1x32x128xf32, #tpu.memory_space<vmem>> -> memref<32x128xf32, #tpu.memory_space<vmem>>
      %dma_start3A_334 = arith.constant 0 : i32
      %dma_start3A_335 = tpu.memref_slice %arg2[%dma_start3A_334, %multiple_of3A_322] : memref<32x1000000xf32, #tpu.memory_space<hbm>> -> memref<32x128xf32, #tpu.memory_space<hbm>>
      tpu.enqueue_dma source(%dma_start3A_335 : memref<32x128xf32, #tpu.memory_space<hbm>>) target(%dma_start3A_333 : memref<32x128xf32, #tpu.memory_space<vmem>>) target_semaphore(%arg9 : memref<!tpu.dma_semaphore, #tpu.memory_space<semaphore_mem>>)
      %slice3A_336 = vector.extract_strided_slice %get3A_261 {offsets = [11], sizes = [1], strides = [1]} : vector<16xi32> to vector<1xi32>
      %squeeze3A_337 = vector.extract %slice3A_336[0] : i32 from vector<1xi32>
      %min3A_338 = arith.constant 999999 : i32
      %min3A_339 = arith.minsi %squeeze3A_337, %min3A_338 : i32
      %shift_right_arithmetic3A_340 = arith.constant 7 : i32
      %shift_right_arithmetic3A_341 = arith.shrsi %min3A_339, %shift_right_arithmetic3A_340 : i32
      %shift_left3A_342 = arith.constant 7 : i32
      %shift_left3A_343 = arith.shli %shift_right_arithmetic3A_341, %shift_left3A_342 : i32
      %multiple_of3A_344 = tpu.assume_multiple %shift_left3A_343, 128 : i32
      %dma_start3A_345 = arith.constant 11 : i32
      %dma_start3A_346 = arith.constant 0 : i32
      %dma_start3A_347 = arith.constant 0 : i32
      %dma_start3A_348 = tpu.memref_slice %arg6[%dma_start3A_345, %dma_start3A_346, %dma_start3A_347] : memref<16x32x128xf32, #tpu.memory_space<vmem>> -> memref<1x32x128xf32, #tpu.memory_space<vmem>>
      %dma_start3A_349 = tpu.memref_squeeze %dma_start3A_348 : memref<1x32x128xf32, #tpu.memory_space<vmem>> -> memref<32x128xf32, #tpu.memory_space<vmem>>
      %dma_start3A_350 = arith.constant 0 : i32
      %dma_start3A_351 = tpu.memref_slice %arg2[%dma_start3A_350, %multiple_of3A_344] : memref<32x1000000xf32, #tpu.memory_space<hbm>> -> memref<32x128xf32, #tpu.memory_space<hbm>>
      %dma_start3A_352 = arith.constant 0 : i32
      %dma_start3A_353 = arith.constant 0 : i32
      %dma_start3A_354 = tpu.memref_slice %arg6[%dma_start3A_345, %dma_start3A_352, %dma_start3A_353] : memref<16x32x128xf32, #tpu.memory_space<vmem>> -> memref<1x32x128xf32, #tpu.memory_space<vmem>>
      %dma_start3A_355 = tpu.memref_squeeze %dma_start3A_354 : memref<1x32x128xf32, #tpu.memory_space<vmem>> -> memref<32x128xf32, #tpu.memory_space<vmem>>
      %dma_start3A_356 = arith.constant 0 : i32
      %dma_start3A_357 = tpu.memref_slice %arg2[%dma_start3A_356, %multiple_of3A_344] : memref<32x1000000xf32, #tpu.memory_space<hbm>> -> memref<32x128xf32, #tpu.memory_space<hbm>>
      tpu.enqueue_dma source(%dma_start3A_357 : memref<32x128xf32, #tpu.memory_space<hbm>>) target(%dma_start3A_355 : memref<32x128xf32, #tpu.memory_space<vmem>>) target_semaphore(%arg9 : memref<!tpu.dma_semaphore, #tpu.memory_space<semaphore_mem>>)
      %slice3A_358 = vector.extract_strided_slice %get3A_261 {offsets = [12], sizes = [1], strides = [1]} : vector<16xi32> to vector<1xi32>
      %squeeze3A_359 = vector.extract %slice3A_358[0] : i32 from vector<1xi32>
      %min3A_360 = arith.constant 999999 : i32
      %min3A_361 = arith.minsi %squeeze3A_359, %min3A_360 : i32
      %shift_right_arithmetic3A_362 = arith.constant 7 : i32
      %shift_right_arithmetic3A_363 = arith.shrsi %min3A_361, %shift_right_arithmetic3A_362 : i32
      %shift_left3A_364 = arith.constant 7 : i32
      %shift_left3A_365 = arith.shli %shift_right_arithmetic3A_363, %shift_left3A_364 : i32
      %multiple_of3A_366 = tpu.assume_multiple %shift_left3A_365, 128 : i32
      %dma_start3A_367 = arith.constant 12 : i32
      %dma_start3A_368 = arith.constant 0 : i32
      %dma_start3A_369 = arith.constant 0 : i32
      %dma_start3A_370 = tpu.memref_slice %arg6[%dma_start3A_367, %dma_start3A_368, %dma_start3A_369] : memref<16x32x128xf32, #tpu.memory_space<vmem>> -> memref<1x32x128xf32, #tpu.memory_space<vmem>>
      %dma_start3A_371 = tpu.memref_squeeze %dma_start3A_370 : memref<1x32x128xf32, #tpu.memory_space<vmem>> -> memref<32x128xf32, #tpu.memory_space<vmem>>
      %dma_start3A_372 = arith.constant 0 : i32
      %dma_start3A_373 = tpu.memref_slice %arg2[%dma_start3A_372, %multiple_of3A_366] : memref<32x1000000xf32, #tpu.memory_space<hbm>> -> memref<32x128xf32, #tpu.memory_space<hbm>>
      %dma_start3A_374 = arith.constant 0 : i32
      %dma_start3A_375 = arith.constant 0 : i32
      %dma_start3A_376 = tpu.memref_slice %arg6[%dma_start3A_367, %dma_start3A_374, %dma_start3A_375] : memref<16x32x128xf32, #tpu.memory_space<vmem>> -> memref<1x32x128xf32, #tpu.memory_space<vmem>>
      %dma_start3A_377 = tpu.memref_squeeze %dma_start3A_376 : memref<1x32x128xf32, #tpu.memory_space<vmem>> -> memref<32x128xf32, #tpu.memory_space<vmem>>
      %dma_start3A_378 = arith.constant 0 : i32
      %dma_start3A_379 = tpu.memref_slice %arg2[%dma_start3A_378, %multiple_of3A_366] : memref<32x1000000xf32, #tpu.memory_space<hbm>> -> memref<32x128xf32, #tpu.memory_space<hbm>>
      tpu.enqueue_dma source(%dma_start3A_379 : memref<32x128xf32, #tpu.memory_space<hbm>>) target(%dma_start3A_377 : memref<32x128xf32, #tpu.memory_space<vmem>>) target_semaphore(%arg9 : memref<!tpu.dma_semaphore, #tpu.memory_space<semaphore_mem>>)
      %slice3A_380 = vector.extract_strided_slice %get3A_261 {offsets = [13], sizes = [1], strides = [1]} : vector<16xi32> to vector<1xi32>
      %squeeze3A_381 = vector.extract %slice3A_380[0] : i32 from vector<1xi32>
      %min3A_382 = arith.constant 999999 : i32
      %min3A_383 = arith.minsi %squeeze3A_381, %min3A_382 : i32
      %shift_right_arithmetic3A_384 = arith.constant 7 : i32
      %shift_right_arithmetic3A_385 = arith.shrsi %min3A_383, %shift_right_arithmetic3A_384 : i32
      %shift_left3A_386 = arith.constant 7 : i32
      %shift_left3A_387 = arith.shli %shift_right_arithmetic3A_385, %shift_left3A_386 : i32
      %multiple_of3A_388 = tpu.assume_multiple %shift_left3A_387, 128 : i32
      %dma_start3A_389 = arith.constant 13 : i32
      %dma_start3A_390 = arith.constant 0 : i32
      %dma_start3A_391 = arith.constant 0 : i32
      %dma_start3A_392 = tpu.memref_slice %arg6[%dma_start3A_389, %dma_start3A_390, %dma_start3A_391] : memref<16x32x128xf32, #tpu.memory_space<vmem>> -> memref<1x32x128xf32, #tpu.memory_space<vmem>>
      %dma_start3A_393 = tpu.memref_squeeze %dma_start3A_392 : memref<1x32x128xf32, #tpu.memory_space<vmem>> -> memref<32x128xf32, #tpu.memory_space<vmem>>
      %dma_start3A_394 = arith.constant 0 : i32
      %dma_start3A_395 = tpu.memref_slice %arg2[%dma_start3A_394, %multiple_of3A_388] : memref<32x1000000xf32, #tpu.memory_space<hbm>> -> memref<32x128xf32, #tpu.memory_space<hbm>>
      %dma_start3A_396 = arith.constant 0 : i32
      %dma_start3A_397 = arith.constant 0 : i32
      %dma_start3A_398 = tpu.memref_slice %arg6[%dma_start3A_389, %dma_start3A_396, %dma_start3A_397] : memref<16x32x128xf32, #tpu.memory_space<vmem>> -> memref<1x32x128xf32, #tpu.memory_space<vmem>>
      %dma_start3A_399 = tpu.memref_squeeze %dma_start3A_398 : memref<1x32x128xf32, #tpu.memory_space<vmem>> -> memref<32x128xf32, #tpu.memory_space<vmem>>
      %dma_start3A_400 = arith.constant 0 : i32
      %dma_start3A_401 = tpu.memref_slice %arg2[%dma_start3A_400, %multiple_of3A_388] : memref<32x1000000xf32, #tpu.memory_space<hbm>> -> memref<32x128xf32, #tpu.memory_space<hbm>>
      tpu.enqueue_dma source(%dma_start3A_401 : memref<32x128xf32, #tpu.memory_space<hbm>>) target(%dma_start3A_399 : memref<32x128xf32, #tpu.memory_space<vmem>>) target_semaphore(%arg9 : memref<!tpu.dma_semaphore, #tpu.memory_space<semaphore_mem>>)
      %slice3A_402 = vector.extract_strided_slice %get3A_261 {offsets = [14], sizes = [1], strides = [1]} : vector<16xi32> to vector<1xi32>
      %squeeze3A_403 = vector.extract %slice3A_402[0] : i32 from vector<1xi32>
      %min3A_404 = arith.constant 999999 : i32
      %min3A_405 = arith.minsi %squeeze3A_403, %min3A_404 : i32
      %shift_right_arithmetic3A_406 = arith.constant 7 : i32
      %shift_right_arithmetic3A_407 = arith.shrsi %min3A_405, %shift_right_arithmetic3A_406 : i32
      %shift_left3A_408 = arith.constant 7 : i32
      %shift_left3A_409 = arith.shli %shift_right_arithmetic3A_407, %shift_left3A_408 : i32
      %multiple_of3A_410 = tpu.assume_multiple %shift_left3A_409, 128 : i32
      %dma_start3A_411 = arith.constant 14 : i32
      %dma_start3A_412 = arith.constant 0 : i32
      %dma_start3A_413 = arith.constant 0 : i32
      %dma_start3A_414 = tpu.memref_slice %arg6[%dma_start3A_411, %dma_start3A_412, %dma_start3A_413] : memref<16x32x128xf32, #tpu.memory_space<vmem>> -> memref<1x32x128xf32, #tpu.memory_space<vmem>>
      %dma_start3A_415 = tpu.memref_squeeze %dma_start3A_414 : memref<1x32x128xf32, #tpu.memory_space<vmem>> -> memref<32x128xf32, #tpu.memory_space<vmem>>
      %dma_start3A_416 = arith.constant 0 : i32
      %dma_start3A_417 = tpu.memref_slice %arg2[%dma_start3A_416, %multiple_of3A_410] : memref<32x1000000xf32, #tpu.memory_space<hbm>> -> memref<32x128xf32, #tpu.memory_space<hbm>>
      %dma_start3A_418 = arith.constant 0 : i32
      %dma_start3A_419 = arith.constant 0 : i32
      %dma_start3A_420 = tpu.memref_slice %arg6[%dma_start3A_411, %dma_start3A_418, %dma_start3A_419] : memref<16x32x128xf32, #tpu.memory_space<vmem>> -> memref<1x32x128xf32, #tpu.memory_space<vmem>>
      %dma_start3A_421 = tpu.memref_squeeze %dma_start3A_420 : memref<1x32x128xf32, #tpu.memory_space<vmem>> -> memref<32x128xf32, #tpu.memory_space<vmem>>
      %dma_start3A_422 = arith.constant 0 : i32
      %dma_start3A_423 = tpu.memref_slice %arg2[%dma_start3A_422, %multiple_of3A_410] : memref<32x1000000xf32, #tpu.memory_space<hbm>> -> memref<32x128xf32, #tpu.memory_space<hbm>>
      tpu.enqueue_dma source(%dma_start3A_423 : memref<32x128xf32, #tpu.memory_space<hbm>>) target(%dma_start3A_421 : memref<32x128xf32, #tpu.memory_space<vmem>>) target_semaphore(%arg9 : memref<!tpu.dma_semaphore, #tpu.memory_space<semaphore_mem>>)
      %slice3A_424 = vector.extract_strided_slice %get3A_261 {offsets = [15], sizes = [1], strides = [1]} : vector<16xi32> to vector<1xi32>
      %squeeze3A_425 = vector.extract %slice3A_424[0] : i32 from vector<1xi32>
      %min3A_426 = arith.constant 999999 : i32
      %min3A_427 = arith.minsi %squeeze3A_425, %min3A_426 : i32
      %shift_right_arithmetic3A_428 = arith.constant 7 : i32
      %shift_right_arithmetic3A_429 = arith.shrsi %min3A_427, %shift_right_arithmetic3A_428 : i32
      %shift_left3A_430 = arith.constant 7 : i32
      %shift_left3A_431 = arith.shli %shift_right_arithmetic3A_429, %shift_left3A_430 : i32
      %multiple_of3A_432 = tpu.assume_multiple %shift_left3A_431, 128 : i32
      %dma_start3A_433 = arith.constant 15 : i32
      %dma_start3A_434 = arith.constant 0 : i32
      %dma_start3A_435 = arith.constant 0 : i32
      %dma_start3A_436 = tpu.memref_slice %arg6[%dma_start3A_433, %dma_start3A_434, %dma_start3A_435] : memref<16x32x128xf32, #tpu.memory_space<vmem>> -> memref<1x32x128xf32, #tpu.memory_space<vmem>>
      %dma_start3A_437 = tpu.memref_squeeze %dma_start3A_436 : memref<1x32x128xf32, #tpu.memory_space<vmem>> -> memref<32x128xf32, #tpu.memory_space<vmem>>
      %dma_start3A_438 = arith.constant 0 : i32
      %dma_start3A_439 = tpu.memref_slice %arg2[%dma_start3A_438, %multiple_of3A_432] : memref<32x1000000xf32, #tpu.memory_space<hbm>> -> memref<32x128xf32, #tpu.memory_space<hbm>>
      %dma_start3A_440 = arith.constant 0 : i32
      %dma_start3A_441 = arith.constant 0 : i32
      %dma_start3A_442 = tpu.memref_slice %arg6[%dma_start3A_433, %dma_start3A_440, %dma_start3A_441] : memref<16x32x128xf32, #tpu.memory_space<vmem>> -> memref<1x32x128xf32, #tpu.memory_space<vmem>>
      %dma_start3A_443 = tpu.memref_squeeze %dma_start3A_442 : memref<1x32x128xf32, #tpu.memory_space<vmem>> -> memref<32x128xf32, #tpu.memory_space<vmem>>
      %dma_start3A_444 = arith.constant 0 : i32
      %dma_start3A_445 = tpu.memref_slice %arg2[%dma_start3A_444, %multiple_of3A_432] : memref<32x1000000xf32, #tpu.memory_space<hbm>> -> memref<32x128xf32, #tpu.memory_space<hbm>>
      tpu.enqueue_dma source(%dma_start3A_445 : memref<32x128xf32, #tpu.memory_space<hbm>>) target(%dma_start3A_443 : memref<32x128xf32, #tpu.memory_space<vmem>>) target_semaphore(%arg9 : memref<!tpu.dma_semaphore, #tpu.memory_space<semaphore_mem>>)
      %dma_wait3A = arith.constant 0 : i32
      %dma_wait3A_446 = arith.constant 0 : i32
      %dma_wait3A_447 = arith.constant 0 : i32
      %dma_wait3A_448 = tpu.memref_slice %arg6[%dma_wait3A, %dma_wait3A_446, %dma_wait3A_447] : memref<16x32x128xf32, #tpu.memory_space<vmem>> -> memref<1x32x128xf32, #tpu.memory_space<vmem>>
      %dma_wait3A_449 = tpu.memref_squeeze %dma_wait3A_448 : memref<1x32x128xf32, #tpu.memory_space<vmem>> -> memref<32x128xf32, #tpu.memory_space<vmem>>
      %dma_wait3A_450 = arith.constant 0 : i32
      %dma_wait3A_451 = arith.constant 0 : i32
      %dma_wait3A_452 = tpu.memref_slice %arg2[%dma_wait3A_450, %dma_wait3A_451] : memref<32x1000000xf32, #tpu.memory_space<hbm>> -> memref<32x128xf32, #tpu.memory_space<hbm>>
      %dma_wait3A_453 = arith.constant 0 : i32
      %dma_wait3A_454 = arith.constant 0 : i32
      %dma_wait3A_455 = tpu.memref_slice %arg6[%dma_wait3A, %dma_wait3A_453, %dma_wait3A_454] : memref<16x32x128xf32, #tpu.memory_space<vmem>> -> memref<1x32x128xf32, #tpu.memory_space<vmem>>
      %dma_wait3A_456 = tpu.memref_squeeze %dma_wait3A_455 : memref<1x32x128xf32, #tpu.memory_space<vmem>> -> memref<32x128xf32, #tpu.memory_space<vmem>>
      %dma_wait3A_457 = arith.constant 0 : i32
      %dma_wait3A_458 = arith.constant 0 : i32
      %dma_wait3A_459 = tpu.memref_slice %arg2[%dma_wait3A_457, %dma_wait3A_458] : memref<32x1000000xf32, #tpu.memory_space<hbm>> -> memref<32x128xf32, #tpu.memory_space<hbm>>
      tpu.wait_dma2 semaphore(%arg8 : memref<!tpu.dma_semaphore, #tpu.memory_space<semaphore_mem>>) src(%dma_wait3A_459 : memref<32x128xf32, #tpu.memory_space<hbm>>) dst(%dma_wait3A_456 : memref<32x128xf32, #tpu.memory_space<vmem>>)
      %dma_wait3A_460 = arith.constant 0 : i32
      %dma_wait3A_461 = arith.constant 0 : i32
      %dma_wait3A_462 = arith.constant 0 : i32
      %dma_wait3A_463 = tpu.memref_slice %arg6[%dma_wait3A_460, %dma_wait3A_461, %dma_wait3A_462] : memref<16x32x128xf32, #tpu.memory_space<vmem>> -> memref<1x32x128xf32, #tpu.memory_space<vmem>>
      %dma_wait3A_464 = tpu.memref_squeeze %dma_wait3A_463 : memref<1x32x128xf32, #tpu.memory_space<vmem>> -> memref<32x128xf32, #tpu.memory_space<vmem>>
      %dma_wait3A_465 = arith.constant 0 : i32
      %dma_wait3A_466 = arith.constant 0 : i32
      %dma_wait3A_467 = tpu.memref_slice %arg2[%dma_wait3A_465, %dma_wait3A_466] : memref<32x1000000xf32, #tpu.memory_space<hbm>> -> memref<32x128xf32, #tpu.memory_space<hbm>>
      %dma_wait3A_468 = arith.constant 0 : i32
      %dma_wait3A_469 = arith.constant 0 : i32
      %dma_wait3A_470 = tpu.memref_slice %arg6[%dma_wait3A_460, %dma_wait3A_468, %dma_wait3A_469] : memref<16x32x128xf32, #tpu.memory_space<vmem>> -> memref<1x32x128xf32, #tpu.memory_space<vmem>>
      %dma_wait3A_471 = tpu.memref_squeeze %dma_wait3A_470 : memref<1x32x128xf32, #tpu.memory_space<vmem>> -> memref<32x128xf32, #tpu.memory_space<vmem>>
      %dma_wait3A_472 = arith.constant 0 : i32
      %dma_wait3A_473 = arith.constant 0 : i32
      %dma_wait3A_474 = tpu.memref_slice %arg2[%dma_wait3A_472, %dma_wait3A_473] : memref<32x1000000xf32, #tpu.memory_space<hbm>> -> memref<32x128xf32, #tpu.memory_space<hbm>>
      tpu.wait_dma2 semaphore(%arg8 : memref<!tpu.dma_semaphore, #tpu.memory_space<semaphore_mem>>) src(%dma_wait3A_474 : memref<32x128xf32, #tpu.memory_space<hbm>>) dst(%dma_wait3A_471 : memref<32x128xf32, #tpu.memory_space<vmem>>)
      %dma_wait3A_475 = arith.constant 0 : i32
      %dma_wait3A_476 = arith.constant 0 : i32
      %dma_wait3A_477 = arith.constant 0 : i32
      %dma_wait3A_478 = tpu.memref_slice %arg6[%dma_wait3A_475, %dma_wait3A_476, %dma_wait3A_477] : memref<16x32x128xf32, #tpu.memory_space<vmem>> -> memref<1x32x128xf32, #tpu.memory_space<vmem>>
      %dma_wait3A_479 = tpu.memref_squeeze %dma_wait3A_478 : memref<1x32x128xf32, #tpu.memory_space<vmem>> -> memref<32x128xf32, #tpu.memory_space<vmem>>
      %dma_wait3A_480 = arith.constant 0 : i32
      %dma_wait3A_481 = arith.constant 0 : i32
      %dma_wait3A_482 = tpu.memref_slice %arg2[%dma_wait3A_480, %dma_wait3A_481] : memref<32x1000000xf32, #tpu.memory_space<hbm>> -> memref<32x128xf32, #tpu.memory_space<hbm>>
      %dma_wait3A_483 = arith.constant 0 : i32
      %dma_wait3A_484 = arith.constant 0 : i32
      %dma_wait3A_485 = tpu.memref_slice %arg6[%dma_wait3A_475, %dma_wait3A_483, %dma_wait3A_484] : memref<16x32x128xf32, #tpu.memory_space<vmem>> -> memref<1x32x128xf32, #tpu.memory_space<vmem>>
      %dma_wait3A_486 = tpu.memref_squeeze %dma_wait3A_485 : memref<1x32x128xf32, #tpu.memory_space<vmem>> -> memref<32x128xf32, #tpu.memory_space<vmem>>
      %dma_wait3A_487 = arith.constant 0 : i32
      %dma_wait3A_488 = arith.constant 0 : i32
      %dma_wait3A_489 = tpu.memref_slice %arg2[%dma_wait3A_487, %dma_wait3A_488] : memref<32x1000000xf32, #tpu.memory_space<hbm>> -> memref<32x128xf32, #tpu.memory_space<hbm>>
      tpu.wait_dma2 semaphore(%arg8 : memref<!tpu.dma_semaphore, #tpu.memory_space<semaphore_mem>>) src(%dma_wait3A_489 : memref<32x128xf32, #tpu.memory_space<hbm>>) dst(%dma_wait3A_486 : memref<32x128xf32, #tpu.memory_space<vmem>>)
      %dma_wait3A_490 = arith.constant 0 : i32
      %dma_wait3A_491 = arith.constant 0 : i32
      %dma_wait3A_492 = arith.constant 0 : i32
      %dma_wait3A_493 = tpu.memref_slice %arg6[%dma_wait3A_490, %dma_wait3A_491, %dma_wait3A_492] : memref<16x32x128xf32, #tpu.memory_space<vmem>> -> memref<1x32x128xf32, #tpu.memory_space<vmem>>
      %dma_wait3A_494 = tpu.memref_squeeze %dma_wait3A_493 : memref<1x32x128xf32, #tpu.memory_space<vmem>> -> memref<32x128xf32, #tpu.memory_space<vmem>>
      %dma_wait3A_495 = arith.constant 0 : i32
      %dma_wait3A_496 = arith.constant 0 : i32
      %dma_wait3A_497 = tpu.memref_slice %arg2[%dma_wait3A_495, %dma_wait3A_496] : memref<32x1000000xf32, #tpu.memory_space<hbm>> -> memref<32x128xf32, #tpu.memory_space<hbm>>
      %dma_wait3A_498 = arith.constant 0 : i32
      %dma_wait3A_499 = arith.constant 0 : i32
      %dma_wait3A_500 = tpu.memref_slice %arg6[%dma_wait3A_490, %dma_wait3A_498, %dma_wait3A_499] : memref<16x32x128xf32, #tpu.memory_space<vmem>> -> memref<1x32x128xf32, #tpu.memory_space<vmem>>
      %dma_wait3A_501 = tpu.memref_squeeze %dma_wait3A_500 : memref<1x32x128xf32, #tpu.memory_space<vmem>> -> memref<32x128xf32, #tpu.memory_space<vmem>>
      %dma_wait3A_502 = arith.constant 0 : i32
      %dma_wait3A_503 = arith.constant 0 : i32
      %dma_wait3A_504 = tpu.memref_slice %arg2[%dma_wait3A_502, %dma_wait3A_503] : memref<32x1000000xf32, #tpu.memory_space<hbm>> -> memref<32x128xf32, #tpu.memory_space<hbm>>
      tpu.wait_dma2 semaphore(%arg8 : memref<!tpu.dma_semaphore, #tpu.memory_space<semaphore_mem>>) src(%dma_wait3A_504 : memref<32x128xf32, #tpu.memory_space<hbm>>) dst(%dma_wait3A_501 : memref<32x128xf32, #tpu.memory_space<vmem>>)
      %dma_wait3A_505 = arith.constant 0 : i32
      %dma_wait3A_506 = arith.constant 0 : i32
      %dma_wait3A_507 = arith.constant 0 : i32
      %dma_wait3A_508 = tpu.memref_slice %arg6[%dma_wait3A_505, %dma_wait3A_506, %dma_wait3A_507] : memref<16x32x128xf32, #tpu.memory_space<vmem>> -> memref<1x32x128xf32, #tpu.memory_space<vmem>>
      %dma_wait3A_509 = tpu.memref_squeeze %dma_wait3A_508 : memref<1x32x128xf32, #tpu.memory_space<vmem>> -> memref<32x128xf32, #tpu.memory_space<vmem>>
      %dma_wait3A_510 = arith.constant 0 : i32
      %dma_wait3A_511 = arith.constant 0 : i32
      %dma_wait3A_512 = tpu.memref_slice %arg2[%dma_wait3A_510, %dma_wait3A_511] : memref<32x1000000xf32, #tpu.memory_space<hbm>> -> memref<32x128xf32, #tpu.memory_space<hbm>>
      %dma_wait3A_513 = arith.constant 0 : i32
      %dma_wait3A_514 = arith.constant 0 : i32
      %dma_wait3A_515 = tpu.memref_slice %arg6[%dma_wait3A_505, %dma_wait3A_513, %dma_wait3A_514] : memref<16x32x128xf32, #tpu.memory_space<vmem>> -> memref<1x32x128xf32, #tpu.memory_space<vmem>>
      %dma_wait3A_516 = tpu.memref_squeeze %dma_wait3A_515 : memref<1x32x128xf32, #tpu.memory_space<vmem>> -> memref<32x128xf32, #tpu.memory_space<vmem>>
      %dma_wait3A_517 = arith.constant 0 : i32
      %dma_wait3A_518 = arith.constant 0 : i32
      %dma_wait3A_519 = tpu.memref_slice %arg2[%dma_wait3A_517, %dma_wait3A_518] : memref<32x1000000xf32, #tpu.memory_space<hbm>> -> memref<32x128xf32, #tpu.memory_space<hbm>>
      tpu.wait_dma2 semaphore(%arg8 : memref<!tpu.dma_semaphore, #tpu.memory_space<semaphore_mem>>) src(%dma_wait3A_519 : memref<32x128xf32, #tpu.memory_space<hbm>>) dst(%dma_wait3A_516 : memref<32x128xf32, #tpu.memory_space<vmem>>)
      %dma_wait3A_520 = arith.constant 0 : i32
      %dma_wait3A_521 = arith.constant 0 : i32
      %dma_wait3A_522 = arith.constant 0 : i32
      %dma_wait3A_523 = tpu.memref_slice %arg6[%dma_wait3A_520, %dma_wait3A_521, %dma_wait3A_522] : memref<16x32x128xf32, #tpu.memory_space<vmem>> -> memref<1x32x128xf32, #tpu.memory_space<vmem>>
      %dma_wait3A_524 = tpu.memref_squeeze %dma_wait3A_523 : memref<1x32x128xf32, #tpu.memory_space<vmem>> -> memref<32x128xf32, #tpu.memory_space<vmem>>
      %dma_wait3A_525 = arith.constant 0 : i32
      %dma_wait3A_526 = arith.constant 0 : i32
      %dma_wait3A_527 = tpu.memref_slice %arg2[%dma_wait3A_525, %dma_wait3A_526] : memref<32x1000000xf32, #tpu.memory_space<hbm>> -> memref<32x128xf32, #tpu.memory_space<hbm>>
      %dma_wait3A_528 = arith.constant 0 : i32
      %dma_wait3A_529 = arith.constant 0 : i32
      %dma_wait3A_530 = tpu.memref_slice %arg6[%dma_wait3A_520, %dma_wait3A_528, %dma_wait3A_529] : memref<16x32x128xf32, #tpu.memory_space<vmem>> -> memref<1x32x128xf32, #tpu.memory_space<vmem>>
      %dma_wait3A_531 = tpu.memref_squeeze %dma_wait3A_530 : memref<1x32x128xf32, #tpu.memory_space<vmem>> -> memref<32x128xf32, #tpu.memory_space<vmem>>
      %dma_wait3A_532 = arith.constant 0 : i32
      %dma_wait3A_533 = arith.constant 0 : i32
      %dma_wait3A_534 = tpu.memref_slice %arg2[%dma_wait3A_532, %dma_wait3A_533] : memref<32x1000000xf32, #tpu.memory_space<hbm>> -> memref<32x128xf32, #tpu.memory_space<hbm>>
      tpu.wait_dma2 semaphore(%arg8 : memref<!tpu.dma_semaphore, #tpu.memory_space<semaphore_mem>>) src(%dma_wait3A_534 : memref<32x128xf32, #tpu.memory_space<hbm>>) dst(%dma_wait3A_531 : memref<32x128xf32, #tpu.memory_space<vmem>>)
      %dma_wait3A_535 = arith.constant 0 : i32
      %dma_wait3A_536 = arith.constant 0 : i32
      %dma_wait3A_537 = arith.constant 0 : i32
      %dma_wait3A_538 = tpu.memref_slice %arg6[%dma_wait3A_535, %dma_wait3A_536, %dma_wait3A_537] : memref<16x32x128xf32, #tpu.memory_space<vmem>> -> memref<1x32x128xf32, #tpu.memory_space<vmem>>
      %dma_wait3A_539 = tpu.memref_squeeze %dma_wait3A_538 : memref<1x32x128xf32, #tpu.memory_space<vmem>> -> memref<32x128xf32, #tpu.memory_space<vmem>>
      %dma_wait3A_540 = arith.constant 0 : i32
      %dma_wait3A_541 = arith.constant 0 : i32
      %dma_wait3A_542 = tpu.memref_slice %arg2[%dma_wait3A_540, %dma_wait3A_541] : memref<32x1000000xf32, #tpu.memory_space<hbm>> -> memref<32x128xf32, #tpu.memory_space<hbm>>
      %dma_wait3A_543 = arith.constant 0 : i32
      %dma_wait3A_544 = arith.constant 0 : i32
      %dma_wait3A_545 = tpu.memref_slice %arg6[%dma_wait3A_535, %dma_wait3A_543, %dma_wait3A_544] : memref<16x32x128xf32, #tpu.memory_space<vmem>> -> memref<1x32x128xf32, #tpu.memory_space<vmem>>
      %dma_wait3A_546 = tpu.memref_squeeze %dma_wait3A_545 : memref<1x32x128xf32, #tpu.memory_space<vmem>> -> memref<32x128xf32, #tpu.memory_space<vmem>>
      %dma_wait3A_547 = arith.constant 0 : i32
      %dma_wait3A_548 = arith.constant 0 : i32
      %dma_wait3A_549 = tpu.memref_slice %arg2[%dma_wait3A_547, %dma_wait3A_548] : memref<32x1000000xf32, #tpu.memory_space<hbm>> -> memref<32x128xf32, #tpu.memory_space<hbm>>
      tpu.wait_dma2 semaphore(%arg8 : memref<!tpu.dma_semaphore, #tpu.memory_space<semaphore_mem>>) src(%dma_wait3A_549 : memref<32x128xf32, #tpu.memory_space<hbm>>) dst(%dma_wait3A_546 : memref<32x128xf32, #tpu.memory_space<vmem>>)
      %dma_wait3A_550 = arith.constant 0 : i32
      %dma_wait3A_551 = arith.constant 0 : i32
      %dma_wait3A_552 = arith.constant 0 : i32
      %dma_wait3A_553 = tpu.memref_slice %arg6[%dma_wait3A_550, %dma_wait3A_551, %dma_wait3A_552] : memref<16x32x128xf32, #tpu.memory_space<vmem>> -> memref<1x32x128xf32, #tpu.memory_space<vmem>>
      %dma_wait3A_554 = tpu.memref_squeeze %dma_wait3A_553 : memref<1x32x128xf32, #tpu.memory_space<vmem>> -> memref<32x128xf32, #tpu.memory_space<vmem>>
      %dma_wait3A_555 = arith.constant 0 : i32
      %dma_wait3A_556 = arith.constant 0 : i32
      %dma_wait3A_557 = tpu.memref_slice %arg2[%dma_wait3A_555, %dma_wait3A_556] : memref<32x1000000xf32, #tpu.memory_space<hbm>> -> memref<32x128xf32, #tpu.memory_space<hbm>>
      %dma_wait3A_558 = arith.constant 0 : i32
      %dma_wait3A_559 = arith.constant 0 : i32
      %dma_wait3A_560 = tpu.memref_slice %arg6[%dma_wait3A_550, %dma_wait3A_558, %dma_wait3A_559] : memref<16x32x128xf32, #tpu.memory_space<vmem>> -> memref<1x32x128xf32, #tpu.memory_space<vmem>>
      %dma_wait3A_561 = tpu.memref_squeeze %dma_wait3A_560 : memref<1x32x128xf32, #tpu.memory_space<vmem>> -> memref<32x128xf32, #tpu.memory_space<vmem>>
      %dma_wait3A_562 = arith.constant 0 : i32
      %dma_wait3A_563 = arith.constant 0 : i32
      %dma_wait3A_564 = tpu.memref_slice %arg2[%dma_wait3A_562, %dma_wait3A_563] : memref<32x1000000xf32, #tpu.memory_space<hbm>> -> memref<32x128xf32, #tpu.memory_space<hbm>>
      tpu.wait_dma2 semaphore(%arg8 : memref<!tpu.dma_semaphore, #tpu.memory_space<semaphore_mem>>) src(%dma_wait3A_564 : memref<32x128xf32, #tpu.memory_space<hbm>>) dst(%dma_wait3A_561 : memref<32x128xf32, #tpu.memory_space<vmem>>)
      %mul3A_565 = arith.constant 16 : i32
      %mul3A_566 = arith.muli %scan3A_256, %mul3A_565 : i32
      %add3A_567 = vector.broadcast %mul3A_566 : i32 to vector<16xi32>
      %add3A_568 = arith.addi %iota3A, %add3A_567 : vector<16xi32>
      %gather3A = tpu.vector_load_idx %arg6[%iota3A, %broadcast_in_dim3A_7, %and3A_269] : memref<16x32x128xf32, #tpu.memory_space<vmem>>[vector<16xi32>, vector<16xi32>, vector<16xi32>], vector<16xf32>,
      tpu.vector_store_idx %arg7[%broadcast_in_dim3A_7, %add3A_568], %gather3A masked %lt3A_4 : memref<32x512xf32, #tpu.memory_space<vmem>>[vector<16xi32>, vector<16xi32>], vector<16xf32>, vector<16xi1>
      %gather3A_569 = tpu.vector_load_idx %arg6[%iota3A, %broadcast_in_dim3A_9, %and3A_269] : memref<16x32x128xf32, #tpu.memory_space<vmem>>[vector<16xi32>, vector<16xi32>, vector<16xi32>], vector<16xf32>,
      tpu.vector_store_idx %arg7[%broadcast_in_dim3A_9, %add3A_568], %gather3A_569 masked %lt3A_4 : memref<32x512xf32, #tpu.memory_space<vmem>>[vector<16xi32>, vector<16xi32>], vector<16xf32>, vector<16xi1>
      %gather3A_570 = tpu.vector_load_idx %arg6[%iota3A, %broadcast_in_dim3A_11, %and3A_269] : memref<16x32x128xf32, #tpu.memory_space<vmem>>[vector<16xi32>, vector<16xi32>, vector<16xi32>], vector<16xf32>,
      tpu.vector_store_idx %arg7[%broadcast_in_dim3A_11, %add3A_568], %gather3A_570 masked %lt3A_4 : memref<32x512xf32, #tpu.memory_space<vmem>>[vector<16xi32>, vector<16xi32>], vector<16xf32>, vector<16xi1>
      %gather3A_571 = tpu.vector_load_idx %arg6[%iota3A, %broadcast_in_dim3A_13, %and3A_269] : memref<16x32x128xf32, #tpu.memory_space<vmem>>[vector<16xi32>, vector<16xi32>, vector<16xi32>], vector<16xf32>,
      tpu.vector_store_idx %arg7[%broadcast_in_dim3A_13, %add3A_568], %gather3A_571 masked %lt3A_4 : memref<32x512xf32, #tpu.memory_space<vmem>>[vector<16xi32>, vector<16xi32>], vector<16xf32>, vector<16xi1>
      %gather3A_572 = tpu.vector_load_idx %arg6[%iota3A, %broadcast_in_dim3A_15, %and3A_269] : memref<16x32x128xf32, #tpu.memory_space<vmem>>[vector<16xi32>, vector<16xi32>, vector<16xi32>], vector<16xf32>,
      tpu.vector_store_idx %arg7[%broadcast_in_dim3A_15, %add3A_568], %gather3A_572 masked %lt3A_4 : memref<32x512xf32, #tpu.memory_space<vmem>>[vector<16xi32>, vector<16xi32>], vector<16xf32>, vector<16xi1>
      %gather3A_573 = tpu.vector_load_idx %arg6[%iota3A, %broadcast_in_dim3A_17, %and3A_269] : memref<16x32x128xf32, #tpu.memory_space<vmem>>[vector<16xi32>, vector<16xi32>, vector<16xi32>], vector<16xf32>,
      tpu.vector_store_idx %arg7[%broadcast_in_dim3A_17, %add3A_568], %gather3A_573 masked %lt3A_4 : memref<32x512xf32, #tpu.memory_space<vmem>>[vector<16xi32>, vector<16xi32>], vector<16xf32>, vector<16xi1>
      %gather3A_574 = tpu.vector_load_idx %arg6[%iota3A, %broadcast_in_dim3A_19, %and3A_269] : memref<16x32x128xf32, #tpu.memory_space<vmem>>[vector<16xi32>, vector<16xi32>, vector<16xi32>], vector<16xf32>,
      tpu.vector_store_idx %arg7[%broadcast_in_dim3A_19, %add3A_568], %gather3A_574 masked %lt3A_4 : memref<32x512xf32, #tpu.memory_space<vmem>>[vector<16xi32>, vector<16xi32>], vector<16xf32>, vector<16xi1>
      %gather3A_575 = tpu.vector_load_idx %arg6[%iota3A, %broadcast_in_dim3A_21, %and3A_269] : memref<16x32x128xf32, #tpu.memory_space<vmem>>[vector<16xi32>, vector<16xi32>, vector<16xi32>], vector<16xf32>,
      tpu.vector_store_idx %arg7[%broadcast_in_dim3A_21, %add3A_568], %gather3A_575 masked %lt3A_4 : memref<32x512xf32, #tpu.memory_space<vmem>>[vector<16xi32>, vector<16xi32>], vector<16xf32>, vector<16xi1>
      %gather3A_576 = tpu.vector_load_idx %arg6[%iota3A, %broadcast_in_dim3A_23, %and3A_269] : memref<16x32x128xf32, #tpu.memory_space<vmem>>[vector<16xi32>, vector<16xi32>, vector<16xi32>], vector<16xf32>,
      tpu.vector_store_idx %arg7[%broadcast_in_dim3A_23, %add3A_568], %gather3A_576 masked %lt3A_4 : memref<32x512xf32, #tpu.memory_space<vmem>>[vector<16xi32>, vector<16xi32>], vector<16xf32>, vector<16xi1>
      %gather3A_577 = tpu.vector_load_idx %arg6[%iota3A, %broadcast_in_dim3A_25, %and3A_269] : memref<16x32x128xf32, #tpu.memory_space<vmem>>[vector<16xi32>, vector<16xi32>, vector<16xi32>], vector<16xf32>,
      tpu.vector_store_idx %arg7[%broadcast_in_dim3A_25, %add3A_568], %gather3A_577 masked %lt3A_4 : memref<32x512xf32, #tpu.memory_space<vmem>>[vector<16xi32>, vector<16xi32>], vector<16xf32>, vector<16xi1>
      %gather3A_578 = tpu.vector_load_idx %arg6[%iota3A, %broadcast_in_dim3A_27, %and3A_269] : memref<16x32x128xf32, #tpu.memory_space<vmem>>[vector<16xi32>, vector<16xi32>, vector<16xi32>], vector<16xf32>,
      tpu.vector_store_idx %arg7[%broadcast_in_dim3A_27, %add3A_568], %gather3A_578 masked %lt3A_4 : memref<32x512xf32, #tpu.memory_space<vmem>>[vector<16xi32>, vector<16xi32>], vector<16xf32>, vector<16xi1>
      %gather3A_579 = tpu.vector_load_idx %arg6[%iota3A, %broadcast_in_dim3A_29, %and3A_269] : memref<16x32x128xf32, #tpu.memory_space<vmem>>[vector<16xi32>, vector<16xi32>, vector<16xi32>], vector<16xf32>,
      tpu.vector_store_idx %arg7[%broadcast_in_dim3A_29, %add3A_568], %gather3A_579 masked %lt3A_4 : memref<32x512xf32, #tpu.memory_space<vmem>>[vector<16xi32>, vector<16xi32>], vector<16xf32>, vector<16xi1>
      %gather3A_580 = tpu.vector_load_idx %arg6[%iota3A, %broadcast_in_dim3A_31, %and3A_269] : memref<16x32x128xf32, #tpu.memory_space<vmem>>[vector<16xi32>, vector<16xi32>, vector<16xi32>], vector<16xf32>,
      tpu.vector_store_idx %arg7[%broadcast_in_dim3A_31, %add3A_568], %gather3A_580 masked %lt3A_4 : memref<32x512xf32, #tpu.memory_space<vmem>>[vector<16xi32>, vector<16xi32>], vector<16xf32>, vector<16xi1>
      %gather3A_581 = tpu.vector_load_idx %arg6[%iota3A, %broadcast_in_dim3A_33, %and3A_269] : memref<16x32x128xf32, #tpu.memory_space<vmem>>[vector<16xi32>, vector<16xi32>, vector<16xi32>], vector<16xf32>,
      tpu.vector_store_idx %arg7[%broadcast_in_dim3A_33, %add3A_568], %gather3A_581 masked %lt3A_4 : memref<32x512xf32, #tpu.memory_space<vmem>>[vector<16xi32>, vector<16xi32>], vector<16xf32>, vector<16xi1>
      %gather3A_582 = tpu.vector_load_idx %arg6[%iota3A, %broadcast_in_dim3A_35, %and3A_269] : memref<16x32x128xf32, #tpu.memory_space<vmem>>[vector<16xi32>, vector<16xi32>, vector<16xi32>], vector<16xf32>,
      tpu.vector_store_idx %arg7[%broadcast_in_dim3A_35, %add3A_568], %gather3A_582 masked %lt3A_4 : memref<32x512xf32, #tpu.memory_space<vmem>>[vector<16xi32>, vector<16xi32>], vector<16xf32>, vector<16xi1>
      %gather3A_583 = tpu.vector_load_idx %arg6[%iota3A, %broadcast_in_dim3A_37, %and3A_269] : memref<16x32x128xf32, #tpu.memory_space<vmem>>[vector<16xi32>, vector<16xi32>, vector<16xi32>], vector<16xf32>,
      tpu.vector_store_idx %arg7[%broadcast_in_dim3A_37, %add3A_568], %gather3A_583 masked %lt3A_4 : memref<32x512xf32, #tpu.memory_space<vmem>>[vector<16xi32>, vector<16xi32>], vector<16xf32>, vector<16xi1>
      %gather3A_584 = tpu.vector_load_idx %arg6[%iota3A, %broadcast_in_dim3A_39, %and3A_269] : memref<16x32x128xf32, #tpu.memory_space<vmem>>[vector<16xi32>, vector<16xi32>, vector<16xi32>], vector<16xf32>,
      tpu.vector_store_idx %arg7[%broadcast_in_dim3A_39, %add3A_568], %gather3A_584 masked %lt3A_4 : memref<32x512xf32, #tpu.memory_space<vmem>>[vector<16xi32>, vector<16xi32>], vector<16xf32>, vector<16xi1>
      %gather3A_585 = tpu.vector_load_idx %arg6[%iota3A, %broadcast_in_dim3A_41, %and3A_269] : memref<16x32x128xf32, #tpu.memory_space<vmem>>[vector<16xi32>, vector<16xi32>, vector<16xi32>], vector<16xf32>,
      tpu.vector_store_idx %arg7[%broadcast_in_dim3A_41, %add3A_568], %gather3A_585 masked %lt3A_4 : memref<32x512xf32, #tpu.memory_space<vmem>>[vector<16xi32>, vector<16xi32>], vector<16xf32>, vector<16xi1>
      %gather3A_586 = tpu.vector_load_idx %arg6[%iota3A, %broadcast_in_dim3A_43, %and3A_269] : memref<16x32x128xf32, #tpu.memory_space<vmem>>[vector<16xi32>, vector<16xi32>, vector<16xi32>], vector<16xf32>,
      tpu.vector_store_idx %arg7[%broadcast_in_dim3A_43, %add3A_568], %gather3A_586 masked %lt3A_4 : memref<32x512xf32, #tpu.memory_space<vmem>>[vector<16xi32>, vector<16xi32>], vector<16xf32>, vector<16xi1>
      %gather3A_587 = tpu.vector_load_idx %arg6[%iota3A, %broadcast_in_dim3A_45, %and3A_269] : memref<16x32x128xf32, #tpu.memory_space<vmem>>[vector<16xi32>, vector<16xi32>, vector<16xi32>], vector<16xf32>,
      tpu.vector_store_idx %arg7[%broadcast_in_dim3A_45, %add3A_568], %gather3A_587 masked %lt3A_4 : memref<32x512xf32, #tpu.memory_space<vmem>>[vector<16xi32>, vector<16xi32>], vector<16xf32>, vector<16xi1>
      %gather3A_588 = tpu.vector_load_idx %arg6[%iota3A, %broadcast_in_dim3A_47, %and3A_269] : memref<16x32x128xf32, #tpu.memory_space<vmem>>[vector<16xi32>, vector<16xi32>, vector<16xi32>], vector<16xf32>,
      tpu.vector_store_idx %arg7[%broadcast_in_dim3A_47, %add3A_568], %gather3A_588 masked %lt3A_4 : memref<32x512xf32, #tpu.memory_space<vmem>>[vector<16xi32>, vector<16xi32>], vector<16xf32>, vector<16xi1>
      %gather3A_589 = tpu.vector_load_idx %arg6[%iota3A, %broadcast_in_dim3A_49, %and3A_269] : memref<16x32x128xf32, #tpu.memory_space<vmem>>[vector<16xi32>, vector<16xi32>, vector<16xi32>], vector<16xf32>,
      tpu.vector_store_idx %arg7[%broadcast_in_dim3A_49, %add3A_568], %gather3A_589 masked %lt3A_4 : memref<32x512xf32, #tpu.memory_space<vmem>>[vector<16xi32>, vector<16xi32>], vector<16xf32>, vector<16xi1>
      %gather3A_590 = tpu.vector_load_idx %arg6[%iota3A, %broadcast_in_dim3A_51, %and3A_269] : memref<16x32x128xf32, #tpu.memory_space<vmem>>[vector<16xi32>, vector<16xi32>, vector<16xi32>], vector<16xf32>,
      tpu.vector_store_idx %arg7[%broadcast_in_dim3A_51, %add3A_568], %gather3A_590 masked %lt3A_4 : memref<32x512xf32, #tpu.memory_space<vmem>>[vector<16xi32>, vector<16xi32>], vector<16xf32>, vector<16xi1>
      %gather3A_591 = tpu.vector_load_idx %arg6[%iota3A, %broadcast_in_dim3A_53, %and3A_269] : memref<16x32x128xf32, #tpu.memory_space<vmem>>[vector<16xi32>, vector<16xi32>, vector<16xi32>], vector<16xf32>,
      tpu.vector_store_idx %arg7[%broadcast_in_dim3A_53, %add3A_568], %gather3A_591 masked %lt3A_4 : memref<32x512xf32, #tpu.memory_space<vmem>>[vector<16xi32>, vector<16xi32>], vector<16xf32>, vector<16xi1>
      %gather3A_592 = tpu.vector_load_idx %arg6[%iota3A, %broadcast_in_dim3A_55, %and3A_269] : memref<16x32x128xf32, #tpu.memory_space<vmem>>[vector<16xi32>, vector<16xi32>, vector<16xi32>], vector<16xf32>,
      tpu.vector_store_idx %arg7[%broadcast_in_dim3A_55, %add3A_568], %gather3A_592 masked %lt3A_4 : memref<32x512xf32, #tpu.memory_space<vmem>>[vector<16xi32>, vector<16xi32>], vector<16xf32>, vector<16xi1>
      %gather3A_593 = tpu.vector_load_idx %arg6[%iota3A, %broadcast_in_dim3A_57, %and3A_269] : memref<16x32x128xf32, #tpu.memory_space<vmem>>[vector<16xi32>, vector<16xi32>, vector<16xi32>], vector<16xf32>,
      tpu.vector_store_idx %arg7[%broadcast_in_dim3A_57, %add3A_568], %gather3A_593 masked %lt3A_4 : memref<32x512xf32, #tpu.memory_space<vmem>>[vector<16xi32>, vector<16xi32>], vector<16xf32>, vector<16xi1>
      %gather3A_594 = tpu.vector_load_idx %arg6[%iota3A, %broadcast_in_dim3A_59, %and3A_269] : memref<16x32x128xf32, #tpu.memory_space<vmem>>[vector<16xi32>, vector<16xi32>, vector<16xi32>], vector<16xf32>,
      tpu.vector_store_idx %arg7[%broadcast_in_dim3A_59, %add3A_568], %gather3A_594 masked %lt3A_4 : memref<32x512xf32, #tpu.memory_space<vmem>>[vector<16xi32>, vector<16xi32>], vector<16xf32>, vector<16xi1>
      %gather3A_595 = tpu.vector_load_idx %arg6[%iota3A, %broadcast_in_dim3A_61, %and3A_269] : memref<16x32x128xf32, #tpu.memory_space<vmem>>[vector<16xi32>, vector<16xi32>, vector<16xi32>], vector<16xf32>,
      tpu.vector_store_idx %arg7[%broadcast_in_dim3A_61, %add3A_568], %gather3A_595 masked %lt3A_4 : memref<32x512xf32, #tpu.memory_space<vmem>>[vector<16xi32>, vector<16xi32>], vector<16xf32>, vector<16xi1>
      %gather3A_596 = tpu.vector_load_idx %arg6[%iota3A, %broadcast_in_dim3A_63, %and3A_269] : memref<16x32x128xf32, #tpu.memory_space<vmem>>[vector<16xi32>, vector<16xi32>, vector<16xi32>], vector<16xf32>,
      tpu.vector_store_idx %arg7[%broadcast_in_dim3A_63, %add3A_568], %gather3A_596 masked %lt3A_4 : memref<32x512xf32, #tpu.memory_space<vmem>>[vector<16xi32>, vector<16xi32>], vector<16xf32>, vector<16xi1>
      %gather3A_597 = tpu.vector_load_idx %arg6[%iota3A, %broadcast_in_dim3A_65, %and3A_269] : memref<16x32x128xf32, #tpu.memory_space<vmem>>[vector<16xi32>, vector<16xi32>, vector<16xi32>], vector<16xf32>,
      tpu.vector_store_idx %arg7[%broadcast_in_dim3A_65, %add3A_568], %gather3A_597 masked %lt3A_4 : memref<32x512xf32, #tpu.memory_space<vmem>>[vector<16xi32>, vector<16xi32>], vector<16xf32>, vector<16xi1>
      %gather3A_598 = tpu.vector_load_idx %arg6[%iota3A, %broadcast_in_dim3A_67, %and3A_269] : memref<16x32x128xf32, #tpu.memory_space<vmem>>[vector<16xi32>, vector<16xi32>, vector<16xi32>], vector<16xf32>,
      tpu.vector_store_idx %arg7[%broadcast_in_dim3A_67, %add3A_568], %gather3A_598 masked %lt3A_4 : memref<32x512xf32, #tpu.memory_space<vmem>>[vector<16xi32>, vector<16xi32>], vector<16xf32>, vector<16xi1>
      %gather3A_599 = tpu.vector_load_idx %arg6[%iota3A, %broadcast_in_dim3A_69, %and3A_269] : memref<16x32x128xf32, #tpu.memory_space<vmem>>[vector<16xi32>, vector<16xi32>, vector<16xi32>], vector<16xf32>,
      tpu.vector_store_idx %arg7[%broadcast_in_dim3A_69, %add3A_568], %gather3A_599 masked %lt3A_4 : memref<32x512xf32, #tpu.memory_space<vmem>>[vector<16xi32>, vector<16xi32>], vector<16xf32>, vector<16xi1>
      %lt3A_600 = arith.constant 31 : i32
      %lt3A_601 = arith.cmpi slt, %scan3A_256, %lt3A_600 : i32
      %convert_element_type3A_602 = arith.extui %lt3A_601 : i1 to i32
      %cond3A_603 = arith.constant 0 : i32
      %cond3A_604 = arith.cmpi ne, %convert_element_type3A_602, %cond3A_603 : i32
      scf.if %cond3A_604 {
        %add3A_745 = arith.constant 1 : i32
        %add3A_746 = arith.addi %scan3A_256, %add3A_745 : i32
        %mul3A_747 = arith.constant 16 : i32
        %mul3A_748 = arith.muli %add3A_746, %mul3A_747 : i32
        %get3A_749 = arith.index_cast %mul3A_748 : i32 to index
        %get3A_750 = tpu.vector_load %arg5[%get3A_749] {strides = array<i32>} : memref<512xi32, #tpu.memory_space<vmem>>, vector<16xi32>,
        %slice3A_751 = vector.extract_strided_slice %get3A_750 {offsets = [0], sizes = [1], strides = [1]} : vector<16xi32> to vector<1xi32>
        %squeeze3A_752 = vector.extract %slice3A_751[0] : i32 from vector<1xi32>
        %min3A_753 = arith.constant 999999 : i32
        %min3A_754 = arith.minsi %squeeze3A_752, %min3A_753 : i32
        %shift_right_arithmetic3A_755 = arith.constant 7 : i32
        %shift_right_arithmetic3A_756 = arith.shrsi %min3A_754, %shift_right_arithmetic3A_755 : i32
        %shift_left3A_757 = arith.constant 7 : i32
        %shift_left3A_758 = arith.shli %shift_right_arithmetic3A_756, %shift_left3A_757 : i32
        %multiple_of3A_759 = tpu.assume_multiple %shift_left3A_758, 128 : i32
        %dma_start3A_760 = arith.constant 0 : i32
        %dma_start3A_761 = arith.constant 0 : i32
        %dma_start3A_762 = arith.constant 0 : i32
        %dma_start3A_763 = tpu.memref_slice %arg6[%dma_start3A_760, %dma_start3A_761, %dma_start3A_762] : memref<16x32x128xf32, #tpu.memory_space<vmem>> -> memref<1x32x128xf32, #tpu.memory_space<vmem>>
        %dma_start3A_764 = tpu.memref_squeeze %dma_start3A_763 : memref<1x32x128xf32, #tpu.memory_space<vmem>> -> memref<32x128xf32, #tpu.memory_space<vmem>>
        %dma_start3A_765 = arith.constant 0 : i32
        %dma_start3A_766 = tpu.memref_slice %arg2[%dma_start3A_765, %multiple_of3A_759] : memref<32x1000000xf32, #tpu.memory_space<hbm>> -> memref<32x128xf32, #tpu.memory_space<hbm>>
        %dma_start3A_767 = arith.constant 0 : i32
        %dma_start3A_768 = arith.constant 0 : i32
        %dma_start3A_769 = tpu.memref_slice %arg6[%dma_start3A_760, %dma_start3A_767, %dma_start3A_768] : memref<16x32x128xf32, #tpu.memory_space<vmem>> -> memref<1x32x128xf32, #tpu.memory_space<vmem>>
        %dma_start3A_770 = tpu.memref_squeeze %dma_start3A_769 : memref<1x32x128xf32, #tpu.memory_space<vmem>> -> memref<32x128xf32, #tpu.memory_space<vmem>>
        %dma_start3A_771 = arith.constant 0 : i32
        %dma_start3A_772 = tpu.memref_slice %arg2[%dma_start3A_771, %multiple_of3A_759] : memref<32x1000000xf32, #tpu.memory_space<hbm>> -> memref<32x128xf32, #tpu.memory_space<hbm>>
        tpu.enqueue_dma source(%dma_start3A_772 : memref<32x128xf32, #tpu.memory_space<hbm>>) target(%dma_start3A_770 : memref<32x128xf32, #tpu.memory_space<vmem>>) target_semaphore(%arg8 : memref<!tpu.dma_semaphore, #tpu.memory_space<semaphore_mem>>)
        %slice3A_773 = vector.extract_strided_slice %get3A_750 {offsets = [1], sizes = [1], strides = [1]} : vector<16xi32> to vector<1xi32>
        %squeeze3A_774 = vector.extract %slice3A_773[0] : i32 from vector<1xi32>
        %min3A_775 = arith.constant 999999 : i32
        %min3A_776 = arith.minsi %squeeze3A_774, %min3A_775 : i32
        %shift_right_arithmetic3A_777 = arith.constant 7 : i32
        %shift_right_arithmetic3A_778 = arith.shrsi %min3A_776, %shift_right_arithmetic3A_777 : i32
        %shift_left3A_779 = arith.constant 7 : i32
        %shift_left3A_780 = arith.shli %shift_right_arithmetic3A_778, %shift_left3A_779 : i32
        %multiple_of3A_781 = tpu.assume_multiple %shift_left3A_780, 128 : i32
        %dma_start3A_782 = arith.constant 1 : i32
        %dma_start3A_783 = arith.constant 0 : i32
        %dma_start3A_784 = arith.constant 0 : i32
        %dma_start3A_785 = tpu.memref_slice %arg6[%dma_start3A_782, %dma_start3A_783, %dma_start3A_784] : memref<16x32x128xf32, #tpu.memory_space<vmem>> -> memref<1x32x128xf32, #tpu.memory_space<vmem>>
        %dma_start3A_786 = tpu.memref_squeeze %dma_start3A_785 : memref<1x32x128xf32, #tpu.memory_space<vmem>> -> memref<32x128xf32, #tpu.memory_space<vmem>>
        %dma_start3A_787 = arith.constant 0 : i32
        %dma_start3A_788 = tpu.memref_slice %arg2[%dma_start3A_787, %multiple_of3A_781] : memref<32x1000000xf32, #tpu.memory_space<hbm>> -> memref<32x128xf32, #tpu.memory_space<hbm>>
        %dma_start3A_789 = arith.constant 0 : i32
        %dma_start3A_790 = arith.constant 0 : i32
        %dma_start3A_791 = tpu.memref_slice %arg6[%dma_start3A_782, %dma_start3A_789, %dma_start3A_790] : memref<16x32x128xf32, #tpu.memory_space<vmem>> -> memref<1x32x128xf32, #tpu.memory_space<vmem>>
        %dma_start3A_792 = tpu.memref_squeeze %dma_start3A_791 : memref<1x32x128xf32, #tpu.memory_space<vmem>> -> memref<32x128xf32, #tpu.memory_space<vmem>>
        %dma_start3A_793 = arith.constant 0 : i32
        %dma_start3A_794 = tpu.memref_slice %arg2[%dma_start3A_793, %multiple_of3A_781] : memref<32x1000000xf32, #tpu.memory_space<hbm>> -> memref<32x128xf32, #tpu.memory_space<hbm>>
        tpu.enqueue_dma source(%dma_start3A_794 : memref<32x128xf32, #tpu.memory_space<hbm>>) target(%dma_start3A_792 : memref<32x128xf32, #tpu.memory_space<vmem>>) target_semaphore(%arg8 : memref<!tpu.dma_semaphore, #tpu.memory_space<semaphore_mem>>)
        %slice3A_795 = vector.extract_strided_slice %get3A_750 {offsets = [2], sizes = [1], strides = [1]} : vector<16xi32> to vector<1xi32>
        %squeeze3A_796 = vector.extract %slice3A_795[0] : i32 from vector<1xi32>
        %min3A_797 = arith.constant 999999 : i32
        %min3A_798 = arith.minsi %squeeze3A_796, %min3A_797 : i32
        %shift_right_arithmetic3A_799 = arith.constant 7 : i32
        %shift_right_arithmetic3A_800 = arith.shrsi %min3A_798, %shift_right_arithmetic3A_799 : i32
        %shift_left3A_801 = arith.constant 7 : i32
        %shift_left3A_802 = arith.shli %shift_right_arithmetic3A_800, %shift_left3A_801 : i32
        %multiple_of3A_803 = tpu.assume_multiple %shift_left3A_802, 128 : i32
        %dma_start3A_804 = arith.constant 2 : i32
        %dma_start3A_805 = arith.constant 0 : i32
        %dma_start3A_806 = arith.constant 0 : i32
        %dma_start3A_807 = tpu.memref_slice %arg6[%dma_start3A_804, %dma_start3A_805, %dma_start3A_806] : memref<16x32x128xf32, #tpu.memory_space<vmem>> -> memref<1x32x128xf32, #tpu.memory_space<vmem>>
        %dma_start3A_808 = tpu.memref_squeeze %dma_start3A_807 : memref<1x32x128xf32, #tpu.memory_space<vmem>> -> memref<32x128xf32, #tpu.memory_space<vmem>>
        %dma_start3A_809 = arith.constant 0 : i32
        %dma_start3A_810 = tpu.memref_slice %arg2[%dma_start3A_809, %multiple_of3A_803] : memref<32x1000000xf32, #tpu.memory_space<hbm>> -> memref<32x128xf32, #tpu.memory_space<hbm>>
        %dma_start3A_811 = arith.constant 0 : i32
        %dma_start3A_812 = arith.constant 0 : i32
        %dma_start3A_813 = tpu.memref_slice %arg6[%dma_start3A_804, %dma_start3A_811, %dma_start3A_812] : memref<16x32x128xf32, #tpu.memory_space<vmem>> -> memref<1x32x128xf32, #tpu.memory_space<vmem>>
        %dma_start3A_814 = tpu.memref_squeeze %dma_start3A_813 : memref<1x32x128xf32, #tpu.memory_space<vmem>> -> memref<32x128xf32, #tpu.memory_space<vmem>>
        %dma_start3A_815 = arith.constant 0 : i32
        %dma_start3A_816 = tpu.memref_slice %arg2[%dma_start3A_815, %multiple_of3A_803] : memref<32x1000000xf32, #tpu.memory_space<hbm>> -> memref<32x128xf32, #tpu.memory_space<hbm>>
        tpu.enqueue_dma source(%dma_start3A_816 : memref<32x128xf32, #tpu.memory_space<hbm>>) target(%dma_start3A_814 : memref<32x128xf32, #tpu.memory_space<vmem>>) target_semaphore(%arg8 : memref<!tpu.dma_semaphore, #tpu.memory_space<semaphore_mem>>)
        %slice3A_817 = vector.extract_strided_slice %get3A_750 {offsets = [3], sizes = [1], strides = [1]} : vector<16xi32> to vector<1xi32>
        %squeeze3A_818 = vector.extract %slice3A_817[0] : i32 from vector<1xi32>
        %min3A_819 = arith.constant 999999 : i32
        %min3A_820 = arith.minsi %squeeze3A_818, %min3A_819 : i32
        %shift_right_arithmetic3A_821 = arith.constant 7 : i32
        %shift_right_arithmetic3A_822 = arith.shrsi %min3A_820, %shift_right_arithmetic3A_821 : i32
        %shift_left3A_823 = arith.constant 7 : i32
        %shift_left3A_824 = arith.shli %shift_right_arithmetic3A_822, %shift_left3A_823 : i32
        %multiple_of3A_825 = tpu.assume_multiple %shift_left3A_824, 128 : i32
        %dma_start3A_826 = arith.constant 3 : i32
        %dma_start3A_827 = arith.constant 0 : i32
        %dma_start3A_828 = arith.constant 0 : i32
        %dma_start3A_829 = tpu.memref_slice %arg6[%dma_start3A_826, %dma_start3A_827, %dma_start3A_828] : memref<16x32x128xf32, #tpu.memory_space<vmem>> -> memref<1x32x128xf32, #tpu.memory_space<vmem>>
        %dma_start3A_830 = tpu.memref_squeeze %dma_start3A_829 : memref<1x32x128xf32, #tpu.memory_space<vmem>> -> memref<32x128xf32, #tpu.memory_space<vmem>>
        %dma_start3A_831 = arith.constant 0 : i32
        %dma_start3A_832 = tpu.memref_slice %arg2[%dma_start3A_831, %multiple_of3A_825] : memref<32x1000000xf32, #tpu.memory_space<hbm>> -> memref<32x128xf32, #tpu.memory_space<hbm>>
        %dma_start3A_833 = arith.constant 0 : i32
        %dma_start3A_834 = arith.constant 0 : i32
        %dma_start3A_835 = tpu.memref_slice %arg6[%dma_start3A_826, %dma_start3A_833, %dma_start3A_834] : memref<16x32x128xf32, #tpu.memory_space<vmem>> -> memref<1x32x128xf32, #tpu.memory_space<vmem>>
        %dma_start3A_836 = tpu.memref_squeeze %dma_start3A_835 : memref<1x32x128xf32, #tpu.memory_space<vmem>> -> memref<32x128xf32, #tpu.memory_space<vmem>>
        %dma_start3A_837 = arith.constant 0 : i32
        %dma_start3A_838 = tpu.memref_slice %arg2[%dma_start3A_837, %multiple_of3A_825] : memref<32x1000000xf32, #tpu.memory_space<hbm>> -> memref<32x128xf32, #tpu.memory_space<hbm>>
        tpu.enqueue_dma source(%dma_start3A_838 : memref<32x128xf32, #tpu.memory_space<hbm>>) target(%dma_start3A_836 : memref<32x128xf32, #tpu.memory_space<vmem>>) target_semaphore(%arg8 : memref<!tpu.dma_semaphore, #tpu.memory_space<semaphore_mem>>)
        %slice3A_839 = vector.extract_strided_slice %get3A_750 {offsets = [4], sizes = [1], strides = [1]} : vector<16xi32> to vector<1xi32>
        %squeeze3A_840 = vector.extract %slice3A_839[0] : i32 from vector<1xi32>
        %min3A_841 = arith.constant 999999 : i32
        %min3A_842 = arith.minsi %squeeze3A_840, %min3A_841 : i32
        %shift_right_arithmetic3A_843 = arith.constant 7 : i32
        %shift_right_arithmetic3A_844 = arith.shrsi %min3A_842, %shift_right_arithmetic3A_843 : i32
        %shift_left3A_845 = arith.constant 7 : i32
        %shift_left3A_846 = arith.shli %shift_right_arithmetic3A_844, %shift_left3A_845 : i32
        %multiple_of3A_847 = tpu.assume_multiple %shift_left3A_846, 128 : i32
        %dma_start3A_848 = arith.constant 4 : i32
        %dma_start3A_849 = arith.constant 0 : i32
        %dma_start3A_850 = arith.constant 0 : i32
        %dma_start3A_851 = tpu.memref_slice %arg6[%dma_start3A_848, %dma_start3A_849, %dma_start3A_850] : memref<16x32x128xf32, #tpu.memory_space<vmem>> -> memref<1x32x128xf32, #tpu.memory_space<vmem>>
        %dma_start3A_852 = tpu.memref_squeeze %dma_start3A_851 : memref<1x32x128xf32, #tpu.memory_space<vmem>> -> memref<32x128xf32, #tpu.memory_space<vmem>>
        %dma_start3A_853 = arith.constant 0 : i32
        %dma_start3A_854 = tpu.memref_slice %arg2[%dma_start3A_853, %multiple_of3A_847] : memref<32x1000000xf32, #tpu.memory_space<hbm>> -> memref<32x128xf32, #tpu.memory_space<hbm>>
        %dma_start3A_855 = arith.constant 0 : i32
        %dma_start3A_856 = arith.constant 0 : i32
        %dma_start3A_857 = tpu.memref_slice %arg6[%dma_start3A_848, %dma_start3A_855, %dma_start3A_856] : memref<16x32x128xf32, #tpu.memory_space<vmem>> -> memref<1x32x128xf32, #tpu.memory_space<vmem>>
        %dma_start3A_858 = tpu.memref_squeeze %dma_start3A_857 : memref<1x32x128xf32, #tpu.memory_space<vmem>> -> memref<32x128xf32, #tpu.memory_space<vmem>>
        %dma_start3A_859 = arith.constant 0 : i32
        %dma_start3A_860 = tpu.memref_slice %arg2[%dma_start3A_859, %multiple_of3A_847] : memref<32x1000000xf32, #tpu.memory_space<hbm>> -> memref<32x128xf32, #tpu.memory_space<hbm>>
        tpu.enqueue_dma source(%dma_start3A_860 : memref<32x128xf32, #tpu.memory_space<hbm>>) target(%dma_start3A_858 : memref<32x128xf32, #tpu.memory_space<vmem>>) target_semaphore(%arg8 : memref<!tpu.dma_semaphore, #tpu.memory_space<semaphore_mem>>)
        %slice3A_861 = vector.extract_strided_slice %get3A_750 {offsets = [5], sizes = [1], strides = [1]} : vector<16xi32> to vector<1xi32>
        %squeeze3A_862 = vector.extract %slice3A_861[0] : i32 from vector<1xi32>
        %min3A_863 = arith.constant 999999 : i32
        %min3A_864 = arith.minsi %squeeze3A_862, %min3A_863 : i32
        %shift_right_arithmetic3A_865 = arith.constant 7 : i32
        %shift_right_arithmetic3A_866 = arith.shrsi %min3A_864, %shift_right_arithmetic3A_865 : i32
        %shift_left3A_867 = arith.constant 7 : i32
        %shift_left3A_868 = arith.shli %shift_right_arithmetic3A_866, %shift_left3A_867 : i32
        %multiple_of3A_869 = tpu.assume_multiple %shift_left3A_868, 128 : i32
        %dma_start3A_870 = arith.constant 5 : i32
        %dma_start3A_871 = arith.constant 0 : i32
        %dma_start3A_872 = arith.constant 0 : i32
        %dma_start3A_873 = tpu.memref_slice %arg6[%dma_start3A_870, %dma_start3A_871, %dma_start3A_872] : memref<16x32x128xf32, #tpu.memory_space<vmem>> -> memref<1x32x128xf32, #tpu.memory_space<vmem>>
        %dma_start3A_874 = tpu.memref_squeeze %dma_start3A_873 : memref<1x32x128xf32, #tpu.memory_space<vmem>> -> memref<32x128xf32, #tpu.memory_space<vmem>>
        %dma_start3A_875 = arith.constant 0 : i32
        %dma_start3A_876 = tpu.memref_slice %arg2[%dma_start3A_875, %multiple_of3A_869] : memref<32x1000000xf32, #tpu.memory_space<hbm>> -> memref<32x128xf32, #tpu.memory_space<hbm>>
        %dma_start3A_877 = arith.constant 0 : i32
        %dma_start3A_878 = arith.constant 0 : i32
        %dma_start3A_879 = tpu.memref_slice %arg6[%dma_start3A_870, %dma_start3A_877, %dma_start3A_878] : memref<16x32x128xf32, #tpu.memory_space<vmem>> -> memref<1x32x128xf32, #tpu.memory_space<vmem>>
        %dma_start3A_880 = tpu.memref_squeeze %dma_start3A_879 : memref<1x32x128xf32, #tpu.memory_space<vmem>> -> memref<32x128xf32, #tpu.memory_space<vmem>>
        %dma_start3A_881 = arith.constant 0 : i32
        %dma_start3A_882 = tpu.memref_slice %arg2[%dma_start3A_881, %multiple_of3A_869] : memref<32x1000000xf32, #tpu.memory_space<hbm>> -> memref<32x128xf32, #tpu.memory_space<hbm>>
        tpu.enqueue_dma source(%dma_start3A_882 : memref<32x128xf32, #tpu.memory_space<hbm>>) target(%dma_start3A_880 : memref<32x128xf32, #tpu.memory_space<vmem>>) target_semaphore(%arg8 : memref<!tpu.dma_semaphore, #tpu.memory_space<semaphore_mem>>)
        %slice3A_883 = vector.extract_strided_slice %get3A_750 {offsets = [6], sizes = [1], strides = [1]} : vector<16xi32> to vector<1xi32>
        %squeeze3A_884 = vector.extract %slice3A_883[0] : i32 from vector<1xi32>
        %min3A_885 = arith.constant 999999 : i32
        %min3A_886 = arith.minsi %squeeze3A_884, %min3A_885 : i32
        %shift_right_arithmetic3A_887 = arith.constant 7 : i32
        %shift_right_arithmetic3A_888 = arith.shrsi %min3A_886, %shift_right_arithmetic3A_887 : i32
        %shift_left3A_889 = arith.constant 7 : i32
        %shift_left3A_890 = arith.shli %shift_right_arithmetic3A_888, %shift_left3A_889 : i32
        %multiple_of3A_891 = tpu.assume_multiple %shift_left3A_890, 128 : i32
        %dma_start3A_892 = arith.constant 6 : i32
        %dma_start3A_893 = arith.constant 0 : i32
        %dma_start3A_894 = arith.constant 0 : i32
        %dma_start3A_895 = tpu.memref_slice %arg6[%dma_start3A_892, %dma_start3A_893, %dma_start3A_894] : memref<16x32x128xf32, #tpu.memory_space<vmem>> -> memref<1x32x128xf32, #tpu.memory_space<vmem>>
        %dma_start3A_896 = tpu.memref_squeeze %dma_start3A_895 : memref<1x32x128xf32, #tpu.memory_space<vmem>> -> memref<32x128xf32, #tpu.memory_space<vmem>>
        %dma_start3A_897 = arith.constant 0 : i32
        %dma_start3A_898 = tpu.memref_slice %arg2[%dma_start3A_897, %multiple_of3A_891] : memref<32x1000000xf32, #tpu.memory_space<hbm>> -> memref<32x128xf32, #tpu.memory_space<hbm>>
        %dma_start3A_899 = arith.constant 0 : i32
        %dma_start3A_900 = arith.constant 0 : i32
        %dma_start3A_901 = tpu.memref_slice %arg6[%dma_start3A_892, %dma_start3A_899, %dma_start3A_900] : memref<16x32x128xf32, #tpu.memory_space<vmem>> -> memref<1x32x128xf32, #tpu.memory_space<vmem>>
        %dma_start3A_902 = tpu.memref_squeeze %dma_start3A_901 : memref<1x32x128xf32, #tpu.memory_space<vmem>> -> memref<32x128xf32, #tpu.memory_space<vmem>>
        %dma_start3A_903 = arith.constant 0 : i32
        %dma_start3A_904 = tpu.memref_slice %arg2[%dma_start3A_903, %multiple_of3A_891] : memref<32x1000000xf32, #tpu.memory_space<hbm>> -> memref<32x128xf32, #tpu.memory_space<hbm>>
        tpu.enqueue_dma source(%dma_start3A_904 : memref<32x128xf32, #tpu.memory_space<hbm>>) target(%dma_start3A_902 : memref<32x128xf32, #tpu.memory_space<vmem>>) target_semaphore(%arg8 : memref<!tpu.dma_semaphore, #tpu.memory_space<semaphore_mem>>)
        %slice3A_905 = vector.extract_strided_slice %get3A_750 {offsets = [7], sizes = [1], strides = [1]} : vector<16xi32> to vector<1xi32>
        %squeeze3A_906 = vector.extract %slice3A_905[0] : i32 from vector<1xi32>
        %min3A_907 = arith.constant 999999 : i32
        %min3A_908 = arith.minsi %squeeze3A_906, %min3A_907 : i32
        %shift_right_arithmetic3A_909 = arith.constant 7 : i32
        %shift_right_arithmetic3A_910 = arith.shrsi %min3A_908, %shift_right_arithmetic3A_909 : i32
        %shift_left3A_911 = arith.constant 7 : i32
        %shift_left3A_912 = arith.shli %shift_right_arithmetic3A_910, %shift_left3A_911 : i32
        %multiple_of3A_913 = tpu.assume_multiple %shift_left3A_912, 128 : i32
        %dma_start3A_914 = arith.constant 7 : i32
        %dma_start3A_915 = arith.constant 0 : i32
        %dma_start3A_916 = arith.constant 0 : i32
        %dma_start3A_917 = tpu.memref_slice %arg6[%dma_start3A_914, %dma_start3A_915, %dma_start3A_916] : memref<16x32x128xf32, #tpu.memory_space<vmem>> -> memref<1x32x128xf32, #tpu.memory_space<vmem>>
        %dma_start3A_918 = tpu.memref_squeeze %dma_start3A_917 : memref<1x32x128xf32, #tpu.memory_space<vmem>> -> memref<32x128xf32, #tpu.memory_space<vmem>>
        %dma_start3A_919 = arith.constant 0 : i32
        %dma_start3A_920 = tpu.memref_slice %arg2[%dma_start3A_919, %multiple_of3A_913] : memref<32x1000000xf32, #tpu.memory_space<hbm>> -> memref<32x128xf32, #tpu.memory_space<hbm>>
        %dma_start3A_921 = arith.constant 0 : i32
        %dma_start3A_922 = arith.constant 0 : i32
        %dma_start3A_923 = tpu.memref_slice %arg6[%dma_start3A_914, %dma_start3A_921, %dma_start3A_922] : memref<16x32x128xf32, #tpu.memory_space<vmem>> -> memref<1x32x128xf32, #tpu.memory_space<vmem>>
        %dma_start3A_924 = tpu.memref_squeeze %dma_start3A_923 : memref<1x32x128xf32, #tpu.memory_space<vmem>> -> memref<32x128xf32, #tpu.memory_space<vmem>>
        %dma_start3A_925 = arith.constant 0 : i32
        %dma_start3A_926 = tpu.memref_slice %arg2[%dma_start3A_925, %multiple_of3A_913] : memref<32x1000000xf32, #tpu.memory_space<hbm>> -> memref<32x128xf32, #tpu.memory_space<hbm>>
        tpu.enqueue_dma source(%dma_start3A_926 : memref<32x128xf32, #tpu.memory_space<hbm>>) target(%dma_start3A_924 : memref<32x128xf32, #tpu.memory_space<vmem>>) target_semaphore(%arg8 : memref<!tpu.dma_semaphore, #tpu.memory_space<semaphore_mem>>)
      } else {
      }
      %dma_wait3A_605 = arith.constant 15 : i32
      %dma_wait3A_606 = arith.constant 0 : i32
      %dma_wait3A_607 = arith.constant 0 : i32
      %dma_wait3A_608 = tpu.memref_slice %arg6[%dma_wait3A_605, %dma_wait3A_606, %dma_wait3A_607] : memref<16x32x128xf32, #tpu.memory_space<vmem>> -> memref<1x32x128xf32, #tpu.memory_space<vmem>>
      %dma_wait3A_609 = tpu.memref_squeeze %dma_wait3A_608 : memref<1x32x128xf32, #tpu.memory_space<vmem>> -> memref<32x128xf32, #tpu.memory_space<vmem>>
      %dma_wait3A_610 = arith.constant 0 : i32
      %dma_wait3A_611 = tpu.memref_slice %arg2[%dma_wait3A_610, %multiple_of3A_432] : memref<32x1000000xf32, #tpu.memory_space<hbm>> -> memref<32x128xf32, #tpu.memory_space<hbm>>
      %dma_wait3A_612 = arith.constant 0 : i32
      %dma_wait3A_613 = arith.constant 0 : i32
      %dma_wait3A_614 = tpu.memref_slice %arg6[%dma_wait3A_605, %dma_wait3A_612, %dma_wait3A_613] : memref<16x32x128xf32, #tpu.memory_space<vmem>> -> memref<1x32x128xf32, #tpu.memory_space<vmem>>
      %dma_wait3A_615 = tpu.memref_squeeze %dma_wait3A_614 : memref<1x32x128xf32, #tpu.memory_space<vmem>> -> memref<32x128xf32, #tpu.memory_space<vmem>>
      %dma_wait3A_616 = arith.constant 0 : i32
      %dma_wait3A_617 = tpu.memref_slice %arg2[%dma_wait3A_616, %multiple_of3A_432] : memref<32x1000000xf32, #tpu.memory_space<hbm>> -> memref<32x128xf32, #tpu.memory_space<hbm>>
      tpu.wait_dma2 semaphore(%arg9 : memref<!tpu.dma_semaphore, #tpu.memory_space<semaphore_mem>>) src(%dma_wait3A_617 : memref<32x128xf32, #tpu.memory_space<hbm>>) dst(%dma_wait3A_615 : memref<32x128xf32, #tpu.memory_space<vmem>>)
      %dma_wait3A_618 = arith.constant 15 : i32
      %dma_wait3A_619 = arith.constant 0 : i32
      %dma_wait3A_620 = arith.constant 0 : i32
      %dma_wait3A_621 = tpu.memref_slice %arg6[%dma_wait3A_618, %dma_wait3A_619, %dma_wait3A_620] : memref<16x32x128xf32, #tpu.memory_space<vmem>> -> memref<1x32x128xf32, #tpu.memory_space<vmem>>
      %dma_wait3A_622 = tpu.memref_squeeze %dma_wait3A_621 : memref<1x32x128xf32, #tpu.memory_space<vmem>> -> memref<32x128xf32, #tpu.memory_space<vmem>>
      %dma_wait3A_623 = arith.constant 0 : i32
      %dma_wait3A_624 = tpu.memref_slice %arg2[%dma_wait3A_623, %multiple_of3A_432] : memref<32x1000000xf32, #tpu.memory_space<hbm>> -> memref<32x128xf32, #tpu.memory_space<hbm>>
      %dma_wait3A_625 = arith.constant 0 : i32
      %dma_wait3A_626 = arith.constant 0 : i32
      %dma_wait3A_627 = tpu.memref_slice %arg6[%dma_wait3A_618, %dma_wait3A_625, %dma_wait3A_626] : memref<16x32x128xf32, #tpu.memory_space<vmem>> -> memref<1x32x128xf32, #tpu.memory_space<vmem>>
      %dma_wait3A_628 = tpu.memref_squeeze %dma_wait3A_627 : memref<1x32x128xf32, #tpu.memory_space<vmem>> -> memref<32x128xf32, #tpu.memory_space<vmem>>
      %dma_wait3A_629 = arith.constant 0 : i32
      %dma_wait3A_630 = tpu.memref_slice %arg2[%dma_wait3A_629, %multiple_of3A_432] : memref<32x1000000xf32, #tpu.memory_space<hbm>> -> memref<32x128xf32, #tpu.memory_space<hbm>>
      tpu.wait_dma2 semaphore(%arg9 : memref<!tpu.dma_semaphore, #tpu.memory_space<semaphore_mem>>) src(%dma_wait3A_630 : memref<32x128xf32, #tpu.memory_space<hbm>>) dst(%dma_wait3A_628 : memref<32x128xf32, #tpu.memory_space<vmem>>)
      %dma_wait3A_631 = arith.constant 15 : i32
      %dma_wait3A_632 = arith.constant 0 : i32
      %dma_wait3A_633 = arith.constant 0 : i32
      %dma_wait3A_634 = tpu.memref_slice %arg6[%dma_wait3A_631, %dma_wait3A_632, %dma_wait3A_633] : memref<16x32x128xf32, #tpu.memory_space<vmem>> -> memref<1x32x128xf32, #tpu.memory_space<vmem>>
      %dma_wait3A_635 = tpu.memref_squeeze %dma_wait3A_634 : memref<1x32x128xf32, #tpu.memory_space<vmem>> -> memref<32x128xf32, #tpu.memory_space<vmem>>
      %dma_wait3A_636 = arith.constant 0 : i32
      %dma_wait3A_637 = tpu.memref_slice %arg2[%dma_wait3A_636, %multiple_of3A_432] : memref<32x1000000xf32, #tpu.memory_space<hbm>> -> memref<32x128xf32, #tpu.memory_space<hbm>>
      %dma_wait3A_638 = arith.constant 0 : i32
      %dma_wait3A_639 = arith.constant 0 : i32
      %dma_wait3A_640 = tpu.memref_slice %arg6[%dma_wait3A_631, %dma_wait3A_638, %dma_wait3A_639] : memref<16x32x128xf32, #tpu.memory_space<vmem>> -> memref<1x32x128xf32, #tpu.memory_space<vmem>>
      %dma_wait3A_641 = tpu.memref_squeeze %dma_wait3A_640 : memref<1x32x128xf32, #tpu.memory_space<vmem>> -> memref<32x128xf32, #tpu.memory_space<vmem>>
      %dma_wait3A_642 = arith.constant 0 : i32
      %dma_wait3A_643 = tpu.memref_slice %arg2[%dma_wait3A_642, %multiple_of3A_432] : memref<32x1000000xf32, #tpu.memory_space<hbm>> -> memref<32x128xf32, #tpu.memory_space<hbm>>
      tpu.wait_dma2 semaphore(%arg9 : memref<!tpu.dma_semaphore, #tpu.memory_space<semaphore_mem>>) src(%dma_wait3A_643 : memref<32x128xf32, #tpu.memory_space<hbm>>) dst(%dma_wait3A_641 : memref<32x128xf32, #tpu.memory_space<vmem>>)
      %dma_wait3A_644 = arith.constant 15 : i32
      %dma_wait3A_645 = arith.constant 0 : i32
      %dma_wait3A_646 = arith.constant 0 : i32
      %dma_wait3A_647 = tpu.memref_slice %arg6[%dma_wait3A_644, %dma_wait3A_645, %dma_wait3A_646] : memref<16x32x128xf32, #tpu.memory_space<vmem>> -> memref<1x32x128xf32, #tpu.memory_space<vmem>>
      %dma_wait3A_648 = tpu.memref_squeeze %dma_wait3A_647 : memref<1x32x128xf32, #tpu.memory_space<vmem>> -> memref<32x128xf32, #tpu.memory_space<vmem>>
      %dma_wait3A_649 = arith.constant 0 : i32
      %dma_wait3A_650 = tpu.memref_slice %arg2[%dma_wait3A_649, %multiple_of3A_432] : memref<32x1000000xf32, #tpu.memory_space<hbm>> -> memref<32x128xf32, #tpu.memory_space<hbm>>
      %dma_wait3A_651 = arith.constant 0 : i32
      %dma_wait3A_652 = arith.constant 0 : i32
      %dma_wait3A_653 = tpu.memref_slice %arg6[%dma_wait3A_644, %dma_wait3A_651, %dma_wait3A_652] : memref<16x32x128xf32, #tpu.memory_space<vmem>> -> memref<1x32x128xf32, #tpu.memory_space<vmem>>
      %dma_wait3A_654 = tpu.memref_squeeze %dma_wait3A_653 : memref<1x32x128xf32, #tpu.memory_space<vmem>> -> memref<32x128xf32, #tpu.memory_space<vmem>>
      %dma_wait3A_655 = arith.constant 0 : i32
      %dma_wait3A_656 = tpu.memref_slice %arg2[%dma_wait3A_655, %multiple_of3A_432] : memref<32x1000000xf32, #tpu.memory_space<hbm>> -> memref<32x128xf32, #tpu.memory_space<hbm>>
      tpu.wait_dma2 semaphore(%arg9 : memref<!tpu.dma_semaphore, #tpu.memory_space<semaphore_mem>>) src(%dma_wait3A_656 : memref<32x128xf32, #tpu.memory_space<hbm>>) dst(%dma_wait3A_654 : memref<32x128xf32, #tpu.memory_space<vmem>>)
      %dma_wait3A_657 = arith.constant 15 : i32
      %dma_wait3A_658 = arith.constant 0 : i32
      %dma_wait3A_659 = arith.constant 0 : i32
      %dma_wait3A_660 = tpu.memref_slice %arg6[%dma_wait3A_657, %dma_wait3A_658, %dma_wait3A_659] : memref<16x32x128xf32, #tpu.memory_space<vmem>> -> memref<1x32x128xf32, #tpu.memory_space<vmem>>
      %dma_wait3A_661 = tpu.memref_squeeze %dma_wait3A_660 : memref<1x32x128xf32, #tpu.memory_space<vmem>> -> memref<32x128xf32, #tpu.memory_space<vmem>>
      %dma_wait3A_662 = arith.constant 0 : i32
      %dma_wait3A_663 = tpu.memref_slice %arg2[%dma_wait3A_662, %multiple_of3A_432] : memref<32x1000000xf32, #tpu.memory_space<hbm>> -> memref<32x128xf32, #tpu.memory_space<hbm>>
      %dma_wait3A_664 = arith.constant 0 : i32
      %dma_wait3A_665 = arith.constant 0 : i32
      %dma_wait3A_666 = tpu.memref_slice %arg6[%dma_wait3A_657, %dma_wait3A_664, %dma_wait3A_665] : memref<16x32x128xf32, #tpu.memory_space<vmem>> -> memref<1x32x128xf32, #tpu.memory_space<vmem>>
      %dma_wait3A_667 = tpu.memref_squeeze %dma_wait3A_666 : memref<1x32x128xf32, #tpu.memory_space<vmem>> -> memref<32x128xf32, #tpu.memory_space<vmem>>
      %dma_wait3A_668 = arith.constant 0 : i32
      %dma_wait3A_669 = tpu.memref_slice %arg2[%dma_wait3A_668, %multiple_of3A_432] : memref<32x1000000xf32, #tpu.memory_space<hbm>> -> memref<32x128xf32, #tpu.memory_space<hbm>>
      tpu.wait_dma2 semaphore(%arg9 : memref<!tpu.dma_semaphore, #tpu.memory_space<semaphore_mem>>) src(%dma_wait3A_669 : memref<32x128xf32, #tpu.memory_space<hbm>>) dst(%dma_wait3A_667 : memref<32x128xf32, #tpu.memory_space<vmem>>)
      %dma_wait3A_670 = arith.constant 15 : i32
      %dma_wait3A_671 = arith.constant 0 : i32
      %dma_wait3A_672 = arith.constant 0 : i32
      %dma_wait3A_673 = tpu.memref_slice %arg6[%dma_wait3A_670, %dma_wait3A_671, %dma_wait3A_672] : memref<16x32x128xf32, #tpu.memory_space<vmem>> -> memref<1x32x128xf32, #tpu.memory_space<vmem>>
      %dma_wait3A_674 = tpu.memref_squeeze %dma_wait3A_673 : memref<1x32x128xf32, #tpu.memory_space<vmem>> -> memref<32x128xf32, #tpu.memory_space<vmem>>
      %dma_wait3A_675 = arith.constant 0 : i32
      %dma_wait3A_676 = tpu.memref_slice %arg2[%dma_wait3A_675, %multiple_of3A_432] : memref<32x1000000xf32, #tpu.memory_space<hbm>> -> memref<32x128xf32, #tpu.memory_space<hbm>>
      %dma_wait3A_677 = arith.constant 0 : i32
      %dma_wait3A_678 = arith.constant 0 : i32
      %dma_wait3A_679 = tpu.memref_slice %arg6[%dma_wait3A_670, %dma_wait3A_677, %dma_wait3A_678] : memref<16x32x128xf32, #tpu.memory_space<vmem>> -> memref<1x32x128xf32, #tpu.memory_space<vmem>>
      %dma_wait3A_680 = tpu.memref_squeeze %dma_wait3A_679 : memref<1x32x128xf32, #tpu.memory_space<vmem>> -> memref<32x128xf32, #tpu.memory_space<vmem>>
      %dma_wait3A_681 = arith.constant 0 : i32
      %dma_wait3A_682 = tpu.memref_slice %arg2[%dma_wait3A_681, %multiple_of3A_432] : memref<32x1000000xf32, #tpu.memory_space<hbm>> -> memref<32x128xf32, #tpu.memory_space<hbm>>
      tpu.wait_dma2 semaphore(%arg9 : memref<!tpu.dma_semaphore, #tpu.memory_space<semaphore_mem>>) src(%dma_wait3A_682 : memref<32x128xf32, #tpu.memory_space<hbm>>) dst(%dma_wait3A_680 : memref<32x128xf32, #tpu.memory_space<vmem>>)
      %dma_wait3A_683 = arith.constant 15 : i32
      %dma_wait3A_684 = arith.constant 0 : i32
      %dma_wait3A_685 = arith.constant 0 : i32
      %dma_wait3A_686 = tpu.memref_slice %arg6[%dma_wait3A_683, %dma_wait3A_684, %dma_wait3A_685] : memref<16x32x128xf32, #tpu.memory_space<vmem>> -> memref<1x32x128xf32, #tpu.memory_space<vmem>>
      %dma_wait3A_687 = tpu.memref_squeeze %dma_wait3A_686 : memref<1x32x128xf32, #tpu.memory_space<vmem>> -> memref<32x128xf32, #tpu.memory_space<vmem>>
      %dma_wait3A_688 = arith.constant 0 : i32
      %dma_wait3A_689 = tpu.memref_slice %arg2[%dma_wait3A_688, %multiple_of3A_432] : memref<32x1000000xf32, #tpu.memory_space<hbm>> -> memref<32x128xf32, #tpu.memory_space<hbm>>
      %dma_wait3A_690 = arith.constant 0 : i32
      %dma_wait3A_691 = arith.constant 0 : i32
      %dma_wait3A_692 = tpu.memref_slice %arg6[%dma_wait3A_683, %dma_wait3A_690, %dma_wait3A_691] : memref<16x32x128xf32, #tpu.memory_space<vmem>> -> memref<1x32x128xf32, #tpu.memory_space<vmem>>
      %dma_wait3A_693 = tpu.memref_squeeze %dma_wait3A_692 : memref<1x32x128xf32, #tpu.memory_space<vmem>> -> memref<32x128xf32, #tpu.memory_space<vmem>>
      %dma_wait3A_694 = arith.constant 0 : i32
      %dma_wait3A_695 = tpu.memref_slice %arg2[%dma_wait3A_694, %multiple_of3A_432] : memref<32x1000000xf32, #tpu.memory_space<hbm>> -> memref<32x128xf32, #tpu.memory_space<hbm>>
      tpu.wait_dma2 semaphore(%arg9 : memref<!tpu.dma_semaphore, #tpu.memory_space<semaphore_mem>>) src(%dma_wait3A_695 : memref<32x128xf32, #tpu.memory_space<hbm>>) dst(%dma_wait3A_693 : memref<32x128xf32, #tpu.memory_space<vmem>>)
      %dma_wait3A_696 = arith.constant 15 : i32
      %dma_wait3A_697 = arith.constant 0 : i32
      %dma_wait3A_698 = arith.constant 0 : i32
      %dma_wait3A_699 = tpu.memref_slice %arg6[%dma_wait3A_696, %dma_wait3A_697, %dma_wait3A_698] : memref<16x32x128xf32, #tpu.memory_space<vmem>> -> memref<1x32x128xf32, #tpu.memory_space<vmem>>
      %dma_wait3A_700 = tpu.memref_squeeze %dma_wait3A_699 : memref<1x32x128xf32, #tpu.memory_space<vmem>> -> memref<32x128xf32, #tpu.memory_space<vmem>>
      %dma_wait3A_701 = arith.constant 0 : i32
      %dma_wait3A_702 = tpu.memref_slice %arg2[%dma_wait3A_701, %multiple_of3A_432] : memref<32x1000000xf32, #tpu.memory_space<hbm>> -> memref<32x128xf32, #tpu.memory_space<hbm>>
      %dma_wait3A_703 = arith.constant 0 : i32
      %dma_wait3A_704 = arith.constant 0 : i32
      %dma_wait3A_705 = tpu.memref_slice %arg6[%dma_wait3A_696, %dma_wait3A_703, %dma_wait3A_704] : memref<16x32x128xf32, #tpu.memory_space<vmem>> -> memref<1x32x128xf32, #tpu.memory_space<vmem>>
      %dma_wait3A_706 = tpu.memref_squeeze %dma_wait3A_705 : memref<1x32x128xf32, #tpu.memory_space<vmem>> -> memref<32x128xf32, #tpu.memory_space<vmem>>
      %dma_wait3A_707 = arith.constant 0 : i32
      %dma_wait3A_708 = tpu.memref_slice %arg2[%dma_wait3A_707, %multiple_of3A_432] : memref<32x1000000xf32, #tpu.memory_space<hbm>> -> memref<32x128xf32, #tpu.memory_space<hbm>>
      tpu.wait_dma2 semaphore(%arg9 : memref<!tpu.dma_semaphore, #tpu.memory_space<semaphore_mem>>) src(%dma_wait3A_708 : memref<32x128xf32, #tpu.memory_space<hbm>>) dst(%dma_wait3A_706 : memref<32x128xf32, #tpu.memory_space<vmem>>)
      %mul3A_709 = arith.constant 16 : i32
      %mul3A_710 = arith.muli %scan3A_256, %mul3A_709 : i32
      %add3A_711 = vector.broadcast %mul3A_710 : i32 to vector<16xi32>
      %add3A_712 = arith.addi %iota3A, %add3A_711 : vector<16xi32>
      %gather3A_713 = tpu.vector_load_idx %arg6[%iota3A, %broadcast_in_dim3A_7, %and3A_269] : memref<16x32x128xf32, #tpu.memory_space<vmem>>[vector<16xi32>, vector<16xi32>, vector<16xi32>], vector<16xf32>,
      tpu.vector_store_idx %arg7[%broadcast_in_dim3A_7, %add3A_712], %gather3A_713 masked %ge3A_6 : memref<32x512xf32, #tpu.memory_space<vmem>>[vector<16xi32>, vector<16xi32>], vector<16xf32>, vector<16xi1>
      %gather3A_714 = tpu.vector_load_idx %arg6[%iota3A, %broadcast_in_dim3A_9, %and3A_269] : memref<16x32x128xf32, #tpu.memory_space<vmem>>[vector<16xi32>, vector<16xi32>, vector<16xi32>], vector<16xf32>,
      tpu.vector_store_idx %arg7[%broadcast_in_dim3A_9, %add3A_712], %gather3A_714 masked %ge3A_6 : memref<32x512xf32, #tpu.memory_space<vmem>>[vector<16xi32>, vector<16xi32>], vector<16xf32>, vector<16xi1>
      %gather3A_715 = tpu.vector_load_idx %arg6[%iota3A, %broadcast_in_dim3A_11, %and3A_269] : memref<16x32x128xf32, #tpu.memory_space<vmem>>[vector<16xi32>, vector<16xi32>, vector<16xi32>], vector<16xf32>,
      tpu.vector_store_idx %arg7[%broadcast_in_dim3A_11, %add3A_712], %gather3A_715 masked %ge3A_6 : memref<32x512xf32, #tpu.memory_space<vmem>>[vector<16xi32>, vector<16xi32>], vector<16xf32>, vector<16xi1>
      %gather3A_716 = tpu.vector_load_idx %arg6[%iota3A, %broadcast_in_dim3A_13, %and3A_269] : memref<16x32x128xf32, #tpu.memory_space<vmem>>[vector<16xi32>, vector<16xi32>, vector<16xi32>], vector<16xf32>,
      tpu.vector_store_idx %arg7[%broadcast_in_dim3A_13, %add3A_712], %gather3A_716 masked %ge3A_6 : memref<32x512xf32, #tpu.memory_space<vmem>>[vector<16xi32>, vector<16xi32>], vector<16xf32>, vector<16xi1>
      %gather3A_717 = tpu.vector_load_idx %arg6[%iota3A, %broadcast_in_dim3A_15, %and3A_269] : memref<16x32x128xf32, #tpu.memory_space<vmem>>[vector<16xi32>, vector<16xi32>, vector<16xi32>], vector<16xf32>,
      tpu.vector_store_idx %arg7[%broadcast_in_dim3A_15, %add3A_712], %gather3A_717 masked %ge3A_6 : memref<32x512xf32, #tpu.memory_space<vmem>>[vector<16xi32>, vector<16xi32>], vector<16xf32>, vector<16xi1>
      %gather3A_718 = tpu.vector_load_idx %arg6[%iota3A, %broadcast_in_dim3A_17, %and3A_269] : memref<16x32x128xf32, #tpu.memory_space<vmem>>[vector<16xi32>, vector<16xi32>, vector<16xi32>], vector<16xf32>,
      tpu.vector_store_idx %arg7[%broadcast_in_dim3A_17, %add3A_712], %gather3A_718 masked %ge3A_6 : memref<32x512xf32, #tpu.memory_space<vmem>>[vector<16xi32>, vector<16xi32>], vector<16xf32>, vector<16xi1>
      %gather3A_719 = tpu.vector_load_idx %arg6[%iota3A, %broadcast_in_dim3A_19, %and3A_269] : memref<16x32x128xf32, #tpu.memory_space<vmem>>[vector<16xi32>, vector<16xi32>, vector<16xi32>], vector<16xf32>,
      tpu.vector_store_idx %arg7[%broadcast_in_dim3A_19, %add3A_712], %gather3A_719 masked %ge3A_6 : memref<32x512xf32, #tpu.memory_space<vmem>>[vector<16xi32>, vector<16xi32>], vector<16xf32>, vector<16xi1>
      %gather3A_720 = tpu.vector_load_idx %arg6[%iota3A, %broadcast_in_dim3A_21, %and3A_269] : memref<16x32x128xf32, #tpu.memory_space<vmem>>[vector<16xi32>, vector<16xi32>, vector<16xi32>], vector<16xf32>,
      tpu.vector_store_idx %arg7[%broadcast_in_dim3A_21, %add3A_712], %gather3A_720 masked %ge3A_6 : memref<32x512xf32, #tpu.memory_space<vmem>>[vector<16xi32>, vector<16xi32>], vector<16xf32>, vector<16xi1>
      %gather3A_721 = tpu.vector_load_idx %arg6[%iota3A, %broadcast_in_dim3A_23, %and3A_269] : memref<16x32x128xf32, #tpu.memory_space<vmem>>[vector<16xi32>, vector<16xi32>, vector<16xi32>], vector<16xf32>,
      tpu.vector_store_idx %arg7[%broadcast_in_dim3A_23, %add3A_712], %gather3A_721 masked %ge3A_6 : memref<32x512xf32, #tpu.memory_space<vmem>>[vector<16xi32>, vector<16xi32>], vector<16xf32>, vector<16xi1>
      %gather3A_722 = tpu.vector_load_idx %arg6[%iota3A, %broadcast_in_dim3A_25, %and3A_269] : memref<16x32x128xf32, #tpu.memory_space<vmem>>[vector<16xi32>, vector<16xi32>, vector<16xi32>], vector<16xf32>,
      tpu.vector_store_idx %arg7[%broadcast_in_dim3A_25, %add3A_712], %gather3A_722 masked %ge3A_6 : memref<32x512xf32, #tpu.memory_space<vmem>>[vector<16xi32>, vector<16xi32>], vector<16xf32>, vector<16xi1>
      %gather3A_723 = tpu.vector_load_idx %arg6[%iota3A, %broadcast_in_dim3A_27, %and3A_269] : memref<16x32x128xf32, #tpu.memory_space<vmem>>[vector<16xi32>, vector<16xi32>, vector<16xi32>], vector<16xf32>,
      tpu.vector_store_idx %arg7[%broadcast_in_dim3A_27, %add3A_712], %gather3A_723 masked %ge3A_6 : memref<32x512xf32, #tpu.memory_space<vmem>>[vector<16xi32>, vector<16xi32>], vector<16xf32>, vector<16xi1>
      %gather3A_724 = tpu.vector_load_idx %arg6[%iota3A, %broadcast_in_dim3A_29, %and3A_269] : memref<16x32x128xf32, #tpu.memory_space<vmem>>[vector<16xi32>, vector<16xi32>, vector<16xi32>], vector<16xf32>,
      tpu.vector_store_idx %arg7[%broadcast_in_dim3A_29, %add3A_712], %gather3A_724 masked %ge3A_6 : memref<32x512xf32, #tpu.memory_space<vmem>>[vector<16xi32>, vector<16xi32>], vector<16xf32>, vector<16xi1>
      %gather3A_725 = tpu.vector_load_idx %arg6[%iota3A, %broadcast_in_dim3A_31, %and3A_269] : memref<16x32x128xf32, #tpu.memory_space<vmem>>[vector<16xi32>, vector<16xi32>, vector<16xi32>], vector<16xf32>,
      tpu.vector_store_idx %arg7[%broadcast_in_dim3A_31, %add3A_712], %gather3A_725 masked %ge3A_6 : memref<32x512xf32, #tpu.memory_space<vmem>>[vector<16xi32>, vector<16xi32>], vector<16xf32>, vector<16xi1>
      %gather3A_726 = tpu.vector_load_idx %arg6[%iota3A, %broadcast_in_dim3A_33, %and3A_269] : memref<16x32x128xf32, #tpu.memory_space<vmem>>[vector<16xi32>, vector<16xi32>, vector<16xi32>], vector<16xf32>,
      tpu.vector_store_idx %arg7[%broadcast_in_dim3A_33, %add3A_712], %gather3A_726 masked %ge3A_6 : memref<32x512xf32, #tpu.memory_space<vmem>>[vector<16xi32>, vector<16xi32>], vector<16xf32>, vector<16xi1>
      %gather3A_727 = tpu.vector_load_idx %arg6[%iota3A, %broadcast_in_dim3A_35, %and3A_269] : memref<16x32x128xf32, #tpu.memory_space<vmem>>[vector<16xi32>, vector<16xi32>, vector<16xi32>], vector<16xf32>,
      tpu.vector_store_idx %arg7[%broadcast_in_dim3A_35, %add3A_712], %gather3A_727 masked %ge3A_6 : memref<32x512xf32, #tpu.memory_space<vmem>>[vector<16xi32>, vector<16xi32>], vector<16xf32>, vector<16xi1>
      %gather3A_728 = tpu.vector_load_idx %arg6[%iota3A, %broadcast_in_dim3A_37, %and3A_269] : memref<16x32x128xf32, #tpu.memory_space<vmem>>[vector<16xi32>, vector<16xi32>, vector<16xi32>], vector<16xf32>,
      tpu.vector_store_idx %arg7[%broadcast_in_dim3A_37, %add3A_712], %gather3A_728 masked %ge3A_6 : memref<32x512xf32, #tpu.memory_space<vmem>>[vector<16xi32>, vector<16xi32>], vector<16xf32>, vector<16xi1>
      %gather3A_729 = tpu.vector_load_idx %arg6[%iota3A, %broadcast_in_dim3A_39, %and3A_269] : memref<16x32x128xf32, #tpu.memory_space<vmem>>[vector<16xi32>, vector<16xi32>, vector<16xi32>], vector<16xf32>,
      tpu.vector_store_idx %arg7[%broadcast_in_dim3A_39, %add3A_712], %gather3A_729 masked %ge3A_6 : memref<32x512xf32, #tpu.memory_space<vmem>>[vector<16xi32>, vector<16xi32>], vector<16xf32>, vector<16xi1>
      %gather3A_730 = tpu.vector_load_idx %arg6[%iota3A, %broadcast_in_dim3A_41, %and3A_269] : memref<16x32x128xf32, #tpu.memory_space<vmem>>[vector<16xi32>, vector<16xi32>, vector<16xi32>], vector<16xf32>,
      tpu.vector_store_idx %arg7[%broadcast_in_dim3A_41, %add3A_712], %gather3A_730 masked %ge3A_6 : memref<32x512xf32, #tpu.memory_space<vmem>>[vector<16xi32>, vector<16xi32>], vector<16xf32>, vector<16xi1>
      %gather3A_731 = tpu.vector_load_idx %arg6[%iota3A, %broadcast_in_dim3A_43, %and3A_269] : memref<16x32x128xf32, #tpu.memory_space<vmem>>[vector<16xi32>, vector<16xi32>, vector<16xi32>], vector<16xf32>,
      tpu.vector_store_idx %arg7[%broadcast_in_dim3A_43, %add3A_712], %gather3A_731 masked %ge3A_6 : memref<32x512xf32, #tpu.memory_space<vmem>>[vector<16xi32>, vector<16xi32>], vector<16xf32>, vector<16xi1>
      %gather3A_732 = tpu.vector_load_idx %arg6[%iota3A, %broadcast_in_dim3A_45, %and3A_269] : memref<16x32x128xf32, #tpu.memory_space<vmem>>[vector<16xi32>, vector<16xi32>, vector<16xi32>], vector<16xf32>,
      tpu.vector_store_idx %arg7[%broadcast_in_dim3A_45, %add3A_712], %gather3A_732 masked %ge3A_6 : memref<32x512xf32, #tpu.memory_space<vmem>>[vector<16xi32>, vector<16xi32>], vector<16xf32>, vector<16xi1>
      %gather3A_733 = tpu.vector_load_idx %arg6[%iota3A, %broadcast_in_dim3A_47, %and3A_269] : memref<16x32x128xf32, #tpu.memory_space<vmem>>[vector<16xi32>, vector<16xi32>, vector<16xi32>], vector<16xf32>,
      tpu.vector_store_idx %arg7[%broadcast_in_dim3A_47, %add3A_712], %gather3A_733 masked %ge3A_6 : memref<32x512xf32, #tpu.memory_space<vmem>>[vector<16xi32>, vector<16xi32>], vector<16xf32>, vector<16xi1>
      %gather3A_734 = tpu.vector_load_idx %arg6[%iota3A, %broadcast_in_dim3A_49, %and3A_269] : memref<16x32x128xf32, #tpu.memory_space<vmem>>[vector<16xi32>, vector<16xi32>, vector<16xi32>], vector<16xf32>,
      tpu.vector_store_idx %arg7[%broadcast_in_dim3A_49, %add3A_712], %gather3A_734 masked %ge3A_6 : memref<32x512xf32, #tpu.memory_space<vmem>>[vector<16xi32>, vector<16xi32>], vector<16xf32>, vector<16xi1>
      %gather3A_735 = tpu.vector_load_idx %arg6[%iota3A, %broadcast_in_dim3A_51, %and3A_269] : memref<16x32x128xf32, #tpu.memory_space<vmem>>[vector<16xi32>, vector<16xi32>, vector<16xi32>], vector<16xf32>,
      tpu.vector_store_idx %arg7[%broadcast_in_dim3A_51, %add3A_712], %gather3A_735 masked %ge3A_6 : memref<32x512xf32, #tpu.memory_space<vmem>>[vector<16xi32>, vector<16xi32>], vector<16xf32>, vector<16xi1>
      %gather3A_736 = tpu.vector_load_idx %arg6[%iota3A, %broadcast_in_dim3A_53, %and3A_269] : memref<16x32x128xf32, #tpu.memory_space<vmem>>[vector<16xi32>, vector<16xi32>, vector<16xi32>], vector<16xf32>,
      tpu.vector_store_idx %arg7[%broadcast_in_dim3A_53, %add3A_712], %gather3A_736 masked %ge3A_6 : memref<32x512xf32, #tpu.memory_space<vmem>>[vector<16xi32>, vector<16xi32>], vector<16xf32>, vector<16xi1>
      %gather3A_737 = tpu.vector_load_idx %arg6[%iota3A, %broadcast_in_dim3A_55, %and3A_269] : memref<16x32x128xf32, #tpu.memory_space<vmem>>[vector<16xi32>, vector<16xi32>, vector<16xi32>], vector<16xf32>,
      tpu.vector_store_idx %arg7[%broadcast_in_dim3A_55, %add3A_712], %gather3A_737 masked %ge3A_6 : memref<32x512xf32, #tpu.memory_space<vmem>>[vector<16xi32>, vector<16xi32>], vector<16xf32>, vector<16xi1>
      %gather3A_738 = tpu.vector_load_idx %arg6[%iota3A, %broadcast_in_dim3A_57, %and3A_269] : memref<16x32x128xf32, #tpu.memory_space<vmem>>[vector<16xi32>, vector<16xi32>, vector<16xi32>], vector<16xf32>,
      tpu.vector_store_idx %arg7[%broadcast_in_dim3A_57, %add3A_712], %gather3A_738 masked %ge3A_6 : memref<32x512xf32, #tpu.memory_space<vmem>>[vector<16xi32>, vector<16xi32>], vector<16xf32>, vector<16xi1>
      %gather3A_739 = tpu.vector_load_idx %arg6[%iota3A, %broadcast_in_dim3A_59, %and3A_269] : memref<16x32x128xf32, #tpu.memory_space<vmem>>[vector<16xi32>, vector<16xi32>, vector<16xi32>], vector<16xf32>,
      tpu.vector_store_idx %arg7[%broadcast_in_dim3A_59, %add3A_712], %gather3A_739 masked %ge3A_6 : memref<32x512xf32, #tpu.memory_space<vmem>>[vector<16xi32>, vector<16xi32>], vector<16xf32>, vector<16xi1>
      %gather3A_740 = tpu.vector_load_idx %arg6[%iota3A, %broadcast_in_dim3A_61, %and3A_269] : memref<16x32x128xf32, #tpu.memory_space<vmem>>[vector<16xi32>, vector<16xi32>, vector<16xi32>], vector<16xf32>,
      tpu.vector_store_idx %arg7[%broadcast_in_dim3A_61, %add3A_712], %gather3A_740 masked %ge3A_6 : memref<32x512xf32, #tpu.memory_space<vmem>>[vector<16xi32>, vector<16xi32>], vector<16xf32>, vector<16xi1>
      %gather3A_741 = tpu.vector_load_idx %arg6[%iota3A, %broadcast_in_dim3A_63, %and3A_269] : memref<16x32x128xf32, #tpu.memory_space<vmem>>[vector<16xi32>, vector<16xi32>, vector<16xi32>], vector<16xf32>,
      tpu.vector_store_idx %arg7[%broadcast_in_dim3A_63, %add3A_712], %gather3A_741 masked %ge3A_6 : memref<32x512xf32, #tpu.memory_space<vmem>>[vector<16xi32>, vector<16xi32>], vector<16xf32>, vector<16xi1>
      %gather3A_742 = tpu.vector_load_idx %arg6[%iota3A, %broadcast_in_dim3A_65, %and3A_269] : memref<16x32x128xf32, #tpu.memory_space<vmem>>[vector<16xi32>, vector<16xi32>, vector<16xi32>], vector<16xf32>,
      tpu.vector_store_idx %arg7[%broadcast_in_dim3A_65, %add3A_712], %gather3A_742 masked %ge3A_6 : memref<32x512xf32, #tpu.memory_space<vmem>>[vector<16xi32>, vector<16xi32>], vector<16xf32>, vector<16xi1>
      %gather3A_743 = tpu.vector_load_idx %arg6[%iota3A, %broadcast_in_dim3A_67, %and3A_269] : memref<16x32x128xf32, #tpu.memory_space<vmem>>[vector<16xi32>, vector<16xi32>, vector<16xi32>], vector<16xf32>,
      tpu.vector_store_idx %arg7[%broadcast_in_dim3A_67, %add3A_712], %gather3A_743 masked %ge3A_6 : memref<32x512xf32, #tpu.memory_space<vmem>>[vector<16xi32>, vector<16xi32>], vector<16xf32>, vector<16xi1>
      %gather3A_744 = tpu.vector_load_idx %arg6[%iota3A, %broadcast_in_dim3A_69, %and3A_269] : memref<16x32x128xf32, #tpu.memory_space<vmem>>[vector<16xi32>, vector<16xi32>, vector<16xi32>], vector<16xf32>,
      tpu.vector_store_idx %arg7[%broadcast_in_dim3A_69, %add3A_712], %gather3A_744 masked %ge3A_6 : memref<32x512xf32, #tpu.memory_space<vmem>>[vector<16xi32>, vector<16xi32>], vector<16xf32>, vector<16xi1>
      scf.yield %max3A : vector<16xi32>
    }
    %scan3A_246 = arith.constant 32 : i32
    %reduce_max3A = arith.constant true
    %reduce_max3A_247 = vector.broadcast %reduce_max3A : i1 to vector<16xi1>
    %reduce_max3A_248 = arith.constant -2147483648 : i32
    %reduce_max3A_249 = vector.broadcast %reduce_max3A_248 : i32 to vector<16xi32>
    %reduce_max3A_250 = arith.xori %scan3A_245, %reduce_max3A_249 : vector<16xi32>
    %reduce_max3A_251 = tpu.scan <max>, %reduce_max3A_250 masked %reduce_max3A_247 : vector<16xi32>, vector<16xi1> -> vector<16xi32>
    %reduce_max3A_252 = arith.xori %reduce_max3A_251, %reduce_max3A_249 : vector<16xi32>
    %reduce_max3A_253 = vector.extract %reduce_max3A_252[15] : i32 from vector<16xi32>
    %gt3A = arith.constant 0 : i32
    %gt3A_254 = arith.cmpi sgt, %reduce_max3A_253, %gt3A : i32
    %convert_element_type3A = arith.extui %gt3A_254 : i1 to i32
    %cond3A = arith.constant 0 : i32
    %cond3A_255 = arith.cmpi ne, %convert_element_type3A, %cond3A : i32
    scf.if %cond3A_255 {
      %broadcast_in_dim3A_256 = arith.constant 0.000000e+00 : f32
      %broadcast_in_dim3A_257 = vector.broadcast %broadcast_in_dim3A_256 : f32 to vector<16xf32>
      %get3A_258 = arith.constant 0 : index
      %get3A_259 = tpu.vector_load %arg5[%get3A_258] {strides = array<i32>} : memref<512xi32, #tpu.memory_space<vmem>>, vector<16xi32>,
      %eq3A = arith.constant 1000000 : i32
      %eq3A_260 = vector.broadcast %eq3A : i32 to vector<16xi32>
      %eq3A_261 = arith.cmpi eq, %get3A_259, %eq3A_260 : vector<16xi32>
      %iota3A_262 = tpu.iota {dimensions = array<i32: 0>} : vector<16xi32>
      %add3A_263 = arith.constant 0 : i32
      %add3A_264 = vector.broadcast %add3A_263 : i32 to vector<16xi32>
      %add3A_265 = arith.addi %iota3A_262, %add3A_264 : vector<16xi32>
      tpu.vector_store_idx %arg7[%broadcast_in_dim3A_7, %add3A_265], %broadcast_in_dim3A_257 masked %eq3A_261 : memref<32x512xf32, #tpu.memory_space<vmem>>[vector<16xi32>, vector<16xi32>], vector<16xf32>, vector<16xi1>
      tpu.vector_store_idx %arg7[%broadcast_in_dim3A_9, %add3A_265], %broadcast_in_dim3A_257 masked %eq3A_261 : memref<32x512xf32, #tpu.memory_space<vmem>>[vector<16xi32>, vector<16xi32>], vector<16xf32>, vector<16xi1>
      tpu.vector_store_idx %arg7[%broadcast_in_dim3A_11, %add3A_265], %broadcast_in_dim3A_257 masked %eq3A_261 : memref<32x512xf32, #tpu.memory_space<vmem>>[vector<16xi32>, vector<16xi32>], vector<16xf32>, vector<16xi1>
      tpu.vector_store_idx %arg7[%broadcast_in_dim3A_13, %add3A_265], %broadcast_in_dim3A_257 masked %eq3A_261 : memref<32x512xf32, #tpu.memory_space<vmem>>[vector<16xi32>, vector<16xi32>], vector<16xf32>, vector<16xi1>
      tpu.vector_store_idx %arg7[%broadcast_in_dim3A_15, %add3A_265], %broadcast_in_dim3A_257 masked %eq3A_261 : memref<32x512xf32, #tpu.memory_space<vmem>>[vector<16xi32>, vector<16xi32>], vector<16xf32>, vector<16xi1>
      tpu.vector_store_idx %arg7[%broadcast_in_dim3A_17, %add3A_265], %broadcast_in_dim3A_257 masked %eq3A_261 : memref<32x512xf32, #tpu.memory_space<vmem>>[vector<16xi32>, vector<16xi32>], vector<16xf32>, vector<16xi1>
      tpu.vector_store_idx %arg7[%broadcast_in_dim3A_19, %add3A_265], %broadcast_in_dim3A_257 masked %eq3A_261 : memref<32x512xf32, #tpu.memory_space<vmem>>[vector<16xi32>, vector<16xi32>], vector<16xf32>, vector<16xi1>
      tpu.vector_store_idx %arg7[%broadcast_in_dim3A_21, %add3A_265], %broadcast_in_dim3A_257 masked %eq3A_261 : memref<32x512xf32, #tpu.memory_space<vmem>>[vector<16xi32>, vector<16xi32>], vector<16xf32>, vector<16xi1>
      tpu.vector_store_idx %arg7[%broadcast_in_dim3A_23, %add3A_265], %broadcast_in_dim3A_257 masked %eq3A_261 : memref<32x512xf32, #tpu.memory_space<vmem>>[vector<16xi32>, vector<16xi32>], vector<16xf32>, vector<16xi1>
      tpu.vector_store_idx %arg7[%broadcast_in_dim3A_25, %add3A_265], %broadcast_in_dim3A_257 masked %eq3A_261 : memref<32x512xf32, #tpu.memory_space<vmem>>[vector<16xi32>, vector<16xi32>], vector<16xf32>, vector<16xi1>
      tpu.vector_store_idx %arg7[%broadcast_in_dim3A_27, %add3A_265], %broadcast_in_dim3A_257 masked %eq3A_261 : memref<32x512xf32, #tpu.memory_space<vmem>>[vector<16xi32>, vector<16xi32>], vector<16xf32>, vector<16xi1>
      tpu.vector_store_idx %arg7[%broadcast_in_dim3A_29, %add3A_265], %broadcast_in_dim3A_257 masked %eq3A_261 : memref<32x512xf32, #tpu.memory_space<vmem>>[vector<16xi32>, vector<16xi32>], vector<16xf32>, vector<16xi1>
      tpu.vector_store_idx %arg7[%broadcast_in_dim3A_31, %add3A_265], %broadcast_in_dim3A_257 masked %eq3A_261 : memref<32x512xf32, #tpu.memory_space<vmem>>[vector<16xi32>, vector<16xi32>], vector<16xf32>, vector<16xi1>
      tpu.vector_store_idx %arg7[%broadcast_in_dim3A_33, %add3A_265], %broadcast_in_dim3A_257 masked %eq3A_261 : memref<32x512xf32, #tpu.memory_space<vmem>>[vector<16xi32>, vector<16xi32>], vector<16xf32>, vector<16xi1>
      tpu.vector_store_idx %arg7[%broadcast_in_dim3A_35, %add3A_265], %broadcast_in_dim3A_257 masked %eq3A_261 : memref<32x512xf32, #tpu.memory_space<vmem>>[vector<16xi32>, vector<16xi32>], vector<16xf32>, vector<16xi1>
      tpu.vector_store_idx %arg7[%broadcast_in_dim3A_37, %add3A_265], %broadcast_in_dim3A_257 masked %eq3A_261 : memref<32x512xf32, #tpu.memory_space<vmem>>[vector<16xi32>, vector<16xi32>], vector<16xf32>, vector<16xi1>
      tpu.vector_store_idx %arg7[%broadcast_in_dim3A_39, %add3A_265], %broadcast_in_dim3A_257 masked %eq3A_261 : memref<32x512xf32, #tpu.memory_space<vmem>>[vector<16xi32>, vector<16xi32>], vector<16xf32>, vector<16xi1>
      tpu.vector_store_idx %arg7[%broadcast_in_dim3A_41, %add3A_265], %broadcast_in_dim3A_257 masked %eq3A_261 : memref<32x512xf32, #tpu.memory_space<vmem>>[vector<16xi32>, vector<16xi32>], vector<16xf32>, vector<16xi1>
      tpu.vector_store_idx %arg7[%broadcast_in_dim3A_43, %add3A_265], %broadcast_in_dim3A_257 masked %eq3A_261 : memref<32x512xf32, #tpu.memory_space<vmem>>[vector<16xi32>, vector<16xi32>], vector<16xf32>, vector<16xi1>
      tpu.vector_store_idx %arg7[%broadcast_in_dim3A_45, %add3A_265], %broadcast_in_dim3A_257 masked %eq3A_261 : memref<32x512xf32, #tpu.memory_space<vmem>>[vector<16xi32>, vector<16xi32>], vector<16xf32>, vector<16xi1>
      tpu.vector_store_idx %arg7[%broadcast_in_dim3A_47, %add3A_265], %broadcast_in_dim3A_257 masked %eq3A_261 : memref<32x512xf32, #tpu.memory_space<vmem>>[vector<16xi32>, vector<16xi32>], vector<16xf32>, vector<16xi1>
      tpu.vector_store_idx %arg7[%broadcast_in_dim3A_49, %add3A_265], %broadcast_in_dim3A_257 masked %eq3A_261 : memref<32x512xf32, #tpu.memory_space<vmem>>[vector<16xi32>, vector<16xi32>], vector<16xf32>, vector<16xi1>
      tpu.vector_store_idx %arg7[%broadcast_in_dim3A_51, %add3A_265], %broadcast_in_dim3A_257 masked %eq3A_261 : memref<32x512xf32, #tpu.memory_space<vmem>>[vector<16xi32>, vector<16xi32>], vector<16xf32>, vector<16xi1>
      tpu.vector_store_idx %arg7[%broadcast_in_dim3A_53, %add3A_265], %broadcast_in_dim3A_257 masked %eq3A_261 : memref<32x512xf32, #tpu.memory_space<vmem>>[vector<16xi32>, vector<16xi32>], vector<16xf32>, vector<16xi1>
      tpu.vector_store_idx %arg7[%broadcast_in_dim3A_55, %add3A_265], %broadcast_in_dim3A_257 masked %eq3A_261 : memref<32x512xf32, #tpu.memory_space<vmem>>[vector<16xi32>, vector<16xi32>], vector<16xf32>, vector<16xi1>
      tpu.vector_store_idx %arg7[%broadcast_in_dim3A_57, %add3A_265], %broadcast_in_dim3A_257 masked %eq3A_261 : memref<32x512xf32, #tpu.memory_space<vmem>>[vector<16xi32>, vector<16xi32>], vector<16xf32>, vector<16xi1>
      tpu.vector_store_idx %arg7[%broadcast_in_dim3A_59, %add3A_265], %broadcast_in_dim3A_257 masked %eq3A_261 : memref<32x512xf32, #tpu.memory_space<vmem>>[vector<16xi32>, vector<16xi32>], vector<16xf32>, vector<16xi1>
      tpu.vector_store_idx %arg7[%broadcast_in_dim3A_61, %add3A_265], %broadcast_in_dim3A_257 masked %eq3A_261 : memref<32x512xf32, #tpu.memory_space<vmem>>[vector<16xi32>, vector<16xi32>], vector<16xf32>, vector<16xi1>
      tpu.vector_store_idx %arg7[%broadcast_in_dim3A_63, %add3A_265], %broadcast_in_dim3A_257 masked %eq3A_261 : memref<32x512xf32, #tpu.memory_space<vmem>>[vector<16xi32>, vector<16xi32>], vector<16xf32>, vector<16xi1>
      tpu.vector_store_idx %arg7[%broadcast_in_dim3A_65, %add3A_265], %broadcast_in_dim3A_257 masked %eq3A_261 : memref<32x512xf32, #tpu.memory_space<vmem>>[vector<16xi32>, vector<16xi32>], vector<16xf32>, vector<16xi1>
      tpu.vector_store_idx %arg7[%broadcast_in_dim3A_67, %add3A_265], %broadcast_in_dim3A_257 masked %eq3A_261 : memref<32x512xf32, #tpu.memory_space<vmem>>[vector<16xi32>, vector<16xi32>], vector<16xf32>, vector<16xi1>
      tpu.vector_store_idx %arg7[%broadcast_in_dim3A_69, %add3A_265], %broadcast_in_dim3A_257 masked %eq3A_261 : memref<32x512xf32, #tpu.memory_space<vmem>>[vector<16xi32>, vector<16xi32>], vector<16xf32>, vector<16xi1>
      %get3A_266 = arith.constant 16 : index
      %get3A_267 = tpu.vector_load %arg5[%get3A_266] {strides = array<i32>} : memref<512xi32, #tpu.memory_space<vmem>>, vector<16xi32>,
      %eq3A_268 = arith.constant 1000000 : i32
      %eq3A_269 = vector.broadcast %eq3A_268 : i32 to vector<16xi32>
      %eq3A_270 = arith.cmpi eq, %get3A_267, %eq3A_269 : vector<16xi32>
      %iota3A_271 = tpu.iota {dimensions = array<i32: 0>} : vector<16xi32>
      %add3A_272 = arith.constant 16 : i32
      %add3A_273 = vector.broadcast %add3A_272 : i32 to vector<16xi32>
      %add3A_274 = arith.addi %iota3A_271, %add3A_273 : vector<16xi32>
      tpu.vector_store_idx %arg7[%broadcast_in_dim3A_7, %add3A_274], %broadcast_in_dim3A_257 masked %eq3A_270 : memref<32x512xf32, #tpu.memory_space<vmem>>[vector<16xi32>, vector<16xi32>], vector<16xf32>, vector<16xi1>
      tpu.vector_store_idx %arg7[%broadcast_in_dim3A_9, %add3A_274], %broadcast_in_dim3A_257 masked %eq3A_270 : memref<32x512xf32, #tpu.memory_space<vmem>>[vector<16xi32>, vector<16xi32>], vector<16xf32>, vector<16xi1>
      tpu.vector_store_idx %arg7[%broadcast_in_dim3A_11, %add3A_274], %broadcast_in_dim3A_257 masked %eq3A_270 : memref<32x512xf32, #tpu.memory_space<vmem>>[vector<16xi32>, vector<16xi32>], vector<16xf32>, vector<16xi1>
      tpu.vector_store_idx %arg7[%broadcast_in_dim3A_13, %add3A_274], %broadcast_in_dim3A_257 masked %eq3A_270 : memref<32x512xf32, #tpu.memory_space<vmem>>[vector<16xi32>, vector<16xi32>], vector<16xf32>, vector<16xi1>
      tpu.vector_store_idx %arg7[%broadcast_in_dim3A_15, %add3A_274], %broadcast_in_dim3A_257 masked %eq3A_270 : memref<32x512xf32, #tpu.memory_space<vmem>>[vector<16xi32>, vector<16xi32>], vector<16xf32>, vector<16xi1>
      tpu.vector_store_idx %arg7[%broadcast_in_dim3A_17, %add3A_274], %broadcast_in_dim3A_257 masked %eq3A_270 : memref<32x512xf32, #tpu.memory_space<vmem>>[vector<16xi32>, vector<16xi32>], vector<16xf32>, vector<16xi1>
      tpu.vector_store_idx %arg7[%broadcast_in_dim3A_19, %add3A_274], %broadcast_in_dim3A_257 masked %eq3A_270 : memref<32x512xf32, #tpu.memory_space<vmem>>[vector<16xi32>, vector<16xi32>], vector<16xf32>, vector<16xi1>
      tpu.vector_store_idx %arg7[%broadcast_in_dim3A_21, %add3A_274], %broadcast_in_dim3A_257 masked %eq3A_270 : memref<32x512xf32, #tpu.memory_space<vmem>>[vector<16xi32>, vector<16xi32>], vector<16xf32>, vector<16xi1>
      tpu.vector_store_idx %arg7[%broadcast_in_dim3A_23, %add3A_274], %broadcast_in_dim3A_257 masked %eq3A_270 : memref<32x512xf32, #tpu.memory_space<vmem>>[vector<16xi32>, vector<16xi32>], vector<16xf32>, vector<16xi1>
      tpu.vector_store_idx %arg7[%broadcast_in_dim3A_25, %add3A_274], %broadcast_in_dim3A_257 masked %eq3A_270 : memref<32x512xf32, #tpu.memory_space<vmem>>[vector<16xi32>, vector<16xi32>], vector<16xf32>, vector<16xi1>
      tpu.vector_store_idx %arg7[%broadcast_in_dim3A_27, %add3A_274], %broadcast_in_dim3A_257 masked %eq3A_270 : memref<32x512xf32, #tpu.memory_space<vmem>>[vector<16xi32>, vector<16xi32>], vector<16xf32>, vector<16xi1>
      tpu.vector_store_idx %arg7[%broadcast_in_dim3A_29, %add3A_274], %broadcast_in_dim3A_257 masked %eq3A_270 : memref<32x512xf32, #tpu.memory_space<vmem>>[vector<16xi32>, vector<16xi32>], vector<16xf32>, vector<16xi1>
      tpu.vector_store_idx %arg7[%broadcast_in_dim3A_31, %add3A_274], %broadcast_in_dim3A_257 masked %eq3A_270 : memref<32x512xf32, #tpu.memory_space<vmem>>[vector<16xi32>, vector<16xi32>], vector<16xf32>, vector<16xi1>
      tpu.vector_store_idx %arg7[%broadcast_in_dim3A_33, %add3A_274], %broadcast_in_dim3A_257 masked %eq3A_270 : memref<32x512xf32, #tpu.memory_space<vmem>>[vector<16xi32>, vector<16xi32>], vector<16xf32>, vector<16xi1>
      tpu.vector_store_idx %arg7[%broadcast_in_dim3A_35, %add3A_274], %broadcast_in_dim3A_257 masked %eq3A_270 : memref<32x512xf32, #tpu.memory_space<vmem>>[vector<16xi32>, vector<16xi32>], vector<16xf32>, vector<16xi1>
      tpu.vector_store_idx %arg7[%broadcast_in_dim3A_37, %add3A_274], %broadcast_in_dim3A_257 masked %eq3A_270 : memref<32x512xf32, #tpu.memory_space<vmem>>[vector<16xi32>, vector<16xi32>], vector<16xf32>, vector<16xi1>
      tpu.vector_store_idx %arg7[%broadcast_in_dim3A_39, %add3A_274], %broadcast_in_dim3A_257 masked %eq3A_270 : memref<32x512xf32, #tpu.memory_space<vmem>>[vector<16xi32>, vector<16xi32>], vector<16xf32>, vector<16xi1>
      tpu.vector_store_idx %arg7[%broadcast_in_dim3A_41, %add3A_274], %broadcast_in_dim3A_257 masked %eq3A_270 : memref<32x512xf32, #tpu.memory_space<vmem>>[vector<16xi32>, vector<16xi32>], vector<16xf32>, vector<16xi1>
      tpu.vector_store_idx %arg7[%broadcast_in_dim3A_43, %add3A_274], %broadcast_in_dim3A_257 masked %eq3A_270 : memref<32x512xf32, #tpu.memory_space<vmem>>[vector<16xi32>, vector<16xi32>], vector<16xf32>, vector<16xi1>
      tpu.vector_store_idx %arg7[%broadcast_in_dim3A_45, %add3A_274], %broadcast_in_dim3A_257 masked %eq3A_270 : memref<32x512xf32, #tpu.memory_space<vmem>>[vector<16xi32>, vector<16xi32>], vector<16xf32>, vector<16xi1>
      tpu.vector_store_idx %arg7[%broadcast_in_dim3A_47, %add3A_274], %broadcast_in_dim3A_257 masked %eq3A_270 : memref<32x512xf32, #tpu.memory_space<vmem>>[vector<16xi32>, vector<16xi32>], vector<16xf32>, vector<16xi1>
      tpu.vector_store_idx %arg7[%broadcast_in_dim3A_49, %add3A_274], %broadcast_in_dim3A_257 masked %eq3A_270 : memref<32x512xf32, #tpu.memory_space<vmem>>[vector<16xi32>, vector<16xi32>], vector<16xf32>, vector<16xi1>
      tpu.vector_store_idx %arg7[%broadcast_in_dim3A_51, %add3A_274], %broadcast_in_dim3A_257 masked %eq3A_270 : memref<32x512xf32, #tpu.memory_space<vmem>>[vector<16xi32>, vector<16xi32>], vector<16xf32>, vector<16xi1>
      tpu.vector_store_idx %arg7[%broadcast_in_dim3A_53, %add3A_274], %broadcast_in_dim3A_257 masked %eq3A_270 : memref<32x512xf32, #tpu.memory_space<vmem>>[vector<16xi32>, vector<16xi32>], vector<16xf32>, vector<16xi1>
      tpu.vector_store_idx %arg7[%broadcast_in_dim3A_55, %add3A_274], %broadcast_in_dim3A_257 masked %eq3A_270 : memref<32x512xf32, #tpu.memory_space<vmem>>[vector<16xi32>, vector<16xi32>], vector<16xf32>, vector<16xi1>
      tpu.vector_store_idx %arg7[%broadcast_in_dim3A_57, %add3A_274], %broadcast_in_dim3A_257 masked %eq3A_270 : memref<32x512xf32, #tpu.memory_space<vmem>>[vector<16xi32>, vector<16xi32>], vector<16xf32>, vector<16xi1>
      tpu.vector_store_idx %arg7[%broadcast_in_dim3A_59, %add3A_274], %broadcast_in_dim3A_257 masked %eq3A_270 : memref<32x512xf32, #tpu.memory_space<vmem>>[vector<16xi32>, vector<16xi32>], vector<16xf32>, vector<16xi1>
      tpu.vector_store_idx %arg7[%broadcast_in_dim3A_61, %add3A_274], %broadcast_in_dim3A_257 masked %eq3A_270 : memref<32x512xf32, #tpu.memory_space<vmem>>[vector<16xi32>, vector<16xi32>], vector<16xf32>, vector<16xi1>
      tpu.vector_store_idx %arg7[%broadcast_in_dim3A_63, %add3A_274], %broadcast_in_dim3A_257 masked %eq3A_270 : memref<32x512xf32, #tpu.memory_space<vmem>>[vector<16xi32>, vector<16xi32>], vector<16xf32>, vector<16xi1>
      tpu.vector_store_idx %arg7[%broadcast_in_dim3A_65, %add3A_274], %broadcast_in_dim3A_257 masked %eq3A_270 : memref<32x512xf32, #tpu.memory_space<vmem>>[vector<16xi32>, vector<16xi32>], vector<16xf32>, vector<16xi1>
      tpu.vector_store_idx %arg7[%broadcast_in_dim3A_67, %add3A_274], %broadcast_in_dim3A_257 masked %eq3A_270 : memref<32x512xf32, #tpu.memory_space<vmem>>[vector<16xi32>, vector<16xi32>], vector<16xf32>, vector<16xi1>
      tpu.vector_store_idx %arg7[%broadcast_in_dim3A_69, %add3A_274], %broadcast_in_dim3A_257 masked %eq3A_270 : memref<32x512xf32, #tpu.memory_space<vmem>>[vector<16xi32>, vector<16xi32>], vector<16xf32>, vector<16xi1>
      %get3A_275 = arith.constant 32 : index
      %get3A_276 = tpu.vector_load %arg5[%get3A_275] {strides = array<i32>} : memref<512xi32, #tpu.memory_space<vmem>>, vector<16xi32>,
      %eq3A_277 = arith.constant 1000000 : i32
      %eq3A_278 = vector.broadcast %eq3A_277 : i32 to vector<16xi32>
      %eq3A_279 = arith.cmpi eq, %get3A_276, %eq3A_278 : vector<16xi32>
      %iota3A_280 = tpu.iota {dimensions = array<i32: 0>} : vector<16xi32>
      %add3A_281 = arith.constant 32 : i32
      %add3A_282 = vector.broadcast %add3A_281 : i32 to vector<16xi32>
      %add3A_283 = arith.addi %iota3A_280, %add3A_282 : vector<16xi32>
      tpu.vector_store_idx %arg7[%broadcast_in_dim3A_7, %add3A_283], %broadcast_in_dim3A_257 masked %eq3A_279 : memref<32x512xf32, #tpu.memory_space<vmem>>[vector<16xi32>, vector<16xi32>], vector<16xf32>, vector<16xi1>
      tpu.vector_store_idx %arg7[%broadcast_in_dim3A_9, %add3A_283], %broadcast_in_dim3A_257 masked %eq3A_279 : memref<32x512xf32, #tpu.memory_space<vmem>>[vector<16xi32>, vector<16xi32>], vector<16xf32>, vector<16xi1>
      tpu.vector_store_idx %arg7[%broadcast_in_dim3A_11, %add3A_283], %broadcast_in_dim3A_257 masked %eq3A_279 : memref<32x512xf32, #tpu.memory_space<vmem>>[vector<16xi32>, vector<16xi32>], vector<16xf32>, vector<16xi1>
      tpu.vector_store_idx %arg7[%broadcast_in_dim3A_13, %add3A_283], %broadcast_in_dim3A_257 masked %eq3A_279 : memref<32x512xf32, #tpu.memory_space<vmem>>[vector<16xi32>, vector<16xi32>], vector<16xf32>, vector<16xi1>
      tpu.vector_store_idx %arg7[%broadcast_in_dim3A_15, %add3A_283], %broadcast_in_dim3A_257 masked %eq3A_279 : memref<32x512xf32, #tpu.memory_space<vmem>>[vector<16xi32>, vector<16xi32>], vector<16xf32>, vector<16xi1>
      tpu.vector_store_idx %arg7[%broadcast_in_dim3A_17, %add3A_283], %broadcast_in_dim3A_257 masked %eq3A_279 : memref<32x512xf32, #tpu.memory_space<vmem>>[vector<16xi32>, vector<16xi32>], vector<16xf32>, vector<16xi1>
      tpu.vector_store_idx %arg7[%broadcast_in_dim3A_19, %add3A_283], %broadcast_in_dim3A_257 masked %eq3A_279 : memref<32x512xf32, #tpu.memory_space<vmem>>[vector<16xi32>, vector<16xi32>], vector<16xf32>, vector<16xi1>
      tpu.vector_store_idx %arg7[%broadcast_in_dim3A_21, %add3A_283], %broadcast_in_dim3A_257 masked %eq3A_279 : memref<32x512xf32, #tpu.memory_space<vmem>>[vector<16xi32>, vector<16xi32>], vector<16xf32>, vector<16xi1>
      tpu.vector_store_idx %arg7[%broadcast_in_dim3A_23, %add3A_283], %broadcast_in_dim3A_257 masked %eq3A_279 : memref<32x512xf32, #tpu.memory_space<vmem>>[vector<16xi32>, vector<16xi32>], vector<16xf32>, vector<16xi1>
      tpu.vector_store_idx %arg7[%broadcast_in_dim3A_25, %add3A_283], %broadcast_in_dim3A_257 masked %eq3A_279 : memref<32x512xf32, #tpu.memory_space<vmem>>[vector<16xi32>, vector<16xi32>], vector<16xf32>, vector<16xi1>
      tpu.vector_store_idx %arg7[%broadcast_in_dim3A_27, %add3A_283], %broadcast_in_dim3A_257 masked %eq3A_279 : memref<32x512xf32, #tpu.memory_space<vmem>>[vector<16xi32>, vector<16xi32>], vector<16xf32>, vector<16xi1>
      tpu.vector_store_idx %arg7[%broadcast_in_dim3A_29, %add3A_283], %broadcast_in_dim3A_257 masked %eq3A_279 : memref<32x512xf32, #tpu.memory_space<vmem>>[vector<16xi32>, vector<16xi32>], vector<16xf32>, vector<16xi1>
      tpu.vector_store_idx %arg7[%broadcast_in_dim3A_31, %add3A_283], %broadcast_in_dim3A_257 masked %eq3A_279 : memref<32x512xf32, #tpu.memory_space<vmem>>[vector<16xi32>, vector<16xi32>], vector<16xf32>, vector<16xi1>
      tpu.vector_store_idx %arg7[%broadcast_in_dim3A_33, %add3A_283], %broadcast_in_dim3A_257 masked %eq3A_279 : memref<32x512xf32, #tpu.memory_space<vmem>>[vector<16xi32>, vector<16xi32>], vector<16xf32>, vector<16xi1>
      tpu.vector_store_idx %arg7[%broadcast_in_dim3A_35, %add3A_283], %broadcast_in_dim3A_257 masked %eq3A_279 : memref<32x512xf32, #tpu.memory_space<vmem>>[vector<16xi32>, vector<16xi32>], vector<16xf32>, vector<16xi1>
      tpu.vector_store_idx %arg7[%broadcast_in_dim3A_37, %add3A_283], %broadcast_in_dim3A_257 masked %eq3A_279 : memref<32x512xf32, #tpu.memory_space<vmem>>[vector<16xi32>, vector<16xi32>], vector<16xf32>, vector<16xi1>
      tpu.vector_store_idx %arg7[%broadcast_in_dim3A_39, %add3A_283], %broadcast_in_dim3A_257 masked %eq3A_279 : memref<32x512xf32, #tpu.memory_space<vmem>>[vector<16xi32>, vector<16xi32>], vector<16xf32>, vector<16xi1>
      tpu.vector_store_idx %arg7[%broadcast_in_dim3A_41, %add3A_283], %broadcast_in_dim3A_257 masked %eq3A_279 : memref<32x512xf32, #tpu.memory_space<vmem>>[vector<16xi32>, vector<16xi32>], vector<16xf32>, vector<16xi1>
      tpu.vector_store_idx %arg7[%broadcast_in_dim3A_43, %add3A_283], %broadcast_in_dim3A_257 masked %eq3A_279 : memref<32x512xf32, #tpu.memory_space<vmem>>[vector<16xi32>, vector<16xi32>], vector<16xf32>, vector<16xi1>
      tpu.vector_store_idx %arg7[%broadcast_in_dim3A_45, %add3A_283], %broadcast_in_dim3A_257 masked %eq3A_279 : memref<32x512xf32, #tpu.memory_space<vmem>>[vector<16xi32>, vector<16xi32>], vector<16xf32>, vector<16xi1>
      tpu.vector_store_idx %arg7[%broadcast_in_dim3A_47, %add3A_283], %broadcast_in_dim3A_257 masked %eq3A_279 : memref<32x512xf32, #tpu.memory_space<vmem>>[vector<16xi32>, vector<16xi32>], vector<16xf32>, vector<16xi1>
      tpu.vector_store_idx %arg7[%broadcast_in_dim3A_49, %add3A_283], %broadcast_in_dim3A_257 masked %eq3A_279 : memref<32x512xf32, #tpu.memory_space<vmem>>[vector<16xi32>, vector<16xi32>], vector<16xf32>, vector<16xi1>
      tpu.vector_store_idx %arg7[%broadcast_in_dim3A_51, %add3A_283], %broadcast_in_dim3A_257 masked %eq3A_279 : memref<32x512xf32, #tpu.memory_space<vmem>>[vector<16xi32>, vector<16xi32>], vector<16xf32>, vector<16xi1>
      tpu.vector_store_idx %arg7[%broadcast_in_dim3A_53, %add3A_283], %broadcast_in_dim3A_257 masked %eq3A_279 : memref<32x512xf32, #tpu.memory_space<vmem>>[vector<16xi32>, vector<16xi32>], vector<16xf32>, vector<16xi1>
      tpu.vector_store_idx %arg7[%broadcast_in_dim3A_55, %add3A_283], %broadcast_in_dim3A_257 masked %eq3A_279 : memref<32x512xf32, #tpu.memory_space<vmem>>[vector<16xi32>, vector<16xi32>], vector<16xf32>, vector<16xi1>
      tpu.vector_store_idx %arg7[%broadcast_in_dim3A_57, %add3A_283], %broadcast_in_dim3A_257 masked %eq3A_279 : memref<32x512xf32, #tpu.memory_space<vmem>>[vector<16xi32>, vector<16xi32>], vector<16xf32>, vector<16xi1>
      tpu.vector_store_idx %arg7[%broadcast_in_dim3A_59, %add3A_283], %broadcast_in_dim3A_257 masked %eq3A_279 : memref<32x512xf32, #tpu.memory_space<vmem>>[vector<16xi32>, vector<16xi32>], vector<16xf32>, vector<16xi1>
      tpu.vector_store_idx %arg7[%broadcast_in_dim3A_61, %add3A_283], %broadcast_in_dim3A_257 masked %eq3A_279 : memref<32x512xf32, #tpu.memory_space<vmem>>[vector<16xi32>, vector<16xi32>], vector<16xf32>, vector<16xi1>
      tpu.vector_store_idx %arg7[%broadcast_in_dim3A_63, %add3A_283], %broadcast_in_dim3A_257 masked %eq3A_279 : memref<32x512xf32, #tpu.memory_space<vmem>>[vector<16xi32>, vector<16xi32>], vector<16xf32>, vector<16xi1>
      tpu.vector_store_idx %arg7[%broadcast_in_dim3A_65, %add3A_283], %broadcast_in_dim3A_257 masked %eq3A_279 : memref<32x512xf32, #tpu.memory_space<vmem>>[vector<16xi32>, vector<16xi32>], vector<16xf32>, vector<16xi1>
      tpu.vector_store_idx %arg7[%broadcast_in_dim3A_67, %add3A_283], %broadcast_in_dim3A_257 masked %eq3A_279 : memref<32x512xf32, #tpu.memory_space<vmem>>[vector<16xi32>, vector<16xi32>], vector<16xf32>, vector<16xi1>
      tpu.vector_store_idx %arg7[%broadcast_in_dim3A_69, %add3A_283], %broadcast_in_dim3A_257 masked %eq3A_279 : memref<32x512xf32, #tpu.memory_space<vmem>>[vector<16xi32>, vector<16xi32>], vector<16xf32>, vector<16xi1>
      %get3A_284 = arith.constant 48 : index
      %get3A_285 = tpu.vector_load %arg5[%get3A_284] {strides = array<i32>} : memref<512xi32, #tpu.memory_space<vmem>>, vector<16xi32>,
      %eq3A_286 = arith.constant 1000000 : i32
      %eq3A_287 = vector.broadcast %eq3A_286 : i32 to vector<16xi32>
      %eq3A_288 = arith.cmpi eq, %get3A_285, %eq3A_287 : vector<16xi32>
      %iota3A_289 = tpu.iota {dimensions = array<i32: 0>} : vector<16xi32>
      %add3A_290 = arith.constant 48 : i32
      %add3A_291 = vector.broadcast %add3A_290 : i32 to vector<16xi32>
      %add3A_292 = arith.addi %iota3A_289, %add3A_291 : vector<16xi32>
      tpu.vector_store_idx %arg7[%broadcast_in_dim3A_7, %add3A_292], %broadcast_in_dim3A_257 masked %eq3A_288 : memref<32x512xf32, #tpu.memory_space<vmem>>[vector<16xi32>, vector<16xi32>], vector<16xf32>, vector<16xi1>
      tpu.vector_store_idx %arg7[%broadcast_in_dim3A_9, %add3A_292], %broadcast_in_dim3A_257 masked %eq3A_288 : memref<32x512xf32, #tpu.memory_space<vmem>>[vector<16xi32>, vector<16xi32>], vector<16xf32>, vector<16xi1>
      tpu.vector_store_idx %arg7[%broadcast_in_dim3A_11, %add3A_292], %broadcast_in_dim3A_257 masked %eq3A_288 : memref<32x512xf32, #tpu.memory_space<vmem>>[vector<16xi32>, vector<16xi32>], vector<16xf32>, vector<16xi1>
      tpu.vector_store_idx %arg7[%broadcast_in_dim3A_13, %add3A_292], %broadcast_in_dim3A_257 masked %eq3A_288 : memref<32x512xf32, #tpu.memory_space<vmem>>[vector<16xi32>, vector<16xi32>], vector<16xf32>, vector<16xi1>
      tpu.vector_store_idx %arg7[%broadcast_in_dim3A_15, %add3A_292], %broadcast_in_dim3A_257 masked %eq3A_288 : memref<32x512xf32, #tpu.memory_space<vmem>>[vector<16xi32>, vector<16xi32>], vector<16xf32>, vector<16xi1>
      tpu.vector_store_idx %arg7[%broadcast_in_dim3A_17, %add3A_292], %broadcast_in_dim3A_257 masked %eq3A_288 : memref<32x512xf32, #tpu.memory_space<vmem>>[vector<16xi32>, vector<16xi32>], vector<16xf32>, vector<16xi1>
      tpu.vector_store_idx %arg7[%broadcast_in_dim3A_19, %add3A_292], %broadcast_in_dim3A_257 masked %eq3A_288 : memref<32x512xf32, #tpu.memory_space<vmem>>[vector<16xi32>, vector<16xi32>], vector<16xf32>, vector<16xi1>
      tpu.vector_store_idx %arg7[%broadcast_in_dim3A_21, %add3A_292], %broadcast_in_dim3A_257 masked %eq3A_288 : memref<32x512xf32, #tpu.memory_space<vmem>>[vector<16xi32>, vector<16xi32>], vector<16xf32>, vector<16xi1>
      tpu.vector_store_idx %arg7[%broadcast_in_dim3A_23, %add3A_292], %broadcast_in_dim3A_257 masked %eq3A_288 : memref<32x512xf32, #tpu.memory_space<vmem>>[vector<16xi32>, vector<16xi32>], vector<16xf32>, vector<16xi1>
      tpu.vector_store_idx %arg7[%broadcast_in_dim3A_25, %add3A_292], %broadcast_in_dim3A_257 masked %eq3A_288 : memref<32x512xf32, #tpu.memory_space<vmem>>[vector<16xi32>, vector<16xi32>], vector<16xf32>, vector<16xi1>
      tpu.vector_store_idx %arg7[%broadcast_in_dim3A_27, %add3A_292], %broadcast_in_dim3A_257 masked %eq3A_288 : memref<32x512xf32, #tpu.memory_space<vmem>>[vector<16xi32>, vector<16xi32>], vector<16xf32>, vector<16xi1>
      tpu.vector_store_idx %arg7[%broadcast_in_dim3A_29, %add3A_292], %broadcast_in_dim3A_257 masked %eq3A_288 : memref<32x512xf32, #tpu.memory_space<vmem>>[vector<16xi32>, vector<16xi32>], vector<16xf32>, vector<16xi1>
      tpu.vector_store_idx %arg7[%broadcast_in_dim3A_31, %add3A_292], %broadcast_in_dim3A_257 masked %eq3A_288 : memref<32x512xf32, #tpu.memory_space<vmem>>[vector<16xi32>, vector<16xi32>], vector<16xf32>, vector<16xi1>
      tpu.vector_store_idx %arg7[%broadcast_in_dim3A_33, %add3A_292], %broadcast_in_dim3A_257 masked %eq3A_288 : memref<32x512xf32, #tpu.memory_space<vmem>>[vector<16xi32>, vector<16xi32>], vector<16xf32>, vector<16xi1>
      tpu.vector_store_idx %arg7[%broadcast_in_dim3A_35, %add3A_292], %broadcast_in_dim3A_257 masked %eq3A_288 : memref<32x512xf32, #tpu.memory_space<vmem>>[vector<16xi32>, vector<16xi32>], vector<16xf32>, vector<16xi1>
      tpu.vector_store_idx %arg7[%broadcast_in_dim3A_37, %add3A_292], %broadcast_in_dim3A_257 masked %eq3A_288 : memref<32x512xf32, #tpu.memory_space<vmem>>[vector<16xi32>, vector<16xi32>], vector<16xf32>, vector<16xi1>
      tpu.vector_store_idx %arg7[%broadcast_in_dim3A_39, %add3A_292], %broadcast_in_dim3A_257 masked %eq3A_288 : memref<32x512xf32, #tpu.memory_space<vmem>>[vector<16xi32>, vector<16xi32>], vector<16xf32>, vector<16xi1>
      tpu.vector_store_idx %arg7[%broadcast_in_dim3A_41, %add3A_292], %broadcast_in_dim3A_257 masked %eq3A_288 : memref<32x512xf32, #tpu.memory_space<vmem>>[vector<16xi32>, vector<16xi32>], vector<16xf32>, vector<16xi1>
      tpu.vector_store_idx %arg7[%broadcast_in_dim3A_43, %add3A_292], %broadcast_in_dim3A_257 masked %eq3A_288 : memref<32x512xf32, #tpu.memory_space<vmem>>[vector<16xi32>, vector<16xi32>], vector<16xf32>, vector<16xi1>
      tpu.vector_store_idx %arg7[%broadcast_in_dim3A_45, %add3A_292], %broadcast_in_dim3A_257 masked %eq3A_288 : memref<32x512xf32, #tpu.memory_space<vmem>>[vector<16xi32>, vector<16xi32>], vector<16xf32>, vector<16xi1>
      tpu.vector_store_idx %arg7[%broadcast_in_dim3A_47, %add3A_292], %broadcast_in_dim3A_257 masked %eq3A_288 : memref<32x512xf32, #tpu.memory_space<vmem>>[vector<16xi32>, vector<16xi32>], vector<16xf32>, vector<16xi1>
      tpu.vector_store_idx %arg7[%broadcast_in_dim3A_49, %add3A_292], %broadcast_in_dim3A_257 masked %eq3A_288 : memref<32x512xf32, #tpu.memory_space<vmem>>[vector<16xi32>, vector<16xi32>], vector<16xf32>, vector<16xi1>
      tpu.vector_store_idx %arg7[%broadcast_in_dim3A_51, %add3A_292], %broadcast_in_dim3A_257 masked %eq3A_288 : memref<32x512xf32, #tpu.memory_space<vmem>>[vector<16xi32>, vector<16xi32>], vector<16xf32>, vector<16xi1>
      tpu.vector_store_idx %arg7[%broadcast_in_dim3A_53, %add3A_292], %broadcast_in_dim3A_257 masked %eq3A_288 : memref<32x512xf32, #tpu.memory_space<vmem>>[vector<16xi32>, vector<16xi32>], vector<16xf32>, vector<16xi1>
      tpu.vector_store_idx %arg7[%broadcast_in_dim3A_55, %add3A_292], %broadcast_in_dim3A_257 masked %eq3A_288 : memref<32x512xf32, #tpu.memory_space<vmem>>[vector<16xi32>, vector<16xi32>], vector<16xf32>, vector<16xi1>
      tpu.vector_store_idx %arg7[%broadcast_in_dim3A_57, %add3A_292], %broadcast_in_dim3A_257 masked %eq3A_288 : memref<32x512xf32, #tpu.memory_space<vmem>>[vector<16xi32>, vector<16xi32>], vector<16xf32>, vector<16xi1>
      tpu.vector_store_idx %arg7[%broadcast_in_dim3A_59, %add3A_292], %broadcast_in_dim3A_257 masked %eq3A_288 : memref<32x512xf32, #tpu.memory_space<vmem>>[vector<16xi32>, vector<16xi32>], vector<16xf32>, vector<16xi1>
      tpu.vector_store_idx %arg7[%broadcast_in_dim3A_61, %add3A_292], %broadcast_in_dim3A_257 masked %eq3A_288 : memref<32x512xf32, #tpu.memory_space<vmem>>[vector<16xi32>, vector<16xi32>], vector<16xf32>, vector<16xi1>
      tpu.vector_store_idx %arg7[%broadcast_in_dim3A_63, %add3A_292], %broadcast_in_dim3A_257 masked %eq3A_288 : memref<32x512xf32, #tpu.memory_space<vmem>>[vector<16xi32>, vector<16xi32>], vector<16xf32>, vector<16xi1>
      tpu.vector_store_idx %arg7[%broadcast_in_dim3A_65, %add3A_292], %broadcast_in_dim3A_257 masked %eq3A_288 : memref<32x512xf32, #tpu.memory_space<vmem>>[vector<16xi32>, vector<16xi32>], vector<16xf32>, vector<16xi1>
      tpu.vector_store_idx %arg7[%broadcast_in_dim3A_67, %add3A_292], %broadcast_in_dim3A_257 masked %eq3A_288 : memref<32x512xf32, #tpu.memory_space<vmem>>[vector<16xi32>, vector<16xi32>], vector<16xf32>, vector<16xi1>
      tpu.vector_store_idx %arg7[%broadcast_in_dim3A_69, %add3A_292], %broadcast_in_dim3A_257 masked %eq3A_288 : memref<32x512xf32, #tpu.memory_space<vmem>>[vector<16xi32>, vector<16xi32>], vector<16xf32>, vector<16xi1>
      %get3A_293 = arith.constant 64 : index
      %get3A_294 = tpu.vector_load %arg5[%get3A_293] {strides = array<i32>} : memref<512xi32, #tpu.memory_space<vmem>>, vector<16xi32>,
      %eq3A_295 = arith.constant 1000000 : i32
      %eq3A_296 = vector.broadcast %eq3A_295 : i32 to vector<16xi32>
      %eq3A_297 = arith.cmpi eq, %get3A_294, %eq3A_296 : vector<16xi32>
      %iota3A_298 = tpu.iota {dimensions = array<i32: 0>} : vector<16xi32>
      %add3A_299 = arith.constant 64 : i32
      %add3A_300 = vector.broadcast %add3A_299 : i32 to vector<16xi32>
      %add3A_301 = arith.addi %iota3A_298, %add3A_300 : vector<16xi32>
      tpu.vector_store_idx %arg7[%broadcast_in_dim3A_7, %add3A_301], %broadcast_in_dim3A_257 masked %eq3A_297 : memref<32x512xf32, #tpu.memory_space<vmem>>[vector<16xi32>, vector<16xi32>], vector<16xf32>, vector<16xi1>
      tpu.vector_store_idx %arg7[%broadcast_in_dim3A_9, %add3A_301], %broadcast_in_dim3A_257 masked %eq3A_297 : memref<32x512xf32, #tpu.memory_space<vmem>>[vector<16xi32>, vector<16xi32>], vector<16xf32>, vector<16xi1>
      tpu.vector_store_idx %arg7[%broadcast_in_dim3A_11, %add3A_301], %broadcast_in_dim3A_257 masked %eq3A_297 : memref<32x512xf32, #tpu.memory_space<vmem>>[vector<16xi32>, vector<16xi32>], vector<16xf32>, vector<16xi1>
      tpu.vector_store_idx %arg7[%broadcast_in_dim3A_13, %add3A_301], %broadcast_in_dim3A_257 masked %eq3A_297 : memref<32x512xf32, #tpu.memory_space<vmem>>[vector<16xi32>, vector<16xi32>], vector<16xf32>, vector<16xi1>
      tpu.vector_store_idx %arg7[%broadcast_in_dim3A_15, %add3A_301], %broadcast_in_dim3A_257 masked %eq3A_297 : memref<32x512xf32, #tpu.memory_space<vmem>>[vector<16xi32>, vector<16xi32>], vector<16xf32>, vector<16xi1>
      tpu.vector_store_idx %arg7[%broadcast_in_dim3A_17, %add3A_301], %broadcast_in_dim3A_257 masked %eq3A_297 : memref<32x512xf32, #tpu.memory_space<vmem>>[vector<16xi32>, vector<16xi32>], vector<16xf32>, vector<16xi1>
      tpu.vector_store_idx %arg7[%broadcast_in_dim3A_19, %add3A_301], %broadcast_in_dim3A_257 masked %eq3A_297 : memref<32x512xf32, #tpu.memory_space<vmem>>[vector<16xi32>, vector<16xi32>], vector<16xf32>, vector<16xi1>
      tpu.vector_store_idx %arg7[%broadcast_in_dim3A_21, %add3A_301], %broadcast_in_dim3A_257 masked %eq3A_297 : memref<32x512xf32, #tpu.memory_space<vmem>>[vector<16xi32>, vector<16xi32>], vector<16xf32>, vector<16xi1>
      tpu.vector_store_idx %arg7[%broadcast_in_dim3A_23, %add3A_301], %broadcast_in_dim3A_257 masked %eq3A_297 : memref<32x512xf32, #tpu.memory_space<vmem>>[vector<16xi32>, vector<16xi32>], vector<16xf32>, vector<16xi1>
      tpu.vector_store_idx %arg7[%broadcast_in_dim3A_25, %add3A_301], %broadcast_in_dim3A_257 masked %eq3A_297 : memref<32x512xf32, #tpu.memory_space<vmem>>[vector<16xi32>, vector<16xi32>], vector<16xf32>, vector<16xi1>
      tpu.vector_store_idx %arg7[%broadcast_in_dim3A_27, %add3A_301], %broadcast_in_dim3A_257 masked %eq3A_297 : memref<32x512xf32, #tpu.memory_space<vmem>>[vector<16xi32>, vector<16xi32>], vector<16xf32>, vector<16xi1>
      tpu.vector_store_idx %arg7[%broadcast_in_dim3A_29, %add3A_301], %broadcast_in_dim3A_257 masked %eq3A_297 : memref<32x512xf32, #tpu.memory_space<vmem>>[vector<16xi32>, vector<16xi32>], vector<16xf32>, vector<16xi1>
      tpu.vector_store_idx %arg7[%broadcast_in_dim3A_31, %add3A_301], %broadcast_in_dim3A_257 masked %eq3A_297 : memref<32x512xf32, #tpu.memory_space<vmem>>[vector<16xi32>, vector<16xi32>], vector<16xf32>, vector<16xi1>
      tpu.vector_store_idx %arg7[%broadcast_in_dim3A_33, %add3A_301], %broadcast_in_dim3A_257 masked %eq3A_297 : memref<32x512xf32, #tpu.memory_space<vmem>>[vector<16xi32>, vector<16xi32>], vector<16xf32>, vector<16xi1>
      tpu.vector_store_idx %arg7[%broadcast_in_dim3A_35, %add3A_301], %broadcast_in_dim3A_257 masked %eq3A_297 : memref<32x512xf32, #tpu.memory_space<vmem>>[vector<16xi32>, vector<16xi32>], vector<16xf32>, vector<16xi1>
      tpu.vector_store_idx %arg7[%broadcast_in_dim3A_37, %add3A_301], %broadcast_in_dim3A_257 masked %eq3A_297 : memref<32x512xf32, #tpu.memory_space<vmem>>[vector<16xi32>, vector<16xi32>], vector<16xf32>, vector<16xi1>
      tpu.vector_store_idx %arg7[%broadcast_in_dim3A_39, %add3A_301], %broadcast_in_dim3A_257 masked %eq3A_297 : memref<32x512xf32, #tpu.memory_space<vmem>>[vector<16xi32>, vector<16xi32>], vector<16xf32>, vector<16xi1>
      tpu.vector_store_idx %arg7[%broadcast_in_dim3A_41, %add3A_301], %broadcast_in_dim3A_257 masked %eq3A_297 : memref<32x512xf32, #tpu.memory_space<vmem>>[vector<16xi32>, vector<16xi32>], vector<16xf32>, vector<16xi1>
      tpu.vector_store_idx %arg7[%broadcast_in_dim3A_43, %add3A_301], %broadcast_in_dim3A_257 masked %eq3A_297 : memref<32x512xf32, #tpu.memory_space<vmem>>[vector<16xi32>, vector<16xi32>], vector<16xf32>, vector<16xi1>
      tpu.vector_store_idx %arg7[%broadcast_in_dim3A_45, %add3A_301], %broadcast_in_dim3A_257 masked %eq3A_297 : memref<32x512xf32, #tpu.memory_space<vmem>>[vector<16xi32>, vector<16xi32>], vector<16xf32>, vector<16xi1>
      tpu.vector_store_idx %arg7[%broadcast_in_dim3A_47, %add3A_301], %broadcast_in_dim3A_257 masked %eq3A_297 : memref<32x512xf32, #tpu.memory_space<vmem>>[vector<16xi32>, vector<16xi32>], vector<16xf32>, vector<16xi1>
      tpu.vector_store_idx %arg7[%broadcast_in_dim3A_49, %add3A_301], %broadcast_in_dim3A_257 masked %eq3A_297 : memref<32x512xf32, #tpu.memory_space<vmem>>[vector<16xi32>, vector<16xi32>], vector<16xf32>, vector<16xi1>
      tpu.vector_store_idx %arg7[%broadcast_in_dim3A_51, %add3A_301], %broadcast_in_dim3A_257 masked %eq3A_297 : memref<32x512xf32, #tpu.memory_space<vmem>>[vector<16xi32>, vector<16xi32>], vector<16xf32>, vector<16xi1>
      tpu.vector_store_idx %arg7[%broadcast_in_dim3A_53, %add3A_301], %broadcast_in_dim3A_257 masked %eq3A_297 : memref<32x512xf32, #tpu.memory_space<vmem>>[vector<16xi32>, vector<16xi32>], vector<16xf32>, vector<16xi1>
      tpu.vector_store_idx %arg7[%broadcast_in_dim3A_55, %add3A_301], %broadcast_in_dim3A_257 masked %eq3A_297 : memref<32x512xf32, #tpu.memory_space<vmem>>[vector<16xi32>, vector<16xi32>], vector<16xf32>, vector<16xi1>
      tpu.vector_store_idx %arg7[%broadcast_in_dim3A_57, %add3A_301], %broadcast_in_dim3A_257 masked %eq3A_297 : memref<32x512xf32, #tpu.memory_space<vmem>>[vector<16xi32>, vector<16xi32>], vector<16xf32>, vector<16xi1>
      tpu.vector_store_idx %arg7[%broadcast_in_dim3A_59, %add3A_301], %broadcast_in_dim3A_257 masked %eq3A_297 : memref<32x512xf32, #tpu.memory_space<vmem>>[vector<16xi32>, vector<16xi32>], vector<16xf32>, vector<16xi1>
      tpu.vector_store_idx %arg7[%broadcast_in_dim3A_61, %add3A_301], %broadcast_in_dim3A_257 masked %eq3A_297 : memref<32x512xf32, #tpu.memory_space<vmem>>[vector<16xi32>, vector<16xi32>], vector<16xf32>, vector<16xi1>
      tpu.vector_store_idx %arg7[%broadcast_in_dim3A_63, %add3A_301], %broadcast_in_dim3A_257 masked %eq3A_297 : memref<32x512xf32, #tpu.memory_space<vmem>>[vector<16xi32>, vector<16xi32>], vector<16xf32>, vector<16xi1>
      tpu.vector_store_idx %arg7[%broadcast_in_dim3A_65, %add3A_301], %broadcast_in_dim3A_257 masked %eq3A_297 : memref<32x512xf32, #tpu.memory_space<vmem>>[vector<16xi32>, vector<16xi32>], vector<16xf32>, vector<16xi1>
      tpu.vector_store_idx %arg7[%broadcast_in_dim3A_67, %add3A_301], %broadcast_in_dim3A_257 masked %eq3A_297 : memref<32x512xf32, #tpu.memory_space<vmem>>[vector<16xi32>, vector<16xi32>], vector<16xf32>, vector<16xi1>
      tpu.vector_store_idx %arg7[%broadcast_in_dim3A_69, %add3A_301], %broadcast_in_dim3A_257 masked %eq3A_297 : memref<32x512xf32, #tpu.memory_space<vmem>>[vector<16xi32>, vector<16xi32>], vector<16xf32>, vector<16xi1>
      %get3A_302 = arith.constant 80 : index
      %get3A_303 = tpu.vector_load %arg5[%get3A_302] {strides = array<i32>} : memref<512xi32, #tpu.memory_space<vmem>>, vector<16xi32>,
      %eq3A_304 = arith.constant 1000000 : i32
      %eq3A_305 = vector.broadcast %eq3A_304 : i32 to vector<16xi32>
      %eq3A_306 = arith.cmpi eq, %get3A_303, %eq3A_305 : vector<16xi32>
      %iota3A_307 = tpu.iota {dimensions = array<i32: 0>} : vector<16xi32>
      %add3A_308 = arith.constant 80 : i32
      %add3A_309 = vector.broadcast %add3A_308 : i32 to vector<16xi32>
      %add3A_310 = arith.addi %iota3A_307, %add3A_309 : vector<16xi32>
      tpu.vector_store_idx %arg7[%broadcast_in_dim3A_7, %add3A_310], %broadcast_in_dim3A_257 masked %eq3A_306 : memref<32x512xf32, #tpu.memory_space<vmem>>[vector<16xi32>, vector<16xi32>], vector<16xf32>, vector<16xi1>
      tpu.vector_store_idx %arg7[%broadcast_in_dim3A_9, %add3A_310], %broadcast_in_dim3A_257 masked %eq3A_306 : memref<32x512xf32, #tpu.memory_space<vmem>>[vector<16xi32>, vector<16xi32>], vector<16xf32>, vector<16xi1>
      tpu.vector_store_idx %arg7[%broadcast_in_dim3A_11, %add3A_310], %broadcast_in_dim3A_257 masked %eq3A_306 : memref<32x512xf32, #tpu.memory_space<vmem>>[vector<16xi32>, vector<16xi32>], vector<16xf32>, vector<16xi1>
      tpu.vector_store_idx %arg7[%broadcast_in_dim3A_13, %add3A_310], %broadcast_in_dim3A_257 masked %eq3A_306 : memref<32x512xf32, #tpu.memory_space<vmem>>[vector<16xi32>, vector<16xi32>], vector<16xf32>, vector<16xi1>
      tpu.vector_store_idx %arg7[%broadcast_in_dim3A_15, %add3A_310], %broadcast_in_dim3A_257 masked %eq3A_306 : memref<32x512xf32, #tpu.memory_space<vmem>>[vector<16xi32>, vector<16xi32>], vector<16xf32>, vector<16xi1>
      tpu.vector_store_idx %arg7[%broadcast_in_dim3A_17, %add3A_310], %broadcast_in_dim3A_257 masked %eq3A_306 : memref<32x512xf32, #tpu.memory_space<vmem>>[vector<16xi32>, vector<16xi32>], vector<16xf32>, vector<16xi1>
      tpu.vector_store_idx %arg7[%broadcast_in_dim3A_19, %add3A_310], %broadcast_in_dim3A_257 masked %eq3A_306 : memref<32x512xf32, #tpu.memory_space<vmem>>[vector<16xi32>, vector<16xi32>], vector<16xf32>, vector<16xi1>
      tpu.vector_store_idx %arg7[%broadcast_in_dim3A_21, %add3A_310], %broadcast_in_dim3A_257 masked %eq3A_306 : memref<32x512xf32, #tpu.memory_space<vmem>>[vector<16xi32>, vector<16xi32>], vector<16xf32>, vector<16xi1>
      tpu.vector_store_idx %arg7[%broadcast_in_dim3A_23, %add3A_310], %broadcast_in_dim3A_257 masked %eq3A_306 : memref<32x512xf32, #tpu.memory_space<vmem>>[vector<16xi32>, vector<16xi32>], vector<16xf32>, vector<16xi1>
      tpu.vector_store_idx %arg7[%broadcast_in_dim3A_25, %add3A_310], %broadcast_in_dim3A_257 masked %eq3A_306 : memref<32x512xf32, #tpu.memory_space<vmem>>[vector<16xi32>, vector<16xi32>], vector<16xf32>, vector<16xi1>
      tpu.vector_store_idx %arg7[%broadcast_in_dim3A_27, %add3A_310], %broadcast_in_dim3A_257 masked %eq3A_306 : memref<32x512xf32, #tpu.memory_space<vmem>>[vector<16xi32>, vector<16xi32>], vector<16xf32>, vector<16xi1>
      tpu.vector_store_idx %arg7[%broadcast_in_dim3A_29, %add3A_310], %broadcast_in_dim3A_257 masked %eq3A_306 : memref<32x512xf32, #tpu.memory_space<vmem>>[vector<16xi32>, vector<16xi32>], vector<16xf32>, vector<16xi1>
      tpu.vector_store_idx %arg7[%broadcast_in_dim3A_31, %add3A_310], %broadcast_in_dim3A_257 masked %eq3A_306 : memref<32x512xf32, #tpu.memory_space<vmem>>[vector<16xi32>, vector<16xi32>], vector<16xf32>, vector<16xi1>
      tpu.vector_store_idx %arg7[%broadcast_in_dim3A_33, %add3A_310], %broadcast_in_dim3A_257 masked %eq3A_306 : memref<32x512xf32, #tpu.memory_space<vmem>>[vector<16xi32>, vector<16xi32>], vector<16xf32>, vector<16xi1>
      tpu.vector_store_idx %arg7[%broadcast_in_dim3A_35, %add3A_310], %broadcast_in_dim3A_257 masked %eq3A_306 : memref<32x512xf32, #tpu.memory_space<vmem>>[vector<16xi32>, vector<16xi32>], vector<16xf32>, vector<16xi1>
      tpu.vector_store_idx %arg7[%broadcast_in_dim3A_37, %add3A_310], %broadcast_in_dim3A_257 masked %eq3A_306 : memref<32x512xf32, #tpu.memory_space<vmem>>[vector<16xi32>, vector<16xi32>], vector<16xf32>, vector<16xi1>
      tpu.vector_store_idx %arg7[%broadcast_in_dim3A_39, %add3A_310], %broadcast_in_dim3A_257 masked %eq3A_306 : memref<32x512xf32, #tpu.memory_space<vmem>>[vector<16xi32>, vector<16xi32>], vector<16xf32>, vector<16xi1>
      tpu.vector_store_idx %arg7[%broadcast_in_dim3A_41, %add3A_310], %broadcast_in_dim3A_257 masked %eq3A_306 : memref<32x512xf32, #tpu.memory_space<vmem>>[vector<16xi32>, vector<16xi32>], vector<16xf32>, vector<16xi1>
      tpu.vector_store_idx %arg7[%broadcast_in_dim3A_43, %add3A_310], %broadcast_in_dim3A_257 masked %eq3A_306 : memref<32x512xf32, #tpu.memory_space<vmem>>[vector<16xi32>, vector<16xi32>], vector<16xf32>, vector<16xi1>
      tpu.vector_store_idx %arg7[%broadcast_in_dim3A_45, %add3A_310], %broadcast_in_dim3A_257 masked %eq3A_306 : memref<32x512xf32, #tpu.memory_space<vmem>>[vector<16xi32>, vector<16xi32>], vector<16xf32>, vector<16xi1>
      tpu.vector_store_idx %arg7[%broadcast_in_dim3A_47, %add3A_310], %broadcast_in_dim3A_257 masked %eq3A_306 : memref<32x512xf32, #tpu.memory_space<vmem>>[vector<16xi32>, vector<16xi32>], vector<16xf32>, vector<16xi1>
      tpu.vector_store_idx %arg7[%broadcast_in_dim3A_49, %add3A_310], %broadcast_in_dim3A_257 masked %eq3A_306 : memref<32x512xf32, #tpu.memory_space<vmem>>[vector<16xi32>, vector<16xi32>], vector<16xf32>, vector<16xi1>
      tpu.vector_store_idx %arg7[%broadcast_in_dim3A_51, %add3A_310], %broadcast_in_dim3A_257 masked %eq3A_306 : memref<32x512xf32, #tpu.memory_space<vmem>>[vector<16xi32>, vector<16xi32>], vector<16xf32>, vector<16xi1>
      tpu.vector_store_idx %arg7[%broadcast_in_dim3A_53, %add3A_310], %broadcast_in_dim3A_257 masked %eq3A_306 : memref<32x512xf32, #tpu.memory_space<vmem>>[vector<16xi32>, vector<16xi32>], vector<16xf32>, vector<16xi1>
      tpu.vector_store_idx %arg7[%broadcast_in_dim3A_55, %add3A_310], %broadcast_in_dim3A_257 masked %eq3A_306 : memref<32x512xf32, #tpu.memory_space<vmem>>[vector<16xi32>, vector<16xi32>], vector<16xf32>, vector<16xi1>
      tpu.vector_store_idx %arg7[%broadcast_in_dim3A_57, %add3A_310], %broadcast_in_dim3A_257 masked %eq3A_306 : memref<32x512xf32, #tpu.memory_space<vmem>>[vector<16xi32>, vector<16xi32>], vector<16xf32>, vector<16xi1>
      tpu.vector_store_idx %arg7[%broadcast_in_dim3A_59, %add3A_310], %broadcast_in_dim3A_257 masked %eq3A_306 : memref<32x512xf32, #tpu.memory_space<vmem>>[vector<16xi32>, vector<16xi32>], vector<16xf32>, vector<16xi1>
      tpu.vector_store_idx %arg7[%broadcast_in_dim3A_61, %add3A_310], %broadcast_in_dim3A_257 masked %eq3A_306 : memref<32x512xf32, #tpu.memory_space<vmem>>[vector<16xi32>, vector<16xi32>], vector<16xf32>, vector<16xi1>
      tpu.vector_store_idx %arg7[%broadcast_in_dim3A_63, %add3A_310], %broadcast_in_dim3A_257 masked %eq3A_306 : memref<32x512xf32, #tpu.memory_space<vmem>>[vector<16xi32>, vector<16xi32>], vector<16xf32>, vector<16xi1>
      tpu.vector_store_idx %arg7[%broadcast_in_dim3A_65, %add3A_310], %broadcast_in_dim3A_257 masked %eq3A_306 : memref<32x512xf32, #tpu.memory_space<vmem>>[vector<16xi32>, vector<16xi32>], vector<16xf32>, vector<16xi1>
      tpu.vector_store_idx %arg7[%broadcast_in_dim3A_67, %add3A_310], %broadcast_in_dim3A_257 masked %eq3A_306 : memref<32x512xf32, #tpu.memory_space<vmem>>[vector<16xi32>, vector<16xi32>], vector<16xf32>, vector<16xi1>
      tpu.vector_store_idx %arg7[%broadcast_in_dim3A_69, %add3A_310], %broadcast_in_dim3A_257 masked %eq3A_306 : memref<32x512xf32, #tpu.memory_space<vmem>>[vector<16xi32>, vector<16xi32>], vector<16xf32>, vector<16xi1>
      %get3A_311 = arith.constant 96 : index
      %get3A_312 = tpu.vector_load %arg5[%get3A_311] {strides = array<i32>} : memref<512xi32, #tpu.memory_space<vmem>>, vector<16xi32>,
      %eq3A_313 = arith.constant 1000000 : i32
      %eq3A_314 = vector.broadcast %eq3A_313 : i32 to vector<16xi32>
      %eq3A_315 = arith.cmpi eq, %get3A_312, %eq3A_314 : vector<16xi32>
      %iota3A_316 = tpu.iota {dimensions = array<i32: 0>} : vector<16xi32>
      %add3A_317 = arith.constant 96 : i32
      %add3A_318 = vector.broadcast %add3A_317 : i32 to vector<16xi32>
      %add3A_319 = arith.addi %iota3A_316, %add3A_318 : vector<16xi32>
      tpu.vector_store_idx %arg7[%broadcast_in_dim3A_7, %add3A_319], %broadcast_in_dim3A_257 masked %eq3A_315 : memref<32x512xf32, #tpu.memory_space<vmem>>[vector<16xi32>, vector<16xi32>], vector<16xf32>, vector<16xi1>
      tpu.vector_store_idx %arg7[%broadcast_in_dim3A_9, %add3A_319], %broadcast_in_dim3A_257 masked %eq3A_315 : memref<32x512xf32, #tpu.memory_space<vmem>>[vector<16xi32>, vector<16xi32>], vector<16xf32>, vector<16xi1>
      tpu.vector_store_idx %arg7[%broadcast_in_dim3A_11, %add3A_319], %broadcast_in_dim3A_257 masked %eq3A_315 : memref<32x512xf32, #tpu.memory_space<vmem>>[vector<16xi32>, vector<16xi32>], vector<16xf32>, vector<16xi1>
      tpu.vector_store_idx %arg7[%broadcast_in_dim3A_13, %add3A_319], %broadcast_in_dim3A_257 masked %eq3A_315 : memref<32x512xf32, #tpu.memory_space<vmem>>[vector<16xi32>, vector<16xi32>], vector<16xf32>, vector<16xi1>
      tpu.vector_store_idx %arg7[%broadcast_in_dim3A_15, %add3A_319], %broadcast_in_dim3A_257 masked %eq3A_315 : memref<32x512xf32, #tpu.memory_space<vmem>>[vector<16xi32>, vector<16xi32>], vector<16xf32>, vector<16xi1>
      tpu.vector_store_idx %arg7[%broadcast_in_dim3A_17, %add3A_319], %broadcast_in_dim3A_257 masked %eq3A_315 : memref<32x512xf32, #tpu.memory_space<vmem>>[vector<16xi32>, vector<16xi32>], vector<16xf32>, vector<16xi1>
      tpu.vector_store_idx %arg7[%broadcast_in_dim3A_19, %add3A_319], %broadcast_in_dim3A_257 masked %eq3A_315 : memref<32x512xf32, #tpu.memory_space<vmem>>[vector<16xi32>, vector<16xi32>], vector<16xf32>, vector<16xi1>
      tpu.vector_store_idx %arg7[%broadcast_in_dim3A_21, %add3A_319], %broadcast_in_dim3A_257 masked %eq3A_315 : memref<32x512xf32, #tpu.memory_space<vmem>>[vector<16xi32>, vector<16xi32>], vector<16xf32>, vector<16xi1>
      tpu.vector_store_idx %arg7[%broadcast_in_dim3A_23, %add3A_319], %broadcast_in_dim3A_257 masked %eq3A_315 : memref<32x512xf32, #tpu.memory_space<vmem>>[vector<16xi32>, vector<16xi32>], vector<16xf32>, vector<16xi1>
      tpu.vector_store_idx %arg7[%broadcast_in_dim3A_25, %add3A_319], %broadcast_in_dim3A_257 masked %eq3A_315 : memref<32x512xf32, #tpu.memory_space<vmem>>[vector<16xi32>, vector<16xi32>], vector<16xf32>, vector<16xi1>
      tpu.vector_store_idx %arg7[%broadcast_in_dim3A_27, %add3A_319], %broadcast_in_dim3A_257 masked %eq3A_315 : memref<32x512xf32, #tpu.memory_space<vmem>>[vector<16xi32>, vector<16xi32>], vector<16xf32>, vector<16xi1>
      tpu.vector_store_idx %arg7[%broadcast_in_dim3A_29, %add3A_319], %broadcast_in_dim3A_257 masked %eq3A_315 : memref<32x512xf32, #tpu.memory_space<vmem>>[vector<16xi32>, vector<16xi32>], vector<16xf32>, vector<16xi1>
      tpu.vector_store_idx %arg7[%broadcast_in_dim3A_31, %add3A_319], %broadcast_in_dim3A_257 masked %eq3A_315 : memref<32x512xf32, #tpu.memory_space<vmem>>[vector<16xi32>, vector<16xi32>], vector<16xf32>, vector<16xi1>
      tpu.vector_store_idx %arg7[%broadcast_in_dim3A_33, %add3A_319], %broadcast_in_dim3A_257 masked %eq3A_315 : memref<32x512xf32, #tpu.memory_space<vmem>>[vector<16xi32>, vector<16xi32>], vector<16xf32>, vector<16xi1>
      tpu.vector_store_idx %arg7[%broadcast_in_dim3A_35, %add3A_319], %broadcast_in_dim3A_257 masked %eq3A_315 : memref<32x512xf32, #tpu.memory_space<vmem>>[vector<16xi32>, vector<16xi32>], vector<16xf32>, vector<16xi1>
      tpu.vector_store_idx %arg7[%broadcast_in_dim3A_37, %add3A_319], %broadcast_in_dim3A_257 masked %eq3A_315 : memref<32x512xf32, #tpu.memory_space<vmem>>[vector<16xi32>, vector<16xi32>], vector<16xf32>, vector<16xi1>
      tpu.vector_store_idx %arg7[%broadcast_in_dim3A_39, %add3A_319], %broadcast_in_dim3A_257 masked %eq3A_315 : memref<32x512xf32, #tpu.memory_space<vmem>>[vector<16xi32>, vector<16xi32>], vector<16xf32>, vector<16xi1>
      tpu.vector_store_idx %arg7[%broadcast_in_dim3A_41, %add3A_319], %broadcast_in_dim3A_257 masked %eq3A_315 : memref<32x512xf32, #tpu.memory_space<vmem>>[vector<16xi32>, vector<16xi32>], vector<16xf32>, vector<16xi1>
      tpu.vector_store_idx %arg7[%broadcast_in_dim3A_43, %add3A_319], %broadcast_in_dim3A_257 masked %eq3A_315 : memref<32x512xf32, #tpu.memory_space<vmem>>[vector<16xi32>, vector<16xi32>], vector<16xf32>, vector<16xi1>
      tpu.vector_store_idx %arg7[%broadcast_in_dim3A_45, %add3A_319], %broadcast_in_dim3A_257 masked %eq3A_315 : memref<32x512xf32, #tpu.memory_space<vmem>>[vector<16xi32>, vector<16xi32>], vector<16xf32>, vector<16xi1>
      tpu.vector_store_idx %arg7[%broadcast_in_dim3A_47, %add3A_319], %broadcast_in_dim3A_257 masked %eq3A_315 : memref<32x512xf32, #tpu.memory_space<vmem>>[vector<16xi32>, vector<16xi32>], vector<16xf32>, vector<16xi1>
      tpu.vector_store_idx %arg7[%broadcast_in_dim3A_49, %add3A_319], %broadcast_in_dim3A_257 masked %eq3A_315 : memref<32x512xf32, #tpu.memory_space<vmem>>[vector<16xi32>, vector<16xi32>], vector<16xf32>, vector<16xi1>
      tpu.vector_store_idx %arg7[%broadcast_in_dim3A_51, %add3A_319], %broadcast_in_dim3A_257 masked %eq3A_315 : memref<32x512xf32, #tpu.memory_space<vmem>>[vector<16xi32>, vector<16xi32>], vector<16xf32>, vector<16xi1>
      tpu.vector_store_idx %arg7[%broadcast_in_dim3A_53, %add3A_319], %broadcast_in_dim3A_257 masked %eq3A_315 : memref<32x512xf32, #tpu.memory_space<vmem>>[vector<16xi32>, vector<16xi32>], vector<16xf32>, vector<16xi1>
      tpu.vector_store_idx %arg7[%broadcast_in_dim3A_55, %add3A_319], %broadcast_in_dim3A_257 masked %eq3A_315 : memref<32x512xf32, #tpu.memory_space<vmem>>[vector<16xi32>, vector<16xi32>], vector<16xf32>, vector<16xi1>
      tpu.vector_store_idx %arg7[%broadcast_in_dim3A_57, %add3A_319], %broadcast_in_dim3A_257 masked %eq3A_315 : memref<32x512xf32, #tpu.memory_space<vmem>>[vector<16xi32>, vector<16xi32>], vector<16xf32>, vector<16xi1>
      tpu.vector_store_idx %arg7[%broadcast_in_dim3A_59, %add3A_319], %broadcast_in_dim3A_257 masked %eq3A_315 : memref<32x512xf32, #tpu.memory_space<vmem>>[vector<16xi32>, vector<16xi32>], vector<16xf32>, vector<16xi1>
      tpu.vector_store_idx %arg7[%broadcast_in_dim3A_61, %add3A_319], %broadcast_in_dim3A_257 masked %eq3A_315 : memref<32x512xf32, #tpu.memory_space<vmem>>[vector<16xi32>, vector<16xi32>], vector<16xf32>, vector<16xi1>
      tpu.vector_store_idx %arg7[%broadcast_in_dim3A_63, %add3A_319], %broadcast_in_dim3A_257 masked %eq3A_315 : memref<32x512xf32, #tpu.memory_space<vmem>>[vector<16xi32>, vector<16xi32>], vector<16xf32>, vector<16xi1>
      tpu.vector_store_idx %arg7[%broadcast_in_dim3A_65, %add3A_319], %broadcast_in_dim3A_257 masked %eq3A_315 : memref<32x512xf32, #tpu.memory_space<vmem>>[vector<16xi32>, vector<16xi32>], vector<16xf32>, vector<16xi1>
      tpu.vector_store_idx %arg7[%broadcast_in_dim3A_67, %add3A_319], %broadcast_in_dim3A_257 masked %eq3A_315 : memref<32x512xf32, #tpu.memory_space<vmem>>[vector<16xi32>, vector<16xi32>], vector<16xf32>, vector<16xi1>
      tpu.vector_store_idx %arg7[%broadcast_in_dim3A_69, %add3A_319], %broadcast_in_dim3A_257 masked %eq3A_315 : memref<32x512xf32, #tpu.memory_space<vmem>>[vector<16xi32>, vector<16xi32>], vector<16xf32>, vector<16xi1>
      %get3A_320 = arith.constant 112 : index
      %get3A_321 = tpu.vector_load %arg5[%get3A_320] {strides = array<i32>} : memref<512xi32, #tpu.memory_space<vmem>>, vector<16xi32>,
      %eq3A_322 = arith.constant 1000000 : i32
      %eq3A_323 = vector.broadcast %eq3A_322 : i32 to vector<16xi32>
      %eq3A_324 = arith.cmpi eq, %get3A_321, %eq3A_323 : vector<16xi32>
      %iota3A_325 = tpu.iota {dimensions = array<i32: 0>} : vector<16xi32>
      %add3A_326 = arith.constant 112 : i32
      %add3A_327 = vector.broadcast %add3A_326 : i32 to vector<16xi32>
      %add3A_328 = arith.addi %iota3A_325, %add3A_327 : vector<16xi32>
      tpu.vector_store_idx %arg7[%broadcast_in_dim3A_7, %add3A_328], %broadcast_in_dim3A_257 masked %eq3A_324 : memref<32x512xf32, #tpu.memory_space<vmem>>[vector<16xi32>, vector<16xi32>], vector<16xf32>, vector<16xi1>
      tpu.vector_store_idx %arg7[%broadcast_in_dim3A_9, %add3A_328], %broadcast_in_dim3A_257 masked %eq3A_324 : memref<32x512xf32, #tpu.memory_space<vmem>>[vector<16xi32>, vector<16xi32>], vector<16xf32>, vector<16xi1>
      tpu.vector_store_idx %arg7[%broadcast_in_dim3A_11, %add3A_328], %broadcast_in_dim3A_257 masked %eq3A_324 : memref<32x512xf32, #tpu.memory_space<vmem>>[vector<16xi32>, vector<16xi32>], vector<16xf32>, vector<16xi1>
      tpu.vector_store_idx %arg7[%broadcast_in_dim3A_13, %add3A_328], %broadcast_in_dim3A_257 masked %eq3A_324 : memref<32x512xf32, #tpu.memory_space<vmem>>[vector<16xi32>, vector<16xi32>], vector<16xf32>, vector<16xi1>
      tpu.vector_store_idx %arg7[%broadcast_in_dim3A_15, %add3A_328], %broadcast_in_dim3A_257 masked %eq3A_324 : memref<32x512xf32, #tpu.memory_space<vmem>>[vector<16xi32>, vector<16xi32>], vector<16xf32>, vector<16xi1>
      tpu.vector_store_idx %arg7[%broadcast_in_dim3A_17, %add3A_328], %broadcast_in_dim3A_257 masked %eq3A_324 : memref<32x512xf32, #tpu.memory_space<vmem>>[vector<16xi32>, vector<16xi32>], vector<16xf32>, vector<16xi1>
      tpu.vector_store_idx %arg7[%broadcast_in_dim3A_19, %add3A_328], %broadcast_in_dim3A_257 masked %eq3A_324 : memref<32x512xf32, #tpu.memory_space<vmem>>[vector<16xi32>, vector<16xi32>], vector<16xf32>, vector<16xi1>
      tpu.vector_store_idx %arg7[%broadcast_in_dim3A_21, %add3A_328], %broadcast_in_dim3A_257 masked %eq3A_324 : memref<32x512xf32, #tpu.memory_space<vmem>>[vector<16xi32>, vector<16xi32>], vector<16xf32>, vector<16xi1>
      tpu.vector_store_idx %arg7[%broadcast_in_dim3A_23, %add3A_328], %broadcast_in_dim3A_257 masked %eq3A_324 : memref<32x512xf32, #tpu.memory_space<vmem>>[vector<16xi32>, vector<16xi32>], vector<16xf32>, vector<16xi1>
      tpu.vector_store_idx %arg7[%broadcast_in_dim3A_25, %add3A_328], %broadcast_in_dim3A_257 masked %eq3A_324 : memref<32x512xf32, #tpu.memory_space<vmem>>[vector<16xi32>, vector<16xi32>], vector<16xf32>, vector<16xi1>
      tpu.vector_store_idx %arg7[%broadcast_in_dim3A_27, %add3A_328], %broadcast_in_dim3A_257 masked %eq3A_324 : memref<32x512xf32, #tpu.memory_space<vmem>>[vector<16xi32>, vector<16xi32>], vector<16xf32>, vector<16xi1>
      tpu.vector_store_idx %arg7[%broadcast_in_dim3A_29, %add3A_328], %broadcast_in_dim3A_257 masked %eq3A_324 : memref<32x512xf32, #tpu.memory_space<vmem>>[vector<16xi32>, vector<16xi32>], vector<16xf32>, vector<16xi1>
      tpu.vector_store_idx %arg7[%broadcast_in_dim3A_31, %add3A_328], %broadcast_in_dim3A_257 masked %eq3A_324 : memref<32x512xf32, #tpu.memory_space<vmem>>[vector<16xi32>, vector<16xi32>], vector<16xf32>, vector<16xi1>
      tpu.vector_store_idx %arg7[%broadcast_in_dim3A_33, %add3A_328], %broadcast_in_dim3A_257 masked %eq3A_324 : memref<32x512xf32, #tpu.memory_space<vmem>>[vector<16xi32>, vector<16xi32>], vector<16xf32>, vector<16xi1>
      tpu.vector_store_idx %arg7[%broadcast_in_dim3A_35, %add3A_328], %broadcast_in_dim3A_257 masked %eq3A_324 : memref<32x512xf32, #tpu.memory_space<vmem>>[vector<16xi32>, vector<16xi32>], vector<16xf32>, vector<16xi1>
      tpu.vector_store_idx %arg7[%broadcast_in_dim3A_37, %add3A_328], %broadcast_in_dim3A_257 masked %eq3A_324 : memref<32x512xf32, #tpu.memory_space<vmem>>[vector<16xi32>, vector<16xi32>], vector<16xf32>, vector<16xi1>
      tpu.vector_store_idx %arg7[%broadcast_in_dim3A_39, %add3A_328], %broadcast_in_dim3A_257 masked %eq3A_324 : memref<32x512xf32, #tpu.memory_space<vmem>>[vector<16xi32>, vector<16xi32>], vector<16xf32>, vector<16xi1>
      tpu.vector_store_idx %arg7[%broadcast_in_dim3A_41, %add3A_328], %broadcast_in_dim3A_257 masked %eq3A_324 : memref<32x512xf32, #tpu.memory_space<vmem>>[vector<16xi32>, vector<16xi32>], vector<16xf32>, vector<16xi1>
      tpu.vector_store_idx %arg7[%broadcast_in_dim3A_43, %add3A_328], %broadcast_in_dim3A_257 masked %eq3A_324 : memref<32x512xf32, #tpu.memory_space<vmem>>[vector<16xi32>, vector<16xi32>], vector<16xf32>, vector<16xi1>
      tpu.vector_store_idx %arg7[%broadcast_in_dim3A_45, %add3A_328], %broadcast_in_dim3A_257 masked %eq3A_324 : memref<32x512xf32, #tpu.memory_space<vmem>>[vector<16xi32>, vector<16xi32>], vector<16xf32>, vector<16xi1>
      tpu.vector_store_idx %arg7[%broadcast_in_dim3A_47, %add3A_328], %broadcast_in_dim3A_257 masked %eq3A_324 : memref<32x512xf32, #tpu.memory_space<vmem>>[vector<16xi32>, vector<16xi32>], vector<16xf32>, vector<16xi1>
      tpu.vector_store_idx %arg7[%broadcast_in_dim3A_49, %add3A_328], %broadcast_in_dim3A_257 masked %eq3A_324 : memref<32x512xf32, #tpu.memory_space<vmem>>[vector<16xi32>, vector<16xi32>], vector<16xf32>, vector<16xi1>
      tpu.vector_store_idx %arg7[%broadcast_in_dim3A_51, %add3A_328], %broadcast_in_dim3A_257 masked %eq3A_324 : memref<32x512xf32, #tpu.memory_space<vmem>>[vector<16xi32>, vector<16xi32>], vector<16xf32>, vector<16xi1>
      tpu.vector_store_idx %arg7[%broadcast_in_dim3A_53, %add3A_328], %broadcast_in_dim3A_257 masked %eq3A_324 : memref<32x512xf32, #tpu.memory_space<vmem>>[vector<16xi32>, vector<16xi32>], vector<16xf32>, vector<16xi1>
      tpu.vector_store_idx %arg7[%broadcast_in_dim3A_55, %add3A_328], %broadcast_in_dim3A_257 masked %eq3A_324 : memref<32x512xf32, #tpu.memory_space<vmem>>[vector<16xi32>, vector<16xi32>], vector<16xf32>, vector<16xi1>
      tpu.vector_store_idx %arg7[%broadcast_in_dim3A_57, %add3A_328], %broadcast_in_dim3A_257 masked %eq3A_324 : memref<32x512xf32, #tpu.memory_space<vmem>>[vector<16xi32>, vector<16xi32>], vector<16xf32>, vector<16xi1>
      tpu.vector_store_idx %arg7[%broadcast_in_dim3A_59, %add3A_328], %broadcast_in_dim3A_257 masked %eq3A_324 : memref<32x512xf32, #tpu.memory_space<vmem>>[vector<16xi32>, vector<16xi32>], vector<16xf32>, vector<16xi1>
      tpu.vector_store_idx %arg7[%broadcast_in_dim3A_61, %add3A_328], %broadcast_in_dim3A_257 masked %eq3A_324 : memref<32x512xf32, #tpu.memory_space<vmem>>[vector<16xi32>, vector<16xi32>], vector<16xf32>, vector<16xi1>
      tpu.vector_store_idx %arg7[%broadcast_in_dim3A_63, %add3A_328], %broadcast_in_dim3A_257 masked %eq3A_324 : memref<32x512xf32, #tpu.memory_space<vmem>>[vector<16xi32>, vector<16xi32>], vector<16xf32>, vector<16xi1>
      tpu.vector_store_idx %arg7[%broadcast_in_dim3A_65, %add3A_328], %broadcast_in_dim3A_257 masked %eq3A_324 : memref<32x512xf32, #tpu.memory_space<vmem>>[vector<16xi32>, vector<16xi32>], vector<16xf32>, vector<16xi1>
      tpu.vector_store_idx %arg7[%broadcast_in_dim3A_67, %add3A_328], %broadcast_in_dim3A_257 masked %eq3A_324 : memref<32x512xf32, #tpu.memory_space<vmem>>[vector<16xi32>, vector<16xi32>], vector<16xf32>, vector<16xi1>
      tpu.vector_store_idx %arg7[%broadcast_in_dim3A_69, %add3A_328], %broadcast_in_dim3A_257 masked %eq3A_324 : memref<32x512xf32, #tpu.memory_space<vmem>>[vector<16xi32>, vector<16xi32>], vector<16xf32>, vector<16xi1>
      %get3A_329 = arith.constant 128 : index
      %get3A_330 = tpu.vector_load %arg5[%get3A_329] {strides = array<i32>} : memref<512xi32, #tpu.memory_space<vmem>>, vector<16xi32>,
      %eq3A_331 = arith.constant 1000000 : i32
      %eq3A_332 = vector.broadcast %eq3A_331 : i32 to vector<16xi32>
      %eq3A_333 = arith.cmpi eq, %get3A_330, %eq3A_332 : vector<16xi32>
      %iota3A_334 = tpu.iota {dimensions = array<i32: 0>} : vector<16xi32>
      %add3A_335 = arith.constant 128 : i32
      %add3A_336 = vector.broadcast %add3A_335 : i32 to vector<16xi32>
      %add3A_337 = arith.addi %iota3A_334, %add3A_336 : vector<16xi32>
      tpu.vector_store_idx %arg7[%broadcast_in_dim3A_7, %add3A_337], %broadcast_in_dim3A_257 masked %eq3A_333 : memref<32x512xf32, #tpu.memory_space<vmem>>[vector<16xi32>, vector<16xi32>], vector<16xf32>, vector<16xi1>
      tpu.vector_store_idx %arg7[%broadcast_in_dim3A_9, %add3A_337], %broadcast_in_dim3A_257 masked %eq3A_333 : memref<32x512xf32, #tpu.memory_space<vmem>>[vector<16xi32>, vector<16xi32>], vector<16xf32>, vector<16xi1>
      tpu.vector_store_idx %arg7[%broadcast_in_dim3A_11, %add3A_337], %broadcast_in_dim3A_257 masked %eq3A_333 : memref<32x512xf32, #tpu.memory_space<vmem>>[vector<16xi32>, vector<16xi32>], vector<16xf32>, vector<16xi1>
      tpu.vector_store_idx %arg7[%broadcast_in_dim3A_13, %add3A_337], %broadcast_in_dim3A_257 masked %eq3A_333 : memref<32x512xf32, #tpu.memory_space<vmem>>[vector<16xi32>, vector<16xi32>], vector<16xf32>, vector<16xi1>
      tpu.vector_store_idx %arg7[%broadcast_in_dim3A_15, %add3A_337], %broadcast_in_dim3A_257 masked %eq3A_333 : memref<32x512xf32, #tpu.memory_space<vmem>>[vector<16xi32>, vector<16xi32>], vector<16xf32>, vector<16xi1>
      tpu.vector_store_idx %arg7[%broadcast_in_dim3A_17, %add3A_337], %broadcast_in_dim3A_257 masked %eq3A_333 : memref<32x512xf32, #tpu.memory_space<vmem>>[vector<16xi32>, vector<16xi32>], vector<16xf32>, vector<16xi1>
      tpu.vector_store_idx %arg7[%broadcast_in_dim3A_19, %add3A_337], %broadcast_in_dim3A_257 masked %eq3A_333 : memref<32x512xf32, #tpu.memory_space<vmem>>[vector<16xi32>, vector<16xi32>], vector<16xf32>, vector<16xi1>
      tpu.vector_store_idx %arg7[%broadcast_in_dim3A_21, %add3A_337], %broadcast_in_dim3A_257 masked %eq3A_333 : memref<32x512xf32, #tpu.memory_space<vmem>>[vector<16xi32>, vector<16xi32>], vector<16xf32>, vector<16xi1>
      tpu.vector_store_idx %arg7[%broadcast_in_dim3A_23, %add3A_337], %broadcast_in_dim3A_257 masked %eq3A_333 : memref<32x512xf32, #tpu.memory_space<vmem>>[vector<16xi32>, vector<16xi32>], vector<16xf32>, vector<16xi1>
      tpu.vector_store_idx %arg7[%broadcast_in_dim3A_25, %add3A_337], %broadcast_in_dim3A_257 masked %eq3A_333 : memref<32x512xf32, #tpu.memory_space<vmem>>[vector<16xi32>, vector<16xi32>], vector<16xf32>, vector<16xi1>
      tpu.vector_store_idx %arg7[%broadcast_in_dim3A_27, %add3A_337], %broadcast_in_dim3A_257 masked %eq3A_333 : memref<32x512xf32, #tpu.memory_space<vmem>>[vector<16xi32>, vector<16xi32>], vector<16xf32>, vector<16xi1>
      tpu.vector_store_idx %arg7[%broadcast_in_dim3A_29, %add3A_337], %broadcast_in_dim3A_257 masked %eq3A_333 : memref<32x512xf32, #tpu.memory_space<vmem>>[vector<16xi32>, vector<16xi32>], vector<16xf32>, vector<16xi1>
      tpu.vector_store_idx %arg7[%broadcast_in_dim3A_31, %add3A_337], %broadcast_in_dim3A_257 masked %eq3A_333 : memref<32x512xf32, #tpu.memory_space<vmem>>[vector<16xi32>, vector<16xi32>], vector<16xf32>, vector<16xi1>
      tpu.vector_store_idx %arg7[%broadcast_in_dim3A_33, %add3A_337], %broadcast_in_dim3A_257 masked %eq3A_333 : memref<32x512xf32, #tpu.memory_space<vmem>>[vector<16xi32>, vector<16xi32>], vector<16xf32>, vector<16xi1>
      tpu.vector_store_idx %arg7[%broadcast_in_dim3A_35, %add3A_337], %broadcast_in_dim3A_257 masked %eq3A_333 : memref<32x512xf32, #tpu.memory_space<vmem>>[vector<16xi32>, vector<16xi32>], vector<16xf32>, vector<16xi1>
      tpu.vector_store_idx %arg7[%broadcast_in_dim3A_37, %add3A_337], %broadcast_in_dim3A_257 masked %eq3A_333 : memref<32x512xf32, #tpu.memory_space<vmem>>[vector<16xi32>, vector<16xi32>], vector<16xf32>, vector<16xi1>
      tpu.vector_store_idx %arg7[%broadcast_in_dim3A_39, %add3A_337], %broadcast_in_dim3A_257 masked %eq3A_333 : memref<32x512xf32, #tpu.memory_space<vmem>>[vector<16xi32>, vector<16xi32>], vector<16xf32>, vector<16xi1>
      tpu.vector_store_idx %arg7[%broadcast_in_dim3A_41, %add3A_337], %broadcast_in_dim3A_257 masked %eq3A_333 : memref<32x512xf32, #tpu.memory_space<vmem>>[vector<16xi32>, vector<16xi32>], vector<16xf32>, vector<16xi1>
      tpu.vector_store_idx %arg7[%broadcast_in_dim3A_43, %add3A_337], %broadcast_in_dim3A_257 masked %eq3A_333 : memref<32x512xf32, #tpu.memory_space<vmem>>[vector<16xi32>, vector<16xi32>], vector<16xf32>, vector<16xi1>
      tpu.vector_store_idx %arg7[%broadcast_in_dim3A_45, %add3A_337], %broadcast_in_dim3A_257 masked %eq3A_333 : memref<32x512xf32, #tpu.memory_space<vmem>>[vector<16xi32>, vector<16xi32>], vector<16xf32>, vector<16xi1>
      tpu.vector_store_idx %arg7[%broadcast_in_dim3A_47, %add3A_337], %broadcast_in_dim3A_257 masked %eq3A_333 : memref<32x512xf32, #tpu.memory_space<vmem>>[vector<16xi32>, vector<16xi32>], vector<16xf32>, vector<16xi1>
      tpu.vector_store_idx %arg7[%broadcast_in_dim3A_49, %add3A_337], %broadcast_in_dim3A_257 masked %eq3A_333 : memref<32x512xf32, #tpu.memory_space<vmem>>[vector<16xi32>, vector<16xi32>], vector<16xf32>, vector<16xi1>
      tpu.vector_store_idx %arg7[%broadcast_in_dim3A_51, %add3A_337], %broadcast_in_dim3A_257 masked %eq3A_333 : memref<32x512xf32, #tpu.memory_space<vmem>>[vector<16xi32>, vector<16xi32>], vector<16xf32>, vector<16xi1>
      tpu.vector_store_idx %arg7[%broadcast_in_dim3A_53, %add3A_337], %broadcast_in_dim3A_257 masked %eq3A_333 : memref<32x512xf32, #tpu.memory_space<vmem>>[vector<16xi32>, vector<16xi32>], vector<16xf32>, vector<16xi1>
      tpu.vector_store_idx %arg7[%broadcast_in_dim3A_55, %add3A_337], %broadcast_in_dim3A_257 masked %eq3A_333 : memref<32x512xf32, #tpu.memory_space<vmem>>[vector<16xi32>, vector<16xi32>], vector<16xf32>, vector<16xi1>
      tpu.vector_store_idx %arg7[%broadcast_in_dim3A_57, %add3A_337], %broadcast_in_dim3A_257 masked %eq3A_333 : memref<32x512xf32, #tpu.memory_space<vmem>>[vector<16xi32>, vector<16xi32>], vector<16xf32>, vector<16xi1>
      tpu.vector_store_idx %arg7[%broadcast_in_dim3A_59, %add3A_337], %broadcast_in_dim3A_257 masked %eq3A_333 : memref<32x512xf32, #tpu.memory_space<vmem>>[vector<16xi32>, vector<16xi32>], vector<16xf32>, vector<16xi1>
      tpu.vector_store_idx %arg7[%broadcast_in_dim3A_61, %add3A_337], %broadcast_in_dim3A_257 masked %eq3A_333 : memref<32x512xf32, #tpu.memory_space<vmem>>[vector<16xi32>, vector<16xi32>], vector<16xf32>, vector<16xi1>
      tpu.vector_store_idx %arg7[%broadcast_in_dim3A_63, %add3A_337], %broadcast_in_dim3A_257 masked %eq3A_333 : memref<32x512xf32, #tpu.memory_space<vmem>>[vector<16xi32>, vector<16xi32>], vector<16xf32>, vector<16xi1>
      tpu.vector_store_idx %arg7[%broadcast_in_dim3A_65, %add3A_337], %broadcast_in_dim3A_257 masked %eq3A_333 : memref<32x512xf32, #tpu.memory_space<vmem>>[vector<16xi32>, vector<16xi32>], vector<16xf32>, vector<16xi1>
      tpu.vector_store_idx %arg7[%broadcast_in_dim3A_67, %add3A_337], %broadcast_in_dim3A_257 masked %eq3A_333 : memref<32x512xf32, #tpu.memory_space<vmem>>[vector<16xi32>, vector<16xi32>], vector<16xf32>, vector<16xi1>
      tpu.vector_store_idx %arg7[%broadcast_in_dim3A_69, %add3A_337], %broadcast_in_dim3A_257 masked %eq3A_333 : memref<32x512xf32, #tpu.memory_space<vmem>>[vector<16xi32>, vector<16xi32>], vector<16xf32>, vector<16xi1>
      %get3A_338 = arith.constant 144 : index
      %get3A_339 = tpu.vector_load %arg5[%get3A_338] {strides = array<i32>} : memref<512xi32, #tpu.memory_space<vmem>>, vector<16xi32>,
      %eq3A_340 = arith.constant 1000000 : i32
      %eq3A_341 = vector.broadcast %eq3A_340 : i32 to vector<16xi32>
      %eq3A_342 = arith.cmpi eq, %get3A_339, %eq3A_341 : vector<16xi32>
      %iota3A_343 = tpu.iota {dimensions = array<i32: 0>} : vector<16xi32>
      %add3A_344 = arith.constant 144 : i32
      %add3A_345 = vector.broadcast %add3A_344 : i32 to vector<16xi32>
      %add3A_346 = arith.addi %iota3A_343, %add3A_345 : vector<16xi32>
      tpu.vector_store_idx %arg7[%broadcast_in_dim3A_7, %add3A_346], %broadcast_in_dim3A_257 masked %eq3A_342 : memref<32x512xf32, #tpu.memory_space<vmem>>[vector<16xi32>, vector<16xi32>], vector<16xf32>, vector<16xi1>
      tpu.vector_store_idx %arg7[%broadcast_in_dim3A_9, %add3A_346], %broadcast_in_dim3A_257 masked %eq3A_342 : memref<32x512xf32, #tpu.memory_space<vmem>>[vector<16xi32>, vector<16xi32>], vector<16xf32>, vector<16xi1>
      tpu.vector_store_idx %arg7[%broadcast_in_dim3A_11, %add3A_346], %broadcast_in_dim3A_257 masked %eq3A_342 : memref<32x512xf32, #tpu.memory_space<vmem>>[vector<16xi32>, vector<16xi32>], vector<16xf32>, vector<16xi1>
      tpu.vector_store_idx %arg7[%broadcast_in_dim3A_13, %add3A_346], %broadcast_in_dim3A_257 masked %eq3A_342 : memref<32x512xf32, #tpu.memory_space<vmem>>[vector<16xi32>, vector<16xi32>], vector<16xf32>, vector<16xi1>
      tpu.vector_store_idx %arg7[%broadcast_in_dim3A_15, %add3A_346], %broadcast_in_dim3A_257 masked %eq3A_342 : memref<32x512xf32, #tpu.memory_space<vmem>>[vector<16xi32>, vector<16xi32>], vector<16xf32>, vector<16xi1>
      tpu.vector_store_idx %arg7[%broadcast_in_dim3A_17, %add3A_346], %broadcast_in_dim3A_257 masked %eq3A_342 : memref<32x512xf32, #tpu.memory_space<vmem>>[vector<16xi32>, vector<16xi32>], vector<16xf32>, vector<16xi1>
      tpu.vector_store_idx %arg7[%broadcast_in_dim3A_19, %add3A_346], %broadcast_in_dim3A_257 masked %eq3A_342 : memref<32x512xf32, #tpu.memory_space<vmem>>[vector<16xi32>, vector<16xi32>], vector<16xf32>, vector<16xi1>
      tpu.vector_store_idx %arg7[%broadcast_in_dim3A_21, %add3A_346], %broadcast_in_dim3A_257 masked %eq3A_342 : memref<32x512xf32, #tpu.memory_space<vmem>>[vector<16xi32>, vector<16xi32>], vector<16xf32>, vector<16xi1>
      tpu.vector_store_idx %arg7[%broadcast_in_dim3A_23, %add3A_346], %broadcast_in_dim3A_257 masked %eq3A_342 : memref<32x512xf32, #tpu.memory_space<vmem>>[vector<16xi32>, vector<16xi32>], vector<16xf32>, vector<16xi1>
      tpu.vector_store_idx %arg7[%broadcast_in_dim3A_25, %add3A_346], %broadcast_in_dim3A_257 masked %eq3A_342 : memref<32x512xf32, #tpu.memory_space<vmem>>[vector<16xi32>, vector<16xi32>], vector<16xf32>, vector<16xi1>
      tpu.vector_store_idx %arg7[%broadcast_in_dim3A_27, %add3A_346], %broadcast_in_dim3A_257 masked %eq3A_342 : memref<32x512xf32, #tpu.memory_space<vmem>>[vector<16xi32>, vector<16xi32>], vector<16xf32>, vector<16xi1>
      tpu.vector_store_idx %arg7[%broadcast_in_dim3A_29, %add3A_346], %broadcast_in_dim3A_257 masked %eq3A_342 : memref<32x512xf32, #tpu.memory_space<vmem>>[vector<16xi32>, vector<16xi32>], vector<16xf32>, vector<16xi1>
      tpu.vector_store_idx %arg7[%broadcast_in_dim3A_31, %add3A_346], %broadcast_in_dim3A_257 masked %eq3A_342 : memref<32x512xf32, #tpu.memory_space<vmem>>[vector<16xi32>, vector<16xi32>], vector<16xf32>, vector<16xi1>
      tpu.vector_store_idx %arg7[%broadcast_in_dim3A_33, %add3A_346], %broadcast_in_dim3A_257 masked %eq3A_342 : memref<32x512xf32, #tpu.memory_space<vmem>>[vector<16xi32>, vector<16xi32>], vector<16xf32>, vector<16xi1>
      tpu.vector_store_idx %arg7[%broadcast_in_dim3A_35, %add3A_346], %broadcast_in_dim3A_257 masked %eq3A_342 : memref<32x512xf32, #tpu.memory_space<vmem>>[vector<16xi32>, vector<16xi32>], vector<16xf32>, vector<16xi1>
      tpu.vector_store_idx %arg7[%broadcast_in_dim3A_37, %add3A_346], %broadcast_in_dim3A_257 masked %eq3A_342 : memref<32x512xf32, #tpu.memory_space<vmem>>[vector<16xi32>, vector<16xi32>], vector<16xf32>, vector<16xi1>
      tpu.vector_store_idx %arg7[%broadcast_in_dim3A_39, %add3A_346], %broadcast_in_dim3A_257 masked %eq3A_342 : memref<32x512xf32, #tpu.memory_space<vmem>>[vector<16xi32>, vector<16xi32>], vector<16xf32>, vector<16xi1>
      tpu.vector_store_idx %arg7[%broadcast_in_dim3A_41, %add3A_346], %broadcast_in_dim3A_257 masked %eq3A_342 : memref<32x512xf32, #tpu.memory_space<vmem>>[vector<16xi32>, vector<16xi32>], vector<16xf32>, vector<16xi1>
      tpu.vector_store_idx %arg7[%broadcast_in_dim3A_43, %add3A_346], %broadcast_in_dim3A_257 masked %eq3A_342 : memref<32x512xf32, #tpu.memory_space<vmem>>[vector<16xi32>, vector<16xi32>], vector<16xf32>, vector<16xi1>
      tpu.vector_store_idx %arg7[%broadcast_in_dim3A_45, %add3A_346], %broadcast_in_dim3A_257 masked %eq3A_342 : memref<32x512xf32, #tpu.memory_space<vmem>>[vector<16xi32>, vector<16xi32>], vector<16xf32>, vector<16xi1>
      tpu.vector_store_idx %arg7[%broadcast_in_dim3A_47, %add3A_346], %broadcast_in_dim3A_257 masked %eq3A_342 : memref<32x512xf32, #tpu.memory_space<vmem>>[vector<16xi32>, vector<16xi32>], vector<16xf32>, vector<16xi1>
      tpu.vector_store_idx %arg7[%broadcast_in_dim3A_49, %add3A_346], %broadcast_in_dim3A_257 masked %eq3A_342 : memref<32x512xf32, #tpu.memory_space<vmem>>[vector<16xi32>, vector<16xi32>], vector<16xf32>, vector<16xi1>
      tpu.vector_store_idx %arg7[%broadcast_in_dim3A_51, %add3A_346], %broadcast_in_dim3A_257 masked %eq3A_342 : memref<32x512xf32, #tpu.memory_space<vmem>>[vector<16xi32>, vector<16xi32>], vector<16xf32>, vector<16xi1>
      tpu.vector_store_idx %arg7[%broadcast_in_dim3A_53, %add3A_346], %broadcast_in_dim3A_257 masked %eq3A_342 : memref<32x512xf32, #tpu.memory_space<vmem>>[vector<16xi32>, vector<16xi32>], vector<16xf32>, vector<16xi1>
      tpu.vector_store_idx %arg7[%broadcast_in_dim3A_55, %add3A_346], %broadcast_in_dim3A_257 masked %eq3A_342 : memref<32x512xf32, #tpu.memory_space<vmem>>[vector<16xi32>, vector<16xi32>], vector<16xf32>, vector<16xi1>
      tpu.vector_store_idx %arg7[%broadcast_in_dim3A_57, %add3A_346], %broadcast_in_dim3A_257 masked %eq3A_342 : memref<32x512xf32, #tpu.memory_space<vmem>>[vector<16xi32>, vector<16xi32>], vector<16xf32>, vector<16xi1>
      tpu.vector_store_idx %arg7[%broadcast_in_dim3A_59, %add3A_346], %broadcast_in_dim3A_257 masked %eq3A_342 : memref<32x512xf32, #tpu.memory_space<vmem>>[vector<16xi32>, vector<16xi32>], vector<16xf32>, vector<16xi1>
      tpu.vector_store_idx %arg7[%broadcast_in_dim3A_61, %add3A_346], %broadcast_in_dim3A_257 masked %eq3A_342 : memref<32x512xf32, #tpu.memory_space<vmem>>[vector<16xi32>, vector<16xi32>], vector<16xf32>, vector<16xi1>
      tpu.vector_store_idx %arg7[%broadcast_in_dim3A_63, %add3A_346], %broadcast_in_dim3A_257 masked %eq3A_342 : memref<32x512xf32, #tpu.memory_space<vmem>>[vector<16xi32>, vector<16xi32>], vector<16xf32>, vector<16xi1>
      tpu.vector_store_idx %arg7[%broadcast_in_dim3A_65, %add3A_346], %broadcast_in_dim3A_257 masked %eq3A_342 : memref<32x512xf32, #tpu.memory_space<vmem>>[vector<16xi32>, vector<16xi32>], vector<16xf32>, vector<16xi1>
      tpu.vector_store_idx %arg7[%broadcast_in_dim3A_67, %add3A_346], %broadcast_in_dim3A_257 masked %eq3A_342 : memref<32x512xf32, #tpu.memory_space<vmem>>[vector<16xi32>, vector<16xi32>], vector<16xf32>, vector<16xi1>
      tpu.vector_store_idx %arg7[%broadcast_in_dim3A_69, %add3A_346], %broadcast_in_dim3A_257 masked %eq3A_342 : memref<32x512xf32, #tpu.memory_space<vmem>>[vector<16xi32>, vector<16xi32>], vector<16xf32>, vector<16xi1>
      %get3A_347 = arith.constant 160 : index
      %get3A_348 = tpu.vector_load %arg5[%get3A_347] {strides = array<i32>} : memref<512xi32, #tpu.memory_space<vmem>>, vector<16xi32>,
      %eq3A_349 = arith.constant 1000000 : i32
      %eq3A_350 = vector.broadcast %eq3A_349 : i32 to vector<16xi32>
      %eq3A_351 = arith.cmpi eq, %get3A_348, %eq3A_350 : vector<16xi32>
      %iota3A_352 = tpu.iota {dimensions = array<i32: 0>} : vector<16xi32>
      %add3A_353 = arith.constant 160 : i32
      %add3A_354 = vector.broadcast %add3A_353 : i32 to vector<16xi32>
      %add3A_355 = arith.addi %iota3A_352, %add3A_354 : vector<16xi32>
      tpu.vector_store_idx %arg7[%broadcast_in_dim3A_7, %add3A_355], %broadcast_in_dim3A_257 masked %eq3A_351 : memref<32x512xf32, #tpu.memory_space<vmem>>[vector<16xi32>, vector<16xi32>], vector<16xf32>, vector<16xi1>
      tpu.vector_store_idx %arg7[%broadcast_in_dim3A_9, %add3A_355], %broadcast_in_dim3A_257 masked %eq3A_351 : memref<32x512xf32, #tpu.memory_space<vmem>>[vector<16xi32>, vector<16xi32>], vector<16xf32>, vector<16xi1>
      tpu.vector_store_idx %arg7[%broadcast_in_dim3A_11, %add3A_355], %broadcast_in_dim3A_257 masked %eq3A_351 : memref<32x512xf32, #tpu.memory_space<vmem>>[vector<16xi32>, vector<16xi32>], vector<16xf32>, vector<16xi1>
      tpu.vector_store_idx %arg7[%broadcast_in_dim3A_13, %add3A_355], %broadcast_in_dim3A_257 masked %eq3A_351 : memref<32x512xf32, #tpu.memory_space<vmem>>[vector<16xi32>, vector<16xi32>], vector<16xf32>, vector<16xi1>
      tpu.vector_store_idx %arg7[%broadcast_in_dim3A_15, %add3A_355], %broadcast_in_dim3A_257 masked %eq3A_351 : memref<32x512xf32, #tpu.memory_space<vmem>>[vector<16xi32>, vector<16xi32>], vector<16xf32>, vector<16xi1>
      tpu.vector_store_idx %arg7[%broadcast_in_dim3A_17, %add3A_355], %broadcast_in_dim3A_257 masked %eq3A_351 : memref<32x512xf32, #tpu.memory_space<vmem>>[vector<16xi32>, vector<16xi32>], vector<16xf32>, vector<16xi1>
      tpu.vector_store_idx %arg7[%broadcast_in_dim3A_19, %add3A_355], %broadcast_in_dim3A_257 masked %eq3A_351 : memref<32x512xf32, #tpu.memory_space<vmem>>[vector<16xi32>, vector<16xi32>], vector<16xf32>, vector<16xi1>
      tpu.vector_store_idx %arg7[%broadcast_in_dim3A_21, %add3A_355], %broadcast_in_dim3A_257 masked %eq3A_351 : memref<32x512xf32, #tpu.memory_space<vmem>>[vector<16xi32>, vector<16xi32>], vector<16xf32>, vector<16xi1>
      tpu.vector_store_idx %arg7[%broadcast_in_dim3A_23, %add3A_355], %broadcast_in_dim3A_257 masked %eq3A_351 : memref<32x512xf32, #tpu.memory_space<vmem>>[vector<16xi32>, vector<16xi32>], vector<16xf32>, vector<16xi1>
      tpu.vector_store_idx %arg7[%broadcast_in_dim3A_25, %add3A_355], %broadcast_in_dim3A_257 masked %eq3A_351 : memref<32x512xf32, #tpu.memory_space<vmem>>[vector<16xi32>, vector<16xi32>], vector<16xf32>, vector<16xi1>
      tpu.vector_store_idx %arg7[%broadcast_in_dim3A_27, %add3A_355], %broadcast_in_dim3A_257 masked %eq3A_351 : memref<32x512xf32, #tpu.memory_space<vmem>>[vector<16xi32>, vector<16xi32>], vector<16xf32>, vector<16xi1>
      tpu.vector_store_idx %arg7[%broadcast_in_dim3A_29, %add3A_355], %broadcast_in_dim3A_257 masked %eq3A_351 : memref<32x512xf32, #tpu.memory_space<vmem>>[vector<16xi32>, vector<16xi32>], vector<16xf32>, vector<16xi1>
      tpu.vector_store_idx %arg7[%broadcast_in_dim3A_31, %add3A_355], %broadcast_in_dim3A_257 masked %eq3A_351 : memref<32x512xf32, #tpu.memory_space<vmem>>[vector<16xi32>, vector<16xi32>], vector<16xf32>, vector<16xi1>
      tpu.vector_store_idx %arg7[%broadcast_in_dim3A_33, %add3A_355], %broadcast_in_dim3A_257 masked %eq3A_351 : memref<32x512xf32, #tpu.memory_space<vmem>>[vector<16xi32>, vector<16xi32>], vector<16xf32>, vector<16xi1>
      tpu.vector_store_idx %arg7[%broadcast_in_dim3A_35, %add3A_355], %broadcast_in_dim3A_257 masked %eq3A_351 : memref<32x512xf32, #tpu.memory_space<vmem>>[vector<16xi32>, vector<16xi32>], vector<16xf32>, vector<16xi1>
      tpu.vector_store_idx %arg7[%broadcast_in_dim3A_37, %add3A_355], %broadcast_in_dim3A_257 masked %eq3A_351 : memref<32x512xf32, #tpu.memory_space<vmem>>[vector<16xi32>, vector<16xi32>], vector<16xf32>, vector<16xi1>
      tpu.vector_store_idx %arg7[%broadcast_in_dim3A_39, %add3A_355], %broadcast_in_dim3A_257 masked %eq3A_351 : memref<32x512xf32, #tpu.memory_space<vmem>>[vector<16xi32>, vector<16xi32>], vector<16xf32>, vector<16xi1>
      tpu.vector_store_idx %arg7[%broadcast_in_dim3A_41, %add3A_355], %broadcast_in_dim3A_257 masked %eq3A_351 : memref<32x512xf32, #tpu.memory_space<vmem>>[vector<16xi32>, vector<16xi32>], vector<16xf32>, vector<16xi1>
      tpu.vector_store_idx %arg7[%broadcast_in_dim3A_43, %add3A_355], %broadcast_in_dim3A_257 masked %eq3A_351 : memref<32x512xf32, #tpu.memory_space<vmem>>[vector<16xi32>, vector<16xi32>], vector<16xf32>, vector<16xi1>
      tpu.vector_store_idx %arg7[%broadcast_in_dim3A_45, %add3A_355], %broadcast_in_dim3A_257 masked %eq3A_351 : memref<32x512xf32, #tpu.memory_space<vmem>>[vector<16xi32>, vector<16xi32>], vector<16xf32>, vector<16xi1>
      tpu.vector_store_idx %arg7[%broadcast_in_dim3A_47, %add3A_355], %broadcast_in_dim3A_257 masked %eq3A_351 : memref<32x512xf32, #tpu.memory_space<vmem>>[vector<16xi32>, vector<16xi32>], vector<16xf32>, vector<16xi1>
      tpu.vector_store_idx %arg7[%broadcast_in_dim3A_49, %add3A_355], %broadcast_in_dim3A_257 masked %eq3A_351 : memref<32x512xf32, #tpu.memory_space<vmem>>[vector<16xi32>, vector<16xi32>], vector<16xf32>, vector<16xi1>
      tpu.vector_store_idx %arg7[%broadcast_in_dim3A_51, %add3A_355], %broadcast_in_dim3A_257 masked %eq3A_351 : memref<32x512xf32, #tpu.memory_space<vmem>>[vector<16xi32>, vector<16xi32>], vector<16xf32>, vector<16xi1>
      tpu.vector_store_idx %arg7[%broadcast_in_dim3A_53, %add3A_355], %broadcast_in_dim3A_257 masked %eq3A_351 : memref<32x512xf32, #tpu.memory_space<vmem>>[vector<16xi32>, vector<16xi32>], vector<16xf32>, vector<16xi1>
      tpu.vector_store_idx %arg7[%broadcast_in_dim3A_55, %add3A_355], %broadcast_in_dim3A_257 masked %eq3A_351 : memref<32x512xf32, #tpu.memory_space<vmem>>[vector<16xi32>, vector<16xi32>], vector<16xf32>, vector<16xi1>
      tpu.vector_store_idx %arg7[%broadcast_in_dim3A_57, %add3A_355], %broadcast_in_dim3A_257 masked %eq3A_351 : memref<32x512xf32, #tpu.memory_space<vmem>>[vector<16xi32>, vector<16xi32>], vector<16xf32>, vector<16xi1>
      tpu.vector_store_idx %arg7[%broadcast_in_dim3A_59, %add3A_355], %broadcast_in_dim3A_257 masked %eq3A_351 : memref<32x512xf32, #tpu.memory_space<vmem>>[vector<16xi32>, vector<16xi32>], vector<16xf32>, vector<16xi1>
      tpu.vector_store_idx %arg7[%broadcast_in_dim3A_61, %add3A_355], %broadcast_in_dim3A_257 masked %eq3A_351 : memref<32x512xf32, #tpu.memory_space<vmem>>[vector<16xi32>, vector<16xi32>], vector<16xf32>, vector<16xi1>
      tpu.vector_store_idx %arg7[%broadcast_in_dim3A_63, %add3A_355], %broadcast_in_dim3A_257 masked %eq3A_351 : memref<32x512xf32, #tpu.memory_space<vmem>>[vector<16xi32>, vector<16xi32>], vector<16xf32>, vector<16xi1>
      tpu.vector_store_idx %arg7[%broadcast_in_dim3A_65, %add3A_355], %broadcast_in_dim3A_257 masked %eq3A_351 : memref<32x512xf32, #tpu.memory_space<vmem>>[vector<16xi32>, vector<16xi32>], vector<16xf32>, vector<16xi1>
      tpu.vector_store_idx %arg7[%broadcast_in_dim3A_67, %add3A_355], %broadcast_in_dim3A_257 masked %eq3A_351 : memref<32x512xf32, #tpu.memory_space<vmem>>[vector<16xi32>, vector<16xi32>], vector<16xf32>, vector<16xi1>
      tpu.vector_store_idx %arg7[%broadcast_in_dim3A_69, %add3A_355], %broadcast_in_dim3A_257 masked %eq3A_351 : memref<32x512xf32, #tpu.memory_space<vmem>>[vector<16xi32>, vector<16xi32>], vector<16xf32>, vector<16xi1>
      %get3A_356 = arith.constant 176 : index
      %get3A_357 = tpu.vector_load %arg5[%get3A_356] {strides = array<i32>} : memref<512xi32, #tpu.memory_space<vmem>>, vector<16xi32>,
      %eq3A_358 = arith.constant 1000000 : i32
      %eq3A_359 = vector.broadcast %eq3A_358 : i32 to vector<16xi32>
      %eq3A_360 = arith.cmpi eq, %get3A_357, %eq3A_359 : vector<16xi32>
      %iota3A_361 = tpu.iota {dimensions = array<i32: 0>} : vector<16xi32>
      %add3A_362 = arith.constant 176 : i32
      %add3A_363 = vector.broadcast %add3A_362 : i32 to vector<16xi32>
      %add3A_364 = arith.addi %iota3A_361, %add3A_363 : vector<16xi32>
      tpu.vector_store_idx %arg7[%broadcast_in_dim3A_7, %add3A_364], %broadcast_in_dim3A_257 masked %eq3A_360 : memref<32x512xf32, #tpu.memory_space<vmem>>[vector<16xi32>, vector<16xi32>], vector<16xf32>, vector<16xi1>
      tpu.vector_store_idx %arg7[%broadcast_in_dim3A_9, %add3A_364], %broadcast_in_dim3A_257 masked %eq3A_360 : memref<32x512xf32, #tpu.memory_space<vmem>>[vector<16xi32>, vector<16xi32>], vector<16xf32>, vector<16xi1>
      tpu.vector_store_idx %arg7[%broadcast_in_dim3A_11, %add3A_364], %broadcast_in_dim3A_257 masked %eq3A_360 : memref<32x512xf32, #tpu.memory_space<vmem>>[vector<16xi32>, vector<16xi32>], vector<16xf32>, vector<16xi1>
      tpu.vector_store_idx %arg7[%broadcast_in_dim3A_13, %add3A_364], %broadcast_in_dim3A_257 masked %eq3A_360 : memref<32x512xf32, #tpu.memory_space<vmem>>[vector<16xi32>, vector<16xi32>], vector<16xf32>, vector<16xi1>
      tpu.vector_store_idx %arg7[%broadcast_in_dim3A_15, %add3A_364], %broadcast_in_dim3A_257 masked %eq3A_360 : memref<32x512xf32, #tpu.memory_space<vmem>>[vector<16xi32>, vector<16xi32>], vector<16xf32>, vector<16xi1>
      tpu.vector_store_idx %arg7[%broadcast_in_dim3A_17, %add3A_364], %broadcast_in_dim3A_257 masked %eq3A_360 : memref<32x512xf32, #tpu.memory_space<vmem>>[vector<16xi32>, vector<16xi32>], vector<16xf32>, vector<16xi1>
      tpu.vector_store_idx %arg7[%broadcast_in_dim3A_19, %add3A_364], %broadcast_in_dim3A_257 masked %eq3A_360 : memref<32x512xf32, #tpu.memory_space<vmem>>[vector<16xi32>, vector<16xi32>], vector<16xf32>, vector<16xi1>
      tpu.vector_store_idx %arg7[%broadcast_in_dim3A_21, %add3A_364], %broadcast_in_dim3A_257 masked %eq3A_360 : memref<32x512xf32, #tpu.memory_space<vmem>>[vector<16xi32>, vector<16xi32>], vector<16xf32>, vector<16xi1>
      tpu.vector_store_idx %arg7[%broadcast_in_dim3A_23, %add3A_364], %broadcast_in_dim3A_257 masked %eq3A_360 : memref<32x512xf32, #tpu.memory_space<vmem>>[vector<16xi32>, vector<16xi32>], vector<16xf32>, vector<16xi1>
      tpu.vector_store_idx %arg7[%broadcast_in_dim3A_25, %add3A_364], %broadcast_in_dim3A_257 masked %eq3A_360 : memref<32x512xf32, #tpu.memory_space<vmem>>[vector<16xi32>, vector<16xi32>], vector<16xf32>, vector<16xi1>
      tpu.vector_store_idx %arg7[%broadcast_in_dim3A_27, %add3A_364], %broadcast_in_dim3A_257 masked %eq3A_360 : memref<32x512xf32, #tpu.memory_space<vmem>>[vector<16xi32>, vector<16xi32>], vector<16xf32>, vector<16xi1>
      tpu.vector_store_idx %arg7[%broadcast_in_dim3A_29, %add3A_364], %broadcast_in_dim3A_257 masked %eq3A_360 : memref<32x512xf32, #tpu.memory_space<vmem>>[vector<16xi32>, vector<16xi32>], vector<16xf32>, vector<16xi1>
      tpu.vector_store_idx %arg7[%broadcast_in_dim3A_31, %add3A_364], %broadcast_in_dim3A_257 masked %eq3A_360 : memref<32x512xf32, #tpu.memory_space<vmem>>[vector<16xi32>, vector<16xi32>], vector<16xf32>, vector<16xi1>
      tpu.vector_store_idx %arg7[%broadcast_in_dim3A_33, %add3A_364], %broadcast_in_dim3A_257 masked %eq3A_360 : memref<32x512xf32, #tpu.memory_space<vmem>>[vector<16xi32>, vector<16xi32>], vector<16xf32>, vector<16xi1>
      tpu.vector_store_idx %arg7[%broadcast_in_dim3A_35, %add3A_364], %broadcast_in_dim3A_257 masked %eq3A_360 : memref<32x512xf32, #tpu.memory_space<vmem>>[vector<16xi32>, vector<16xi32>], vector<16xf32>, vector<16xi1>
      tpu.vector_store_idx %arg7[%broadcast_in_dim3A_37, %add3A_364], %broadcast_in_dim3A_257 masked %eq3A_360 : memref<32x512xf32, #tpu.memory_space<vmem>>[vector<16xi32>, vector<16xi32>], vector<16xf32>, vector<16xi1>
      tpu.vector_store_idx %arg7[%broadcast_in_dim3A_39, %add3A_364], %broadcast_in_dim3A_257 masked %eq3A_360 : memref<32x512xf32, #tpu.memory_space<vmem>>[vector<16xi32>, vector<16xi32>], vector<16xf32>, vector<16xi1>
      tpu.vector_store_idx %arg7[%broadcast_in_dim3A_41, %add3A_364], %broadcast_in_dim3A_257 masked %eq3A_360 : memref<32x512xf32, #tpu.memory_space<vmem>>[vector<16xi32>, vector<16xi32>], vector<16xf32>, vector<16xi1>
      tpu.vector_store_idx %arg7[%broadcast_in_dim3A_43, %add3A_364], %broadcast_in_dim3A_257 masked %eq3A_360 : memref<32x512xf32, #tpu.memory_space<vmem>>[vector<16xi32>, vector<16xi32>], vector<16xf32>, vector<16xi1>
      tpu.vector_store_idx %arg7[%broadcast_in_dim3A_45, %add3A_364], %broadcast_in_dim3A_257 masked %eq3A_360 : memref<32x512xf32, #tpu.memory_space<vmem>>[vector<16xi32>, vector<16xi32>], vector<16xf32>, vector<16xi1>
      tpu.vector_store_idx %arg7[%broadcast_in_dim3A_47, %add3A_364], %broadcast_in_dim3A_257 masked %eq3A_360 : memref<32x512xf32, #tpu.memory_space<vmem>>[vector<16xi32>, vector<16xi32>], vector<16xf32>, vector<16xi1>
      tpu.vector_store_idx %arg7[%broadcast_in_dim3A_49, %add3A_364], %broadcast_in_dim3A_257 masked %eq3A_360 : memref<32x512xf32, #tpu.memory_space<vmem>>[vector<16xi32>, vector<16xi32>], vector<16xf32>, vector<16xi1>
      tpu.vector_store_idx %arg7[%broadcast_in_dim3A_51, %add3A_364], %broadcast_in_dim3A_257 masked %eq3A_360 : memref<32x512xf32, #tpu.memory_space<vmem>>[vector<16xi32>, vector<16xi32>], vector<16xf32>, vector<16xi1>
      tpu.vector_store_idx %arg7[%broadcast_in_dim3A_53, %add3A_364], %broadcast_in_dim3A_257 masked %eq3A_360 : memref<32x512xf32, #tpu.memory_space<vmem>>[vector<16xi32>, vector<16xi32>], vector<16xf32>, vector<16xi1>
      tpu.vector_store_idx %arg7[%broadcast_in_dim3A_55, %add3A_364], %broadcast_in_dim3A_257 masked %eq3A_360 : memref<32x512xf32, #tpu.memory_space<vmem>>[vector<16xi32>, vector<16xi32>], vector<16xf32>, vector<16xi1>
      tpu.vector_store_idx %arg7[%broadcast_in_dim3A_57, %add3A_364], %broadcast_in_dim3A_257 masked %eq3A_360 : memref<32x512xf32, #tpu.memory_space<vmem>>[vector<16xi32>, vector<16xi32>], vector<16xf32>, vector<16xi1>
      tpu.vector_store_idx %arg7[%broadcast_in_dim3A_59, %add3A_364], %broadcast_in_dim3A_257 masked %eq3A_360 : memref<32x512xf32, #tpu.memory_space<vmem>>[vector<16xi32>, vector<16xi32>], vector<16xf32>, vector<16xi1>
      tpu.vector_store_idx %arg7[%broadcast_in_dim3A_61, %add3A_364], %broadcast_in_dim3A_257 masked %eq3A_360 : memref<32x512xf32, #tpu.memory_space<vmem>>[vector<16xi32>, vector<16xi32>], vector<16xf32>, vector<16xi1>
      tpu.vector_store_idx %arg7[%broadcast_in_dim3A_63, %add3A_364], %broadcast_in_dim3A_257 masked %eq3A_360 : memref<32x512xf32, #tpu.memory_space<vmem>>[vector<16xi32>, vector<16xi32>], vector<16xf32>, vector<16xi1>
      tpu.vector_store_idx %arg7[%broadcast_in_dim3A_65, %add3A_364], %broadcast_in_dim3A_257 masked %eq3A_360 : memref<32x512xf32, #tpu.memory_space<vmem>>[vector<16xi32>, vector<16xi32>], vector<16xf32>, vector<16xi1>
      tpu.vector_store_idx %arg7[%broadcast_in_dim3A_67, %add3A_364], %broadcast_in_dim3A_257 masked %eq3A_360 : memref<32x512xf32, #tpu.memory_space<vmem>>[vector<16xi32>, vector<16xi32>], vector<16xf32>, vector<16xi1>
      tpu.vector_store_idx %arg7[%broadcast_in_dim3A_69, %add3A_364], %broadcast_in_dim3A_257 masked %eq3A_360 : memref<32x512xf32, #tpu.memory_space<vmem>>[vector<16xi32>, vector<16xi32>], vector<16xf32>, vector<16xi1>
      %get3A_365 = arith.constant 192 : index
      %get3A_366 = tpu.vector_load %arg5[%get3A_365] {strides = array<i32>} : memref<512xi32, #tpu.memory_space<vmem>>, vector<16xi32>,
      %eq3A_367 = arith.constant 1000000 : i32
      %eq3A_368 = vector.broadcast %eq3A_367 : i32 to vector<16xi32>
      %eq3A_369 = arith.cmpi eq, %get3A_366, %eq3A_368 : vector<16xi32>
      %iota3A_370 = tpu.iota {dimensions = array<i32: 0>} : vector<16xi32>
      %add3A_371 = arith.constant 192 : i32
      %add3A_372 = vector.broadcast %add3A_371 : i32 to vector<16xi32>
      %add3A_373 = arith.addi %iota3A_370, %add3A_372 : vector<16xi32>
      tpu.vector_store_idx %arg7[%broadcast_in_dim3A_7, %add3A_373], %broadcast_in_dim3A_257 masked %eq3A_369 : memref<32x512xf32, #tpu.memory_space<vmem>>[vector<16xi32>, vector<16xi32>], vector<16xf32>, vector<16xi1>
      tpu.vector_store_idx %arg7[%broadcast_in_dim3A_9, %add3A_373], %broadcast_in_dim3A_257 masked %eq3A_369 : memref<32x512xf32, #tpu.memory_space<vmem>>[vector<16xi32>, vector<16xi32>], vector<16xf32>, vector<16xi1>
      tpu.vector_store_idx %arg7[%broadcast_in_dim3A_11, %add3A_373], %broadcast_in_dim3A_257 masked %eq3A_369 : memref<32x512xf32, #tpu.memory_space<vmem>>[vector<16xi32>, vector<16xi32>], vector<16xf32>, vector<16xi1>
      tpu.vector_store_idx %arg7[%broadcast_in_dim3A_13, %add3A_373], %broadcast_in_dim3A_257 masked %eq3A_369 : memref<32x512xf32, #tpu.memory_space<vmem>>[vector<16xi32>, vector<16xi32>], vector<16xf32>, vector<16xi1>
      tpu.vector_store_idx %arg7[%broadcast_in_dim3A_15, %add3A_373], %broadcast_in_dim3A_257 masked %eq3A_369 : memref<32x512xf32, #tpu.memory_space<vmem>>[vector<16xi32>, vector<16xi32>], vector<16xf32>, vector<16xi1>
      tpu.vector_store_idx %arg7[%broadcast_in_dim3A_17, %add3A_373], %broadcast_in_dim3A_257 masked %eq3A_369 : memref<32x512xf32, #tpu.memory_space<vmem>>[vector<16xi32>, vector<16xi32>], vector<16xf32>, vector<16xi1>
      tpu.vector_store_idx %arg7[%broadcast_in_dim3A_19, %add3A_373], %broadcast_in_dim3A_257 masked %eq3A_369 : memref<32x512xf32, #tpu.memory_space<vmem>>[vector<16xi32>, vector<16xi32>], vector<16xf32>, vector<16xi1>
      tpu.vector_store_idx %arg7[%broadcast_in_dim3A_21, %add3A_373], %broadcast_in_dim3A_257 masked %eq3A_369 : memref<32x512xf32, #tpu.memory_space<vmem>>[vector<16xi32>, vector<16xi32>], vector<16xf32>, vector<16xi1>
      tpu.vector_store_idx %arg7[%broadcast_in_dim3A_23, %add3A_373], %broadcast_in_dim3A_257 masked %eq3A_369 : memref<32x512xf32, #tpu.memory_space<vmem>>[vector<16xi32>, vector<16xi32>], vector<16xf32>, vector<16xi1>
      tpu.vector_store_idx %arg7[%broadcast_in_dim3A_25, %add3A_373], %broadcast_in_dim3A_257 masked %eq3A_369 : memref<32x512xf32, #tpu.memory_space<vmem>>[vector<16xi32>, vector<16xi32>], vector<16xf32>, vector<16xi1>
      tpu.vector_store_idx %arg7[%broadcast_in_dim3A_27, %add3A_373], %broadcast_in_dim3A_257 masked %eq3A_369 : memref<32x512xf32, #tpu.memory_space<vmem>>[vector<16xi32>, vector<16xi32>], vector<16xf32>, vector<16xi1>
      tpu.vector_store_idx %arg7[%broadcast_in_dim3A_29, %add3A_373], %broadcast_in_dim3A_257 masked %eq3A_369 : memref<32x512xf32, #tpu.memory_space<vmem>>[vector<16xi32>, vector<16xi32>], vector<16xf32>, vector<16xi1>
      tpu.vector_store_idx %arg7[%broadcast_in_dim3A_31, %add3A_373], %broadcast_in_dim3A_257 masked %eq3A_369 : memref<32x512xf32, #tpu.memory_space<vmem>>[vector<16xi32>, vector<16xi32>], vector<16xf32>, vector<16xi1>
      tpu.vector_store_idx %arg7[%broadcast_in_dim3A_33, %add3A_373], %broadcast_in_dim3A_257 masked %eq3A_369 : memref<32x512xf32, #tpu.memory_space<vmem>>[vector<16xi32>, vector<16xi32>], vector<16xf32>, vector<16xi1>
      tpu.vector_store_idx %arg7[%broadcast_in_dim3A_35, %add3A_373], %broadcast_in_dim3A_257 masked %eq3A_369 : memref<32x512xf32, #tpu.memory_space<vmem>>[vector<16xi32>, vector<16xi32>], vector<16xf32>, vector<16xi1>
      tpu.vector_store_idx %arg7[%broadcast_in_dim3A_37, %add3A_373], %broadcast_in_dim3A_257 masked %eq3A_369 : memref<32x512xf32, #tpu.memory_space<vmem>>[vector<16xi32>, vector<16xi32>], vector<16xf32>, vector<16xi1>
      tpu.vector_store_idx %arg7[%broadcast_in_dim3A_39, %add3A_373], %broadcast_in_dim3A_257 masked %eq3A_369 : memref<32x512xf32, #tpu.memory_space<vmem>>[vector<16xi32>, vector<16xi32>], vector<16xf32>, vector<16xi1>
      tpu.vector_store_idx %arg7[%broadcast_in_dim3A_41, %add3A_373], %broadcast_in_dim3A_257 masked %eq3A_369 : memref<32x512xf32, #tpu.memory_space<vmem>>[vector<16xi32>, vector<16xi32>], vector<16xf32>, vector<16xi1>
      tpu.vector_store_idx %arg7[%broadcast_in_dim3A_43, %add3A_373], %broadcast_in_dim3A_257 masked %eq3A_369 : memref<32x512xf32, #tpu.memory_space<vmem>>[vector<16xi32>, vector<16xi32>], vector<16xf32>, vector<16xi1>
      tpu.vector_store_idx %arg7[%broadcast_in_dim3A_45, %add3A_373], %broadcast_in_dim3A_257 masked %eq3A_369 : memref<32x512xf32, #tpu.memory_space<vmem>>[vector<16xi32>, vector<16xi32>], vector<16xf32>, vector<16xi1>
      tpu.vector_store_idx %arg7[%broadcast_in_dim3A_47, %add3A_373], %broadcast_in_dim3A_257 masked %eq3A_369 : memref<32x512xf32, #tpu.memory_space<vmem>>[vector<16xi32>, vector<16xi32>], vector<16xf32>, vector<16xi1>
      tpu.vector_store_idx %arg7[%broadcast_in_dim3A_49, %add3A_373], %broadcast_in_dim3A_257 masked %eq3A_369 : memref<32x512xf32, #tpu.memory_space<vmem>>[vector<16xi32>, vector<16xi32>], vector<16xf32>, vector<16xi1>
      tpu.vector_store_idx %arg7[%broadcast_in_dim3A_51, %add3A_373], %broadcast_in_dim3A_257 masked %eq3A_369 : memref<32x512xf32, #tpu.memory_space<vmem>>[vector<16xi32>, vector<16xi32>], vector<16xf32>, vector<16xi1>
      tpu.vector_store_idx %arg7[%broadcast_in_dim3A_53, %add3A_373], %broadcast_in_dim3A_257 masked %eq3A_369 : memref<32x512xf32, #tpu.memory_space<vmem>>[vector<16xi32>, vector<16xi32>], vector<16xf32>, vector<16xi1>
      tpu.vector_store_idx %arg7[%broadcast_in_dim3A_55, %add3A_373], %broadcast_in_dim3A_257 masked %eq3A_369 : memref<32x512xf32, #tpu.memory_space<vmem>>[vector<16xi32>, vector<16xi32>], vector<16xf32>, vector<16xi1>
      tpu.vector_store_idx %arg7[%broadcast_in_dim3A_57, %add3A_373], %broadcast_in_dim3A_257 masked %eq3A_369 : memref<32x512xf32, #tpu.memory_space<vmem>>[vector<16xi32>, vector<16xi32>], vector<16xf32>, vector<16xi1>
      tpu.vector_store_idx %arg7[%broadcast_in_dim3A_59, %add3A_373], %broadcast_in_dim3A_257 masked %eq3A_369 : memref<32x512xf32, #tpu.memory_space<vmem>>[vector<16xi32>, vector<16xi32>], vector<16xf32>, vector<16xi1>
      tpu.vector_store_idx %arg7[%broadcast_in_dim3A_61, %add3A_373], %broadcast_in_dim3A_257 masked %eq3A_369 : memref<32x512xf32, #tpu.memory_space<vmem>>[vector<16xi32>, vector<16xi32>], vector<16xf32>, vector<16xi1>
      tpu.vector_store_idx %arg7[%broadcast_in_dim3A_63, %add3A_373], %broadcast_in_dim3A_257 masked %eq3A_369 : memref<32x512xf32, #tpu.memory_space<vmem>>[vector<16xi32>, vector<16xi32>], vector<16xf32>, vector<16xi1>
      tpu.vector_store_idx %arg7[%broadcast_in_dim3A_65, %add3A_373], %broadcast_in_dim3A_257 masked %eq3A_369 : memref<32x512xf32, #tpu.memory_space<vmem>>[vector<16xi32>, vector<16xi32>], vector<16xf32>, vector<16xi1>
      tpu.vector_store_idx %arg7[%broadcast_in_dim3A_67, %add3A_373], %broadcast_in_dim3A_257 masked %eq3A_369 : memref<32x512xf32, #tpu.memory_space<vmem>>[vector<16xi32>, vector<16xi32>], vector<16xf32>, vector<16xi1>
      tpu.vector_store_idx %arg7[%broadcast_in_dim3A_69, %add3A_373], %broadcast_in_dim3A_257 masked %eq3A_369 : memref<32x512xf32, #tpu.memory_space<vmem>>[vector<16xi32>, vector<16xi32>], vector<16xf32>, vector<16xi1>
      %get3A_374 = arith.constant 208 : index
      %get3A_375 = tpu.vector_load %arg5[%get3A_374] {strides = array<i32>} : memref<512xi32, #tpu.memory_space<vmem>>, vector<16xi32>,
      %eq3A_376 = arith.constant 1000000 : i32
      %eq3A_377 = vector.broadcast %eq3A_376 : i32 to vector<16xi32>
      %eq3A_378 = arith.cmpi eq, %get3A_375, %eq3A_377 : vector<16xi32>
      %iota3A_379 = tpu.iota {dimensions = array<i32: 0>} : vector<16xi32>
      %add3A_380 = arith.constant 208 : i32
      %add3A_381 = vector.broadcast %add3A_380 : i32 to vector<16xi32>
      %add3A_382 = arith.addi %iota3A_379, %add3A_381 : vector<16xi32>
      tpu.vector_store_idx %arg7[%broadcast_in_dim3A_7, %add3A_382], %broadcast_in_dim3A_257 masked %eq3A_378 : memref<32x512xf32, #tpu.memory_space<vmem>>[vector<16xi32>, vector<16xi32>], vector<16xf32>, vector<16xi1>
      tpu.vector_store_idx %arg7[%broadcast_in_dim3A_9, %add3A_382], %broadcast_in_dim3A_257 masked %eq3A_378 : memref<32x512xf32, #tpu.memory_space<vmem>>[vector<16xi32>, vector<16xi32>], vector<16xf32>, vector<16xi1>
      tpu.vector_store_idx %arg7[%broadcast_in_dim3A_11, %add3A_382], %broadcast_in_dim3A_257 masked %eq3A_378 : memref<32x512xf32, #tpu.memory_space<vmem>>[vector<16xi32>, vector<16xi32>], vector<16xf32>, vector<16xi1>
      tpu.vector_store_idx %arg7[%broadcast_in_dim3A_13, %add3A_382], %broadcast_in_dim3A_257 masked %eq3A_378 : memref<32x512xf32, #tpu.memory_space<vmem>>[vector<16xi32>, vector<16xi32>], vector<16xf32>, vector<16xi1>
      tpu.vector_store_idx %arg7[%broadcast_in_dim3A_15, %add3A_382], %broadcast_in_dim3A_257 masked %eq3A_378 : memref<32x512xf32, #tpu.memory_space<vmem>>[vector<16xi32>, vector<16xi32>], vector<16xf32>, vector<16xi1>
      tpu.vector_store_idx %arg7[%broadcast_in_dim3A_17, %add3A_382], %broadcast_in_dim3A_257 masked %eq3A_378 : memref<32x512xf32, #tpu.memory_space<vmem>>[vector<16xi32>, vector<16xi32>], vector<16xf32>, vector<16xi1>
      tpu.vector_store_idx %arg7[%broadcast_in_dim3A_19, %add3A_382], %broadcast_in_dim3A_257 masked %eq3A_378 : memref<32x512xf32, #tpu.memory_space<vmem>>[vector<16xi32>, vector<16xi32>], vector<16xf32>, vector<16xi1>
      tpu.vector_store_idx %arg7[%broadcast_in_dim3A_21, %add3A_382], %broadcast_in_dim3A_257 masked %eq3A_378 : memref<32x512xf32, #tpu.memory_space<vmem>>[vector<16xi32>, vector<16xi32>], vector<16xf32>, vector<16xi1>
      tpu.vector_store_idx %arg7[%broadcast_in_dim3A_23, %add3A_382], %broadcast_in_dim3A_257 masked %eq3A_378 : memref<32x512xf32, #tpu.memory_space<vmem>>[vector<16xi32>, vector<16xi32>], vector<16xf32>, vector<16xi1>
      tpu.vector_store_idx %arg7[%broadcast_in_dim3A_25, %add3A_382], %broadcast_in_dim3A_257 masked %eq3A_378 : memref<32x512xf32, #tpu.memory_space<vmem>>[vector<16xi32>, vector<16xi32>], vector<16xf32>, vector<16xi1>
      tpu.vector_store_idx %arg7[%broadcast_in_dim3A_27, %add3A_382], %broadcast_in_dim3A_257 masked %eq3A_378 : memref<32x512xf32, #tpu.memory_space<vmem>>[vector<16xi32>, vector<16xi32>], vector<16xf32>, vector<16xi1>
      tpu.vector_store_idx %arg7[%broadcast_in_dim3A_29, %add3A_382], %broadcast_in_dim3A_257 masked %eq3A_378 : memref<32x512xf32, #tpu.memory_space<vmem>>[vector<16xi32>, vector<16xi32>], vector<16xf32>, vector<16xi1>
      tpu.vector_store_idx %arg7[%broadcast_in_dim3A_31, %add3A_382], %broadcast_in_dim3A_257 masked %eq3A_378 : memref<32x512xf32, #tpu.memory_space<vmem>>[vector<16xi32>, vector<16xi32>], vector<16xf32>, vector<16xi1>
      tpu.vector_store_idx %arg7[%broadcast_in_dim3A_33, %add3A_382], %broadcast_in_dim3A_257 masked %eq3A_378 : memref<32x512xf32, #tpu.memory_space<vmem>>[vector<16xi32>, vector<16xi32>], vector<16xf32>, vector<16xi1>
      tpu.vector_store_idx %arg7[%broadcast_in_dim3A_35, %add3A_382], %broadcast_in_dim3A_257 masked %eq3A_378 : memref<32x512xf32, #tpu.memory_space<vmem>>[vector<16xi32>, vector<16xi32>], vector<16xf32>, vector<16xi1>
      tpu.vector_store_idx %arg7[%broadcast_in_dim3A_37, %add3A_382], %broadcast_in_dim3A_257 masked %eq3A_378 : memref<32x512xf32, #tpu.memory_space<vmem>>[vector<16xi32>, vector<16xi32>], vector<16xf32>, vector<16xi1>
      tpu.vector_store_idx %arg7[%broadcast_in_dim3A_39, %add3A_382], %broadcast_in_dim3A_257 masked %eq3A_378 : memref<32x512xf32, #tpu.memory_space<vmem>>[vector<16xi32>, vector<16xi32>], vector<16xf32>, vector<16xi1>
      tpu.vector_store_idx %arg7[%broadcast_in_dim3A_41, %add3A_382], %broadcast_in_dim3A_257 masked %eq3A_378 : memref<32x512xf32, #tpu.memory_space<vmem>>[vector<16xi32>, vector<16xi32>], vector<16xf32>, vector<16xi1>
      tpu.vector_store_idx %arg7[%broadcast_in_dim3A_43, %add3A_382], %broadcast_in_dim3A_257 masked %eq3A_378 : memref<32x512xf32, #tpu.memory_space<vmem>>[vector<16xi32>, vector<16xi32>], vector<16xf32>, vector<16xi1>
      tpu.vector_store_idx %arg7[%broadcast_in_dim3A_45, %add3A_382], %broadcast_in_dim3A_257 masked %eq3A_378 : memref<32x512xf32, #tpu.memory_space<vmem>>[vector<16xi32>, vector<16xi32>], vector<16xf32>, vector<16xi1>
      tpu.vector_store_idx %arg7[%broadcast_in_dim3A_47, %add3A_382], %broadcast_in_dim3A_257 masked %eq3A_378 : memref<32x512xf32, #tpu.memory_space<vmem>>[vector<16xi32>, vector<16xi32>], vector<16xf32>, vector<16xi1>
      tpu.vector_store_idx %arg7[%broadcast_in_dim3A_49, %add3A_382], %broadcast_in_dim3A_257 masked %eq3A_378 : memref<32x512xf32, #tpu.memory_space<vmem>>[vector<16xi32>, vector<16xi32>], vector<16xf32>, vector<16xi1>
      tpu.vector_store_idx %arg7[%broadcast_in_dim3A_51, %add3A_382], %broadcast_in_dim3A_257 masked %eq3A_378 : memref<32x512xf32, #tpu.memory_space<vmem>>[vector<16xi32>, vector<16xi32>], vector<16xf32>, vector<16xi1>
      tpu.vector_store_idx %arg7[%broadcast_in_dim3A_53, %add3A_382], %broadcast_in_dim3A_257 masked %eq3A_378 : memref<32x512xf32, #tpu.memory_space<vmem>>[vector<16xi32>, vector<16xi32>], vector<16xf32>, vector<16xi1>
      tpu.vector_store_idx %arg7[%broadcast_in_dim3A_55, %add3A_382], %broadcast_in_dim3A_257 masked %eq3A_378 : memref<32x512xf32, #tpu.memory_space<vmem>>[vector<16xi32>, vector<16xi32>], vector<16xf32>, vector<16xi1>
      tpu.vector_store_idx %arg7[%broadcast_in_dim3A_57, %add3A_382], %broadcast_in_dim3A_257 masked %eq3A_378 : memref<32x512xf32, #tpu.memory_space<vmem>>[vector<16xi32>, vector<16xi32>], vector<16xf32>, vector<16xi1>
      tpu.vector_store_idx %arg7[%broadcast_in_dim3A_59, %add3A_382], %broadcast_in_dim3A_257 masked %eq3A_378 : memref<32x512xf32, #tpu.memory_space<vmem>>[vector<16xi32>, vector<16xi32>], vector<16xf32>, vector<16xi1>
      tpu.vector_store_idx %arg7[%broadcast_in_dim3A_61, %add3A_382], %broadcast_in_dim3A_257 masked %eq3A_378 : memref<32x512xf32, #tpu.memory_space<vmem>>[vector<16xi32>, vector<16xi32>], vector<16xf32>, vector<16xi1>
      tpu.vector_store_idx %arg7[%broadcast_in_dim3A_63, %add3A_382], %broadcast_in_dim3A_257 masked %eq3A_378 : memref<32x512xf32, #tpu.memory_space<vmem>>[vector<16xi32>, vector<16xi32>], vector<16xf32>, vector<16xi1>
      tpu.vector_store_idx %arg7[%broadcast_in_dim3A_65, %add3A_382], %broadcast_in_dim3A_257 masked %eq3A_378 : memref<32x512xf32, #tpu.memory_space<vmem>>[vector<16xi32>, vector<16xi32>], vector<16xf32>, vector<16xi1>
      tpu.vector_store_idx %arg7[%broadcast_in_dim3A_67, %add3A_382], %broadcast_in_dim3A_257 masked %eq3A_378 : memref<32x512xf32, #tpu.memory_space<vmem>>[vector<16xi32>, vector<16xi32>], vector<16xf32>, vector<16xi1>
      tpu.vector_store_idx %arg7[%broadcast_in_dim3A_69, %add3A_382], %broadcast_in_dim3A_257 masked %eq3A_378 : memref<32x512xf32, #tpu.memory_space<vmem>>[vector<16xi32>, vector<16xi32>], vector<16xf32>, vector<16xi1>
      %get3A_383 = arith.constant 224 : index
      %get3A_384 = tpu.vector_load %arg5[%get3A_383] {strides = array<i32>} : memref<512xi32, #tpu.memory_space<vmem>>, vector<16xi32>,
      %eq3A_385 = arith.constant 1000000 : i32
      %eq3A_386 = vector.broadcast %eq3A_385 : i32 to vector<16xi32>
      %eq3A_387 = arith.cmpi eq, %get3A_384, %eq3A_386 : vector<16xi32>
      %iota3A_388 = tpu.iota {dimensions = array<i32: 0>} : vector<16xi32>
      %add3A_389 = arith.constant 224 : i32
      %add3A_390 = vector.broadcast %add3A_389 : i32 to vector<16xi32>
      %add3A_391 = arith.addi %iota3A_388, %add3A_390 : vector<16xi32>
      tpu.vector_store_idx %arg7[%broadcast_in_dim3A_7, %add3A_391], %broadcast_in_dim3A_257 masked %eq3A_387 : memref<32x512xf32, #tpu.memory_space<vmem>>[vector<16xi32>, vector<16xi32>], vector<16xf32>, vector<16xi1>
      tpu.vector_store_idx %arg7[%broadcast_in_dim3A_9, %add3A_391], %broadcast_in_dim3A_257 masked %eq3A_387 : memref<32x512xf32, #tpu.memory_space<vmem>>[vector<16xi32>, vector<16xi32>], vector<16xf32>, vector<16xi1>
      tpu.vector_store_idx %arg7[%broadcast_in_dim3A_11, %add3A_391], %broadcast_in_dim3A_257 masked %eq3A_387 : memref<32x512xf32, #tpu.memory_space<vmem>>[vector<16xi32>, vector<16xi32>], vector<16xf32>, vector<16xi1>
      tpu.vector_store_idx %arg7[%broadcast_in_dim3A_13, %add3A_391], %broadcast_in_dim3A_257 masked %eq3A_387 : memref<32x512xf32, #tpu.memory_space<vmem>>[vector<16xi32>, vector<16xi32>], vector<16xf32>, vector<16xi1>
      tpu.vector_store_idx %arg7[%broadcast_in_dim3A_15, %add3A_391], %broadcast_in_dim3A_257 masked %eq3A_387 : memref<32x512xf32, #tpu.memory_space<vmem>>[vector<16xi32>, vector<16xi32>], vector<16xf32>, vector<16xi1>
      tpu.vector_store_idx %arg7[%broadcast_in_dim3A_17, %add3A_391], %broadcast_in_dim3A_257 masked %eq3A_387 : memref<32x512xf32, #tpu.memory_space<vmem>>[vector<16xi32>, vector<16xi32>], vector<16xf32>, vector<16xi1>
      tpu.vector_store_idx %arg7[%broadcast_in_dim3A_19, %add3A_391], %broadcast_in_dim3A_257 masked %eq3A_387 : memref<32x512xf32, #tpu.memory_space<vmem>>[vector<16xi32>, vector<16xi32>], vector<16xf32>, vector<16xi1>
      tpu.vector_store_idx %arg7[%broadcast_in_dim3A_21, %add3A_391], %broadcast_in_dim3A_257 masked %eq3A_387 : memref<32x512xf32, #tpu.memory_space<vmem>>[vector<16xi32>, vector<16xi32>], vector<16xf32>, vector<16xi1>
      tpu.vector_store_idx %arg7[%broadcast_in_dim3A_23, %add3A_391], %broadcast_in_dim3A_257 masked %eq3A_387 : memref<32x512xf32, #tpu.memory_space<vmem>>[vector<16xi32>, vector<16xi32>], vector<16xf32>, vector<16xi1>
      tpu.vector_store_idx %arg7[%broadcast_in_dim3A_25, %add3A_391], %broadcast_in_dim3A_257 masked %eq3A_387 : memref<32x512xf32, #tpu.memory_space<vmem>>[vector<16xi32>, vector<16xi32>], vector<16xf32>, vector<16xi1>
      tpu.vector_store_idx %arg7[%broadcast_in_dim3A_27, %add3A_391], %broadcast_in_dim3A_257 masked %eq3A_387 : memref<32x512xf32, #tpu.memory_space<vmem>>[vector<16xi32>, vector<16xi32>], vector<16xf32>, vector<16xi1>
      tpu.vector_store_idx %arg7[%broadcast_in_dim3A_29, %add3A_391], %broadcast_in_dim3A_257 masked %eq3A_387 : memref<32x512xf32, #tpu.memory_space<vmem>>[vector<16xi32>, vector<16xi32>], vector<16xf32>, vector<16xi1>
      tpu.vector_store_idx %arg7[%broadcast_in_dim3A_31, %add3A_391], %broadcast_in_dim3A_257 masked %eq3A_387 : memref<32x512xf32, #tpu.memory_space<vmem>>[vector<16xi32>, vector<16xi32>], vector<16xf32>, vector<16xi1>
      tpu.vector_store_idx %arg7[%broadcast_in_dim3A_33, %add3A_391], %broadcast_in_dim3A_257 masked %eq3A_387 : memref<32x512xf32, #tpu.memory_space<vmem>>[vector<16xi32>, vector<16xi32>], vector<16xf32>, vector<16xi1>
      tpu.vector_store_idx %arg7[%broadcast_in_dim3A_35, %add3A_391], %broadcast_in_dim3A_257 masked %eq3A_387 : memref<32x512xf32, #tpu.memory_space<vmem>>[vector<16xi32>, vector<16xi32>], vector<16xf32>, vector<16xi1>
      tpu.vector_store_idx %arg7[%broadcast_in_dim3A_37, %add3A_391], %broadcast_in_dim3A_257 masked %eq3A_387 : memref<32x512xf32, #tpu.memory_space<vmem>>[vector<16xi32>, vector<16xi32>], vector<16xf32>, vector<16xi1>
      tpu.vector_store_idx %arg7[%broadcast_in_dim3A_39, %add3A_391], %broadcast_in_dim3A_257 masked %eq3A_387 : memref<32x512xf32, #tpu.memory_space<vmem>>[vector<16xi32>, vector<16xi32>], vector<16xf32>, vector<16xi1>
      tpu.vector_store_idx %arg7[%broadcast_in_dim3A_41, %add3A_391], %broadcast_in_dim3A_257 masked %eq3A_387 : memref<32x512xf32, #tpu.memory_space<vmem>>[vector<16xi32>, vector<16xi32>], vector<16xf32>, vector<16xi1>
      tpu.vector_store_idx %arg7[%broadcast_in_dim3A_43, %add3A_391], %broadcast_in_dim3A_257 masked %eq3A_387 : memref<32x512xf32, #tpu.memory_space<vmem>>[vector<16xi32>, vector<16xi32>], vector<16xf32>, vector<16xi1>
      tpu.vector_store_idx %arg7[%broadcast_in_dim3A_45, %add3A_391], %broadcast_in_dim3A_257 masked %eq3A_387 : memref<32x512xf32, #tpu.memory_space<vmem>>[vector<16xi32>, vector<16xi32>], vector<16xf32>, vector<16xi1>
      tpu.vector_store_idx %arg7[%broadcast_in_dim3A_47, %add3A_391], %broadcast_in_dim3A_257 masked %eq3A_387 : memref<32x512xf32, #tpu.memory_space<vmem>>[vector<16xi32>, vector<16xi32>], vector<16xf32>, vector<16xi1>
      tpu.vector_store_idx %arg7[%broadcast_in_dim3A_49, %add3A_391], %broadcast_in_dim3A_257 masked %eq3A_387 : memref<32x512xf32, #tpu.memory_space<vmem>>[vector<16xi32>, vector<16xi32>], vector<16xf32>, vector<16xi1>
      tpu.vector_store_idx %arg7[%broadcast_in_dim3A_51, %add3A_391], %broadcast_in_dim3A_257 masked %eq3A_387 : memref<32x512xf32, #tpu.memory_space<vmem>>[vector<16xi32>, vector<16xi32>], vector<16xf32>, vector<16xi1>
      tpu.vector_store_idx %arg7[%broadcast_in_dim3A_53, %add3A_391], %broadcast_in_dim3A_257 masked %eq3A_387 : memref<32x512xf32, #tpu.memory_space<vmem>>[vector<16xi32>, vector<16xi32>], vector<16xf32>, vector<16xi1>
      tpu.vector_store_idx %arg7[%broadcast_in_dim3A_55, %add3A_391], %broadcast_in_dim3A_257 masked %eq3A_387 : memref<32x512xf32, #tpu.memory_space<vmem>>[vector<16xi32>, vector<16xi32>], vector<16xf32>, vector<16xi1>
      tpu.vector_store_idx %arg7[%broadcast_in_dim3A_57, %add3A_391], %broadcast_in_dim3A_257 masked %eq3A_387 : memref<32x512xf32, #tpu.memory_space<vmem>>[vector<16xi32>, vector<16xi32>], vector<16xf32>, vector<16xi1>
      tpu.vector_store_idx %arg7[%broadcast_in_dim3A_59, %add3A_391], %broadcast_in_dim3A_257 masked %eq3A_387 : memref<32x512xf32, #tpu.memory_space<vmem>>[vector<16xi32>, vector<16xi32>], vector<16xf32>, vector<16xi1>
      tpu.vector_store_idx %arg7[%broadcast_in_dim3A_61, %add3A_391], %broadcast_in_dim3A_257 masked %eq3A_387 : memref<32x512xf32, #tpu.memory_space<vmem>>[vector<16xi32>, vector<16xi32>], vector<16xf32>, vector<16xi1>
      tpu.vector_store_idx %arg7[%broadcast_in_dim3A_63, %add3A_391], %broadcast_in_dim3A_257 masked %eq3A_387 : memref<32x512xf32, #tpu.memory_space<vmem>>[vector<16xi32>, vector<16xi32>], vector<16xf32>, vector<16xi1>
      tpu.vector_store_idx %arg7[%broadcast_in_dim3A_65, %add3A_391], %broadcast_in_dim3A_257 masked %eq3A_387 : memref<32x512xf32, #tpu.memory_space<vmem>>[vector<16xi32>, vector<16xi32>], vector<16xf32>, vector<16xi1>
      tpu.vector_store_idx %arg7[%broadcast_in_dim3A_67, %add3A_391], %broadcast_in_dim3A_257 masked %eq3A_387 : memref<32x512xf32, #tpu.memory_space<vmem>>[vector<16xi32>, vector<16xi32>], vector<16xf32>, vector<16xi1>
      tpu.vector_store_idx %arg7[%broadcast_in_dim3A_69, %add3A_391], %broadcast_in_dim3A_257 masked %eq3A_387 : memref<32x512xf32, #tpu.memory_space<vmem>>[vector<16xi32>, vector<16xi32>], vector<16xf32>, vector<16xi1>
      %get3A_392 = arith.constant 240 : index
      %get3A_393 = tpu.vector_load %arg5[%get3A_392] {strides = array<i32>} : memref<512xi32, #tpu.memory_space<vmem>>, vector<16xi32>,
      %eq3A_394 = arith.constant 1000000 : i32
      %eq3A_395 = vector.broadcast %eq3A_394 : i32 to vector<16xi32>
      %eq3A_396 = arith.cmpi eq, %get3A_393, %eq3A_395 : vector<16xi32>
      %iota3A_397 = tpu.iota {dimensions = array<i32: 0>} : vector<16xi32>
      %add3A_398 = arith.constant 240 : i32
      %add3A_399 = vector.broadcast %add3A_398 : i32 to vector<16xi32>
      %add3A_400 = arith.addi %iota3A_397, %add3A_399 : vector<16xi32>
      tpu.vector_store_idx %arg7[%broadcast_in_dim3A_7, %add3A_400], %broadcast_in_dim3A_257 masked %eq3A_396 : memref<32x512xf32, #tpu.memory_space<vmem>>[vector<16xi32>, vector<16xi32>], vector<16xf32>, vector<16xi1>
      tpu.vector_store_idx %arg7[%broadcast_in_dim3A_9, %add3A_400], %broadcast_in_dim3A_257 masked %eq3A_396 : memref<32x512xf32, #tpu.memory_space<vmem>>[vector<16xi32>, vector<16xi32>], vector<16xf32>, vector<16xi1>
      tpu.vector_store_idx %arg7[%broadcast_in_dim3A_11, %add3A_400], %broadcast_in_dim3A_257 masked %eq3A_396 : memref<32x512xf32, #tpu.memory_space<vmem>>[vector<16xi32>, vector<16xi32>], vector<16xf32>, vector<16xi1>
      tpu.vector_store_idx %arg7[%broadcast_in_dim3A_13, %add3A_400], %broadcast_in_dim3A_257 masked %eq3A_396 : memref<32x512xf32, #tpu.memory_space<vmem>>[vector<16xi32>, vector<16xi32>], vector<16xf32>, vector<16xi1>
      tpu.vector_store_idx %arg7[%broadcast_in_dim3A_15, %add3A_400], %broadcast_in_dim3A_257 masked %eq3A_396 : memref<32x512xf32, #tpu.memory_space<vmem>>[vector<16xi32>, vector<16xi32>], vector<16xf32>, vector<16xi1>
      tpu.vector_store_idx %arg7[%broadcast_in_dim3A_17, %add3A_400], %broadcast_in_dim3A_257 masked %eq3A_396 : memref<32x512xf32, #tpu.memory_space<vmem>>[vector<16xi32>, vector<16xi32>], vector<16xf32>, vector<16xi1>
      tpu.vector_store_idx %arg7[%broadcast_in_dim3A_19, %add3A_400], %broadcast_in_dim3A_257 masked %eq3A_396 : memref<32x512xf32, #tpu.memory_space<vmem>>[vector<16xi32>, vector<16xi32>], vector<16xf32>, vector<16xi1>
      tpu.vector_store_idx %arg7[%broadcast_in_dim3A_21, %add3A_400], %broadcast_in_dim3A_257 masked %eq3A_396 : memref<32x512xf32, #tpu.memory_space<vmem>>[vector<16xi32>, vector<16xi32>], vector<16xf32>, vector<16xi1>
      tpu.vector_store_idx %arg7[%broadcast_in_dim3A_23, %add3A_400], %broadcast_in_dim3A_257 masked %eq3A_396 : memref<32x512xf32, #tpu.memory_space<vmem>>[vector<16xi32>, vector<16xi32>], vector<16xf32>, vector<16xi1>
      tpu.vector_store_idx %arg7[%broadcast_in_dim3A_25, %add3A_400], %broadcast_in_dim3A_257 masked %eq3A_396 : memref<32x512xf32, #tpu.memory_space<vmem>>[vector<16xi32>, vector<16xi32>], vector<16xf32>, vector<16xi1>
      tpu.vector_store_idx %arg7[%broadcast_in_dim3A_27, %add3A_400], %broadcast_in_dim3A_257 masked %eq3A_396 : memref<32x512xf32, #tpu.memory_space<vmem>>[vector<16xi32>, vector<16xi32>], vector<16xf32>, vector<16xi1>
      tpu.vector_store_idx %arg7[%broadcast_in_dim3A_29, %add3A_400], %broadcast_in_dim3A_257 masked %eq3A_396 : memref<32x512xf32, #tpu.memory_space<vmem>>[vector<16xi32>, vector<16xi32>], vector<16xf32>, vector<16xi1>
      tpu.vector_store_idx %arg7[%broadcast_in_dim3A_31, %add3A_400], %broadcast_in_dim3A_257 masked %eq3A_396 : memref<32x512xf32, #tpu.memory_space<vmem>>[vector<16xi32>, vector<16xi32>], vector<16xf32>, vector<16xi1>
      tpu.vector_store_idx %arg7[%broadcast_in_dim3A_33, %add3A_400], %broadcast_in_dim3A_257 masked %eq3A_396 : memref<32x512xf32, #tpu.memory_space<vmem>>[vector<16xi32>, vector<16xi32>], vector<16xf32>, vector<16xi1>
      tpu.vector_store_idx %arg7[%broadcast_in_dim3A_35, %add3A_400], %broadcast_in_dim3A_257 masked %eq3A_396 : memref<32x512xf32, #tpu.memory_space<vmem>>[vector<16xi32>, vector<16xi32>], vector<16xf32>, vector<16xi1>
      tpu.vector_store_idx %arg7[%broadcast_in_dim3A_37, %add3A_400], %broadcast_in_dim3A_257 masked %eq3A_396 : memref<32x512xf32, #tpu.memory_space<vmem>>[vector<16xi32>, vector<16xi32>], vector<16xf32>, vector<16xi1>
      tpu.vector_store_idx %arg7[%broadcast_in_dim3A_39, %add3A_400], %broadcast_in_dim3A_257 masked %eq3A_396 : memref<32x512xf32, #tpu.memory_space<vmem>>[vector<16xi32>, vector<16xi32>], vector<16xf32>, vector<16xi1>
      tpu.vector_store_idx %arg7[%broadcast_in_dim3A_41, %add3A_400], %broadcast_in_dim3A_257 masked %eq3A_396 : memref<32x512xf32, #tpu.memory_space<vmem>>[vector<16xi32>, vector<16xi32>], vector<16xf32>, vector<16xi1>
      tpu.vector_store_idx %arg7[%broadcast_in_dim3A_43, %add3A_400], %broadcast_in_dim3A_257 masked %eq3A_396 : memref<32x512xf32, #tpu.memory_space<vmem>>[vector<16xi32>, vector<16xi32>], vector<16xf32>, vector<16xi1>
      tpu.vector_store_idx %arg7[%broadcast_in_dim3A_45, %add3A_400], %broadcast_in_dim3A_257 masked %eq3A_396 : memref<32x512xf32, #tpu.memory_space<vmem>>[vector<16xi32>, vector<16xi32>], vector<16xf32>, vector<16xi1>
      tpu.vector_store_idx %arg7[%broadcast_in_dim3A_47, %add3A_400], %broadcast_in_dim3A_257 masked %eq3A_396 : memref<32x512xf32, #tpu.memory_space<vmem>>[vector<16xi32>, vector<16xi32>], vector<16xf32>, vector<16xi1>
      tpu.vector_store_idx %arg7[%broadcast_in_dim3A_49, %add3A_400], %broadcast_in_dim3A_257 masked %eq3A_396 : memref<32x512xf32, #tpu.memory_space<vmem>>[vector<16xi32>, vector<16xi32>], vector<16xf32>, vector<16xi1>
      tpu.vector_store_idx %arg7[%broadcast_in_dim3A_51, %add3A_400], %broadcast_in_dim3A_257 masked %eq3A_396 : memref<32x512xf32, #tpu.memory_space<vmem>>[vector<16xi32>, vector<16xi32>], vector<16xf32>, vector<16xi1>
      tpu.vector_store_idx %arg7[%broadcast_in_dim3A_53, %add3A_400], %broadcast_in_dim3A_257 masked %eq3A_396 : memref<32x512xf32, #tpu.memory_space<vmem>>[vector<16xi32>, vector<16xi32>], vector<16xf32>, vector<16xi1>
      tpu.vector_store_idx %arg7[%broadcast_in_dim3A_55, %add3A_400], %broadcast_in_dim3A_257 masked %eq3A_396 : memref<32x512xf32, #tpu.memory_space<vmem>>[vector<16xi32>, vector<16xi32>], vector<16xf32>, vector<16xi1>
      tpu.vector_store_idx %arg7[%broadcast_in_dim3A_57, %add3A_400], %broadcast_in_dim3A_257 masked %eq3A_396 : memref<32x512xf32, #tpu.memory_space<vmem>>[vector<16xi32>, vector<16xi32>], vector<16xf32>, vector<16xi1>
      tpu.vector_store_idx %arg7[%broadcast_in_dim3A_59, %add3A_400], %broadcast_in_dim3A_257 masked %eq3A_396 : memref<32x512xf32, #tpu.memory_space<vmem>>[vector<16xi32>, vector<16xi32>], vector<16xf32>, vector<16xi1>
      tpu.vector_store_idx %arg7[%broadcast_in_dim3A_61, %add3A_400], %broadcast_in_dim3A_257 masked %eq3A_396 : memref<32x512xf32, #tpu.memory_space<vmem>>[vector<16xi32>, vector<16xi32>], vector<16xf32>, vector<16xi1>
      tpu.vector_store_idx %arg7[%broadcast_in_dim3A_63, %add3A_400], %broadcast_in_dim3A_257 masked %eq3A_396 : memref<32x512xf32, #tpu.memory_space<vmem>>[vector<16xi32>, vector<16xi32>], vector<16xf32>, vector<16xi1>
      tpu.vector_store_idx %arg7[%broadcast_in_dim3A_65, %add3A_400], %broadcast_in_dim3A_257 masked %eq3A_396 : memref<32x512xf32, #tpu.memory_space<vmem>>[vector<16xi32>, vector<16xi32>], vector<16xf32>, vector<16xi1>
      tpu.vector_store_idx %arg7[%broadcast_in_dim3A_67, %add3A_400], %broadcast_in_dim3A_257 masked %eq3A_396 : memref<32x512xf32, #tpu.memory_space<vmem>>[vector<16xi32>, vector<16xi32>], vector<16xf32>, vector<16xi1>
      tpu.vector_store_idx %arg7[%broadcast_in_dim3A_69, %add3A_400], %broadcast_in_dim3A_257 masked %eq3A_396 : memref<32x512xf32, #tpu.memory_space<vmem>>[vector<16xi32>, vector<16xi32>], vector<16xf32>, vector<16xi1>
      %get3A_401 = arith.constant 256 : index
      %get3A_402 = tpu.vector_load %arg5[%get3A_401] {strides = array<i32>} : memref<512xi32, #tpu.memory_space<vmem>>, vector<16xi32>,
      %eq3A_403 = arith.constant 1000000 : i32
      %eq3A_404 = vector.broadcast %eq3A_403 : i32 to vector<16xi32>
      %eq3A_405 = arith.cmpi eq, %get3A_402, %eq3A_404 : vector<16xi32>
      %iota3A_406 = tpu.iota {dimensions = array<i32: 0>} : vector<16xi32>
      %add3A_407 = arith.constant 256 : i32
      %add3A_408 = vector.broadcast %add3A_407 : i32 to vector<16xi32>
      %add3A_409 = arith.addi %iota3A_406, %add3A_408 : vector<16xi32>
      tpu.vector_store_idx %arg7[%broadcast_in_dim3A_7, %add3A_409], %broadcast_in_dim3A_257 masked %eq3A_405 : memref<32x512xf32, #tpu.memory_space<vmem>>[vector<16xi32>, vector<16xi32>], vector<16xf32>, vector<16xi1>
      tpu.vector_store_idx %arg7[%broadcast_in_dim3A_9, %add3A_409], %broadcast_in_dim3A_257 masked %eq3A_405 : memref<32x512xf32, #tpu.memory_space<vmem>>[vector<16xi32>, vector<16xi32>], vector<16xf32>, vector<16xi1>
      tpu.vector_store_idx %arg7[%broadcast_in_dim3A_11, %add3A_409], %broadcast_in_dim3A_257 masked %eq3A_405 : memref<32x512xf32, #tpu.memory_space<vmem>>[vector<16xi32>, vector<16xi32>], vector<16xf32>, vector<16xi1>
      tpu.vector_store_idx %arg7[%broadcast_in_dim3A_13, %add3A_409], %broadcast_in_dim3A_257 masked %eq3A_405 : memref<32x512xf32, #tpu.memory_space<vmem>>[vector<16xi32>, vector<16xi32>], vector<16xf32>, vector<16xi1>
      tpu.vector_store_idx %arg7[%broadcast_in_dim3A_15, %add3A_409], %broadcast_in_dim3A_257 masked %eq3A_405 : memref<32x512xf32, #tpu.memory_space<vmem>>[vector<16xi32>, vector<16xi32>], vector<16xf32>, vector<16xi1>
      tpu.vector_store_idx %arg7[%broadcast_in_dim3A_17, %add3A_409], %broadcast_in_dim3A_257 masked %eq3A_405 : memref<32x512xf32, #tpu.memory_space<vmem>>[vector<16xi32>, vector<16xi32>], vector<16xf32>, vector<16xi1>
      tpu.vector_store_idx %arg7[%broadcast_in_dim3A_19, %add3A_409], %broadcast_in_dim3A_257 masked %eq3A_405 : memref<32x512xf32, #tpu.memory_space<vmem>>[vector<16xi32>, vector<16xi32>], vector<16xf32>, vector<16xi1>
      tpu.vector_store_idx %arg7[%broadcast_in_dim3A_21, %add3A_409], %broadcast_in_dim3A_257 masked %eq3A_405 : memref<32x512xf32, #tpu.memory_space<vmem>>[vector<16xi32>, vector<16xi32>], vector<16xf32>, vector<16xi1>
      tpu.vector_store_idx %arg7[%broadcast_in_dim3A_23, %add3A_409], %broadcast_in_dim3A_257 masked %eq3A_405 : memref<32x512xf32, #tpu.memory_space<vmem>>[vector<16xi32>, vector<16xi32>], vector<16xf32>, vector<16xi1>
      tpu.vector_store_idx %arg7[%broadcast_in_dim3A_25, %add3A_409], %broadcast_in_dim3A_257 masked %eq3A_405 : memref<32x512xf32, #tpu.memory_space<vmem>>[vector<16xi32>, vector<16xi32>], vector<16xf32>, vector<16xi1>
      tpu.vector_store_idx %arg7[%broadcast_in_dim3A_27, %add3A_409], %broadcast_in_dim3A_257 masked %eq3A_405 : memref<32x512xf32, #tpu.memory_space<vmem>>[vector<16xi32>, vector<16xi32>], vector<16xf32>, vector<16xi1>
      tpu.vector_store_idx %arg7[%broadcast_in_dim3A_29, %add3A_409], %broadcast_in_dim3A_257 masked %eq3A_405 : memref<32x512xf32, #tpu.memory_space<vmem>>[vector<16xi32>, vector<16xi32>], vector<16xf32>, vector<16xi1>
      tpu.vector_store_idx %arg7[%broadcast_in_dim3A_31, %add3A_409], %broadcast_in_dim3A_257 masked %eq3A_405 : memref<32x512xf32, #tpu.memory_space<vmem>>[vector<16xi32>, vector<16xi32>], vector<16xf32>, vector<16xi1>
      tpu.vector_store_idx %arg7[%broadcast_in_dim3A_33, %add3A_409], %broadcast_in_dim3A_257 masked %eq3A_405 : memref<32x512xf32, #tpu.memory_space<vmem>>[vector<16xi32>, vector<16xi32>], vector<16xf32>, vector<16xi1>
      tpu.vector_store_idx %arg7[%broadcast_in_dim3A_35, %add3A_409], %broadcast_in_dim3A_257 masked %eq3A_405 : memref<32x512xf32, #tpu.memory_space<vmem>>[vector<16xi32>, vector<16xi32>], vector<16xf32>, vector<16xi1>
      tpu.vector_store_idx %arg7[%broadcast_in_dim3A_37, %add3A_409], %broadcast_in_dim3A_257 masked %eq3A_405 : memref<32x512xf32, #tpu.memory_space<vmem>>[vector<16xi32>, vector<16xi32>], vector<16xf32>, vector<16xi1>
      tpu.vector_store_idx %arg7[%broadcast_in_dim3A_39, %add3A_409], %broadcast_in_dim3A_257 masked %eq3A_405 : memref<32x512xf32, #tpu.memory_space<vmem>>[vector<16xi32>, vector<16xi32>], vector<16xf32>, vector<16xi1>
      tpu.vector_store_idx %arg7[%broadcast_in_dim3A_41, %add3A_409], %broadcast_in_dim3A_257 masked %eq3A_405 : memref<32x512xf32, #tpu.memory_space<vmem>>[vector<16xi32>, vector<16xi32>], vector<16xf32>, vector<16xi1>
      tpu.vector_store_idx %arg7[%broadcast_in_dim3A_43, %add3A_409], %broadcast_in_dim3A_257 masked %eq3A_405 : memref<32x512xf32, #tpu.memory_space<vmem>>[vector<16xi32>, vector<16xi32>], vector<16xf32>, vector<16xi1>
      tpu.vector_store_idx %arg7[%broadcast_in_dim3A_45, %add3A_409], %broadcast_in_dim3A_257 masked %eq3A_405 : memref<32x512xf32, #tpu.memory_space<vmem>>[vector<16xi32>, vector<16xi32>], vector<16xf32>, vector<16xi1>
      tpu.vector_store_idx %arg7[%broadcast_in_dim3A_47, %add3A_409], %broadcast_in_dim3A_257 masked %eq3A_405 : memref<32x512xf32, #tpu.memory_space<vmem>>[vector<16xi32>, vector<16xi32>], vector<16xf32>, vector<16xi1>
      tpu.vector_store_idx %arg7[%broadcast_in_dim3A_49, %add3A_409], %broadcast_in_dim3A_257 masked %eq3A_405 : memref<32x512xf32, #tpu.memory_space<vmem>>[vector<16xi32>, vector<16xi32>], vector<16xf32>, vector<16xi1>
      tpu.vector_store_idx %arg7[%broadcast_in_dim3A_51, %add3A_409], %broadcast_in_dim3A_257 masked %eq3A_405 : memref<32x512xf32, #tpu.memory_space<vmem>>[vector<16xi32>, vector<16xi32>], vector<16xf32>, vector<16xi1>
      tpu.vector_store_idx %arg7[%broadcast_in_dim3A_53, %add3A_409], %broadcast_in_dim3A_257 masked %eq3A_405 : memref<32x512xf32, #tpu.memory_space<vmem>>[vector<16xi32>, vector<16xi32>], vector<16xf32>, vector<16xi1>
      tpu.vector_store_idx %arg7[%broadcast_in_dim3A_55, %add3A_409], %broadcast_in_dim3A_257 masked %eq3A_405 : memref<32x512xf32, #tpu.memory_space<vmem>>[vector<16xi32>, vector<16xi32>], vector<16xf32>, vector<16xi1>
      tpu.vector_store_idx %arg7[%broadcast_in_dim3A_57, %add3A_409], %broadcast_in_dim3A_257 masked %eq3A_405 : memref<32x512xf32, #tpu.memory_space<vmem>>[vector<16xi32>, vector<16xi32>], vector<16xf32>, vector<16xi1>
      tpu.vector_store_idx %arg7[%broadcast_in_dim3A_59, %add3A_409], %broadcast_in_dim3A_257 masked %eq3A_405 : memref<32x512xf32, #tpu.memory_space<vmem>>[vector<16xi32>, vector<16xi32>], vector<16xf32>, vector<16xi1>
      tpu.vector_store_idx %arg7[%broadcast_in_dim3A_61, %add3A_409], %broadcast_in_dim3A_257 masked %eq3A_405 : memref<32x512xf32, #tpu.memory_space<vmem>>[vector<16xi32>, vector<16xi32>], vector<16xf32>, vector<16xi1>
      tpu.vector_store_idx %arg7[%broadcast_in_dim3A_63, %add3A_409], %broadcast_in_dim3A_257 masked %eq3A_405 : memref<32x512xf32, #tpu.memory_space<vmem>>[vector<16xi32>, vector<16xi32>], vector<16xf32>, vector<16xi1>
      tpu.vector_store_idx %arg7[%broadcast_in_dim3A_65, %add3A_409], %broadcast_in_dim3A_257 masked %eq3A_405 : memref<32x512xf32, #tpu.memory_space<vmem>>[vector<16xi32>, vector<16xi32>], vector<16xf32>, vector<16xi1>
      tpu.vector_store_idx %arg7[%broadcast_in_dim3A_67, %add3A_409], %broadcast_in_dim3A_257 masked %eq3A_405 : memref<32x512xf32, #tpu.memory_space<vmem>>[vector<16xi32>, vector<16xi32>], vector<16xf32>, vector<16xi1>
      tpu.vector_store_idx %arg7[%broadcast_in_dim3A_69, %add3A_409], %broadcast_in_dim3A_257 masked %eq3A_405 : memref<32x512xf32, #tpu.memory_space<vmem>>[vector<16xi32>, vector<16xi32>], vector<16xf32>, vector<16xi1>
      %get3A_410 = arith.constant 272 : index
      %get3A_411 = tpu.vector_load %arg5[%get3A_410] {strides = array<i32>} : memref<512xi32, #tpu.memory_space<vmem>>, vector<16xi32>,
      %eq3A_412 = arith.constant 1000000 : i32
      %eq3A_413 = vector.broadcast %eq3A_412 : i32 to vector<16xi32>
      %eq3A_414 = arith.cmpi eq, %get3A_411, %eq3A_413 : vector<16xi32>
      %iota3A_415 = tpu.iota {dimensions = array<i32: 0>} : vector<16xi32>
      %add3A_416 = arith.constant 272 : i32
      %add3A_417 = vector.broadcast %add3A_416 : i32 to vector<16xi32>
      %add3A_418 = arith.addi %iota3A_415, %add3A_417 : vector<16xi32>
      tpu.vector_store_idx %arg7[%broadcast_in_dim3A_7, %add3A_418], %broadcast_in_dim3A_257 masked %eq3A_414 : memref<32x512xf32, #tpu.memory_space<vmem>>[vector<16xi32>, vector<16xi32>], vector<16xf32>, vector<16xi1>
      tpu.vector_store_idx %arg7[%broadcast_in_dim3A_9, %add3A_418], %broadcast_in_dim3A_257 masked %eq3A_414 : memref<32x512xf32, #tpu.memory_space<vmem>>[vector<16xi32>, vector<16xi32>], vector<16xf32>, vector<16xi1>
      tpu.vector_store_idx %arg7[%broadcast_in_dim3A_11, %add3A_418], %broadcast_in_dim3A_257 masked %eq3A_414 : memref<32x512xf32, #tpu.memory_space<vmem>>[vector<16xi32>, vector<16xi32>], vector<16xf32>, vector<16xi1>
      tpu.vector_store_idx %arg7[%broadcast_in_dim3A_13, %add3A_418], %broadcast_in_dim3A_257 masked %eq3A_414 : memref<32x512xf32, #tpu.memory_space<vmem>>[vector<16xi32>, vector<16xi32>], vector<16xf32>, vector<16xi1>
      tpu.vector_store_idx %arg7[%broadcast_in_dim3A_15, %add3A_418], %broadcast_in_dim3A_257 masked %eq3A_414 : memref<32x512xf32, #tpu.memory_space<vmem>>[vector<16xi32>, vector<16xi32>], vector<16xf32>, vector<16xi1>
      tpu.vector_store_idx %arg7[%broadcast_in_dim3A_17, %add3A_418], %broadcast_in_dim3A_257 masked %eq3A_414 : memref<32x512xf32, #tpu.memory_space<vmem>>[vector<16xi32>, vector<16xi32>], vector<16xf32>, vector<16xi1>
      tpu.vector_store_idx %arg7[%broadcast_in_dim3A_19, %add3A_418], %broadcast_in_dim3A_257 masked %eq3A_414 : memref<32x512xf32, #tpu.memory_space<vmem>>[vector<16xi32>, vector<16xi32>], vector<16xf32>, vector<16xi1>
      tpu.vector_store_idx %arg7[%broadcast_in_dim3A_21, %add3A_418], %broadcast_in_dim3A_257 masked %eq3A_414 : memref<32x512xf32, #tpu.memory_space<vmem>>[vector<16xi32>, vector<16xi32>], vector<16xf32>, vector<16xi1>
      tpu.vector_store_idx %arg7[%broadcast_in_dim3A_23, %add3A_418], %broadcast_in_dim3A_257 masked %eq3A_414 : memref<32x512xf32, #tpu.memory_space<vmem>>[vector<16xi32>, vector<16xi32>], vector<16xf32>, vector<16xi1>
      tpu.vector_store_idx %arg7[%broadcast_in_dim3A_25, %add3A_418], %broadcast_in_dim3A_257 masked %eq3A_414 : memref<32x512xf32, #tpu.memory_space<vmem>>[vector<16xi32>, vector<16xi32>], vector<16xf32>, vector<16xi1>
      tpu.vector_store_idx %arg7[%broadcast_in_dim3A_27, %add3A_418], %broadcast_in_dim3A_257 masked %eq3A_414 : memref<32x512xf32, #tpu.memory_space<vmem>>[vector<16xi32>, vector<16xi32>], vector<16xf32>, vector<16xi1>
      tpu.vector_store_idx %arg7[%broadcast_in_dim3A_29, %add3A_418], %broadcast_in_dim3A_257 masked %eq3A_414 : memref<32x512xf32, #tpu.memory_space<vmem>>[vector<16xi32>, vector<16xi32>], vector<16xf32>, vector<16xi1>
      tpu.vector_store_idx %arg7[%broadcast_in_dim3A_31, %add3A_418], %broadcast_in_dim3A_257 masked %eq3A_414 : memref<32x512xf32, #tpu.memory_space<vmem>>[vector<16xi32>, vector<16xi32>], vector<16xf32>, vector<16xi1>
      tpu.vector_store_idx %arg7[%broadcast_in_dim3A_33, %add3A_418], %broadcast_in_dim3A_257 masked %eq3A_414 : memref<32x512xf32, #tpu.memory_space<vmem>>[vector<16xi32>, vector<16xi32>], vector<16xf32>, vector<16xi1>
      tpu.vector_store_idx %arg7[%broadcast_in_dim3A_35, %add3A_418], %broadcast_in_dim3A_257 masked %eq3A_414 : memref<32x512xf32, #tpu.memory_space<vmem>>[vector<16xi32>, vector<16xi32>], vector<16xf32>, vector<16xi1>
      tpu.vector_store_idx %arg7[%broadcast_in_dim3A_37, %add3A_418], %broadcast_in_dim3A_257 masked %eq3A_414 : memref<32x512xf32, #tpu.memory_space<vmem>>[vector<16xi32>, vector<16xi32>], vector<16xf32>, vector<16xi1>
      tpu.vector_store_idx %arg7[%broadcast_in_dim3A_39, %add3A_418], %broadcast_in_dim3A_257 masked %eq3A_414 : memref<32x512xf32, #tpu.memory_space<vmem>>[vector<16xi32>, vector<16xi32>], vector<16xf32>, vector<16xi1>
      tpu.vector_store_idx %arg7[%broadcast_in_dim3A_41, %add3A_418], %broadcast_in_dim3A_257 masked %eq3A_414 : memref<32x512xf32, #tpu.memory_space<vmem>>[vector<16xi32>, vector<16xi32>], vector<16xf32>, vector<16xi1>
      tpu.vector_store_idx %arg7[%broadcast_in_dim3A_43, %add3A_418], %broadcast_in_dim3A_257 masked %eq3A_414 : memref<32x512xf32, #tpu.memory_space<vmem>>[vector<16xi32>, vector<16xi32>], vector<16xf32>, vector<16xi1>
      tpu.vector_store_idx %arg7[%broadcast_in_dim3A_45, %add3A_418], %broadcast_in_dim3A_257 masked %eq3A_414 : memref<32x512xf32, #tpu.memory_space<vmem>>[vector<16xi32>, vector<16xi32>], vector<16xf32>, vector<16xi1>
      tpu.vector_store_idx %arg7[%broadcast_in_dim3A_47, %add3A_418], %broadcast_in_dim3A_257 masked %eq3A_414 : memref<32x512xf32, #tpu.memory_space<vmem>>[vector<16xi32>, vector<16xi32>], vector<16xf32>, vector<16xi1>
      tpu.vector_store_idx %arg7[%broadcast_in_dim3A_49, %add3A_418], %broadcast_in_dim3A_257 masked %eq3A_414 : memref<32x512xf32, #tpu.memory_space<vmem>>[vector<16xi32>, vector<16xi32>], vector<16xf32>, vector<16xi1>
      tpu.vector_store_idx %arg7[%broadcast_in_dim3A_51, %add3A_418], %broadcast_in_dim3A_257 masked %eq3A_414 : memref<32x512xf32, #tpu.memory_space<vmem>>[vector<16xi32>, vector<16xi32>], vector<16xf32>, vector<16xi1>
      tpu.vector_store_idx %arg7[%broadcast_in_dim3A_53, %add3A_418], %broadcast_in_dim3A_257 masked %eq3A_414 : memref<32x512xf32, #tpu.memory_space<vmem>>[vector<16xi32>, vector<16xi32>], vector<16xf32>, vector<16xi1>
      tpu.vector_store_idx %arg7[%broadcast_in_dim3A_55, %add3A_418], %broadcast_in_dim3A_257 masked %eq3A_414 : memref<32x512xf32, #tpu.memory_space<vmem>>[vector<16xi32>, vector<16xi32>], vector<16xf32>, vector<16xi1>
      tpu.vector_store_idx %arg7[%broadcast_in_dim3A_57, %add3A_418], %broadcast_in_dim3A_257 masked %eq3A_414 : memref<32x512xf32, #tpu.memory_space<vmem>>[vector<16xi32>, vector<16xi32>], vector<16xf32>, vector<16xi1>
      tpu.vector_store_idx %arg7[%broadcast_in_dim3A_59, %add3A_418], %broadcast_in_dim3A_257 masked %eq3A_414 : memref<32x512xf32, #tpu.memory_space<vmem>>[vector<16xi32>, vector<16xi32>], vector<16xf32>, vector<16xi1>
      tpu.vector_store_idx %arg7[%broadcast_in_dim3A_61, %add3A_418], %broadcast_in_dim3A_257 masked %eq3A_414 : memref<32x512xf32, #tpu.memory_space<vmem>>[vector<16xi32>, vector<16xi32>], vector<16xf32>, vector<16xi1>
      tpu.vector_store_idx %arg7[%broadcast_in_dim3A_63, %add3A_418], %broadcast_in_dim3A_257 masked %eq3A_414 : memref<32x512xf32, #tpu.memory_space<vmem>>[vector<16xi32>, vector<16xi32>], vector<16xf32>, vector<16xi1>
      tpu.vector_store_idx %arg7[%broadcast_in_dim3A_65, %add3A_418], %broadcast_in_dim3A_257 masked %eq3A_414 : memref<32x512xf32, #tpu.memory_space<vmem>>[vector<16xi32>, vector<16xi32>], vector<16xf32>, vector<16xi1>
      tpu.vector_store_idx %arg7[%broadcast_in_dim3A_67, %add3A_418], %broadcast_in_dim3A_257 masked %eq3A_414 : memref<32x512xf32, #tpu.memory_space<vmem>>[vector<16xi32>, vector<16xi32>], vector<16xf32>, vector<16xi1>
      tpu.vector_store_idx %arg7[%broadcast_in_dim3A_69, %add3A_418], %broadcast_in_dim3A_257 masked %eq3A_414 : memref<32x512xf32, #tpu.memory_space<vmem>>[vector<16xi32>, vector<16xi32>], vector<16xf32>, vector<16xi1>
      %get3A_419 = arith.constant 288 : index
      %get3A_420 = tpu.vector_load %arg5[%get3A_419] {strides = array<i32>} : memref<512xi32, #tpu.memory_space<vmem>>, vector<16xi32>,
      %eq3A_421 = arith.constant 1000000 : i32
      %eq3A_422 = vector.broadcast %eq3A_421 : i32 to vector<16xi32>
      %eq3A_423 = arith.cmpi eq, %get3A_420, %eq3A_422 : vector<16xi32>
      %iota3A_424 = tpu.iota {dimensions = array<i32: 0>} : vector<16xi32>
      %add3A_425 = arith.constant 288 : i32
      %add3A_426 = vector.broadcast %add3A_425 : i32 to vector<16xi32>
      %add3A_427 = arith.addi %iota3A_424, %add3A_426 : vector<16xi32>
      tpu.vector_store_idx %arg7[%broadcast_in_dim3A_7, %add3A_427], %broadcast_in_dim3A_257 masked %eq3A_423 : memref<32x512xf32, #tpu.memory_space<vmem>>[vector<16xi32>, vector<16xi32>], vector<16xf32>, vector<16xi1>
      tpu.vector_store_idx %arg7[%broadcast_in_dim3A_9, %add3A_427], %broadcast_in_dim3A_257 masked %eq3A_423 : memref<32x512xf32, #tpu.memory_space<vmem>>[vector<16xi32>, vector<16xi32>], vector<16xf32>, vector<16xi1>
      tpu.vector_store_idx %arg7[%broadcast_in_dim3A_11, %add3A_427], %broadcast_in_dim3A_257 masked %eq3A_423 : memref<32x512xf32, #tpu.memory_space<vmem>>[vector<16xi32>, vector<16xi32>], vector<16xf32>, vector<16xi1>
      tpu.vector_store_idx %arg7[%broadcast_in_dim3A_13, %add3A_427], %broadcast_in_dim3A_257 masked %eq3A_423 : memref<32x512xf32, #tpu.memory_space<vmem>>[vector<16xi32>, vector<16xi32>], vector<16xf32>, vector<16xi1>
      tpu.vector_store_idx %arg7[%broadcast_in_dim3A_15, %add3A_427], %broadcast_in_dim3A_257 masked %eq3A_423 : memref<32x512xf32, #tpu.memory_space<vmem>>[vector<16xi32>, vector<16xi32>], vector<16xf32>, vector<16xi1>
      tpu.vector_store_idx %arg7[%broadcast_in_dim3A_17, %add3A_427], %broadcast_in_dim3A_257 masked %eq3A_423 : memref<32x512xf32, #tpu.memory_space<vmem>>[vector<16xi32>, vector<16xi32>], vector<16xf32>, vector<16xi1>
      tpu.vector_store_idx %arg7[%broadcast_in_dim3A_19, %add3A_427], %broadcast_in_dim3A_257 masked %eq3A_423 : memref<32x512xf32, #tpu.memory_space<vmem>>[vector<16xi32>, vector<16xi32>], vector<16xf32>, vector<16xi1>
      tpu.vector_store_idx %arg7[%broadcast_in_dim3A_21, %add3A_427], %broadcast_in_dim3A_257 masked %eq3A_423 : memref<32x512xf32, #tpu.memory_space<vmem>>[vector<16xi32>, vector<16xi32>], vector<16xf32>, vector<16xi1>
      tpu.vector_store_idx %arg7[%broadcast_in_dim3A_23, %add3A_427], %broadcast_in_dim3A_257 masked %eq3A_423 : memref<32x512xf32, #tpu.memory_space<vmem>>[vector<16xi32>, vector<16xi32>], vector<16xf32>, vector<16xi1>
      tpu.vector_store_idx %arg7[%broadcast_in_dim3A_25, %add3A_427], %broadcast_in_dim3A_257 masked %eq3A_423 : memref<32x512xf32, #tpu.memory_space<vmem>>[vector<16xi32>, vector<16xi32>], vector<16xf32>, vector<16xi1>
      tpu.vector_store_idx %arg7[%broadcast_in_dim3A_27, %add3A_427], %broadcast_in_dim3A_257 masked %eq3A_423 : memref<32x512xf32, #tpu.memory_space<vmem>>[vector<16xi32>, vector<16xi32>], vector<16xf32>, vector<16xi1>
      tpu.vector_store_idx %arg7[%broadcast_in_dim3A_29, %add3A_427], %broadcast_in_dim3A_257 masked %eq3A_423 : memref<32x512xf32, #tpu.memory_space<vmem>>[vector<16xi32>, vector<16xi32>], vector<16xf32>, vector<16xi1>
      tpu.vector_store_idx %arg7[%broadcast_in_dim3A_31, %add3A_427], %broadcast_in_dim3A_257 masked %eq3A_423 : memref<32x512xf32, #tpu.memory_space<vmem>>[vector<16xi32>, vector<16xi32>], vector<16xf32>, vector<16xi1>
      tpu.vector_store_idx %arg7[%broadcast_in_dim3A_33, %add3A_427], %broadcast_in_dim3A_257 masked %eq3A_423 : memref<32x512xf32, #tpu.memory_space<vmem>>[vector<16xi32>, vector<16xi32>], vector<16xf32>, vector<16xi1>
      tpu.vector_store_idx %arg7[%broadcast_in_dim3A_35, %add3A_427], %broadcast_in_dim3A_257 masked %eq3A_423 : memref<32x512xf32, #tpu.memory_space<vmem>>[vector<16xi32>, vector<16xi32>], vector<16xf32>, vector<16xi1>
      tpu.vector_store_idx %arg7[%broadcast_in_dim3A_37, %add3A_427], %broadcast_in_dim3A_257 masked %eq3A_423 : memref<32x512xf32, #tpu.memory_space<vmem>>[vector<16xi32>, vector<16xi32>], vector<16xf32>, vector<16xi1>
      tpu.vector_store_idx %arg7[%broadcast_in_dim3A_39, %add3A_427], %broadcast_in_dim3A_257 masked %eq3A_423 : memref<32x512xf32, #tpu.memory_space<vmem>>[vector<16xi32>, vector<16xi32>], vector<16xf32>, vector<16xi1>
      tpu.vector_store_idx %arg7[%broadcast_in_dim3A_41, %add3A_427], %broadcast_in_dim3A_257 masked %eq3A_423 : memref<32x512xf32, #tpu.memory_space<vmem>>[vector<16xi32>, vector<16xi32>], vector<16xf32>, vector<16xi1>
      tpu.vector_store_idx %arg7[%broadcast_in_dim3A_43, %add3A_427], %broadcast_in_dim3A_257 masked %eq3A_423 : memref<32x512xf32, #tpu.memory_space<vmem>>[vector<16xi32>, vector<16xi32>], vector<16xf32>, vector<16xi1>
      tpu.vector_store_idx %arg7[%broadcast_in_dim3A_45, %add3A_427], %broadcast_in_dim3A_257 masked %eq3A_423 : memref<32x512xf32, #tpu.memory_space<vmem>>[vector<16xi32>, vector<16xi32>], vector<16xf32>, vector<16xi1>
      tpu.vector_store_idx %arg7[%broadcast_in_dim3A_47, %add3A_427], %broadcast_in_dim3A_257 masked %eq3A_423 : memref<32x512xf32, #tpu.memory_space<vmem>>[vector<16xi32>, vector<16xi32>], vector<16xf32>, vector<16xi1>
      tpu.vector_store_idx %arg7[%broadcast_in_dim3A_49, %add3A_427], %broadcast_in_dim3A_257 masked %eq3A_423 : memref<32x512xf32, #tpu.memory_space<vmem>>[vector<16xi32>, vector<16xi32>], vector<16xf32>, vector<16xi1>
      tpu.vector_store_idx %arg7[%broadcast_in_dim3A_51, %add3A_427], %broadcast_in_dim3A_257 masked %eq3A_423 : memref<32x512xf32, #tpu.memory_space<vmem>>[vector<16xi32>, vector<16xi32>], vector<16xf32>, vector<16xi1>
      tpu.vector_store_idx %arg7[%broadcast_in_dim3A_53, %add3A_427], %broadcast_in_dim3A_257 masked %eq3A_423 : memref<32x512xf32, #tpu.memory_space<vmem>>[vector<16xi32>, vector<16xi32>], vector<16xf32>, vector<16xi1>
      tpu.vector_store_idx %arg7[%broadcast_in_dim3A_55, %add3A_427], %broadcast_in_dim3A_257 masked %eq3A_423 : memref<32x512xf32, #tpu.memory_space<vmem>>[vector<16xi32>, vector<16xi32>], vector<16xf32>, vector<16xi1>
      tpu.vector_store_idx %arg7[%broadcast_in_dim3A_57, %add3A_427], %broadcast_in_dim3A_257 masked %eq3A_423 : memref<32x512xf32, #tpu.memory_space<vmem>>[vector<16xi32>, vector<16xi32>], vector<16xf32>, vector<16xi1>
      tpu.vector_store_idx %arg7[%broadcast_in_dim3A_59, %add3A_427], %broadcast_in_dim3A_257 masked %eq3A_423 : memref<32x512xf32, #tpu.memory_space<vmem>>[vector<16xi32>, vector<16xi32>], vector<16xf32>, vector<16xi1>
      tpu.vector_store_idx %arg7[%broadcast_in_dim3A_61, %add3A_427], %broadcast_in_dim3A_257 masked %eq3A_423 : memref<32x512xf32, #tpu.memory_space<vmem>>[vector<16xi32>, vector<16xi32>], vector<16xf32>, vector<16xi1>
      tpu.vector_store_idx %arg7[%broadcast_in_dim3A_63, %add3A_427], %broadcast_in_dim3A_257 masked %eq3A_423 : memref<32x512xf32, #tpu.memory_space<vmem>>[vector<16xi32>, vector<16xi32>], vector<16xf32>, vector<16xi1>
      tpu.vector_store_idx %arg7[%broadcast_in_dim3A_65, %add3A_427], %broadcast_in_dim3A_257 masked %eq3A_423 : memref<32x512xf32, #tpu.memory_space<vmem>>[vector<16xi32>, vector<16xi32>], vector<16xf32>, vector<16xi1>
      tpu.vector_store_idx %arg7[%broadcast_in_dim3A_67, %add3A_427], %broadcast_in_dim3A_257 masked %eq3A_423 : memref<32x512xf32, #tpu.memory_space<vmem>>[vector<16xi32>, vector<16xi32>], vector<16xf32>, vector<16xi1>
      tpu.vector_store_idx %arg7[%broadcast_in_dim3A_69, %add3A_427], %broadcast_in_dim3A_257 masked %eq3A_423 : memref<32x512xf32, #tpu.memory_space<vmem>>[vector<16xi32>, vector<16xi32>], vector<16xf32>, vector<16xi1>
      %get3A_428 = arith.constant 304 : index
      %get3A_429 = tpu.vector_load %arg5[%get3A_428] {strides = array<i32>} : memref<512xi32, #tpu.memory_space<vmem>>, vector<16xi32>,
      %eq3A_430 = arith.constant 1000000 : i32
      %eq3A_431 = vector.broadcast %eq3A_430 : i32 to vector<16xi32>
      %eq3A_432 = arith.cmpi eq, %get3A_429, %eq3A_431 : vector<16xi32>
      %iota3A_433 = tpu.iota {dimensions = array<i32: 0>} : vector<16xi32>
      %add3A_434 = arith.constant 304 : i32
      %add3A_435 = vector.broadcast %add3A_434 : i32 to vector<16xi32>
      %add3A_436 = arith.addi %iota3A_433, %add3A_435 : vector<16xi32>
      tpu.vector_store_idx %arg7[%broadcast_in_dim3A_7, %add3A_436], %broadcast_in_dim3A_257 masked %eq3A_432 : memref<32x512xf32, #tpu.memory_space<vmem>>[vector<16xi32>, vector<16xi32>], vector<16xf32>, vector<16xi1>
      tpu.vector_store_idx %arg7[%broadcast_in_dim3A_9, %add3A_436], %broadcast_in_dim3A_257 masked %eq3A_432 : memref<32x512xf32, #tpu.memory_space<vmem>>[vector<16xi32>, vector<16xi32>], vector<16xf32>, vector<16xi1>
      tpu.vector_store_idx %arg7[%broadcast_in_dim3A_11, %add3A_436], %broadcast_in_dim3A_257 masked %eq3A_432 : memref<32x512xf32, #tpu.memory_space<vmem>>[vector<16xi32>, vector<16xi32>], vector<16xf32>, vector<16xi1>
      tpu.vector_store_idx %arg7[%broadcast_in_dim3A_13, %add3A_436], %broadcast_in_dim3A_257 masked %eq3A_432 : memref<32x512xf32, #tpu.memory_space<vmem>>[vector<16xi32>, vector<16xi32>], vector<16xf32>, vector<16xi1>
      tpu.vector_store_idx %arg7[%broadcast_in_dim3A_15, %add3A_436], %broadcast_in_dim3A_257 masked %eq3A_432 : memref<32x512xf32, #tpu.memory_space<vmem>>[vector<16xi32>, vector<16xi32>], vector<16xf32>, vector<16xi1>
      tpu.vector_store_idx %arg7[%broadcast_in_dim3A_17, %add3A_436], %broadcast_in_dim3A_257 masked %eq3A_432 : memref<32x512xf32, #tpu.memory_space<vmem>>[vector<16xi32>, vector<16xi32>], vector<16xf32>, vector<16xi1>
      tpu.vector_store_idx %arg7[%broadcast_in_dim3A_19, %add3A_436], %broadcast_in_dim3A_257 masked %eq3A_432 : memref<32x512xf32, #tpu.memory_space<vmem>>[vector<16xi32>, vector<16xi32>], vector<16xf32>, vector<16xi1>
      tpu.vector_store_idx %arg7[%broadcast_in_dim3A_21, %add3A_436], %broadcast_in_dim3A_257 masked %eq3A_432 : memref<32x512xf32, #tpu.memory_space<vmem>>[vector<16xi32>, vector<16xi32>], vector<16xf32>, vector<16xi1>
      tpu.vector_store_idx %arg7[%broadcast_in_dim3A_23, %add3A_436], %broadcast_in_dim3A_257 masked %eq3A_432 : memref<32x512xf32, #tpu.memory_space<vmem>>[vector<16xi32>, vector<16xi32>], vector<16xf32>, vector<16xi1>
      tpu.vector_store_idx %arg7[%broadcast_in_dim3A_25, %add3A_436], %broadcast_in_dim3A_257 masked %eq3A_432 : memref<32x512xf32, #tpu.memory_space<vmem>>[vector<16xi32>, vector<16xi32>], vector<16xf32>, vector<16xi1>
      tpu.vector_store_idx %arg7[%broadcast_in_dim3A_27, %add3A_436], %broadcast_in_dim3A_257 masked %eq3A_432 : memref<32x512xf32, #tpu.memory_space<vmem>>[vector<16xi32>, vector<16xi32>], vector<16xf32>, vector<16xi1>
      tpu.vector_store_idx %arg7[%broadcast_in_dim3A_29, %add3A_436], %broadcast_in_dim3A_257 masked %eq3A_432 : memref<32x512xf32, #tpu.memory_space<vmem>>[vector<16xi32>, vector<16xi32>], vector<16xf32>, vector<16xi1>
      tpu.vector_store_idx %arg7[%broadcast_in_dim3A_31, %add3A_436], %broadcast_in_dim3A_257 masked %eq3A_432 : memref<32x512xf32, #tpu.memory_space<vmem>>[vector<16xi32>, vector<16xi32>], vector<16xf32>, vector<16xi1>
      tpu.vector_store_idx %arg7[%broadcast_in_dim3A_33, %add3A_436], %broadcast_in_dim3A_257 masked %eq3A_432 : memref<32x512xf32, #tpu.memory_space<vmem>>[vector<16xi32>, vector<16xi32>], vector<16xf32>, vector<16xi1>
      tpu.vector_store_idx %arg7[%broadcast_in_dim3A_35, %add3A_436], %broadcast_in_dim3A_257 masked %eq3A_432 : memref<32x512xf32, #tpu.memory_space<vmem>>[vector<16xi32>, vector<16xi32>], vector<16xf32>, vector<16xi1>
      tpu.vector_store_idx %arg7[%broadcast_in_dim3A_37, %add3A_436], %broadcast_in_dim3A_257 masked %eq3A_432 : memref<32x512xf32, #tpu.memory_space<vmem>>[vector<16xi32>, vector<16xi32>], vector<16xf32>, vector<16xi1>
      tpu.vector_store_idx %arg7[%broadcast_in_dim3A_39, %add3A_436], %broadcast_in_dim3A_257 masked %eq3A_432 : memref<32x512xf32, #tpu.memory_space<vmem>>[vector<16xi32>, vector<16xi32>], vector<16xf32>, vector<16xi1>
      tpu.vector_store_idx %arg7[%broadcast_in_dim3A_41, %add3A_436], %broadcast_in_dim3A_257 masked %eq3A_432 : memref<32x512xf32, #tpu.memory_space<vmem>>[vector<16xi32>, vector<16xi32>], vector<16xf32>, vector<16xi1>
      tpu.vector_store_idx %arg7[%broadcast_in_dim3A_43, %add3A_436], %broadcast_in_dim3A_257 masked %eq3A_432 : memref<32x512xf32, #tpu.memory_space<vmem>>[vector<16xi32>, vector<16xi32>], vector<16xf32>, vector<16xi1>
      tpu.vector_store_idx %arg7[%broadcast_in_dim3A_45, %add3A_436], %broadcast_in_dim3A_257 masked %eq3A_432 : memref<32x512xf32, #tpu.memory_space<vmem>>[vector<16xi32>, vector<16xi32>], vector<16xf32>, vector<16xi1>
      tpu.vector_store_idx %arg7[%broadcast_in_dim3A_47, %add3A_436], %broadcast_in_dim3A_257 masked %eq3A_432 : memref<32x512xf32, #tpu.memory_space<vmem>>[vector<16xi32>, vector<16xi32>], vector<16xf32>, vector<16xi1>
      tpu.vector_store_idx %arg7[%broadcast_in_dim3A_49, %add3A_436], %broadcast_in_dim3A_257 masked %eq3A_432 : memref<32x512xf32, #tpu.memory_space<vmem>>[vector<16xi32>, vector<16xi32>], vector<16xf32>, vector<16xi1>
      tpu.vector_store_idx %arg7[%broadcast_in_dim3A_51, %add3A_436], %broadcast_in_dim3A_257 masked %eq3A_432 : memref<32x512xf32, #tpu.memory_space<vmem>>[vector<16xi32>, vector<16xi32>], vector<16xf32>, vector<16xi1>
      tpu.vector_store_idx %arg7[%broadcast_in_dim3A_53, %add3A_436], %broadcast_in_dim3A_257 masked %eq3A_432 : memref<32x512xf32, #tpu.memory_space<vmem>>[vector<16xi32>, vector<16xi32>], vector<16xf32>, vector<16xi1>
      tpu.vector_store_idx %arg7[%broadcast_in_dim3A_55, %add3A_436], %broadcast_in_dim3A_257 masked %eq3A_432 : memref<32x512xf32, #tpu.memory_space<vmem>>[vector<16xi32>, vector<16xi32>], vector<16xf32>, vector<16xi1>
      tpu.vector_store_idx %arg7[%broadcast_in_dim3A_57, %add3A_436], %broadcast_in_dim3A_257 masked %eq3A_432 : memref<32x512xf32, #tpu.memory_space<vmem>>[vector<16xi32>, vector<16xi32>], vector<16xf32>, vector<16xi1>
      tpu.vector_store_idx %arg7[%broadcast_in_dim3A_59, %add3A_436], %broadcast_in_dim3A_257 masked %eq3A_432 : memref<32x512xf32, #tpu.memory_space<vmem>>[vector<16xi32>, vector<16xi32>], vector<16xf32>, vector<16xi1>
      tpu.vector_store_idx %arg7[%broadcast_in_dim3A_61, %add3A_436], %broadcast_in_dim3A_257 masked %eq3A_432 : memref<32x512xf32, #tpu.memory_space<vmem>>[vector<16xi32>, vector<16xi32>], vector<16xf32>, vector<16xi1>
      tpu.vector_store_idx %arg7[%broadcast_in_dim3A_63, %add3A_436], %broadcast_in_dim3A_257 masked %eq3A_432 : memref<32x512xf32, #tpu.memory_space<vmem>>[vector<16xi32>, vector<16xi32>], vector<16xf32>, vector<16xi1>
      tpu.vector_store_idx %arg7[%broadcast_in_dim3A_65, %add3A_436], %broadcast_in_dim3A_257 masked %eq3A_432 : memref<32x512xf32, #tpu.memory_space<vmem>>[vector<16xi32>, vector<16xi32>], vector<16xf32>, vector<16xi1>
      tpu.vector_store_idx %arg7[%broadcast_in_dim3A_67, %add3A_436], %broadcast_in_dim3A_257 masked %eq3A_432 : memref<32x512xf32, #tpu.memory_space<vmem>>[vector<16xi32>, vector<16xi32>], vector<16xf32>, vector<16xi1>
      tpu.vector_store_idx %arg7[%broadcast_in_dim3A_69, %add3A_436], %broadcast_in_dim3A_257 masked %eq3A_432 : memref<32x512xf32, #tpu.memory_space<vmem>>[vector<16xi32>, vector<16xi32>], vector<16xf32>, vector<16xi1>
      %get3A_437 = arith.constant 320 : index
      %get3A_438 = tpu.vector_load %arg5[%get3A_437] {strides = array<i32>} : memref<512xi32, #tpu.memory_space<vmem>>, vector<16xi32>,
      %eq3A_439 = arith.constant 1000000 : i32
      %eq3A_440 = vector.broadcast %eq3A_439 : i32 to vector<16xi32>
      %eq3A_441 = arith.cmpi eq, %get3A_438, %eq3A_440 : vector<16xi32>
      %iota3A_442 = tpu.iota {dimensions = array<i32: 0>} : vector<16xi32>
      %add3A_443 = arith.constant 320 : i32
      %add3A_444 = vector.broadcast %add3A_443 : i32 to vector<16xi32>
      %add3A_445 = arith.addi %iota3A_442, %add3A_444 : vector<16xi32>
      tpu.vector_store_idx %arg7[%broadcast_in_dim3A_7, %add3A_445], %broadcast_in_dim3A_257 masked %eq3A_441 : memref<32x512xf32, #tpu.memory_space<vmem>>[vector<16xi32>, vector<16xi32>], vector<16xf32>, vector<16xi1>
      tpu.vector_store_idx %arg7[%broadcast_in_dim3A_9, %add3A_445], %broadcast_in_dim3A_257 masked %eq3A_441 : memref<32x512xf32, #tpu.memory_space<vmem>>[vector<16xi32>, vector<16xi32>], vector<16xf32>, vector<16xi1>
      tpu.vector_store_idx %arg7[%broadcast_in_dim3A_11, %add3A_445], %broadcast_in_dim3A_257 masked %eq3A_441 : memref<32x512xf32, #tpu.memory_space<vmem>>[vector<16xi32>, vector<16xi32>], vector<16xf32>, vector<16xi1>
      tpu.vector_store_idx %arg7[%broadcast_in_dim3A_13, %add3A_445], %broadcast_in_dim3A_257 masked %eq3A_441 : memref<32x512xf32, #tpu.memory_space<vmem>>[vector<16xi32>, vector<16xi32>], vector<16xf32>, vector<16xi1>
      tpu.vector_store_idx %arg7[%broadcast_in_dim3A_15, %add3A_445], %broadcast_in_dim3A_257 masked %eq3A_441 : memref<32x512xf32, #tpu.memory_space<vmem>>[vector<16xi32>, vector<16xi32>], vector<16xf32>, vector<16xi1>
      tpu.vector_store_idx %arg7[%broadcast_in_dim3A_17, %add3A_445], %broadcast_in_dim3A_257 masked %eq3A_441 : memref<32x512xf32, #tpu.memory_space<vmem>>[vector<16xi32>, vector<16xi32>], vector<16xf32>, vector<16xi1>
      tpu.vector_store_idx %arg7[%broadcast_in_dim3A_19, %add3A_445], %broadcast_in_dim3A_257 masked %eq3A_441 : memref<32x512xf32, #tpu.memory_space<vmem>>[vector<16xi32>, vector<16xi32>], vector<16xf32>, vector<16xi1>
      tpu.vector_store_idx %arg7[%broadcast_in_dim3A_21, %add3A_445], %broadcast_in_dim3A_257 masked %eq3A_441 : memref<32x512xf32, #tpu.memory_space<vmem>>[vector<16xi32>, vector<16xi32>], vector<16xf32>, vector<16xi1>
      tpu.vector_store_idx %arg7[%broadcast_in_dim3A_23, %add3A_445], %broadcast_in_dim3A_257 masked %eq3A_441 : memref<32x512xf32, #tpu.memory_space<vmem>>[vector<16xi32>, vector<16xi32>], vector<16xf32>, vector<16xi1>
      tpu.vector_store_idx %arg7[%broadcast_in_dim3A_25, %add3A_445], %broadcast_in_dim3A_257 masked %eq3A_441 : memref<32x512xf32, #tpu.memory_space<vmem>>[vector<16xi32>, vector<16xi32>], vector<16xf32>, vector<16xi1>
      tpu.vector_store_idx %arg7[%broadcast_in_dim3A_27, %add3A_445], %broadcast_in_dim3A_257 masked %eq3A_441 : memref<32x512xf32, #tpu.memory_space<vmem>>[vector<16xi32>, vector<16xi32>], vector<16xf32>, vector<16xi1>
      tpu.vector_store_idx %arg7[%broadcast_in_dim3A_29, %add3A_445], %broadcast_in_dim3A_257 masked %eq3A_441 : memref<32x512xf32, #tpu.memory_space<vmem>>[vector<16xi32>, vector<16xi32>], vector<16xf32>, vector<16xi1>
      tpu.vector_store_idx %arg7[%broadcast_in_dim3A_31, %add3A_445], %broadcast_in_dim3A_257 masked %eq3A_441 : memref<32x512xf32, #tpu.memory_space<vmem>>[vector<16xi32>, vector<16xi32>], vector<16xf32>, vector<16xi1>
      tpu.vector_store_idx %arg7[%broadcast_in_dim3A_33, %add3A_445], %broadcast_in_dim3A_257 masked %eq3A_441 : memref<32x512xf32, #tpu.memory_space<vmem>>[vector<16xi32>, vector<16xi32>], vector<16xf32>, vector<16xi1>
      tpu.vector_store_idx %arg7[%broadcast_in_dim3A_35, %add3A_445], %broadcast_in_dim3A_257 masked %eq3A_441 : memref<32x512xf32, #tpu.memory_space<vmem>>[vector<16xi32>, vector<16xi32>], vector<16xf32>, vector<16xi1>
      tpu.vector_store_idx %arg7[%broadcast_in_dim3A_37, %add3A_445], %broadcast_in_dim3A_257 masked %eq3A_441 : memref<32x512xf32, #tpu.memory_space<vmem>>[vector<16xi32>, vector<16xi32>], vector<16xf32>, vector<16xi1>
      tpu.vector_store_idx %arg7[%broadcast_in_dim3A_39, %add3A_445], %broadcast_in_dim3A_257 masked %eq3A_441 : memref<32x512xf32, #tpu.memory_space<vmem>>[vector<16xi32>, vector<16xi32>], vector<16xf32>, vector<16xi1>
      tpu.vector_store_idx %arg7[%broadcast_in_dim3A_41, %add3A_445], %broadcast_in_dim3A_257 masked %eq3A_441 : memref<32x512xf32, #tpu.memory_space<vmem>>[vector<16xi32>, vector<16xi32>], vector<16xf32>, vector<16xi1>
      tpu.vector_store_idx %arg7[%broadcast_in_dim3A_43, %add3A_445], %broadcast_in_dim3A_257 masked %eq3A_441 : memref<32x512xf32, #tpu.memory_space<vmem>>[vector<16xi32>, vector<16xi32>], vector<16xf32>, vector<16xi1>
      tpu.vector_store_idx %arg7[%broadcast_in_dim3A_45, %add3A_445], %broadcast_in_dim3A_257 masked %eq3A_441 : memref<32x512xf32, #tpu.memory_space<vmem>>[vector<16xi32>, vector<16xi32>], vector<16xf32>, vector<16xi1>
      tpu.vector_store_idx %arg7[%broadcast_in_dim3A_47, %add3A_445], %broadcast_in_dim3A_257 masked %eq3A_441 : memref<32x512xf32, #tpu.memory_space<vmem>>[vector<16xi32>, vector<16xi32>], vector<16xf32>, vector<16xi1>
      tpu.vector_store_idx %arg7[%broadcast_in_dim3A_49, %add3A_445], %broadcast_in_dim3A_257 masked %eq3A_441 : memref<32x512xf32, #tpu.memory_space<vmem>>[vector<16xi32>, vector<16xi32>], vector<16xf32>, vector<16xi1>
      tpu.vector_store_idx %arg7[%broadcast_in_dim3A_51, %add3A_445], %broadcast_in_dim3A_257 masked %eq3A_441 : memref<32x512xf32, #tpu.memory_space<vmem>>[vector<16xi32>, vector<16xi32>], vector<16xf32>, vector<16xi1>
      tpu.vector_store_idx %arg7[%broadcast_in_dim3A_53, %add3A_445], %broadcast_in_dim3A_257 masked %eq3A_441 : memref<32x512xf32, #tpu.memory_space<vmem>>[vector<16xi32>, vector<16xi32>], vector<16xf32>, vector<16xi1>
      tpu.vector_store_idx %arg7[%broadcast_in_dim3A_55, %add3A_445], %broadcast_in_dim3A_257 masked %eq3A_441 : memref<32x512xf32, #tpu.memory_space<vmem>>[vector<16xi32>, vector<16xi32>], vector<16xf32>, vector<16xi1>
      tpu.vector_store_idx %arg7[%broadcast_in_dim3A_57, %add3A_445], %broadcast_in_dim3A_257 masked %eq3A_441 : memref<32x512xf32, #tpu.memory_space<vmem>>[vector<16xi32>, vector<16xi32>], vector<16xf32>, vector<16xi1>
      tpu.vector_store_idx %arg7[%broadcast_in_dim3A_59, %add3A_445], %broadcast_in_dim3A_257 masked %eq3A_441 : memref<32x512xf32, #tpu.memory_space<vmem>>[vector<16xi32>, vector<16xi32>], vector<16xf32>, vector<16xi1>
      tpu.vector_store_idx %arg7[%broadcast_in_dim3A_61, %add3A_445], %broadcast_in_dim3A_257 masked %eq3A_441 : memref<32x512xf32, #tpu.memory_space<vmem>>[vector<16xi32>, vector<16xi32>], vector<16xf32>, vector<16xi1>
      tpu.vector_store_idx %arg7[%broadcast_in_dim3A_63, %add3A_445], %broadcast_in_dim3A_257 masked %eq3A_441 : memref<32x512xf32, #tpu.memory_space<vmem>>[vector<16xi32>, vector<16xi32>], vector<16xf32>, vector<16xi1>
      tpu.vector_store_idx %arg7[%broadcast_in_dim3A_65, %add3A_445], %broadcast_in_dim3A_257 masked %eq3A_441 : memref<32x512xf32, #tpu.memory_space<vmem>>[vector<16xi32>, vector<16xi32>], vector<16xf32>, vector<16xi1>
      tpu.vector_store_idx %arg7[%broadcast_in_dim3A_67, %add3A_445], %broadcast_in_dim3A_257 masked %eq3A_441 : memref<32x512xf32, #tpu.memory_space<vmem>>[vector<16xi32>, vector<16xi32>], vector<16xf32>, vector<16xi1>
      tpu.vector_store_idx %arg7[%broadcast_in_dim3A_69, %add3A_445], %broadcast_in_dim3A_257 masked %eq3A_441 : memref<32x512xf32, #tpu.memory_space<vmem>>[vector<16xi32>, vector<16xi32>], vector<16xf32>, vector<16xi1>
      %get3A_446 = arith.constant 336 : index
      %get3A_447 = tpu.vector_load %arg5[%get3A_446] {strides = array<i32>} : memref<512xi32, #tpu.memory_space<vmem>>, vector<16xi32>,
      %eq3A_448 = arith.constant 1000000 : i32
      %eq3A_449 = vector.broadcast %eq3A_448 : i32 to vector<16xi32>
      %eq3A_450 = arith.cmpi eq, %get3A_447, %eq3A_449 : vector<16xi32>
      %iota3A_451 = tpu.iota {dimensions = array<i32: 0>} : vector<16xi32>
      %add3A_452 = arith.constant 336 : i32
      %add3A_453 = vector.broadcast %add3A_452 : i32 to vector<16xi32>
      %add3A_454 = arith.addi %iota3A_451, %add3A_453 : vector<16xi32>
      tpu.vector_store_idx %arg7[%broadcast_in_dim3A_7, %add3A_454], %broadcast_in_dim3A_257 masked %eq3A_450 : memref<32x512xf32, #tpu.memory_space<vmem>>[vector<16xi32>, vector<16xi32>], vector<16xf32>, vector<16xi1>
      tpu.vector_store_idx %arg7[%broadcast_in_dim3A_9, %add3A_454], %broadcast_in_dim3A_257 masked %eq3A_450 : memref<32x512xf32, #tpu.memory_space<vmem>>[vector<16xi32>, vector<16xi32>], vector<16xf32>, vector<16xi1>
      tpu.vector_store_idx %arg7[%broadcast_in_dim3A_11, %add3A_454], %broadcast_in_dim3A_257 masked %eq3A_450 : memref<32x512xf32, #tpu.memory_space<vmem>>[vector<16xi32>, vector<16xi32>], vector<16xf32>, vector<16xi1>
      tpu.vector_store_idx %arg7[%broadcast_in_dim3A_13, %add3A_454], %broadcast_in_dim3A_257 masked %eq3A_450 : memref<32x512xf32, #tpu.memory_space<vmem>>[vector<16xi32>, vector<16xi32>], vector<16xf32>, vector<16xi1>
      tpu.vector_store_idx %arg7[%broadcast_in_dim3A_15, %add3A_454], %broadcast_in_dim3A_257 masked %eq3A_450 : memref<32x512xf32, #tpu.memory_space<vmem>>[vector<16xi32>, vector<16xi32>], vector<16xf32>, vector<16xi1>
      tpu.vector_store_idx %arg7[%broadcast_in_dim3A_17, %add3A_454], %broadcast_in_dim3A_257 masked %eq3A_450 : memref<32x512xf32, #tpu.memory_space<vmem>>[vector<16xi32>, vector<16xi32>], vector<16xf32>, vector<16xi1>
      tpu.vector_store_idx %arg7[%broadcast_in_dim3A_19, %add3A_454], %broadcast_in_dim3A_257 masked %eq3A_450 : memref<32x512xf32, #tpu.memory_space<vmem>>[vector<16xi32>, vector<16xi32>], vector<16xf32>, vector<16xi1>
      tpu.vector_store_idx %arg7[%broadcast_in_dim3A_21, %add3A_454], %broadcast_in_dim3A_257 masked %eq3A_450 : memref<32x512xf32, #tpu.memory_space<vmem>>[vector<16xi32>, vector<16xi32>], vector<16xf32>, vector<16xi1>
      tpu.vector_store_idx %arg7[%broadcast_in_dim3A_23, %add3A_454], %broadcast_in_dim3A_257 masked %eq3A_450 : memref<32x512xf32, #tpu.memory_space<vmem>>[vector<16xi32>, vector<16xi32>], vector<16xf32>, vector<16xi1>
      tpu.vector_store_idx %arg7[%broadcast_in_dim3A_25, %add3A_454], %broadcast_in_dim3A_257 masked %eq3A_450 : memref<32x512xf32, #tpu.memory_space<vmem>>[vector<16xi32>, vector<16xi32>], vector<16xf32>, vector<16xi1>
      tpu.vector_store_idx %arg7[%broadcast_in_dim3A_27, %add3A_454], %broadcast_in_dim3A_257 masked %eq3A_450 : memref<32x512xf32, #tpu.memory_space<vmem>>[vector<16xi32>, vector<16xi32>], vector<16xf32>, vector<16xi1>
      tpu.vector_store_idx %arg7[%broadcast_in_dim3A_29, %add3A_454], %broadcast_in_dim3A_257 masked %eq3A_450 : memref<32x512xf32, #tpu.memory_space<vmem>>[vector<16xi32>, vector<16xi32>], vector<16xf32>, vector<16xi1>
      tpu.vector_store_idx %arg7[%broadcast_in_dim3A_31, %add3A_454], %broadcast_in_dim3A_257 masked %eq3A_450 : memref<32x512xf32, #tpu.memory_space<vmem>>[vector<16xi32>, vector<16xi32>], vector<16xf32>, vector<16xi1>
      tpu.vector_store_idx %arg7[%broadcast_in_dim3A_33, %add3A_454], %broadcast_in_dim3A_257 masked %eq3A_450 : memref<32x512xf32, #tpu.memory_space<vmem>>[vector<16xi32>, vector<16xi32>], vector<16xf32>, vector<16xi1>
      tpu.vector_store_idx %arg7[%broadcast_in_dim3A_35, %add3A_454], %broadcast_in_dim3A_257 masked %eq3A_450 : memref<32x512xf32, #tpu.memory_space<vmem>>[vector<16xi32>, vector<16xi32>], vector<16xf32>, vector<16xi1>
      tpu.vector_store_idx %arg7[%broadcast_in_dim3A_37, %add3A_454], %broadcast_in_dim3A_257 masked %eq3A_450 : memref<32x512xf32, #tpu.memory_space<vmem>>[vector<16xi32>, vector<16xi32>], vector<16xf32>, vector<16xi1>
      tpu.vector_store_idx %arg7[%broadcast_in_dim3A_39, %add3A_454], %broadcast_in_dim3A_257 masked %eq3A_450 : memref<32x512xf32, #tpu.memory_space<vmem>>[vector<16xi32>, vector<16xi32>], vector<16xf32>, vector<16xi1>
      tpu.vector_store_idx %arg7[%broadcast_in_dim3A_41, %add3A_454], %broadcast_in_dim3A_257 masked %eq3A_450 : memref<32x512xf32, #tpu.memory_space<vmem>>[vector<16xi32>, vector<16xi32>], vector<16xf32>, vector<16xi1>
      tpu.vector_store_idx %arg7[%broadcast_in_dim3A_43, %add3A_454], %broadcast_in_dim3A_257 masked %eq3A_450 : memref<32x512xf32, #tpu.memory_space<vmem>>[vector<16xi32>, vector<16xi32>], vector<16xf32>, vector<16xi1>
      tpu.vector_store_idx %arg7[%broadcast_in_dim3A_45, %add3A_454], %broadcast_in_dim3A_257 masked %eq3A_450 : memref<32x512xf32, #tpu.memory_space<vmem>>[vector<16xi32>, vector<16xi32>], vector<16xf32>, vector<16xi1>
      tpu.vector_store_idx %arg7[%broadcast_in_dim3A_47, %add3A_454], %broadcast_in_dim3A_257 masked %eq3A_450 : memref<32x512xf32, #tpu.memory_space<vmem>>[vector<16xi32>, vector<16xi32>], vector<16xf32>, vector<16xi1>
      tpu.vector_store_idx %arg7[%broadcast_in_dim3A_49, %add3A_454], %broadcast_in_dim3A_257 masked %eq3A_450 : memref<32x512xf32, #tpu.memory_space<vmem>>[vector<16xi32>, vector<16xi32>], vector<16xf32>, vector<16xi1>
      tpu.vector_store_idx %arg7[%broadcast_in_dim3A_51, %add3A_454], %broadcast_in_dim3A_257 masked %eq3A_450 : memref<32x512xf32, #tpu.memory_space<vmem>>[vector<16xi32>, vector<16xi32>], vector<16xf32>, vector<16xi1>
      tpu.vector_store_idx %arg7[%broadcast_in_dim3A_53, %add3A_454], %broadcast_in_dim3A_257 masked %eq3A_450 : memref<32x512xf32, #tpu.memory_space<vmem>>[vector<16xi32>, vector<16xi32>], vector<16xf32>, vector<16xi1>
      tpu.vector_store_idx %arg7[%broadcast_in_dim3A_55, %add3A_454], %broadcast_in_dim3A_257 masked %eq3A_450 : memref<32x512xf32, #tpu.memory_space<vmem>>[vector<16xi32>, vector<16xi32>], vector<16xf32>, vector<16xi1>
      tpu.vector_store_idx %arg7[%broadcast_in_dim3A_57, %add3A_454], %broadcast_in_dim3A_257 masked %eq3A_450 : memref<32x512xf32, #tpu.memory_space<vmem>>[vector<16xi32>, vector<16xi32>], vector<16xf32>, vector<16xi1>
      tpu.vector_store_idx %arg7[%broadcast_in_dim3A_59, %add3A_454], %broadcast_in_dim3A_257 masked %eq3A_450 : memref<32x512xf32, #tpu.memory_space<vmem>>[vector<16xi32>, vector<16xi32>], vector<16xf32>, vector<16xi1>
      tpu.vector_store_idx %arg7[%broadcast_in_dim3A_61, %add3A_454], %broadcast_in_dim3A_257 masked %eq3A_450 : memref<32x512xf32, #tpu.memory_space<vmem>>[vector<16xi32>, vector<16xi32>], vector<16xf32>, vector<16xi1>
      tpu.vector_store_idx %arg7[%broadcast_in_dim3A_63, %add3A_454], %broadcast_in_dim3A_257 masked %eq3A_450 : memref<32x512xf32, #tpu.memory_space<vmem>>[vector<16xi32>, vector<16xi32>], vector<16xf32>, vector<16xi1>
      tpu.vector_store_idx %arg7[%broadcast_in_dim3A_65, %add3A_454], %broadcast_in_dim3A_257 masked %eq3A_450 : memref<32x512xf32, #tpu.memory_space<vmem>>[vector<16xi32>, vector<16xi32>], vector<16xf32>, vector<16xi1>
      tpu.vector_store_idx %arg7[%broadcast_in_dim3A_67, %add3A_454], %broadcast_in_dim3A_257 masked %eq3A_450 : memref<32x512xf32, #tpu.memory_space<vmem>>[vector<16xi32>, vector<16xi32>], vector<16xf32>, vector<16xi1>
      tpu.vector_store_idx %arg7[%broadcast_in_dim3A_69, %add3A_454], %broadcast_in_dim3A_257 masked %eq3A_450 : memref<32x512xf32, #tpu.memory_space<vmem>>[vector<16xi32>, vector<16xi32>], vector<16xf32>, vector<16xi1>
      %get3A_455 = arith.constant 352 : index
      %get3A_456 = tpu.vector_load %arg5[%get3A_455] {strides = array<i32>} : memref<512xi32, #tpu.memory_space<vmem>>, vector<16xi32>,
      %eq3A_457 = arith.constant 1000000 : i32
      %eq3A_458 = vector.broadcast %eq3A_457 : i32 to vector<16xi32>
      %eq3A_459 = arith.cmpi eq, %get3A_456, %eq3A_458 : vector<16xi32>
      %iota3A_460 = tpu.iota {dimensions = array<i32: 0>} : vector<16xi32>
      %add3A_461 = arith.constant 352 : i32
      %add3A_462 = vector.broadcast %add3A_461 : i32 to vector<16xi32>
      %add3A_463 = arith.addi %iota3A_460, %add3A_462 : vector<16xi32>
      tpu.vector_store_idx %arg7[%broadcast_in_dim3A_7, %add3A_463], %broadcast_in_dim3A_257 masked %eq3A_459 : memref<32x512xf32, #tpu.memory_space<vmem>>[vector<16xi32>, vector<16xi32>], vector<16xf32>, vector<16xi1>
      tpu.vector_store_idx %arg7[%broadcast_in_dim3A_9, %add3A_463], %broadcast_in_dim3A_257 masked %eq3A_459 : memref<32x512xf32, #tpu.memory_space<vmem>>[vector<16xi32>, vector<16xi32>], vector<16xf32>, vector<16xi1>
      tpu.vector_store_idx %arg7[%broadcast_in_dim3A_11, %add3A_463], %broadcast_in_dim3A_257 masked %eq3A_459 : memref<32x512xf32, #tpu.memory_space<vmem>>[vector<16xi32>, vector<16xi32>], vector<16xf32>, vector<16xi1>
      tpu.vector_store_idx %arg7[%broadcast_in_dim3A_13, %add3A_463], %broadcast_in_dim3A_257 masked %eq3A_459 : memref<32x512xf32, #tpu.memory_space<vmem>>[vector<16xi32>, vector<16xi32>], vector<16xf32>, vector<16xi1>
      tpu.vector_store_idx %arg7[%broadcast_in_dim3A_15, %add3A_463], %broadcast_in_dim3A_257 masked %eq3A_459 : memref<32x512xf32, #tpu.memory_space<vmem>>[vector<16xi32>, vector<16xi32>], vector<16xf32>, vector<16xi1>
      tpu.vector_store_idx %arg7[%broadcast_in_dim3A_17, %add3A_463], %broadcast_in_dim3A_257 masked %eq3A_459 : memref<32x512xf32, #tpu.memory_space<vmem>>[vector<16xi32>, vector<16xi32>], vector<16xf32>, vector<16xi1>
      tpu.vector_store_idx %arg7[%broadcast_in_dim3A_19, %add3A_463], %broadcast_in_dim3A_257 masked %eq3A_459 : memref<32x512xf32, #tpu.memory_space<vmem>>[vector<16xi32>, vector<16xi32>], vector<16xf32>, vector<16xi1>
      tpu.vector_store_idx %arg7[%broadcast_in_dim3A_21, %add3A_463], %broadcast_in_dim3A_257 masked %eq3A_459 : memref<32x512xf32, #tpu.memory_space<vmem>>[vector<16xi32>, vector<16xi32>], vector<16xf32>, vector<16xi1>
      tpu.vector_store_idx %arg7[%broadcast_in_dim3A_23, %add3A_463], %broadcast_in_dim3A_257 masked %eq3A_459 : memref<32x512xf32, #tpu.memory_space<vmem>>[vector<16xi32>, vector<16xi32>], vector<16xf32>, vector<16xi1>
      tpu.vector_store_idx %arg7[%broadcast_in_dim3A_25, %add3A_463], %broadcast_in_dim3A_257 masked %eq3A_459 : memref<32x512xf32, #tpu.memory_space<vmem>>[vector<16xi32>, vector<16xi32>], vector<16xf32>, vector<16xi1>
      tpu.vector_store_idx %arg7[%broadcast_in_dim3A_27, %add3A_463], %broadcast_in_dim3A_257 masked %eq3A_459 : memref<32x512xf32, #tpu.memory_space<vmem>>[vector<16xi32>, vector<16xi32>], vector<16xf32>, vector<16xi1>
      tpu.vector_store_idx %arg7[%broadcast_in_dim3A_29, %add3A_463], %broadcast_in_dim3A_257 masked %eq3A_459 : memref<32x512xf32, #tpu.memory_space<vmem>>[vector<16xi32>, vector<16xi32>], vector<16xf32>, vector<16xi1>
      tpu.vector_store_idx %arg7[%broadcast_in_dim3A_31, %add3A_463], %broadcast_in_dim3A_257 masked %eq3A_459 : memref<32x512xf32, #tpu.memory_space<vmem>>[vector<16xi32>, vector<16xi32>], vector<16xf32>, vector<16xi1>
      tpu.vector_store_idx %arg7[%broadcast_in_dim3A_33, %add3A_463], %broadcast_in_dim3A_257 masked %eq3A_459 : memref<32x512xf32, #tpu.memory_space<vmem>>[vector<16xi32>, vector<16xi32>], vector<16xf32>, vector<16xi1>
      tpu.vector_store_idx %arg7[%broadcast_in_dim3A_35, %add3A_463], %broadcast_in_dim3A_257 masked %eq3A_459 : memref<32x512xf32, #tpu.memory_space<vmem>>[vector<16xi32>, vector<16xi32>], vector<16xf32>, vector<16xi1>
      tpu.vector_store_idx %arg7[%broadcast_in_dim3A_37, %add3A_463], %broadcast_in_dim3A_257 masked %eq3A_459 : memref<32x512xf32, #tpu.memory_space<vmem>>[vector<16xi32>, vector<16xi32>], vector<16xf32>, vector<16xi1>
      tpu.vector_store_idx %arg7[%broadcast_in_dim3A_39, %add3A_463], %broadcast_in_dim3A_257 masked %eq3A_459 : memref<32x512xf32, #tpu.memory_space<vmem>>[vector<16xi32>, vector<16xi32>], vector<16xf32>, vector<16xi1>
      tpu.vector_store_idx %arg7[%broadcast_in_dim3A_41, %add3A_463], %broadcast_in_dim3A_257 masked %eq3A_459 : memref<32x512xf32, #tpu.memory_space<vmem>>[vector<16xi32>, vector<16xi32>], vector<16xf32>, vector<16xi1>
      tpu.vector_store_idx %arg7[%broadcast_in_dim3A_43, %add3A_463], %broadcast_in_dim3A_257 masked %eq3A_459 : memref<32x512xf32, #tpu.memory_space<vmem>>[vector<16xi32>, vector<16xi32>], vector<16xf32>, vector<16xi1>
      tpu.vector_store_idx %arg7[%broadcast_in_dim3A_45, %add3A_463], %broadcast_in_dim3A_257 masked %eq3A_459 : memref<32x512xf32, #tpu.memory_space<vmem>>[vector<16xi32>, vector<16xi32>], vector<16xf32>, vector<16xi1>
      tpu.vector_store_idx %arg7[%broadcast_in_dim3A_47, %add3A_463], %broadcast_in_dim3A_257 masked %eq3A_459 : memref<32x512xf32, #tpu.memory_space<vmem>>[vector<16xi32>, vector<16xi32>], vector<16xf32>, vector<16xi1>
      tpu.vector_store_idx %arg7[%broadcast_in_dim3A_49, %add3A_463], %broadcast_in_dim3A_257 masked %eq3A_459 : memref<32x512xf32, #tpu.memory_space<vmem>>[vector<16xi32>, vector<16xi32>], vector<16xf32>, vector<16xi1>
      tpu.vector_store_idx %arg7[%broadcast_in_dim3A_51, %add3A_463], %broadcast_in_dim3A_257 masked %eq3A_459 : memref<32x512xf32, #tpu.memory_space<vmem>>[vector<16xi32>, vector<16xi32>], vector<16xf32>, vector<16xi1>
      tpu.vector_store_idx %arg7[%broadcast_in_dim3A_53, %add3A_463], %broadcast_in_dim3A_257 masked %eq3A_459 : memref<32x512xf32, #tpu.memory_space<vmem>>[vector<16xi32>, vector<16xi32>], vector<16xf32>, vector<16xi1>
      tpu.vector_store_idx %arg7[%broadcast_in_dim3A_55, %add3A_463], %broadcast_in_dim3A_257 masked %eq3A_459 : memref<32x512xf32, #tpu.memory_space<vmem>>[vector<16xi32>, vector<16xi32>], vector<16xf32>, vector<16xi1>
      tpu.vector_store_idx %arg7[%broadcast_in_dim3A_57, %add3A_463], %broadcast_in_dim3A_257 masked %eq3A_459 : memref<32x512xf32, #tpu.memory_space<vmem>>[vector<16xi32>, vector<16xi32>], vector<16xf32>, vector<16xi1>
      tpu.vector_store_idx %arg7[%broadcast_in_dim3A_59, %add3A_463], %broadcast_in_dim3A_257 masked %eq3A_459 : memref<32x512xf32, #tpu.memory_space<vmem>>[vector<16xi32>, vector<16xi32>], vector<16xf32>, vector<16xi1>
      tpu.vector_store_idx %arg7[%broadcast_in_dim3A_61, %add3A_463], %broadcast_in_dim3A_257 masked %eq3A_459 : memref<32x512xf32, #tpu.memory_space<vmem>>[vector<16xi32>, vector<16xi32>], vector<16xf32>, vector<16xi1>
      tpu.vector_store_idx %arg7[%broadcast_in_dim3A_63, %add3A_463], %broadcast_in_dim3A_257 masked %eq3A_459 : memref<32x512xf32, #tpu.memory_space<vmem>>[vector<16xi32>, vector<16xi32>], vector<16xf32>, vector<16xi1>
      tpu.vector_store_idx %arg7[%broadcast_in_dim3A_65, %add3A_463], %broadcast_in_dim3A_257 masked %eq3A_459 : memref<32x512xf32, #tpu.memory_space<vmem>>[vector<16xi32>, vector<16xi32>], vector<16xf32>, vector<16xi1>
      tpu.vector_store_idx %arg7[%broadcast_in_dim3A_67, %add3A_463], %broadcast_in_dim3A_257 masked %eq3A_459 : memref<32x512xf32, #tpu.memory_space<vmem>>[vector<16xi32>, vector<16xi32>], vector<16xf32>, vector<16xi1>
      tpu.vector_store_idx %arg7[%broadcast_in_dim3A_69, %add3A_463], %broadcast_in_dim3A_257 masked %eq3A_459 : memref<32x512xf32, #tpu.memory_space<vmem>>[vector<16xi32>, vector<16xi32>], vector<16xf32>, vector<16xi1>
      %get3A_464 = arith.constant 368 : index
      %get3A_465 = tpu.vector_load %arg5[%get3A_464] {strides = array<i32>} : memref<512xi32, #tpu.memory_space<vmem>>, vector<16xi32>,
      %eq3A_466 = arith.constant 1000000 : i32
      %eq3A_467 = vector.broadcast %eq3A_466 : i32 to vector<16xi32>
      %eq3A_468 = arith.cmpi eq, %get3A_465, %eq3A_467 : vector<16xi32>
      %iota3A_469 = tpu.iota {dimensions = array<i32: 0>} : vector<16xi32>
      %add3A_470 = arith.constant 368 : i32
      %add3A_471 = vector.broadcast %add3A_470 : i32 to vector<16xi32>
      %add3A_472 = arith.addi %iota3A_469, %add3A_471 : vector<16xi32>
      tpu.vector_store_idx %arg7[%broadcast_in_dim3A_7, %add3A_472], %broadcast_in_dim3A_257 masked %eq3A_468 : memref<32x512xf32, #tpu.memory_space<vmem>>[vector<16xi32>, vector<16xi32>], vector<16xf32>, vector<16xi1>
      tpu.vector_store_idx %arg7[%broadcast_in_dim3A_9, %add3A_472], %broadcast_in_dim3A_257 masked %eq3A_468 : memref<32x512xf32, #tpu.memory_space<vmem>>[vector<16xi32>, vector<16xi32>], vector<16xf32>, vector<16xi1>
      tpu.vector_store_idx %arg7[%broadcast_in_dim3A_11, %add3A_472], %broadcast_in_dim3A_257 masked %eq3A_468 : memref<32x512xf32, #tpu.memory_space<vmem>>[vector<16xi32>, vector<16xi32>], vector<16xf32>, vector<16xi1>
      tpu.vector_store_idx %arg7[%broadcast_in_dim3A_13, %add3A_472], %broadcast_in_dim3A_257 masked %eq3A_468 : memref<32x512xf32, #tpu.memory_space<vmem>>[vector<16xi32>, vector<16xi32>], vector<16xf32>, vector<16xi1>
      tpu.vector_store_idx %arg7[%broadcast_in_dim3A_15, %add3A_472], %broadcast_in_dim3A_257 masked %eq3A_468 : memref<32x512xf32, #tpu.memory_space<vmem>>[vector<16xi32>, vector<16xi32>], vector<16xf32>, vector<16xi1>
      tpu.vector_store_idx %arg7[%broadcast_in_dim3A_17, %add3A_472], %broadcast_in_dim3A_257 masked %eq3A_468 : memref<32x512xf32, #tpu.memory_space<vmem>>[vector<16xi32>, vector<16xi32>], vector<16xf32>, vector<16xi1>
      tpu.vector_store_idx %arg7[%broadcast_in_dim3A_19, %add3A_472], %broadcast_in_dim3A_257 masked %eq3A_468 : memref<32x512xf32, #tpu.memory_space<vmem>>[vector<16xi32>, vector<16xi32>], vector<16xf32>, vector<16xi1>
      tpu.vector_store_idx %arg7[%broadcast_in_dim3A_21, %add3A_472], %broadcast_in_dim3A_257 masked %eq3A_468 : memref<32x512xf32, #tpu.memory_space<vmem>>[vector<16xi32>, vector<16xi32>], vector<16xf32>, vector<16xi1>
      tpu.vector_store_idx %arg7[%broadcast_in_dim3A_23, %add3A_472], %broadcast_in_dim3A_257 masked %eq3A_468 : memref<32x512xf32, #tpu.memory_space<vmem>>[vector<16xi32>, vector<16xi32>], vector<16xf32>, vector<16xi1>
      tpu.vector_store_idx %arg7[%broadcast_in_dim3A_25, %add3A_472], %broadcast_in_dim3A_257 masked %eq3A_468 : memref<32x512xf32, #tpu.memory_space<vmem>>[vector<16xi32>, vector<16xi32>], vector<16xf32>, vector<16xi1>
      tpu.vector_store_idx %arg7[%broadcast_in_dim3A_27, %add3A_472], %broadcast_in_dim3A_257 masked %eq3A_468 : memref<32x512xf32, #tpu.memory_space<vmem>>[vector<16xi32>, vector<16xi32>], vector<16xf32>, vector<16xi1>
      tpu.vector_store_idx %arg7[%broadcast_in_dim3A_29, %add3A_472], %broadcast_in_dim3A_257 masked %eq3A_468 : memref<32x512xf32, #tpu.memory_space<vmem>>[vector<16xi32>, vector<16xi32>], vector<16xf32>, vector<16xi1>
      tpu.vector_store_idx %arg7[%broadcast_in_dim3A_31, %add3A_472], %broadcast_in_dim3A_257 masked %eq3A_468 : memref<32x512xf32, #tpu.memory_space<vmem>>[vector<16xi32>, vector<16xi32>], vector<16xf32>, vector<16xi1>
      tpu.vector_store_idx %arg7[%broadcast_in_dim3A_33, %add3A_472], %broadcast_in_dim3A_257 masked %eq3A_468 : memref<32x512xf32, #tpu.memory_space<vmem>>[vector<16xi32>, vector<16xi32>], vector<16xf32>, vector<16xi1>
      tpu.vector_store_idx %arg7[%broadcast_in_dim3A_35, %add3A_472], %broadcast_in_dim3A_257 masked %eq3A_468 : memref<32x512xf32, #tpu.memory_space<vmem>>[vector<16xi32>, vector<16xi32>], vector<16xf32>, vector<16xi1>
      tpu.vector_store_idx %arg7[%broadcast_in_dim3A_37, %add3A_472], %broadcast_in_dim3A_257 masked %eq3A_468 : memref<32x512xf32, #tpu.memory_space<vmem>>[vector<16xi32>, vector<16xi32>], vector<16xf32>, vector<16xi1>
      tpu.vector_store_idx %arg7[%broadcast_in_dim3A_39, %add3A_472], %broadcast_in_dim3A_257 masked %eq3A_468 : memref<32x512xf32, #tpu.memory_space<vmem>>[vector<16xi32>, vector<16xi32>], vector<16xf32>, vector<16xi1>
      tpu.vector_store_idx %arg7[%broadcast_in_dim3A_41, %add3A_472], %broadcast_in_dim3A_257 masked %eq3A_468 : memref<32x512xf32, #tpu.memory_space<vmem>>[vector<16xi32>, vector<16xi32>], vector<16xf32>, vector<16xi1>
      tpu.vector_store_idx %arg7[%broadcast_in_dim3A_43, %add3A_472], %broadcast_in_dim3A_257 masked %eq3A_468 : memref<32x512xf32, #tpu.memory_space<vmem>>[vector<16xi32>, vector<16xi32>], vector<16xf32>, vector<16xi1>
      tpu.vector_store_idx %arg7[%broadcast_in_dim3A_45, %add3A_472], %broadcast_in_dim3A_257 masked %eq3A_468 : memref<32x512xf32, #tpu.memory_space<vmem>>[vector<16xi32>, vector<16xi32>], vector<16xf32>, vector<16xi1>
      tpu.vector_store_idx %arg7[%broadcast_in_dim3A_47, %add3A_472], %broadcast_in_dim3A_257 masked %eq3A_468 : memref<32x512xf32, #tpu.memory_space<vmem>>[vector<16xi32>, vector<16xi32>], vector<16xf32>, vector<16xi1>
      tpu.vector_store_idx %arg7[%broadcast_in_dim3A_49, %add3A_472], %broadcast_in_dim3A_257 masked %eq3A_468 : memref<32x512xf32, #tpu.memory_space<vmem>>[vector<16xi32>, vector<16xi32>], vector<16xf32>, vector<16xi1>
      tpu.vector_store_idx %arg7[%broadcast_in_dim3A_51, %add3A_472], %broadcast_in_dim3A_257 masked %eq3A_468 : memref<32x512xf32, #tpu.memory_space<vmem>>[vector<16xi32>, vector<16xi32>], vector<16xf32>, vector<16xi1>
      tpu.vector_store_idx %arg7[%broadcast_in_dim3A_53, %add3A_472], %broadcast_in_dim3A_257 masked %eq3A_468 : memref<32x512xf32, #tpu.memory_space<vmem>>[vector<16xi32>, vector<16xi32>], vector<16xf32>, vector<16xi1>
      tpu.vector_store_idx %arg7[%broadcast_in_dim3A_55, %add3A_472], %broadcast_in_dim3A_257 masked %eq3A_468 : memref<32x512xf32, #tpu.memory_space<vmem>>[vector<16xi32>, vector<16xi32>], vector<16xf32>, vector<16xi1>
      tpu.vector_store_idx %arg7[%broadcast_in_dim3A_57, %add3A_472], %broadcast_in_dim3A_257 masked %eq3A_468 : memref<32x512xf32, #tpu.memory_space<vmem>>[vector<16xi32>, vector<16xi32>], vector<16xf32>, vector<16xi1>
      tpu.vector_store_idx %arg7[%broadcast_in_dim3A_59, %add3A_472], %broadcast_in_dim3A_257 masked %eq3A_468 : memref<32x512xf32, #tpu.memory_space<vmem>>[vector<16xi32>, vector<16xi32>], vector<16xf32>, vector<16xi1>
      tpu.vector_store_idx %arg7[%broadcast_in_dim3A_61, %add3A_472], %broadcast_in_dim3A_257 masked %eq3A_468 : memref<32x512xf32, #tpu.memory_space<vmem>>[vector<16xi32>, vector<16xi32>], vector<16xf32>, vector<16xi1>
      tpu.vector_store_idx %arg7[%broadcast_in_dim3A_63, %add3A_472], %broadcast_in_dim3A_257 masked %eq3A_468 : memref<32x512xf32, #tpu.memory_space<vmem>>[vector<16xi32>, vector<16xi32>], vector<16xf32>, vector<16xi1>
      tpu.vector_store_idx %arg7[%broadcast_in_dim3A_65, %add3A_472], %broadcast_in_dim3A_257 masked %eq3A_468 : memref<32x512xf32, #tpu.memory_space<vmem>>[vector<16xi32>, vector<16xi32>], vector<16xf32>, vector<16xi1>
      tpu.vector_store_idx %arg7[%broadcast_in_dim3A_67, %add3A_472], %broadcast_in_dim3A_257 masked %eq3A_468 : memref<32x512xf32, #tpu.memory_space<vmem>>[vector<16xi32>, vector<16xi32>], vector<16xf32>, vector<16xi1>
      tpu.vector_store_idx %arg7[%broadcast_in_dim3A_69, %add3A_472], %broadcast_in_dim3A_257 masked %eq3A_468 : memref<32x512xf32, #tpu.memory_space<vmem>>[vector<16xi32>, vector<16xi32>], vector<16xf32>, vector<16xi1>
      %get3A_473 = arith.constant 384 : index
      %get3A_474 = tpu.vector_load %arg5[%get3A_473] {strides = array<i32>} : memref<512xi32, #tpu.memory_space<vmem>>, vector<16xi32>,
      %eq3A_475 = arith.constant 1000000 : i32
      %eq3A_476 = vector.broadcast %eq3A_475 : i32 to vector<16xi32>
      %eq3A_477 = arith.cmpi eq, %get3A_474, %eq3A_476 : vector<16xi32>
      %iota3A_478 = tpu.iota {dimensions = array<i32: 0>} : vector<16xi32>
      %add3A_479 = arith.constant 384 : i32
      %add3A_480 = vector.broadcast %add3A_479 : i32 to vector<16xi32>
      %add3A_481 = arith.addi %iota3A_478, %add3A_480 : vector<16xi32>
      tpu.vector_store_idx %arg7[%broadcast_in_dim3A_7, %add3A_481], %broadcast_in_dim3A_257 masked %eq3A_477 : memref<32x512xf32, #tpu.memory_space<vmem>>[vector<16xi32>, vector<16xi32>], vector<16xf32>, vector<16xi1>
      tpu.vector_store_idx %arg7[%broadcast_in_dim3A_9, %add3A_481], %broadcast_in_dim3A_257 masked %eq3A_477 : memref<32x512xf32, #tpu.memory_space<vmem>>[vector<16xi32>, vector<16xi32>], vector<16xf32>, vector<16xi1>
      tpu.vector_store_idx %arg7[%broadcast_in_dim3A_11, %add3A_481], %broadcast_in_dim3A_257 masked %eq3A_477 : memref<32x512xf32, #tpu.memory_space<vmem>>[vector<16xi32>, vector<16xi32>], vector<16xf32>, vector<16xi1>
      tpu.vector_store_idx %arg7[%broadcast_in_dim3A_13, %add3A_481], %broadcast_in_dim3A_257 masked %eq3A_477 : memref<32x512xf32, #tpu.memory_space<vmem>>[vector<16xi32>, vector<16xi32>], vector<16xf32>, vector<16xi1>
      tpu.vector_store_idx %arg7[%broadcast_in_dim3A_15, %add3A_481], %broadcast_in_dim3A_257 masked %eq3A_477 : memref<32x512xf32, #tpu.memory_space<vmem>>[vector<16xi32>, vector<16xi32>], vector<16xf32>, vector<16xi1>
      tpu.vector_store_idx %arg7[%broadcast_in_dim3A_17, %add3A_481], %broadcast_in_dim3A_257 masked %eq3A_477 : memref<32x512xf32, #tpu.memory_space<vmem>>[vector<16xi32>, vector<16xi32>], vector<16xf32>, vector<16xi1>
      tpu.vector_store_idx %arg7[%broadcast_in_dim3A_19, %add3A_481], %broadcast_in_dim3A_257 masked %eq3A_477 : memref<32x512xf32, #tpu.memory_space<vmem>>[vector<16xi32>, vector<16xi32>], vector<16xf32>, vector<16xi1>
      tpu.vector_store_idx %arg7[%broadcast_in_dim3A_21, %add3A_481], %broadcast_in_dim3A_257 masked %eq3A_477 : memref<32x512xf32, #tpu.memory_space<vmem>>[vector<16xi32>, vector<16xi32>], vector<16xf32>, vector<16xi1>
      tpu.vector_store_idx %arg7[%broadcast_in_dim3A_23, %add3A_481], %broadcast_in_dim3A_257 masked %eq3A_477 : memref<32x512xf32, #tpu.memory_space<vmem>>[vector<16xi32>, vector<16xi32>], vector<16xf32>, vector<16xi1>
      tpu.vector_store_idx %arg7[%broadcast_in_dim3A_25, %add3A_481], %broadcast_in_dim3A_257 masked %eq3A_477 : memref<32x512xf32, #tpu.memory_space<vmem>>[vector<16xi32>, vector<16xi32>], vector<16xf32>, vector<16xi1>
      tpu.vector_store_idx %arg7[%broadcast_in_dim3A_27, %add3A_481], %broadcast_in_dim3A_257 masked %eq3A_477 : memref<32x512xf32, #tpu.memory_space<vmem>>[vector<16xi32>, vector<16xi32>], vector<16xf32>, vector<16xi1>
      tpu.vector_store_idx %arg7[%broadcast_in_dim3A_29, %add3A_481], %broadcast_in_dim3A_257 masked %eq3A_477 : memref<32x512xf32, #tpu.memory_space<vmem>>[vector<16xi32>, vector<16xi32>], vector<16xf32>, vector<16xi1>
      tpu.vector_store_idx %arg7[%broadcast_in_dim3A_31, %add3A_481], %broadcast_in_dim3A_257 masked %eq3A_477 : memref<32x512xf32, #tpu.memory_space<vmem>>[vector<16xi32>, vector<16xi32>], vector<16xf32>, vector<16xi1>
      tpu.vector_store_idx %arg7[%broadcast_in_dim3A_33, %add3A_481], %broadcast_in_dim3A_257 masked %eq3A_477 : memref<32x512xf32, #tpu.memory_space<vmem>>[vector<16xi32>, vector<16xi32>], vector<16xf32>, vector<16xi1>
      tpu.vector_store_idx %arg7[%broadcast_in_dim3A_35, %add3A_481], %broadcast_in_dim3A_257 masked %eq3A_477 : memref<32x512xf32, #tpu.memory_space<vmem>>[vector<16xi32>, vector<16xi32>], vector<16xf32>, vector<16xi1>
      tpu.vector_store_idx %arg7[%broadcast_in_dim3A_37, %add3A_481], %broadcast_in_dim3A_257 masked %eq3A_477 : memref<32x512xf32, #tpu.memory_space<vmem>>[vector<16xi32>, vector<16xi32>], vector<16xf32>, vector<16xi1>
      tpu.vector_store_idx %arg7[%broadcast_in_dim3A_39, %add3A_481], %broadcast_in_dim3A_257 masked %eq3A_477 : memref<32x512xf32, #tpu.memory_space<vmem>>[vector<16xi32>, vector<16xi32>], vector<16xf32>, vector<16xi1>
      tpu.vector_store_idx %arg7[%broadcast_in_dim3A_41, %add3A_481], %broadcast_in_dim3A_257 masked %eq3A_477 : memref<32x512xf32, #tpu.memory_space<vmem>>[vector<16xi32>, vector<16xi32>], vector<16xf32>, vector<16xi1>
      tpu.vector_store_idx %arg7[%broadcast_in_dim3A_43, %add3A_481], %broadcast_in_dim3A_257 masked %eq3A_477 : memref<32x512xf32, #tpu.memory_space<vmem>>[vector<16xi32>, vector<16xi32>], vector<16xf32>, vector<16xi1>
      tpu.vector_store_idx %arg7[%broadcast_in_dim3A_45, %add3A_481], %broadcast_in_dim3A_257 masked %eq3A_477 : memref<32x512xf32, #tpu.memory_space<vmem>>[vector<16xi32>, vector<16xi32>], vector<16xf32>, vector<16xi1>
      tpu.vector_store_idx %arg7[%broadcast_in_dim3A_47, %add3A_481], %broadcast_in_dim3A_257 masked %eq3A_477 : memref<32x512xf32, #tpu.memory_space<vmem>>[vector<16xi32>, vector<16xi32>], vector<16xf32>, vector<16xi1>
      tpu.vector_store_idx %arg7[%broadcast_in_dim3A_49, %add3A_481], %broadcast_in_dim3A_257 masked %eq3A_477 : memref<32x512xf32, #tpu.memory_space<vmem>>[vector<16xi32>, vector<16xi32>], vector<16xf32>, vector<16xi1>
      tpu.vector_store_idx %arg7[%broadcast_in_dim3A_51, %add3A_481], %broadcast_in_dim3A_257 masked %eq3A_477 : memref<32x512xf32, #tpu.memory_space<vmem>>[vector<16xi32>, vector<16xi32>], vector<16xf32>, vector<16xi1>
      tpu.vector_store_idx %arg7[%broadcast_in_dim3A_53, %add3A_481], %broadcast_in_dim3A_257 masked %eq3A_477 : memref<32x512xf32, #tpu.memory_space<vmem>>[vector<16xi32>, vector<16xi32>], vector<16xf32>, vector<16xi1>
      tpu.vector_store_idx %arg7[%broadcast_in_dim3A_55, %add3A_481], %broadcast_in_dim3A_257 masked %eq3A_477 : memref<32x512xf32, #tpu.memory_space<vmem>>[vector<16xi32>, vector<16xi32>], vector<16xf32>, vector<16xi1>
      tpu.vector_store_idx %arg7[%broadcast_in_dim3A_57, %add3A_481], %broadcast_in_dim3A_257 masked %eq3A_477 : memref<32x512xf32, #tpu.memory_space<vmem>>[vector<16xi32>, vector<16xi32>], vector<16xf32>, vector<16xi1>
      tpu.vector_store_idx %arg7[%broadcast_in_dim3A_59, %add3A_481], %broadcast_in_dim3A_257 masked %eq3A_477 : memref<32x512xf32, #tpu.memory_space<vmem>>[vector<16xi32>, vector<16xi32>], vector<16xf32>, vector<16xi1>
      tpu.vector_store_idx %arg7[%broadcast_in_dim3A_61, %add3A_481], %broadcast_in_dim3A_257 masked %eq3A_477 : memref<32x512xf32, #tpu.memory_space<vmem>>[vector<16xi32>, vector<16xi32>], vector<16xf32>, vector<16xi1>
      tpu.vector_store_idx %arg7[%broadcast_in_dim3A_63, %add3A_481], %broadcast_in_dim3A_257 masked %eq3A_477 : memref<32x512xf32, #tpu.memory_space<vmem>>[vector<16xi32>, vector<16xi32>], vector<16xf32>, vector<16xi1>
      tpu.vector_store_idx %arg7[%broadcast_in_dim3A_65, %add3A_481], %broadcast_in_dim3A_257 masked %eq3A_477 : memref<32x512xf32, #tpu.memory_space<vmem>>[vector<16xi32>, vector<16xi32>], vector<16xf32>, vector<16xi1>
      tpu.vector_store_idx %arg7[%broadcast_in_dim3A_67, %add3A_481], %broadcast_in_dim3A_257 masked %eq3A_477 : memref<32x512xf32, #tpu.memory_space<vmem>>[vector<16xi32>, vector<16xi32>], vector<16xf32>, vector<16xi1>
      tpu.vector_store_idx %arg7[%broadcast_in_dim3A_69, %add3A_481], %broadcast_in_dim3A_257 masked %eq3A_477 : memref<32x512xf32, #tpu.memory_space<vmem>>[vector<16xi32>, vector<16xi32>], vector<16xf32>, vector<16xi1>
      %get3A_482 = arith.constant 400 : index
      %get3A_483 = tpu.vector_load %arg5[%get3A_482] {strides = array<i32>} : memref<512xi32, #tpu.memory_space<vmem>>, vector<16xi32>,
      %eq3A_484 = arith.constant 1000000 : i32
      %eq3A_485 = vector.broadcast %eq3A_484 : i32 to vector<16xi32>
      %eq3A_486 = arith.cmpi eq, %get3A_483, %eq3A_485 : vector<16xi32>
      %iota3A_487 = tpu.iota {dimensions = array<i32: 0>} : vector<16xi32>
      %add3A_488 = arith.constant 400 : i32
      %add3A_489 = vector.broadcast %add3A_488 : i32 to vector<16xi32>
      %add3A_490 = arith.addi %iota3A_487, %add3A_489 : vector<16xi32>
      tpu.vector_store_idx %arg7[%broadcast_in_dim3A_7, %add3A_490], %broadcast_in_dim3A_257 masked %eq3A_486 : memref<32x512xf32, #tpu.memory_space<vmem>>[vector<16xi32>, vector<16xi32>], vector<16xf32>, vector<16xi1>
      tpu.vector_store_idx %arg7[%broadcast_in_dim3A_9, %add3A_490], %broadcast_in_dim3A_257 masked %eq3A_486 : memref<32x512xf32, #tpu.memory_space<vmem>>[vector<16xi32>, vector<16xi32>], vector<16xf32>, vector<16xi1>
      tpu.vector_store_idx %arg7[%broadcast_in_dim3A_11, %add3A_490], %broadcast_in_dim3A_257 masked %eq3A_486 : memref<32x512xf32, #tpu.memory_space<vmem>>[vector<16xi32>, vector<16xi32>], vector<16xf32>, vector<16xi1>
      tpu.vector_store_idx %arg7[%broadcast_in_dim3A_13, %add3A_490], %broadcast_in_dim3A_257 masked %eq3A_486 : memref<32x512xf32, #tpu.memory_space<vmem>>[vector<16xi32>, vector<16xi32>], vector<16xf32>, vector<16xi1>
      tpu.vector_store_idx %arg7[%broadcast_in_dim3A_15, %add3A_490], %broadcast_in_dim3A_257 masked %eq3A_486 : memref<32x512xf32, #tpu.memory_space<vmem>>[vector<16xi32>, vector<16xi32>], vector<16xf32>, vector<16xi1>
      tpu.vector_store_idx %arg7[%broadcast_in_dim3A_17, %add3A_490], %broadcast_in_dim3A_257 masked %eq3A_486 : memref<32x512xf32, #tpu.memory_space<vmem>>[vector<16xi32>, vector<16xi32>], vector<16xf32>, vector<16xi1>
      tpu.vector_store_idx %arg7[%broadcast_in_dim3A_19, %add3A_490], %broadcast_in_dim3A_257 masked %eq3A_486 : memref<32x512xf32, #tpu.memory_space<vmem>>[vector<16xi32>, vector<16xi32>], vector<16xf32>, vector<16xi1>
      tpu.vector_store_idx %arg7[%broadcast_in_dim3A_21, %add3A_490], %broadcast_in_dim3A_257 masked %eq3A_486 : memref<32x512xf32, #tpu.memory_space<vmem>>[vector<16xi32>, vector<16xi32>], vector<16xf32>, vector<16xi1>
      tpu.vector_store_idx %arg7[%broadcast_in_dim3A_23, %add3A_490], %broadcast_in_dim3A_257 masked %eq3A_486 : memref<32x512xf32, #tpu.memory_space<vmem>>[vector<16xi32>, vector<16xi32>], vector<16xf32>, vector<16xi1>
      tpu.vector_store_idx %arg7[%broadcast_in_dim3A_25, %add3A_490], %broadcast_in_dim3A_257 masked %eq3A_486 : memref<32x512xf32, #tpu.memory_space<vmem>>[vector<16xi32>, vector<16xi32>], vector<16xf32>, vector<16xi1>
      tpu.vector_store_idx %arg7[%broadcast_in_dim3A_27, %add3A_490], %broadcast_in_dim3A_257 masked %eq3A_486 : memref<32x512xf32, #tpu.memory_space<vmem>>[vector<16xi32>, vector<16xi32>], vector<16xf32>, vector<16xi1>
      tpu.vector_store_idx %arg7[%broadcast_in_dim3A_29, %add3A_490], %broadcast_in_dim3A_257 masked %eq3A_486 : memref<32x512xf32, #tpu.memory_space<vmem>>[vector<16xi32>, vector<16xi32>], vector<16xf32>, vector<16xi1>
      tpu.vector_store_idx %arg7[%broadcast_in_dim3A_31, %add3A_490], %broadcast_in_dim3A_257 masked %eq3A_486 : memref<32x512xf32, #tpu.memory_space<vmem>>[vector<16xi32>, vector<16xi32>], vector<16xf32>, vector<16xi1>
      tpu.vector_store_idx %arg7[%broadcast_in_dim3A_33, %add3A_490], %broadcast_in_dim3A_257 masked %eq3A_486 : memref<32x512xf32, #tpu.memory_space<vmem>>[vector<16xi32>, vector<16xi32>], vector<16xf32>, vector<16xi1>
      tpu.vector_store_idx %arg7[%broadcast_in_dim3A_35, %add3A_490], %broadcast_in_dim3A_257 masked %eq3A_486 : memref<32x512xf32, #tpu.memory_space<vmem>>[vector<16xi32>, vector<16xi32>], vector<16xf32>, vector<16xi1>
      tpu.vector_store_idx %arg7[%broadcast_in_dim3A_37, %add3A_490], %broadcast_in_dim3A_257 masked %eq3A_486 : memref<32x512xf32, #tpu.memory_space<vmem>>[vector<16xi32>, vector<16xi32>], vector<16xf32>, vector<16xi1>
      tpu.vector_store_idx %arg7[%broadcast_in_dim3A_39, %add3A_490], %broadcast_in_dim3A_257 masked %eq3A_486 : memref<32x512xf32, #tpu.memory_space<vmem>>[vector<16xi32>, vector<16xi32>], vector<16xf32>, vector<16xi1>
      tpu.vector_store_idx %arg7[%broadcast_in_dim3A_41, %add3A_490], %broadcast_in_dim3A_257 masked %eq3A_486 : memref<32x512xf32, #tpu.memory_space<vmem>>[vector<16xi32>, vector<16xi32>], vector<16xf32>, vector<16xi1>
      tpu.vector_store_idx %arg7[%broadcast_in_dim3A_43, %add3A_490], %broadcast_in_dim3A_257 masked %eq3A_486 : memref<32x512xf32, #tpu.memory_space<vmem>>[vector<16xi32>, vector<16xi32>], vector<16xf32>, vector<16xi1>
      tpu.vector_store_idx %arg7[%broadcast_in_dim3A_45, %add3A_490], %broadcast_in_dim3A_257 masked %eq3A_486 : memref<32x512xf32, #tpu.memory_space<vmem>>[vector<16xi32>, vector<16xi32>], vector<16xf32>, vector<16xi1>
      tpu.vector_store_idx %arg7[%broadcast_in_dim3A_47, %add3A_490], %broadcast_in_dim3A_257 masked %eq3A_486 : memref<32x512xf32, #tpu.memory_space<vmem>>[vector<16xi32>, vector<16xi32>], vector<16xf32>, vector<16xi1>
      tpu.vector_store_idx %arg7[%broadcast_in_dim3A_49, %add3A_490], %broadcast_in_dim3A_257 masked %eq3A_486 : memref<32x512xf32, #tpu.memory_space<vmem>>[vector<16xi32>, vector<16xi32>], vector<16xf32>, vector<16xi1>
      tpu.vector_store_idx %arg7[%broadcast_in_dim3A_51, %add3A_490], %broadcast_in_dim3A_257 masked %eq3A_486 : memref<32x512xf32, #tpu.memory_space<vmem>>[vector<16xi32>, vector<16xi32>], vector<16xf32>, vector<16xi1>
      tpu.vector_store_idx %arg7[%broadcast_in_dim3A_53, %add3A_490], %broadcast_in_dim3A_257 masked %eq3A_486 : memref<32x512xf32, #tpu.memory_space<vmem>>[vector<16xi32>, vector<16xi32>], vector<16xf32>, vector<16xi1>
      tpu.vector_store_idx %arg7[%broadcast_in_dim3A_55, %add3A_490], %broadcast_in_dim3A_257 masked %eq3A_486 : memref<32x512xf32, #tpu.memory_space<vmem>>[vector<16xi32>, vector<16xi32>], vector<16xf32>, vector<16xi1>
      tpu.vector_store_idx %arg7[%broadcast_in_dim3A_57, %add3A_490], %broadcast_in_dim3A_257 masked %eq3A_486 : memref<32x512xf32, #tpu.memory_space<vmem>>[vector<16xi32>, vector<16xi32>], vector<16xf32>, vector<16xi1>
      tpu.vector_store_idx %arg7[%broadcast_in_dim3A_59, %add3A_490], %broadcast_in_dim3A_257 masked %eq3A_486 : memref<32x512xf32, #tpu.memory_space<vmem>>[vector<16xi32>, vector<16xi32>], vector<16xf32>, vector<16xi1>
      tpu.vector_store_idx %arg7[%broadcast_in_dim3A_61, %add3A_490], %broadcast_in_dim3A_257 masked %eq3A_486 : memref<32x512xf32, #tpu.memory_space<vmem>>[vector<16xi32>, vector<16xi32>], vector<16xf32>, vector<16xi1>
      tpu.vector_store_idx %arg7[%broadcast_in_dim3A_63, %add3A_490], %broadcast_in_dim3A_257 masked %eq3A_486 : memref<32x512xf32, #tpu.memory_space<vmem>>[vector<16xi32>, vector<16xi32>], vector<16xf32>, vector<16xi1>
      tpu.vector_store_idx %arg7[%broadcast_in_dim3A_65, %add3A_490], %broadcast_in_dim3A_257 masked %eq3A_486 : memref<32x512xf32, #tpu.memory_space<vmem>>[vector<16xi32>, vector<16xi32>], vector<16xf32>, vector<16xi1>
      tpu.vector_store_idx %arg7[%broadcast_in_dim3A_67, %add3A_490], %broadcast_in_dim3A_257 masked %eq3A_486 : memref<32x512xf32, #tpu.memory_space<vmem>>[vector<16xi32>, vector<16xi32>], vector<16xf32>, vector<16xi1>
      tpu.vector_store_idx %arg7[%broadcast_in_dim3A_69, %add3A_490], %broadcast_in_dim3A_257 masked %eq3A_486 : memref<32x512xf32, #tpu.memory_space<vmem>>[vector<16xi32>, vector<16xi32>], vector<16xf32>, vector<16xi1>
      %get3A_491 = arith.constant 416 : index
      %get3A_492 = tpu.vector_load %arg5[%get3A_491] {strides = array<i32>} : memref<512xi32, #tpu.memory_space<vmem>>, vector<16xi32>,
      %eq3A_493 = arith.constant 1000000 : i32
      %eq3A_494 = vector.broadcast %eq3A_493 : i32 to vector<16xi32>
      %eq3A_495 = arith.cmpi eq, %get3A_492, %eq3A_494 : vector<16xi32>
      %iota3A_496 = tpu.iota {dimensions = array<i32: 0>} : vector<16xi32>
      %add3A_497 = arith.constant 416 : i32
      %add3A_498 = vector.broadcast %add3A_497 : i32 to vector<16xi32>
      %add3A_499 = arith.addi %iota3A_496, %add3A_498 : vector<16xi32>
      tpu.vector_store_idx %arg7[%broadcast_in_dim3A_7, %add3A_499], %broadcast_in_dim3A_257 masked %eq3A_495 : memref<32x512xf32, #tpu.memory_space<vmem>>[vector<16xi32>, vector<16xi32>], vector<16xf32>, vector<16xi1>
      tpu.vector_store_idx %arg7[%broadcast_in_dim3A_9, %add3A_499], %broadcast_in_dim3A_257 masked %eq3A_495 : memref<32x512xf32, #tpu.memory_space<vmem>>[vector<16xi32>, vector<16xi32>], vector<16xf32>, vector<16xi1>
      tpu.vector_store_idx %arg7[%broadcast_in_dim3A_11, %add3A_499], %broadcast_in_dim3A_257 masked %eq3A_495 : memref<32x512xf32, #tpu.memory_space<vmem>>[vector<16xi32>, vector<16xi32>], vector<16xf32>, vector<16xi1>
      tpu.vector_store_idx %arg7[%broadcast_in_dim3A_13, %add3A_499], %broadcast_in_dim3A_257 masked %eq3A_495 : memref<32x512xf32, #tpu.memory_space<vmem>>[vector<16xi32>, vector<16xi32>], vector<16xf32>, vector<16xi1>
      tpu.vector_store_idx %arg7[%broadcast_in_dim3A_15, %add3A_499], %broadcast_in_dim3A_257 masked %eq3A_495 : memref<32x512xf32, #tpu.memory_space<vmem>>[vector<16xi32>, vector<16xi32>], vector<16xf32>, vector<16xi1>
      tpu.vector_store_idx %arg7[%broadcast_in_dim3A_17, %add3A_499], %broadcast_in_dim3A_257 masked %eq3A_495 : memref<32x512xf32, #tpu.memory_space<vmem>>[vector<16xi32>, vector<16xi32>], vector<16xf32>, vector<16xi1>
      tpu.vector_store_idx %arg7[%broadcast_in_dim3A_19, %add3A_499], %broadcast_in_dim3A_257 masked %eq3A_495 : memref<32x512xf32, #tpu.memory_space<vmem>>[vector<16xi32>, vector<16xi32>], vector<16xf32>, vector<16xi1>
      tpu.vector_store_idx %arg7[%broadcast_in_dim3A_21, %add3A_499], %broadcast_in_dim3A_257 masked %eq3A_495 : memref<32x512xf32, #tpu.memory_space<vmem>>[vector<16xi32>, vector<16xi32>], vector<16xf32>, vector<16xi1>
      tpu.vector_store_idx %arg7[%broadcast_in_dim3A_23, %add3A_499], %broadcast_in_dim3A_257 masked %eq3A_495 : memref<32x512xf32, #tpu.memory_space<vmem>>[vector<16xi32>, vector<16xi32>], vector<16xf32>, vector<16xi1>
      tpu.vector_store_idx %arg7[%broadcast_in_dim3A_25, %add3A_499], %broadcast_in_dim3A_257 masked %eq3A_495 : memref<32x512xf32, #tpu.memory_space<vmem>>[vector<16xi32>, vector<16xi32>], vector<16xf32>, vector<16xi1>
      tpu.vector_store_idx %arg7[%broadcast_in_dim3A_27, %add3A_499], %broadcast_in_dim3A_257 masked %eq3A_495 : memref<32x512xf32, #tpu.memory_space<vmem>>[vector<16xi32>, vector<16xi32>], vector<16xf32>, vector<16xi1>
      tpu.vector_store_idx %arg7[%broadcast_in_dim3A_29, %add3A_499], %broadcast_in_dim3A_257 masked %eq3A_495 : memref<32x512xf32, #tpu.memory_space<vmem>>[vector<16xi32>, vector<16xi32>], vector<16xf32>, vector<16xi1>
      tpu.vector_store_idx %arg7[%broadcast_in_dim3A_31, %add3A_499], %broadcast_in_dim3A_257 masked %eq3A_495 : memref<32x512xf32, #tpu.memory_space<vmem>>[vector<16xi32>, vector<16xi32>], vector<16xf32>, vector<16xi1>
      tpu.vector_store_idx %arg7[%broadcast_in_dim3A_33, %add3A_499], %broadcast_in_dim3A_257 masked %eq3A_495 : memref<32x512xf32, #tpu.memory_space<vmem>>[vector<16xi32>, vector<16xi32>], vector<16xf32>, vector<16xi1>
      tpu.vector_store_idx %arg7[%broadcast_in_dim3A_35, %add3A_499], %broadcast_in_dim3A_257 masked %eq3A_495 : memref<32x512xf32, #tpu.memory_space<vmem>>[vector<16xi32>, vector<16xi32>], vector<16xf32>, vector<16xi1>
      tpu.vector_store_idx %arg7[%broadcast_in_dim3A_37, %add3A_499], %broadcast_in_dim3A_257 masked %eq3A_495 : memref<32x512xf32, #tpu.memory_space<vmem>>[vector<16xi32>, vector<16xi32>], vector<16xf32>, vector<16xi1>
      tpu.vector_store_idx %arg7[%broadcast_in_dim3A_39, %add3A_499], %broadcast_in_dim3A_257 masked %eq3A_495 : memref<32x512xf32, #tpu.memory_space<vmem>>[vector<16xi32>, vector<16xi32>], vector<16xf32>, vector<16xi1>
      tpu.vector_store_idx %arg7[%broadcast_in_dim3A_41, %add3A_499], %broadcast_in_dim3A_257 masked %eq3A_495 : memref<32x512xf32, #tpu.memory_space<vmem>>[vector<16xi32>, vector<16xi32>], vector<16xf32>, vector<16xi1>
      tpu.vector_store_idx %arg7[%broadcast_in_dim3A_43, %add3A_499], %broadcast_in_dim3A_257 masked %eq3A_495 : memref<32x512xf32, #tpu.memory_space<vmem>>[vector<16xi32>, vector<16xi32>], vector<16xf32>, vector<16xi1>
      tpu.vector_store_idx %arg7[%broadcast_in_dim3A_45, %add3A_499], %broadcast_in_dim3A_257 masked %eq3A_495 : memref<32x512xf32, #tpu.memory_space<vmem>>[vector<16xi32>, vector<16xi32>], vector<16xf32>, vector<16xi1>
      tpu.vector_store_idx %arg7[%broadcast_in_dim3A_47, %add3A_499], %broadcast_in_dim3A_257 masked %eq3A_495 : memref<32x512xf32, #tpu.memory_space<vmem>>[vector<16xi32>, vector<16xi32>], vector<16xf32>, vector<16xi1>
      tpu.vector_store_idx %arg7[%broadcast_in_dim3A_49, %add3A_499], %broadcast_in_dim3A_257 masked %eq3A_495 : memref<32x512xf32, #tpu.memory_space<vmem>>[vector<16xi32>, vector<16xi32>], vector<16xf32>, vector<16xi1>
      tpu.vector_store_idx %arg7[%broadcast_in_dim3A_51, %add3A_499], %broadcast_in_dim3A_257 masked %eq3A_495 : memref<32x512xf32, #tpu.memory_space<vmem>>[vector<16xi32>, vector<16xi32>], vector<16xf32>, vector<16xi1>
      tpu.vector_store_idx %arg7[%broadcast_in_dim3A_53, %add3A_499], %broadcast_in_dim3A_257 masked %eq3A_495 : memref<32x512xf32, #tpu.memory_space<vmem>>[vector<16xi32>, vector<16xi32>], vector<16xf32>, vector<16xi1>
      tpu.vector_store_idx %arg7[%broadcast_in_dim3A_55, %add3A_499], %broadcast_in_dim3A_257 masked %eq3A_495 : memref<32x512xf32, #tpu.memory_space<vmem>>[vector<16xi32>, vector<16xi32>], vector<16xf32>, vector<16xi1>
      tpu.vector_store_idx %arg7[%broadcast_in_dim3A_57, %add3A_499], %broadcast_in_dim3A_257 masked %eq3A_495 : memref<32x512xf32, #tpu.memory_space<vmem>>[vector<16xi32>, vector<16xi32>], vector<16xf32>, vector<16xi1>
      tpu.vector_store_idx %arg7[%broadcast_in_dim3A_59, %add3A_499], %broadcast_in_dim3A_257 masked %eq3A_495 : memref<32x512xf32, #tpu.memory_space<vmem>>[vector<16xi32>, vector<16xi32>], vector<16xf32>, vector<16xi1>
      tpu.vector_store_idx %arg7[%broadcast_in_dim3A_61, %add3A_499], %broadcast_in_dim3A_257 masked %eq3A_495 : memref<32x512xf32, #tpu.memory_space<vmem>>[vector<16xi32>, vector<16xi32>], vector<16xf32>, vector<16xi1>
      tpu.vector_store_idx %arg7[%broadcast_in_dim3A_63, %add3A_499], %broadcast_in_dim3A_257 masked %eq3A_495 : memref<32x512xf32, #tpu.memory_space<vmem>>[vector<16xi32>, vector<16xi32>], vector<16xf32>, vector<16xi1>
      tpu.vector_store_idx %arg7[%broadcast_in_dim3A_65, %add3A_499], %broadcast_in_dim3A_257 masked %eq3A_495 : memref<32x512xf32, #tpu.memory_space<vmem>>[vector<16xi32>, vector<16xi32>], vector<16xf32>, vector<16xi1>
      tpu.vector_store_idx %arg7[%broadcast_in_dim3A_67, %add3A_499], %broadcast_in_dim3A_257 masked %eq3A_495 : memref<32x512xf32, #tpu.memory_space<vmem>>[vector<16xi32>, vector<16xi32>], vector<16xf32>, vector<16xi1>
      tpu.vector_store_idx %arg7[%broadcast_in_dim3A_69, %add3A_499], %broadcast_in_dim3A_257 masked %eq3A_495 : memref<32x512xf32, #tpu.memory_space<vmem>>[vector<16xi32>, vector<16xi32>], vector<16xf32>, vector<16xi1>
      %get3A_500 = arith.constant 432 : index
      %get3A_501 = tpu.vector_load %arg5[%get3A_500] {strides = array<i32>} : memref<512xi32, #tpu.memory_space<vmem>>, vector<16xi32>,
      %eq3A_502 = arith.constant 1000000 : i32
      %eq3A_503 = vector.broadcast %eq3A_502 : i32 to vector<16xi32>
      %eq3A_504 = arith.cmpi eq, %get3A_501, %eq3A_503 : vector<16xi32>
      %iota3A_505 = tpu.iota {dimensions = array<i32: 0>} : vector<16xi32>
      %add3A_506 = arith.constant 432 : i32
      %add3A_507 = vector.broadcast %add3A_506 : i32 to vector<16xi32>
      %add3A_508 = arith.addi %iota3A_505, %add3A_507 : vector<16xi32>
      tpu.vector_store_idx %arg7[%broadcast_in_dim3A_7, %add3A_508], %broadcast_in_dim3A_257 masked %eq3A_504 : memref<32x512xf32, #tpu.memory_space<vmem>>[vector<16xi32>, vector<16xi32>], vector<16xf32>, vector<16xi1>
      tpu.vector_store_idx %arg7[%broadcast_in_dim3A_9, %add3A_508], %broadcast_in_dim3A_257 masked %eq3A_504 : memref<32x512xf32, #tpu.memory_space<vmem>>[vector<16xi32>, vector<16xi32>], vector<16xf32>, vector<16xi1>
      tpu.vector_store_idx %arg7[%broadcast_in_dim3A_11, %add3A_508], %broadcast_in_dim3A_257 masked %eq3A_504 : memref<32x512xf32, #tpu.memory_space<vmem>>[vector<16xi32>, vector<16xi32>], vector<16xf32>, vector<16xi1>
      tpu.vector_store_idx %arg7[%broadcast_in_dim3A_13, %add3A_508], %broadcast_in_dim3A_257 masked %eq3A_504 : memref<32x512xf32, #tpu.memory_space<vmem>>[vector<16xi32>, vector<16xi32>], vector<16xf32>, vector<16xi1>
      tpu.vector_store_idx %arg7[%broadcast_in_dim3A_15, %add3A_508], %broadcast_in_dim3A_257 masked %eq3A_504 : memref<32x512xf32, #tpu.memory_space<vmem>>[vector<16xi32>, vector<16xi32>], vector<16xf32>, vector<16xi1>
      tpu.vector_store_idx %arg7[%broadcast_in_dim3A_17, %add3A_508], %broadcast_in_dim3A_257 masked %eq3A_504 : memref<32x512xf32, #tpu.memory_space<vmem>>[vector<16xi32>, vector<16xi32>], vector<16xf32>, vector<16xi1>
      tpu.vector_store_idx %arg7[%broadcast_in_dim3A_19, %add3A_508], %broadcast_in_dim3A_257 masked %eq3A_504 : memref<32x512xf32, #tpu.memory_space<vmem>>[vector<16xi32>, vector<16xi32>], vector<16xf32>, vector<16xi1>
      tpu.vector_store_idx %arg7[%broadcast_in_dim3A_21, %add3A_508], %broadcast_in_dim3A_257 masked %eq3A_504 : memref<32x512xf32, #tpu.memory_space<vmem>>[vector<16xi32>, vector<16xi32>], vector<16xf32>, vector<16xi1>
      tpu.vector_store_idx %arg7[%broadcast_in_dim3A_23, %add3A_508], %broadcast_in_dim3A_257 masked %eq3A_504 : memref<32x512xf32, #tpu.memory_space<vmem>>[vector<16xi32>, vector<16xi32>], vector<16xf32>, vector<16xi1>
      tpu.vector_store_idx %arg7[%broadcast_in_dim3A_25, %add3A_508], %broadcast_in_dim3A_257 masked %eq3A_504 : memref<32x512xf32, #tpu.memory_space<vmem>>[vector<16xi32>, vector<16xi32>], vector<16xf32>, vector<16xi1>
      tpu.vector_store_idx %arg7[%broadcast_in_dim3A_27, %add3A_508], %broadcast_in_dim3A_257 masked %eq3A_504 : memref<32x512xf32, #tpu.memory_space<vmem>>[vector<16xi32>, vector<16xi32>], vector<16xf32>, vector<16xi1>
      tpu.vector_store_idx %arg7[%broadcast_in_dim3A_29, %add3A_508], %broadcast_in_dim3A_257 masked %eq3A_504 : memref<32x512xf32, #tpu.memory_space<vmem>>[vector<16xi32>, vector<16xi32>], vector<16xf32>, vector<16xi1>
      tpu.vector_store_idx %arg7[%broadcast_in_dim3A_31, %add3A_508], %broadcast_in_dim3A_257 masked %eq3A_504 : memref<32x512xf32, #tpu.memory_space<vmem>>[vector<16xi32>, vector<16xi32>], vector<16xf32>, vector<16xi1>
      tpu.vector_store_idx %arg7[%broadcast_in_dim3A_33, %add3A_508], %broadcast_in_dim3A_257 masked %eq3A_504 : memref<32x512xf32, #tpu.memory_space<vmem>>[vector<16xi32>, vector<16xi32>], vector<16xf32>, vector<16xi1>
      tpu.vector_store_idx %arg7[%broadcast_in_dim3A_35, %add3A_508], %broadcast_in_dim3A_257 masked %eq3A_504 : memref<32x512xf32, #tpu.memory_space<vmem>>[vector<16xi32>, vector<16xi32>], vector<16xf32>, vector<16xi1>
      tpu.vector_store_idx %arg7[%broadcast_in_dim3A_37, %add3A_508], %broadcast_in_dim3A_257 masked %eq3A_504 : memref<32x512xf32, #tpu.memory_space<vmem>>[vector<16xi32>, vector<16xi32>], vector<16xf32>, vector<16xi1>
      tpu.vector_store_idx %arg7[%broadcast_in_dim3A_39, %add3A_508], %broadcast_in_dim3A_257 masked %eq3A_504 : memref<32x512xf32, #tpu.memory_space<vmem>>[vector<16xi32>, vector<16xi32>], vector<16xf32>, vector<16xi1>
      tpu.vector_store_idx %arg7[%broadcast_in_dim3A_41, %add3A_508], %broadcast_in_dim3A_257 masked %eq3A_504 : memref<32x512xf32, #tpu.memory_space<vmem>>[vector<16xi32>, vector<16xi32>], vector<16xf32>, vector<16xi1>
      tpu.vector_store_idx %arg7[%broadcast_in_dim3A_43, %add3A_508], %broadcast_in_dim3A_257 masked %eq3A_504 : memref<32x512xf32, #tpu.memory_space<vmem>>[vector<16xi32>, vector<16xi32>], vector<16xf32>, vector<16xi1>
      tpu.vector_store_idx %arg7[%broadcast_in_dim3A_45, %add3A_508], %broadcast_in_dim3A_257 masked %eq3A_504 : memref<32x512xf32, #tpu.memory_space<vmem>>[vector<16xi32>, vector<16xi32>], vector<16xf32>, vector<16xi1>
      tpu.vector_store_idx %arg7[%broadcast_in_dim3A_47, %add3A_508], %broadcast_in_dim3A_257 masked %eq3A_504 : memref<32x512xf32, #tpu.memory_space<vmem>>[vector<16xi32>, vector<16xi32>], vector<16xf32>, vector<16xi1>
      tpu.vector_store_idx %arg7[%broadcast_in_dim3A_49, %add3A_508], %broadcast_in_dim3A_257 masked %eq3A_504 : memref<32x512xf32, #tpu.memory_space<vmem>>[vector<16xi32>, vector<16xi32>], vector<16xf32>, vector<16xi1>
      tpu.vector_store_idx %arg7[%broadcast_in_dim3A_51, %add3A_508], %broadcast_in_dim3A_257 masked %eq3A_504 : memref<32x512xf32, #tpu.memory_space<vmem>>[vector<16xi32>, vector<16xi32>], vector<16xf32>, vector<16xi1>
      tpu.vector_store_idx %arg7[%broadcast_in_dim3A_53, %add3A_508], %broadcast_in_dim3A_257 masked %eq3A_504 : memref<32x512xf32, #tpu.memory_space<vmem>>[vector<16xi32>, vector<16xi32>], vector<16xf32>, vector<16xi1>
      tpu.vector_store_idx %arg7[%broadcast_in_dim3A_55, %add3A_508], %broadcast_in_dim3A_257 masked %eq3A_504 : memref<32x512xf32, #tpu.memory_space<vmem>>[vector<16xi32>, vector<16xi32>], vector<16xf32>, vector<16xi1>
      tpu.vector_store_idx %arg7[%broadcast_in_dim3A_57, %add3A_508], %broadcast_in_dim3A_257 masked %eq3A_504 : memref<32x512xf32, #tpu.memory_space<vmem>>[vector<16xi32>, vector<16xi32>], vector<16xf32>, vector<16xi1>
      tpu.vector_store_idx %arg7[%broadcast_in_dim3A_59, %add3A_508], %broadcast_in_dim3A_257 masked %eq3A_504 : memref<32x512xf32, #tpu.memory_space<vmem>>[vector<16xi32>, vector<16xi32>], vector<16xf32>, vector<16xi1>
      tpu.vector_store_idx %arg7[%broadcast_in_dim3A_61, %add3A_508], %broadcast_in_dim3A_257 masked %eq3A_504 : memref<32x512xf32, #tpu.memory_space<vmem>>[vector<16xi32>, vector<16xi32>], vector<16xf32>, vector<16xi1>
      tpu.vector_store_idx %arg7[%broadcast_in_dim3A_63, %add3A_508], %broadcast_in_dim3A_257 masked %eq3A_504 : memref<32x512xf32, #tpu.memory_space<vmem>>[vector<16xi32>, vector<16xi32>], vector<16xf32>, vector<16xi1>
      tpu.vector_store_idx %arg7[%broadcast_in_dim3A_65, %add3A_508], %broadcast_in_dim3A_257 masked %eq3A_504 : memref<32x512xf32, #tpu.memory_space<vmem>>[vector<16xi32>, vector<16xi32>], vector<16xf32>, vector<16xi1>
      tpu.vector_store_idx %arg7[%broadcast_in_dim3A_67, %add3A_508], %broadcast_in_dim3A_257 masked %eq3A_504 : memref<32x512xf32, #tpu.memory_space<vmem>>[vector<16xi32>, vector<16xi32>], vector<16xf32>, vector<16xi1>
      tpu.vector_store_idx %arg7[%broadcast_in_dim3A_69, %add3A_508], %broadcast_in_dim3A_257 masked %eq3A_504 : memref<32x512xf32, #tpu.memory_space<vmem>>[vector<16xi32>, vector<16xi32>], vector<16xf32>, vector<16xi1>
      %get3A_509 = arith.constant 448 : index
      %get3A_510 = tpu.vector_load %arg5[%get3A_509] {strides = array<i32>} : memref<512xi32, #tpu.memory_space<vmem>>, vector<16xi32>,
      %eq3A_511 = arith.constant 1000000 : i32
      %eq3A_512 = vector.broadcast %eq3A_511 : i32 to vector<16xi32>
      %eq3A_513 = arith.cmpi eq, %get3A_510, %eq3A_512 : vector<16xi32>
      %iota3A_514 = tpu.iota {dimensions = array<i32: 0>} : vector<16xi32>
      %add3A_515 = arith.constant 448 : i32
      %add3A_516 = vector.broadcast %add3A_515 : i32 to vector<16xi32>
      %add3A_517 = arith.addi %iota3A_514, %add3A_516 : vector<16xi32>
      tpu.vector_store_idx %arg7[%broadcast_in_dim3A_7, %add3A_517], %broadcast_in_dim3A_257 masked %eq3A_513 : memref<32x512xf32, #tpu.memory_space<vmem>>[vector<16xi32>, vector<16xi32>], vector<16xf32>, vector<16xi1>
      tpu.vector_store_idx %arg7[%broadcast_in_dim3A_9, %add3A_517], %broadcast_in_dim3A_257 masked %eq3A_513 : memref<32x512xf32, #tpu.memory_space<vmem>>[vector<16xi32>, vector<16xi32>], vector<16xf32>, vector<16xi1>
      tpu.vector_store_idx %arg7[%broadcast_in_dim3A_11, %add3A_517], %broadcast_in_dim3A_257 masked %eq3A_513 : memref<32x512xf32, #tpu.memory_space<vmem>>[vector<16xi32>, vector<16xi32>], vector<16xf32>, vector<16xi1>
      tpu.vector_store_idx %arg7[%broadcast_in_dim3A_13, %add3A_517], %broadcast_in_dim3A_257 masked %eq3A_513 : memref<32x512xf32, #tpu.memory_space<vmem>>[vector<16xi32>, vector<16xi32>], vector<16xf32>, vector<16xi1>
      tpu.vector_store_idx %arg7[%broadcast_in_dim3A_15, %add3A_517], %broadcast_in_dim3A_257 masked %eq3A_513 : memref<32x512xf32, #tpu.memory_space<vmem>>[vector<16xi32>, vector<16xi32>], vector<16xf32>, vector<16xi1>
      tpu.vector_store_idx %arg7[%broadcast_in_dim3A_17, %add3A_517], %broadcast_in_dim3A_257 masked %eq3A_513 : memref<32x512xf32, #tpu.memory_space<vmem>>[vector<16xi32>, vector<16xi32>], vector<16xf32>, vector<16xi1>
      tpu.vector_store_idx %arg7[%broadcast_in_dim3A_19, %add3A_517], %broadcast_in_dim3A_257 masked %eq3A_513 : memref<32x512xf32, #tpu.memory_space<vmem>>[vector<16xi32>, vector<16xi32>], vector<16xf32>, vector<16xi1>
      tpu.vector_store_idx %arg7[%broadcast_in_dim3A_21, %add3A_517], %broadcast_in_dim3A_257 masked %eq3A_513 : memref<32x512xf32, #tpu.memory_space<vmem>>[vector<16xi32>, vector<16xi32>], vector<16xf32>, vector<16xi1>
      tpu.vector_store_idx %arg7[%broadcast_in_dim3A_23, %add3A_517], %broadcast_in_dim3A_257 masked %eq3A_513 : memref<32x512xf32, #tpu.memory_space<vmem>>[vector<16xi32>, vector<16xi32>], vector<16xf32>, vector<16xi1>
      tpu.vector_store_idx %arg7[%broadcast_in_dim3A_25, %add3A_517], %broadcast_in_dim3A_257 masked %eq3A_513 : memref<32x512xf32, #tpu.memory_space<vmem>>[vector<16xi32>, vector<16xi32>], vector<16xf32>, vector<16xi1>
      tpu.vector_store_idx %arg7[%broadcast_in_dim3A_27, %add3A_517], %broadcast_in_dim3A_257 masked %eq3A_513 : memref<32x512xf32, #tpu.memory_space<vmem>>[vector<16xi32>, vector<16xi32>], vector<16xf32>, vector<16xi1>
      tpu.vector_store_idx %arg7[%broadcast_in_dim3A_29, %add3A_517], %broadcast_in_dim3A_257 masked %eq3A_513 : memref<32x512xf32, #tpu.memory_space<vmem>>[vector<16xi32>, vector<16xi32>], vector<16xf32>, vector<16xi1>
      tpu.vector_store_idx %arg7[%broadcast_in_dim3A_31, %add3A_517], %broadcast_in_dim3A_257 masked %eq3A_513 : memref<32x512xf32, #tpu.memory_space<vmem>>[vector<16xi32>, vector<16xi32>], vector<16xf32>, vector<16xi1>
      tpu.vector_store_idx %arg7[%broadcast_in_dim3A_33, %add3A_517], %broadcast_in_dim3A_257 masked %eq3A_513 : memref<32x512xf32, #tpu.memory_space<vmem>>[vector<16xi32>, vector<16xi32>], vector<16xf32>, vector<16xi1>
      tpu.vector_store_idx %arg7[%broadcast_in_dim3A_35, %add3A_517], %broadcast_in_dim3A_257 masked %eq3A_513 : memref<32x512xf32, #tpu.memory_space<vmem>>[vector<16xi32>, vector<16xi32>], vector<16xf32>, vector<16xi1>
      tpu.vector_store_idx %arg7[%broadcast_in_dim3A_37, %add3A_517], %broadcast_in_dim3A_257 masked %eq3A_513 : memref<32x512xf32, #tpu.memory_space<vmem>>[vector<16xi32>, vector<16xi32>], vector<16xf32>, vector<16xi1>
      tpu.vector_store_idx %arg7[%broadcast_in_dim3A_39, %add3A_517], %broadcast_in_dim3A_257 masked %eq3A_513 : memref<32x512xf32, #tpu.memory_space<vmem>>[vector<16xi32>, vector<16xi32>], vector<16xf32>, vector<16xi1>
      tpu.vector_store_idx %arg7[%broadcast_in_dim3A_41, %add3A_517], %broadcast_in_dim3A_257 masked %eq3A_513 : memref<32x512xf32, #tpu.memory_space<vmem>>[vector<16xi32>, vector<16xi32>], vector<16xf32>, vector<16xi1>
      tpu.vector_store_idx %arg7[%broadcast_in_dim3A_43, %add3A_517], %broadcast_in_dim3A_257 masked %eq3A_513 : memref<32x512xf32, #tpu.memory_space<vmem>>[vector<16xi32>, vector<16xi32>], vector<16xf32>, vector<16xi1>
      tpu.vector_store_idx %arg7[%broadcast_in_dim3A_45, %add3A_517], %broadcast_in_dim3A_257 masked %eq3A_513 : memref<32x512xf32, #tpu.memory_space<vmem>>[vector<16xi32>, vector<16xi32>], vector<16xf32>, vector<16xi1>
      tpu.vector_store_idx %arg7[%broadcast_in_dim3A_47, %add3A_517], %broadcast_in_dim3A_257 masked %eq3A_513 : memref<32x512xf32, #tpu.memory_space<vmem>>[vector<16xi32>, vector<16xi32>], vector<16xf32>, vector<16xi1>
      tpu.vector_store_idx %arg7[%broadcast_in_dim3A_49, %add3A_517], %broadcast_in_dim3A_257 masked %eq3A_513 : memref<32x512xf32, #tpu.memory_space<vmem>>[vector<16xi32>, vector<16xi32>], vector<16xf32>, vector<16xi1>
      tpu.vector_store_idx %arg7[%broadcast_in_dim3A_51, %add3A_517], %broadcast_in_dim3A_257 masked %eq3A_513 : memref<32x512xf32, #tpu.memory_space<vmem>>[vector<16xi32>, vector<16xi32>], vector<16xf32>, vector<16xi1>
      tpu.vector_store_idx %arg7[%broadcast_in_dim3A_53, %add3A_517], %broadcast_in_dim3A_257 masked %eq3A_513 : memref<32x512xf32, #tpu.memory_space<vmem>>[vector<16xi32>, vector<16xi32>], vector<16xf32>, vector<16xi1>
      tpu.vector_store_idx %arg7[%broadcast_in_dim3A_55, %add3A_517], %broadcast_in_dim3A_257 masked %eq3A_513 : memref<32x512xf32, #tpu.memory_space<vmem>>[vector<16xi32>, vector<16xi32>], vector<16xf32>, vector<16xi1>
      tpu.vector_store_idx %arg7[%broadcast_in_dim3A_57, %add3A_517], %broadcast_in_dim3A_257 masked %eq3A_513 : memref<32x512xf32, #tpu.memory_space<vmem>>[vector<16xi32>, vector<16xi32>], vector<16xf32>, vector<16xi1>
      tpu.vector_store_idx %arg7[%broadcast_in_dim3A_59, %add3A_517], %broadcast_in_dim3A_257 masked %eq3A_513 : memref<32x512xf32, #tpu.memory_space<vmem>>[vector<16xi32>, vector<16xi32>], vector<16xf32>, vector<16xi1>
      tpu.vector_store_idx %arg7[%broadcast_in_dim3A_61, %add3A_517], %broadcast_in_dim3A_257 masked %eq3A_513 : memref<32x512xf32, #tpu.memory_space<vmem>>[vector<16xi32>, vector<16xi32>], vector<16xf32>, vector<16xi1>
      tpu.vector_store_idx %arg7[%broadcast_in_dim3A_63, %add3A_517], %broadcast_in_dim3A_257 masked %eq3A_513 : memref<32x512xf32, #tpu.memory_space<vmem>>[vector<16xi32>, vector<16xi32>], vector<16xf32>, vector<16xi1>
      tpu.vector_store_idx %arg7[%broadcast_in_dim3A_65, %add3A_517], %broadcast_in_dim3A_257 masked %eq3A_513 : memref<32x512xf32, #tpu.memory_space<vmem>>[vector<16xi32>, vector<16xi32>], vector<16xf32>, vector<16xi1>
      tpu.vector_store_idx %arg7[%broadcast_in_dim3A_67, %add3A_517], %broadcast_in_dim3A_257 masked %eq3A_513 : memref<32x512xf32, #tpu.memory_space<vmem>>[vector<16xi32>, vector<16xi32>], vector<16xf32>, vector<16xi1>
      tpu.vector_store_idx %arg7[%broadcast_in_dim3A_69, %add3A_517], %broadcast_in_dim3A_257 masked %eq3A_513 : memref<32x512xf32, #tpu.memory_space<vmem>>[vector<16xi32>, vector<16xi32>], vector<16xf32>, vector<16xi1>
      %get3A_518 = arith.constant 464 : index
      %get3A_519 = tpu.vector_load %arg5[%get3A_518] {strides = array<i32>} : memref<512xi32, #tpu.memory_space<vmem>>, vector<16xi32>,
      %eq3A_520 = arith.constant 1000000 : i32
      %eq3A_521 = vector.broadcast %eq3A_520 : i32 to vector<16xi32>
      %eq3A_522 = arith.cmpi eq, %get3A_519, %eq3A_521 : vector<16xi32>
      %iota3A_523 = tpu.iota {dimensions = array<i32: 0>} : vector<16xi32>
      %add3A_524 = arith.constant 464 : i32
      %add3A_525 = vector.broadcast %add3A_524 : i32 to vector<16xi32>
      %add3A_526 = arith.addi %iota3A_523, %add3A_525 : vector<16xi32>
      tpu.vector_store_idx %arg7[%broadcast_in_dim3A_7, %add3A_526], %broadcast_in_dim3A_257 masked %eq3A_522 : memref<32x512xf32, #tpu.memory_space<vmem>>[vector<16xi32>, vector<16xi32>], vector<16xf32>, vector<16xi1>
      tpu.vector_store_idx %arg7[%broadcast_in_dim3A_9, %add3A_526], %broadcast_in_dim3A_257 masked %eq3A_522 : memref<32x512xf32, #tpu.memory_space<vmem>>[vector<16xi32>, vector<16xi32>], vector<16xf32>, vector<16xi1>
      tpu.vector_store_idx %arg7[%broadcast_in_dim3A_11, %add3A_526], %broadcast_in_dim3A_257 masked %eq3A_522 : memref<32x512xf32, #tpu.memory_space<vmem>>[vector<16xi32>, vector<16xi32>], vector<16xf32>, vector<16xi1>
      tpu.vector_store_idx %arg7[%broadcast_in_dim3A_13, %add3A_526], %broadcast_in_dim3A_257 masked %eq3A_522 : memref<32x512xf32, #tpu.memory_space<vmem>>[vector<16xi32>, vector<16xi32>], vector<16xf32>, vector<16xi1>
      tpu.vector_store_idx %arg7[%broadcast_in_dim3A_15, %add3A_526], %broadcast_in_dim3A_257 masked %eq3A_522 : memref<32x512xf32, #tpu.memory_space<vmem>>[vector<16xi32>, vector<16xi32>], vector<16xf32>, vector<16xi1>
      tpu.vector_store_idx %arg7[%broadcast_in_dim3A_17, %add3A_526], %broadcast_in_dim3A_257 masked %eq3A_522 : memref<32x512xf32, #tpu.memory_space<vmem>>[vector<16xi32>, vector<16xi32>], vector<16xf32>, vector<16xi1>
      tpu.vector_store_idx %arg7[%broadcast_in_dim3A_19, %add3A_526], %broadcast_in_dim3A_257 masked %eq3A_522 : memref<32x512xf32, #tpu.memory_space<vmem>>[vector<16xi32>, vector<16xi32>], vector<16xf32>, vector<16xi1>
      tpu.vector_store_idx %arg7[%broadcast_in_dim3A_21, %add3A_526], %broadcast_in_dim3A_257 masked %eq3A_522 : memref<32x512xf32, #tpu.memory_space<vmem>>[vector<16xi32>, vector<16xi32>], vector<16xf32>, vector<16xi1>
      tpu.vector_store_idx %arg7[%broadcast_in_dim3A_23, %add3A_526], %broadcast_in_dim3A_257 masked %eq3A_522 : memref<32x512xf32, #tpu.memory_space<vmem>>[vector<16xi32>, vector<16xi32>], vector<16xf32>, vector<16xi1>
      tpu.vector_store_idx %arg7[%broadcast_in_dim3A_25, %add3A_526], %broadcast_in_dim3A_257 masked %eq3A_522 : memref<32x512xf32, #tpu.memory_space<vmem>>[vector<16xi32>, vector<16xi32>], vector<16xf32>, vector<16xi1>
      tpu.vector_store_idx %arg7[%broadcast_in_dim3A_27, %add3A_526], %broadcast_in_dim3A_257 masked %eq3A_522 : memref<32x512xf32, #tpu.memory_space<vmem>>[vector<16xi32>, vector<16xi32>], vector<16xf32>, vector<16xi1>
      tpu.vector_store_idx %arg7[%broadcast_in_dim3A_29, %add3A_526], %broadcast_in_dim3A_257 masked %eq3A_522 : memref<32x512xf32, #tpu.memory_space<vmem>>[vector<16xi32>, vector<16xi32>], vector<16xf32>, vector<16xi1>
      tpu.vector_store_idx %arg7[%broadcast_in_dim3A_31, %add3A_526], %broadcast_in_dim3A_257 masked %eq3A_522 : memref<32x512xf32, #tpu.memory_space<vmem>>[vector<16xi32>, vector<16xi32>], vector<16xf32>, vector<16xi1>
      tpu.vector_store_idx %arg7[%broadcast_in_dim3A_33, %add3A_526], %broadcast_in_dim3A_257 masked %eq3A_522 : memref<32x512xf32, #tpu.memory_space<vmem>>[vector<16xi32>, vector<16xi32>], vector<16xf32>, vector<16xi1>
      tpu.vector_store_idx %arg7[%broadcast_in_dim3A_35, %add3A_526], %broadcast_in_dim3A_257 masked %eq3A_522 : memref<32x512xf32, #tpu.memory_space<vmem>>[vector<16xi32>, vector<16xi32>], vector<16xf32>, vector<16xi1>
      tpu.vector_store_idx %arg7[%broadcast_in_dim3A_37, %add3A_526], %broadcast_in_dim3A_257 masked %eq3A_522 : memref<32x512xf32, #tpu.memory_space<vmem>>[vector<16xi32>, vector<16xi32>], vector<16xf32>, vector<16xi1>
      tpu.vector_store_idx %arg7[%broadcast_in_dim3A_39, %add3A_526], %broadcast_in_dim3A_257 masked %eq3A_522 : memref<32x512xf32, #tpu.memory_space<vmem>>[vector<16xi32>, vector<16xi32>], vector<16xf32>, vector<16xi1>
      tpu.vector_store_idx %arg7[%broadcast_in_dim3A_41, %add3A_526], %broadcast_in_dim3A_257 masked %eq3A_522 : memref<32x512xf32, #tpu.memory_space<vmem>>[vector<16xi32>, vector<16xi32>], vector<16xf32>, vector<16xi1>
      tpu.vector_store_idx %arg7[%broadcast_in_dim3A_43, %add3A_526], %broadcast_in_dim3A_257 masked %eq3A_522 : memref<32x512xf32, #tpu.memory_space<vmem>>[vector<16xi32>, vector<16xi32>], vector<16xf32>, vector<16xi1>
      tpu.vector_store_idx %arg7[%broadcast_in_dim3A_45, %add3A_526], %broadcast_in_dim3A_257 masked %eq3A_522 : memref<32x512xf32, #tpu.memory_space<vmem>>[vector<16xi32>, vector<16xi32>], vector<16xf32>, vector<16xi1>
      tpu.vector_store_idx %arg7[%broadcast_in_dim3A_47, %add3A_526], %broadcast_in_dim3A_257 masked %eq3A_522 : memref<32x512xf32, #tpu.memory_space<vmem>>[vector<16xi32>, vector<16xi32>], vector<16xf32>, vector<16xi1>
      tpu.vector_store_idx %arg7[%broadcast_in_dim3A_49, %add3A_526], %broadcast_in_dim3A_257 masked %eq3A_522 : memref<32x512xf32, #tpu.memory_space<vmem>>[vector<16xi32>, vector<16xi32>], vector<16xf32>, vector<16xi1>
      tpu.vector_store_idx %arg7[%broadcast_in_dim3A_51, %add3A_526], %broadcast_in_dim3A_257 masked %eq3A_522 : memref<32x512xf32, #tpu.memory_space<vmem>>[vector<16xi32>, vector<16xi32>], vector<16xf32>, vector<16xi1>
      tpu.vector_store_idx %arg7[%broadcast_in_dim3A_53, %add3A_526], %broadcast_in_dim3A_257 masked %eq3A_522 : memref<32x512xf32, #tpu.memory_space<vmem>>[vector<16xi32>, vector<16xi32>], vector<16xf32>, vector<16xi1>
      tpu.vector_store_idx %arg7[%broadcast_in_dim3A_55, %add3A_526], %broadcast_in_dim3A_257 masked %eq3A_522 : memref<32x512xf32, #tpu.memory_space<vmem>>[vector<16xi32>, vector<16xi32>], vector<16xf32>, vector<16xi1>
      tpu.vector_store_idx %arg7[%broadcast_in_dim3A_57, %add3A_526], %broadcast_in_dim3A_257 masked %eq3A_522 : memref<32x512xf32, #tpu.memory_space<vmem>>[vector<16xi32>, vector<16xi32>], vector<16xf32>, vector<16xi1>
      tpu.vector_store_idx %arg7[%broadcast_in_dim3A_59, %add3A_526], %broadcast_in_dim3A_257 masked %eq3A_522 : memref<32x512xf32, #tpu.memory_space<vmem>>[vector<16xi32>, vector<16xi32>], vector<16xf32>, vector<16xi1>
      tpu.vector_store_idx %arg7[%broadcast_in_dim3A_61, %add3A_526], %broadcast_in_dim3A_257 masked %eq3A_522 : memref<32x512xf32, #tpu.memory_space<vmem>>[vector<16xi32>, vector<16xi32>], vector<16xf32>, vector<16xi1>
      tpu.vector_store_idx %arg7[%broadcast_in_dim3A_63, %add3A_526], %broadcast_in_dim3A_257 masked %eq3A_522 : memref<32x512xf32, #tpu.memory_space<vmem>>[vector<16xi32>, vector<16xi32>], vector<16xf32>, vector<16xi1>
      tpu.vector_store_idx %arg7[%broadcast_in_dim3A_65, %add3A_526], %broadcast_in_dim3A_257 masked %eq3A_522 : memref<32x512xf32, #tpu.memory_space<vmem>>[vector<16xi32>, vector<16xi32>], vector<16xf32>, vector<16xi1>
      tpu.vector_store_idx %arg7[%broadcast_in_dim3A_67, %add3A_526], %broadcast_in_dim3A_257 masked %eq3A_522 : memref<32x512xf32, #tpu.memory_space<vmem>>[vector<16xi32>, vector<16xi32>], vector<16xf32>, vector<16xi1>
      tpu.vector_store_idx %arg7[%broadcast_in_dim3A_69, %add3A_526], %broadcast_in_dim3A_257 masked %eq3A_522 : memref<32x512xf32, #tpu.memory_space<vmem>>[vector<16xi32>, vector<16xi32>], vector<16xf32>, vector<16xi1>
      %get3A_527 = arith.constant 480 : index
      %get3A_528 = tpu.vector_load %arg5[%get3A_527] {strides = array<i32>} : memref<512xi32, #tpu.memory_space<vmem>>, vector<16xi32>,
      %eq3A_529 = arith.constant 1000000 : i32
      %eq3A_530 = vector.broadcast %eq3A_529 : i32 to vector<16xi32>
      %eq3A_531 = arith.cmpi eq, %get3A_528, %eq3A_530 : vector<16xi32>
      %iota3A_532 = tpu.iota {dimensions = array<i32: 0>} : vector<16xi32>
      %add3A_533 = arith.constant 480 : i32
      %add3A_534 = vector.broadcast %add3A_533 : i32 to vector<16xi32>
      %add3A_535 = arith.addi %iota3A_532, %add3A_534 : vector<16xi32>
      tpu.vector_store_idx %arg7[%broadcast_in_dim3A_7, %add3A_535], %broadcast_in_dim3A_257 masked %eq3A_531 : memref<32x512xf32, #tpu.memory_space<vmem>>[vector<16xi32>, vector<16xi32>], vector<16xf32>, vector<16xi1>
      tpu.vector_store_idx %arg7[%broadcast_in_dim3A_9, %add3A_535], %broadcast_in_dim3A_257 masked %eq3A_531 : memref<32x512xf32, #tpu.memory_space<vmem>>[vector<16xi32>, vector<16xi32>], vector<16xf32>, vector<16xi1>
      tpu.vector_store_idx %arg7[%broadcast_in_dim3A_11, %add3A_535], %broadcast_in_dim3A_257 masked %eq3A_531 : memref<32x512xf32, #tpu.memory_space<vmem>>[vector<16xi32>, vector<16xi32>], vector<16xf32>, vector<16xi1>
      tpu.vector_store_idx %arg7[%broadcast_in_dim3A_13, %add3A_535], %broadcast_in_dim3A_257 masked %eq3A_531 : memref<32x512xf32, #tpu.memory_space<vmem>>[vector<16xi32>, vector<16xi32>], vector<16xf32>, vector<16xi1>
      tpu.vector_store_idx %arg7[%broadcast_in_dim3A_15, %add3A_535], %broadcast_in_dim3A_257 masked %eq3A_531 : memref<32x512xf32, #tpu.memory_space<vmem>>[vector<16xi32>, vector<16xi32>], vector<16xf32>, vector<16xi1>
      tpu.vector_store_idx %arg7[%broadcast_in_dim3A_17, %add3A_535], %broadcast_in_dim3A_257 masked %eq3A_531 : memref<32x512xf32, #tpu.memory_space<vmem>>[vector<16xi32>, vector<16xi32>], vector<16xf32>, vector<16xi1>
      tpu.vector_store_idx %arg7[%broadcast_in_dim3A_19, %add3A_535], %broadcast_in_dim3A_257 masked %eq3A_531 : memref<32x512xf32, #tpu.memory_space<vmem>>[vector<16xi32>, vector<16xi32>], vector<16xf32>, vector<16xi1>
      tpu.vector_store_idx %arg7[%broadcast_in_dim3A_21, %add3A_535], %broadcast_in_dim3A_257 masked %eq3A_531 : memref<32x512xf32, #tpu.memory_space<vmem>>[vector<16xi32>, vector<16xi32>], vector<16xf32>, vector<16xi1>
      tpu.vector_store_idx %arg7[%broadcast_in_dim3A_23, %add3A_535], %broadcast_in_dim3A_257 masked %eq3A_531 : memref<32x512xf32, #tpu.memory_space<vmem>>[vector<16xi32>, vector<16xi32>], vector<16xf32>, vector<16xi1>
      tpu.vector_store_idx %arg7[%broadcast_in_dim3A_25, %add3A_535], %broadcast_in_dim3A_257 masked %eq3A_531 : memref<32x512xf32, #tpu.memory_space<vmem>>[vector<16xi32>, vector<16xi32>], vector<16xf32>, vector<16xi1>
      tpu.vector_store_idx %arg7[%broadcast_in_dim3A_27, %add3A_535], %broadcast_in_dim3A_257 masked %eq3A_531 : memref<32x512xf32, #tpu.memory_space<vmem>>[vector<16xi32>, vector<16xi32>], vector<16xf32>, vector<16xi1>
      tpu.vector_store_idx %arg7[%broadcast_in_dim3A_29, %add3A_535], %broadcast_in_dim3A_257 masked %eq3A_531 : memref<32x512xf32, #tpu.memory_space<vmem>>[vector<16xi32>, vector<16xi32>], vector<16xf32>, vector<16xi1>
      tpu.vector_store_idx %arg7[%broadcast_in_dim3A_31, %add3A_535], %broadcast_in_dim3A_257 masked %eq3A_531 : memref<32x512xf32, #tpu.memory_space<vmem>>[vector<16xi32>, vector<16xi32>], vector<16xf32>, vector<16xi1>
      tpu.vector_store_idx %arg7[%broadcast_in_dim3A_33, %add3A_535], %broadcast_in_dim3A_257 masked %eq3A_531 : memref<32x512xf32, #tpu.memory_space<vmem>>[vector<16xi32>, vector<16xi32>], vector<16xf32>, vector<16xi1>
      tpu.vector_store_idx %arg7[%broadcast_in_dim3A_35, %add3A_535], %broadcast_in_dim3A_257 masked %eq3A_531 : memref<32x512xf32, #tpu.memory_space<vmem>>[vector<16xi32>, vector<16xi32>], vector<16xf32>, vector<16xi1>
      tpu.vector_store_idx %arg7[%broadcast_in_dim3A_37, %add3A_535], %broadcast_in_dim3A_257 masked %eq3A_531 : memref<32x512xf32, #tpu.memory_space<vmem>>[vector<16xi32>, vector<16xi32>], vector<16xf32>, vector<16xi1>
      tpu.vector_store_idx %arg7[%broadcast_in_dim3A_39, %add3A_535], %broadcast_in_dim3A_257 masked %eq3A_531 : memref<32x512xf32, #tpu.memory_space<vmem>>[vector<16xi32>, vector<16xi32>], vector<16xf32>, vector<16xi1>
      tpu.vector_store_idx %arg7[%broadcast_in_dim3A_41, %add3A_535], %broadcast_in_dim3A_257 masked %eq3A_531 : memref<32x512xf32, #tpu.memory_space<vmem>>[vector<16xi32>, vector<16xi32>], vector<16xf32>, vector<16xi1>
      tpu.vector_store_idx %arg7[%broadcast_in_dim3A_43, %add3A_535], %broadcast_in_dim3A_257 masked %eq3A_531 : memref<32x512xf32, #tpu.memory_space<vmem>>[vector<16xi32>, vector<16xi32>], vector<16xf32>, vector<16xi1>
      tpu.vector_store_idx %arg7[%broadcast_in_dim3A_45, %add3A_535], %broadcast_in_dim3A_257 masked %eq3A_531 : memref<32x512xf32, #tpu.memory_space<vmem>>[vector<16xi32>, vector<16xi32>], vector<16xf32>, vector<16xi1>
      tpu.vector_store_idx %arg7[%broadcast_in_dim3A_47, %add3A_535], %broadcast_in_dim3A_257 masked %eq3A_531 : memref<32x512xf32, #tpu.memory_space<vmem>>[vector<16xi32>, vector<16xi32>], vector<16xf32>, vector<16xi1>
      tpu.vector_store_idx %arg7[%broadcast_in_dim3A_49, %add3A_535], %broadcast_in_dim3A_257 masked %eq3A_531 : memref<32x512xf32, #tpu.memory_space<vmem>>[vector<16xi32>, vector<16xi32>], vector<16xf32>, vector<16xi1>
      tpu.vector_store_idx %arg7[%broadcast_in_dim3A_51, %add3A_535], %broadcast_in_dim3A_257 masked %eq3A_531 : memref<32x512xf32, #tpu.memory_space<vmem>>[vector<16xi32>, vector<16xi32>], vector<16xf32>, vector<16xi1>
      tpu.vector_store_idx %arg7[%broadcast_in_dim3A_53, %add3A_535], %broadcast_in_dim3A_257 masked %eq3A_531 : memref<32x512xf32, #tpu.memory_space<vmem>>[vector<16xi32>, vector<16xi32>], vector<16xf32>, vector<16xi1>
      tpu.vector_store_idx %arg7[%broadcast_in_dim3A_55, %add3A_535], %broadcast_in_dim3A_257 masked %eq3A_531 : memref<32x512xf32, #tpu.memory_space<vmem>>[vector<16xi32>, vector<16xi32>], vector<16xf32>, vector<16xi1>
      tpu.vector_store_idx %arg7[%broadcast_in_dim3A_57, %add3A_535], %broadcast_in_dim3A_257 masked %eq3A_531 : memref<32x512xf32, #tpu.memory_space<vmem>>[vector<16xi32>, vector<16xi32>], vector<16xf32>, vector<16xi1>
      tpu.vector_store_idx %arg7[%broadcast_in_dim3A_59, %add3A_535], %broadcast_in_dim3A_257 masked %eq3A_531 : memref<32x512xf32, #tpu.memory_space<vmem>>[vector<16xi32>, vector<16xi32>], vector<16xf32>, vector<16xi1>
      tpu.vector_store_idx %arg7[%broadcast_in_dim3A_61, %add3A_535], %broadcast_in_dim3A_257 masked %eq3A_531 : memref<32x512xf32, #tpu.memory_space<vmem>>[vector<16xi32>, vector<16xi32>], vector<16xf32>, vector<16xi1>
      tpu.vector_store_idx %arg7[%broadcast_in_dim3A_63, %add3A_535], %broadcast_in_dim3A_257 masked %eq3A_531 : memref<32x512xf32, #tpu.memory_space<vmem>>[vector<16xi32>, vector<16xi32>], vector<16xf32>, vector<16xi1>
      tpu.vector_store_idx %arg7[%broadcast_in_dim3A_65, %add3A_535], %broadcast_in_dim3A_257 masked %eq3A_531 : memref<32x512xf32, #tpu.memory_space<vmem>>[vector<16xi32>, vector<16xi32>], vector<16xf32>, vector<16xi1>
      tpu.vector_store_idx %arg7[%broadcast_in_dim3A_67, %add3A_535], %broadcast_in_dim3A_257 masked %eq3A_531 : memref<32x512xf32, #tpu.memory_space<vmem>>[vector<16xi32>, vector<16xi32>], vector<16xf32>, vector<16xi1>
      tpu.vector_store_idx %arg7[%broadcast_in_dim3A_69, %add3A_535], %broadcast_in_dim3A_257 masked %eq3A_531 : memref<32x512xf32, #tpu.memory_space<vmem>>[vector<16xi32>, vector<16xi32>], vector<16xf32>, vector<16xi1>
      %get3A_536 = arith.constant 496 : index
      %get3A_537 = tpu.vector_load %arg5[%get3A_536] {strides = array<i32>} : memref<512xi32, #tpu.memory_space<vmem>>, vector<16xi32>,
      %eq3A_538 = arith.constant 1000000 : i32
      %eq3A_539 = vector.broadcast %eq3A_538 : i32 to vector<16xi32>
      %eq3A_540 = arith.cmpi eq, %get3A_537, %eq3A_539 : vector<16xi32>
      %iota3A_541 = tpu.iota {dimensions = array<i32: 0>} : vector<16xi32>
      %add3A_542 = arith.constant 496 : i32
      %add3A_543 = vector.broadcast %add3A_542 : i32 to vector<16xi32>
      %add3A_544 = arith.addi %iota3A_541, %add3A_543 : vector<16xi32>
      tpu.vector_store_idx %arg7[%broadcast_in_dim3A_7, %add3A_544], %broadcast_in_dim3A_257 masked %eq3A_540 : memref<32x512xf32, #tpu.memory_space<vmem>>[vector<16xi32>, vector<16xi32>], vector<16xf32>, vector<16xi1>
      tpu.vector_store_idx %arg7[%broadcast_in_dim3A_9, %add3A_544], %broadcast_in_dim3A_257 masked %eq3A_540 : memref<32x512xf32, #tpu.memory_space<vmem>>[vector<16xi32>, vector<16xi32>], vector<16xf32>, vector<16xi1>
      tpu.vector_store_idx %arg7[%broadcast_in_dim3A_11, %add3A_544], %broadcast_in_dim3A_257 masked %eq3A_540 : memref<32x512xf32, #tpu.memory_space<vmem>>[vector<16xi32>, vector<16xi32>], vector<16xf32>, vector<16xi1>
      tpu.vector_store_idx %arg7[%broadcast_in_dim3A_13, %add3A_544], %broadcast_in_dim3A_257 masked %eq3A_540 : memref<32x512xf32, #tpu.memory_space<vmem>>[vector<16xi32>, vector<16xi32>], vector<16xf32>, vector<16xi1>
      tpu.vector_store_idx %arg7[%broadcast_in_dim3A_15, %add3A_544], %broadcast_in_dim3A_257 masked %eq3A_540 : memref<32x512xf32, #tpu.memory_space<vmem>>[vector<16xi32>, vector<16xi32>], vector<16xf32>, vector<16xi1>
      tpu.vector_store_idx %arg7[%broadcast_in_dim3A_17, %add3A_544], %broadcast_in_dim3A_257 masked %eq3A_540 : memref<32x512xf32, #tpu.memory_space<vmem>>[vector<16xi32>, vector<16xi32>], vector<16xf32>, vector<16xi1>
      tpu.vector_store_idx %arg7[%broadcast_in_dim3A_19, %add3A_544], %broadcast_in_dim3A_257 masked %eq3A_540 : memref<32x512xf32, #tpu.memory_space<vmem>>[vector<16xi32>, vector<16xi32>], vector<16xf32>, vector<16xi1>
      tpu.vector_store_idx %arg7[%broadcast_in_dim3A_21, %add3A_544], %broadcast_in_dim3A_257 masked %eq3A_540 : memref<32x512xf32, #tpu.memory_space<vmem>>[vector<16xi32>, vector<16xi32>], vector<16xf32>, vector<16xi1>
      tpu.vector_store_idx %arg7[%broadcast_in_dim3A_23, %add3A_544], %broadcast_in_dim3A_257 masked %eq3A_540 : memref<32x512xf32, #tpu.memory_space<vmem>>[vector<16xi32>, vector<16xi32>], vector<16xf32>, vector<16xi1>
      tpu.vector_store_idx %arg7[%broadcast_in_dim3A_25, %add3A_544], %broadcast_in_dim3A_257 masked %eq3A_540 : memref<32x512xf32, #tpu.memory_space<vmem>>[vector<16xi32>, vector<16xi32>], vector<16xf32>, vector<16xi1>
      tpu.vector_store_idx %arg7[%broadcast_in_dim3A_27, %add3A_544], %broadcast_in_dim3A_257 masked %eq3A_540 : memref<32x512xf32, #tpu.memory_space<vmem>>[vector<16xi32>, vector<16xi32>], vector<16xf32>, vector<16xi1>
      tpu.vector_store_idx %arg7[%broadcast_in_dim3A_29, %add3A_544], %broadcast_in_dim3A_257 masked %eq3A_540 : memref<32x512xf32, #tpu.memory_space<vmem>>[vector<16xi32>, vector<16xi32>], vector<16xf32>, vector<16xi1>
      tpu.vector_store_idx %arg7[%broadcast_in_dim3A_31, %add3A_544], %broadcast_in_dim3A_257 masked %eq3A_540 : memref<32x512xf32, #tpu.memory_space<vmem>>[vector<16xi32>, vector<16xi32>], vector<16xf32>, vector<16xi1>
      tpu.vector_store_idx %arg7[%broadcast_in_dim3A_33, %add3A_544], %broadcast_in_dim3A_257 masked %eq3A_540 : memref<32x512xf32, #tpu.memory_space<vmem>>[vector<16xi32>, vector<16xi32>], vector<16xf32>, vector<16xi1>
      tpu.vector_store_idx %arg7[%broadcast_in_dim3A_35, %add3A_544], %broadcast_in_dim3A_257 masked %eq3A_540 : memref<32x512xf32, #tpu.memory_space<vmem>>[vector<16xi32>, vector<16xi32>], vector<16xf32>, vector<16xi1>
      tpu.vector_store_idx %arg7[%broadcast_in_dim3A_37, %add3A_544], %broadcast_in_dim3A_257 masked %eq3A_540 : memref<32x512xf32, #tpu.memory_space<vmem>>[vector<16xi32>, vector<16xi32>], vector<16xf32>, vector<16xi1>
      tpu.vector_store_idx %arg7[%broadcast_in_dim3A_39, %add3A_544], %broadcast_in_dim3A_257 masked %eq3A_540 : memref<32x512xf32, #tpu.memory_space<vmem>>[vector<16xi32>, vector<16xi32>], vector<16xf32>, vector<16xi1>
      tpu.vector_store_idx %arg7[%broadcast_in_dim3A_41, %add3A_544], %broadcast_in_dim3A_257 masked %eq3A_540 : memref<32x512xf32, #tpu.memory_space<vmem>>[vector<16xi32>, vector<16xi32>], vector<16xf32>, vector<16xi1>
      tpu.vector_store_idx %arg7[%broadcast_in_dim3A_43, %add3A_544], %broadcast_in_dim3A_257 masked %eq3A_540 : memref<32x512xf32, #tpu.memory_space<vmem>>[vector<16xi32>, vector<16xi32>], vector<16xf32>, vector<16xi1>
      tpu.vector_store_idx %arg7[%broadcast_in_dim3A_45, %add3A_544], %broadcast_in_dim3A_257 masked %eq3A_540 : memref<32x512xf32, #tpu.memory_space<vmem>>[vector<16xi32>, vector<16xi32>], vector<16xf32>, vector<16xi1>
      tpu.vector_store_idx %arg7[%broadcast_in_dim3A_47, %add3A_544], %broadcast_in_dim3A_257 masked %eq3A_540 : memref<32x512xf32, #tpu.memory_space<vmem>>[vector<16xi32>, vector<16xi32>], vector<16xf32>, vector<16xi1>
      tpu.vector_store_idx %arg7[%broadcast_in_dim3A_49, %add3A_544], %broadcast_in_dim3A_257 masked %eq3A_540 : memref<32x512xf32, #tpu.memory_space<vmem>>[vector<16xi32>, vector<16xi32>], vector<16xf32>, vector<16xi1>
      tpu.vector_store_idx %arg7[%broadcast_in_dim3A_51, %add3A_544], %broadcast_in_dim3A_257 masked %eq3A_540 : memref<32x512xf32, #tpu.memory_space<vmem>>[vector<16xi32>, vector<16xi32>], vector<16xf32>, vector<16xi1>
      tpu.vector_store_idx %arg7[%broadcast_in_dim3A_53, %add3A_544], %broadcast_in_dim3A_257 masked %eq3A_540 : memref<32x512xf32, #tpu.memory_space<vmem>>[vector<16xi32>, vector<16xi32>], vector<16xf32>, vector<16xi1>
      tpu.vector_store_idx %arg7[%broadcast_in_dim3A_55, %add3A_544], %broadcast_in_dim3A_257 masked %eq3A_540 : memref<32x512xf32, #tpu.memory_space<vmem>>[vector<16xi32>, vector<16xi32>], vector<16xf32>, vector<16xi1>
      tpu.vector_store_idx %arg7[%broadcast_in_dim3A_57, %add3A_544], %broadcast_in_dim3A_257 masked %eq3A_540 : memref<32x512xf32, #tpu.memory_space<vmem>>[vector<16xi32>, vector<16xi32>], vector<16xf32>, vector<16xi1>
      tpu.vector_store_idx %arg7[%broadcast_in_dim3A_59, %add3A_544], %broadcast_in_dim3A_257 masked %eq3A_540 : memref<32x512xf32, #tpu.memory_space<vmem>>[vector<16xi32>, vector<16xi32>], vector<16xf32>, vector<16xi1>
      tpu.vector_store_idx %arg7[%broadcast_in_dim3A_61, %add3A_544], %broadcast_in_dim3A_257 masked %eq3A_540 : memref<32x512xf32, #tpu.memory_space<vmem>>[vector<16xi32>, vector<16xi32>], vector<16xf32>, vector<16xi1>
      tpu.vector_store_idx %arg7[%broadcast_in_dim3A_63, %add3A_544], %broadcast_in_dim3A_257 masked %eq3A_540 : memref<32x512xf32, #tpu.memory_space<vmem>>[vector<16xi32>, vector<16xi32>], vector<16xf32>, vector<16xi1>
      tpu.vector_store_idx %arg7[%broadcast_in_dim3A_65, %add3A_544], %broadcast_in_dim3A_257 masked %eq3A_540 : memref<32x512xf32, #tpu.memory_space<vmem>>[vector<16xi32>, vector<16xi32>], vector<16xf32>, vector<16xi1>
      tpu.vector_store_idx %arg7[%broadcast_in_dim3A_67, %add3A_544], %broadcast_in_dim3A_257 masked %eq3A_540 : memref<32x512xf32, #tpu.memory_space<vmem>>[vector<16xi32>, vector<16xi32>], vector<16xf32>, vector<16xi1>
      tpu.vector_store_idx %arg7[%broadcast_in_dim3A_69, %add3A_544], %broadcast_in_dim3A_257 masked %eq3A_540 : memref<32x512xf32, #tpu.memory_space<vmem>>[vector<16xi32>, vector<16xi32>], vector<16xf32>, vector<16xi1>
    } else {
    }
    "tpu.region"() ({
      %run_scoped3A = tpu.sem_alloc : memref<!tpu.dma_semaphore, #tpu.memory_space<semaphore_mem>>
      %dma_start3A_256 = arith.constant 0 : i32
      %dma_start3A_257 = tpu.memref_slice %arg4[%dma_start3A_256, %mul3A_2] : memref<32x16384xf32, #tpu.memory_space<hbm>> -> memref<32x512xf32, #tpu.memory_space<hbm>>
      %dma_start3A_258 = arith.constant 0 : i32
      %dma_start3A_259 = tpu.memref_slice %arg4[%dma_start3A_258, %mul3A_2] : memref<32x16384xf32, #tpu.memory_space<hbm>> -> memref<32x512xf32, #tpu.memory_space<hbm>>
      tpu.enqueue_dma source(%arg7 : memref<32x512xf32, #tpu.memory_space<vmem>>) target(%dma_start3A_259 : memref<32x512xf32, #tpu.memory_space<hbm>>) target_semaphore(%run_scoped3A : memref<!tpu.dma_semaphore, #tpu.memory_space<semaphore_mem>>)
      %dma_wait3A = arith.constant 0 : i32
      %dma_wait3A_260 = tpu.memref_slice %arg4[%dma_wait3A, %mul3A_2] : memref<32x16384xf32, #tpu.memory_space<hbm>> -> memref<32x512xf32, #tpu.memory_space<hbm>>
      %dma_wait3A_261 = arith.constant 0 : i32
      %dma_wait3A_262 = tpu.memref_slice %arg4[%dma_wait3A_261, %mul3A_2] : memref<32x16384xf32, #tpu.memory_space<hbm>> -> memref<32x512xf32, #tpu.memory_space<hbm>>
      tpu.wait_dma2 semaphore(%run_scoped3A : memref<!tpu.dma_semaphore, #tpu.memory_space<semaphore_mem>>) src(%arg7 : memref<32x512xf32, #tpu.memory_space<vmem>>) dst(%dma_wait3A_262 : memref<32x512xf32, #tpu.memory_space<hbm>>)
      tpu.yield
    }) : () -> ()
    return
  }
}

</mosaic_0001>

<sc_bundles>
// kernel: kernel.3.cloned.1.call-start
scs
__scs_entry_jumppad:
0x0: {  	(pc) =	sbr.rel $0x88, $3  }
0x1: {  	(tag) =	ssettag $0x0;
	lr =	simm.s32 $0x1  }
0x2: {  	[smem:$0x3F9F] =	sst lr;
	_ =	strace $0xD0000000  }
0x3: {  	_ = 	snop  }
0x4: {  	_ = 	snop  }
0x5: {  	_ = 	snop  }
0x6: {  	_ = 	snop  }
0x7: {  	_ = 	snop  }
__scs_overlays_trampoline_lowered:
0x8: {  	[smem:$0x3FAE] =	sst s0  }
0x9: {  	[smem:$0x3FAF] =	sst s1  }
0xa: {  	[smem:$0x3FB0] =	sst s2  }
0xb: {  	[smem:$0x3FB1] =	sst s3  }
0xc: {  	[smem:$0x3FB2] =	sst s4  }
0xd: {  	[smem:$0x3FB3] =	sst s5  }
0xe: {  	[smem:$0x3FB4] =	sst s6  }
0xf: {  	[smem:$0x3FB5] =	sst s7  }
0x10: {  	[smem:$0x3FB6] =	sst s8  }
0x11: {  	[smem:$0x3FB7] =	sst s9;
	s0 =	simm.s32 @!p0 $0x0  }
0x12: {  	s1 =	sld [smem:$0x3F9D];
	s0 =	simm.s32 @p0 $0x1  }
0x13: {  	[smem:$0x3FB8] =	sst s0;
	s0 =	simm.s32 @!p1 $0x0  }
0x14: {  	s2 =	sld [smem:$0x3F9C];
	s0 =	simm.s32 @p1 $0x1  }
0x15: {  	[smem:$0x3FB9] =	sst s0;
	s0 =	simm.s32 @!p2 $0x0  }
0x16: {  	s3 =	sld [smem:$0x3FDB];
	s0 =	simm.s32 @p2 $0x1  }
0x17: {  	s4 =	simm.s32 $0x1BF5;
	[smem:$0x3FBB] =	sst s0  }
0x18: {  	s0 =	sld [smem:$0x3F9E];
	_ =	swait.ge [sflag:s4], $0x0  }
0x19: {  	s7 =	sld [smem:$0x3F9F]  }
0x1a: {  	s8 =	sadd.s32 $0xFFFFE003, lr  }
0x1b: {  	s9 =	sadd.s32 $0xFFFFFEF7, lr;
	s5 =	simm.s32 $0xFFFFFFFF;
	p2 =	slt.u32 s8, $0xFFFFF086  }
0x1c: {  	p1 =	slt.u32 s9, $0xF7A;
	s5 =	simm.s32 @!p2 $0x0  }
0x1d: {  	s5 =	simm.s32 @p1 $0x1;
	p0 =	seq.s32 s7, s2  }
0x1e: {  	s7 =	smul.u32 @!p0 $0xF7A, s2;
	p2 =	seq.s32 @!p0 s5, $0x0  }
0x1f: {  	s9 =	smul.u32 $0xF7A, s1;
	s8 =	simm.s32 @!p0 $0x1BF5;
	p2 =	por !p2, p0  }
0x20: {  	[sflag:s8] =	ssyncset.s32 @!p0 $0xFFFFF086;
	s6 =	sadd.s32 @!p0 s3, s7;
	s7 =	simm.s32 @!p0 $0x108  }
0x21: {  	s3 =	sadd.s32 s3, s9;
	s6 =	sadd.s32 @!p0 $0x88, s6;
	s7 =	simm.s32 @p2 $0x1082  }
0x22: {  	[simem:s7], [sflag:s8] =	dma.local @!p0 [hbm:s6], $0xF7A  }
0x23: {  	s9 =	sor.u32 $0xD0000000, s2;
	s6 =	simm.s32 $0x108;
	_ =	swait.ge @!p0 [sflag:s8], $0x0  }
0x24: {  	s3 =	sadd.s32 $0x88, s3;
	s6 =	simm.s32 @!p1 $0x1082;
	[sflag:s4] =	ssyncset.s32 $0xFFFFF086  }
0x25: {  	[simem:s6], [sflag:s4] =	dma.local [hbm:s3], $0xF7A  }
0x26: {  	[smem:$0x3F9F] =	sst s1;
	(tag) =	ssettag s2;
	_ =	strace s9  }
0x27: {  	s1 =	sld [smem:$0x3FAF]  }
0x28: {  	s2 =	sld [smem:$0x3FB0]  }
0x29: {  	s4 =	sld [smem:$0x3FB2]  }
0x2a: {  	p0 =	seq.s32 s5, $0x0;
	s5 =	sld [smem:$0x3FB3]  }
0x2b: {  	s6 =	sld [smem:$0x3FB4]  }
0x2c: {  	s7 =	sld [smem:$0x3FB5]  }
0x2d: {  	s3 =	simm.s32 $0x108;
	s8 =	sld [smem:$0x3FB6]  }
0x2e: {  	s3 =	simm.s32 @!p0 $0x1082;
	s9 =	sld [smem:$0x3FB7]  }
0x2f: {  	lr =	sadd.s32 s0, s3;
	s0 =	sld [smem:$0x3FAE]  }
0x30: {  	s3 =	sld [smem:$0x3FB1]  }
0x31: {  	[smem:$0x3FBA] =	sst s10  }
0x32: {  	s10 =	sld [smem:$0x3FB8];
	_ =	sdelay $0x3  }
0x33: {  	p0 =	seq.s32 s10, $0x1;
	s10 =	sld [smem:$0x3FBA];
	_ =	sdelay $0x3  }
0x34: {  	[smem:$0x3FBA] =	sst s10  }
0x35: {  	s10 =	sld [smem:$0x3FB9];
	_ =	sdelay $0x3  }
0x36: {  	p1 =	seq.s32 s10, $0x1;
	s10 =	sld [smem:$0x3FBA];
	_ =	sdelay $0x3  }
0x37: {  	[smem:$0x3FBA] =	sst s10  }
0x38: {  	s10 =	sld [smem:$0x3FBB]  }
0x39: {  	_ = 	snop;
	(pc) =	sbr.ind lr, $3  }
0x3a: {  	_ = 	snop  }
0x3b: {  	_ = 	snop  }
0x3c: {  	p2 =	seq.s32 s10, $0x1;
	s10 =	sld [smem:$0x3FBA]  }
0x3d: {  	_ =	shalt  }
0x3e: {  	_ =	shalt  }
0x3f: {  	_ =	shalt  }
0x40: {  	_ =	shalt  }
0x41: {  	_ =	shalt  }
0x42: {  	_ =	shalt  }
0x43: {  	_ =	shalt  }
0x44: {  	_ =	shalt  }
0x45: {  	_ =	shalt  }
0x46: {  	_ =	shalt  }
0x47: {  	_ =	shalt  }
0x48: {  	_ =	shalt  }
0x49: {  	_ =	shalt  }
0x4a: {  	_ =	shalt  }
0x4b: {  	_ =	shalt  }
0x4c: {  	_ =	shalt  }
0x4d: {  	_ =	shalt  }
0x4e: {  	_ =	shalt  }
0x4f: {  	_ =	shalt  }
0x50: {  	_ =	shalt  }
0x51: {  	_ =	shalt  }
0x52: {  	_ =	shalt  }
0x53: {  	_ =	shalt  }
0x54: {  	_ =	shalt  }
0x55: {  	_ =	shalt  }
0x56: {  	_ =	shalt  }
0x57: {  	_ =	shalt  }
0x58: {  	_ =	shalt  }
0x59: {  	_ =	shalt  }
0x5a: {  	_ =	shalt  }
0x5b: {  	_ =	shalt  }
0x5c: {  	_ =	shalt  }
0x5d: {  	_ =	shalt  }
0x5e: {  	_ =	shalt  }
0x5f: {  	_ =	shalt  }
0x60: {  	_ =	shalt  }
0x61: {  	_ =	shalt  }
0x62: {  	_ =	shalt  }
0x63: {  	_ =	shalt  }
0x64: {  	_ =	shalt  }
0x65: {  	_ =	shalt  }
0x66: {  	_ =	shalt  }
0x67: {  	_ =	shalt  }
0x68: {  	_ =	shalt  }
0x69: {  	_ =	shalt  }
0x6a: {  	_ =	shalt  }
0x6b: {  	_ =	shalt  }
0x6c: {  	_ =	shalt  }
0x6d: {  	_ =	shalt  }
0x6e: {  	_ =	shalt  }
0x6f: {  	_ =	shalt  }
0x70: {  	_ =	shalt  }
0x71: {  	_ =	shalt  }
0x72: {  	_ =	shalt  }
0x73: {  	_ =	shalt  }
0x74: {  	_ =	shalt  }
0x75: {  	_ =	shalt  }
0x76: {  	_ =	shalt  }
0x77: {  	_ =	shalt  }
0x78: {  	_ =	shalt  }
0x79: {  	_ =	shalt  }
0x7a: {  	_ =	shalt  }
0x7b: {  	_ =	shalt  }
0x7c: {  	_ =	shalt  }
0x7d: {  	_ =	shalt  }
0x7e: {  	_ =	shalt  }
0x7f: {  	_ =	shalt  }
0x80: {  	_ =	shalt  }
0x81: {  	_ =	shalt  }
0x82: {  	_ =	shalt  }
0x83: {  	_ =	shalt  }
0x84: {  	_ =	shalt  }
0x85: {  	_ =	shalt  }
0x86: {  	_ =	shalt  }
0x87: {  	_ =	shalt  }
.Lfunc_end0:
.L_simem_size_0:
called_computation_lowered:
.L_overlay_start_0:
0x88: {  	s2 =	sld [smem:$0x3FD9]  }
0x89: {  	s3 =	sld [smem:$0x3FFE];
	_ =	sdelay $0x1  }
0x8a: {  	s1 =	srdreg.scid  }
0x8b: {  	s0 =	sand.u32 $0x1, s1  }
0x8c: {  	s18 =	sshll.u32 s0, $0xA;
	s2 =	sadd.s32 s3, s2  }
0x8d: {  	s2 =	sadd.s32 s2, s18  }
0x8e: {  	[smem:$0x3FC6] =	sst s2  }
0x8f: {  	_ = 	snop  }
0x90: {  	s2 =	sld [smem:$0x3FC9]  }
0x91: {  	s19 =	sld [smem:$0x3FC8]  }
0x92: {  	s4 =	sld [smem:$0x3FD0];
	(tm) =	ssettm $0x1  }
0x93: {  	s5 =	sld [smem:$0x3FFB];
	_ =	sdelay $0x3  }
0x94: {  	_ =	strace s5  }
0x95: {  	s5 =	sld [smem:$0x3FFC];
	_ =	sdelay $0x3  }
0x96: {  	_ =	strace s5  }
0x97: {  	s5 =	sld [smem:$0x3FFD];
	_ =	sdelay $0x3  }
0x98: {  	_ =	strace s5  }
0x99: {  	_ =	strace $0x8FFFFFFF  }
0x9a: {  	s20 =	sld [smem:$0x3FDB];
	_ =	sdelay $0x1  }
0x9b: {  	s6 =	simm.s32 $_scs_section_size  }
0x9c: {  	s7 =	simm.s32 $_size__tile_overlayer_lowered;
	s8 =	simm.s32 $_tile_overlayer_lowered  }
0x9d: {  	s23 =	simm.s32 $0x1BFF;
	s22 =	sshll.u32 s8, $0x1;
	s5 =	sadd.s32 s6, s20  }
0x9e: {  	s9 =	simm.s32 $0x0;
	s21 =	sshll.u32 s7, $0x1;
	s7 =	sadd.s32 s22, s5  }
0x9f: {  	[timem:s9], [sflag:s23] =	dma.local [hbm:s7], s21  }
0xa0: {  	_ =	swait.ge [sflag:s23], s21  }
0xa1: {  	s6 =	ssub.s32 $0x0, s21;
	[sflag:s23] =	ssyncset.done $0x0  }
0xa2: {  	[sflag:s23] =	ssyncadd.s32 s6;
	_ =	sdelay $0x1  }
0xa3: {  	s24 =	simm.s32 $0x1B8B  }
0xa4: {  	_ =	swait.ge [sflag:s24], $0x1  }
0xa5: {  	[sflag:s24] =	ssyncset.done $0x0  }
0xa6: {  	s25 =	simm.s32 $0x1B8E;
	[sflag:s24] =	ssyncadd.s32 $0xFFFFFFFF  }
0xa7: {  	s26 =	simm.s32 $execute0_lowered;
	[smem:$0x3FD2] =	sst s25  }
0xa8: {  	s6 =	sshll.u32 s26, $0x1;
	_ =	strace $0x80000046;
	[dreg:$0x1] =	wrdreg $0xFFFFFFFF  }
0xa9: {  	s28 =	simm.s32 $_size_execute0_lowered;
	s5 =	sadd.s32 s5, s6;
	[dreg:$0x0] =	wrdreg $0x0  }
0xaa: {  	s6 =	sshll.u32 s28, $0x1;
	[dreg:$0x2] =	wrdreg s5  }
0xab: {  	[dreg:$0x3] =	wrdreg s6  }
0xac: {  	[dreg:$0x4] =	wrdreg $0xC0  }
0xad: {  	_ =	task [dreg:s9], $0x5FFFF  }
0xae: {  	[dreg:$0x1] =	wrdreg $0xFFFFFFFF  }
0xaf: {  	[dreg:$0x0] =	wrdreg $0x60  }
0xb0: {  	[dreg:$0x2] =	wrdreg s2  }
0xb1: {  	[dreg:$0x3] =	wrdreg s19  }
0xb2: {  	[dreg:$0x4] =	wrdreg s4  }
0xb3: {  	[dreg:$0x5] =	wrdreg $0x9  }
0xb4: {  	_ =	task.clear_ibuf [dreg:s9], $0x6FFFF;
	_ =	strace $0x90000046  }
0xb5: {  	s29 =	simm.s32 $0x9;
	_ =	strace $0x80000048  }
0xb6: {  	_ =	swait.ge [sflag:s29], $0x1  }
0xb7: {  	[sflag:s29] =	ssyncadd.s32 $0xFFFFFFFF  }
0xb8: {  	_ =	strace $0x90000048  }
0xb9: {  	_ =	sfence  }
0xba: {  	s30 =	sld [smem:$0x0];
	_ =	sdelay $0x2  }
0xbb: {  	s31 =	sshll.u32 s1, $0xD;
	s1 =	sshrl.u32 s1, $0x2  }
0xbc: {  	s3 =	sand.u32 $0x4000, s31;
	s1 =	sadd.s32 s1, s30  }
0xbd: {  	s0 =	sor.u32 s3, s0;
	s1 =	sshll.u32 s1, $0x11  }
0xbe: {  	s0 =	sor.u32 s1, s0  }
0xbf: {  	s0 =	sadd.s32 $0x8F2B, s0  }
0xc0: {  	[sflag:s0] =	ssyncadd.remote.s32 $0x1  }
0xc1: {  	_ =	sfence.sel $0xFFFF  }
0xc2: {  	[dreg:$0x0] =	wrdreg $0xFFFFFFFF;
	(pc) =	sbr.abs _section_cstart, $3  }
0xc3: {  	[dreg:$0x1] =	wrdreg $0xFFFFFFFF  }
0xc4: {  	_ =	task.clear_ibuf [dreg:s9], $0x2FFFF;
	_ =	strace $0x9FFFFFFF  }
0xc5: {  	(tm) =	ssettm $0x7FFFFFFF  }
tec
execute0_lowered:
.L_overlay_start_1:
0x0: {  	(tag) =	ssettag $0x1  }
0x1: {  	v0 =	vlaneseq.u32  }
0x2: {  	v0 =	vmul.u32 $0x1000, v0;
	_ =	sdelay $0x1  }
0x3: {  	v1 =	vor.u32 $0x80, v0  }
0x4: {  	s1 =	rddreg [dreg:$0x0];
	s3 =	stileid.u32;
	v35 =	vor.u32 $0x100, v0;
	[tilespmem:$0x1FE00] =	vst v1  }
0x5: {  	s0 =	rddreg [dreg:$0x1];
	s4 =	sshll.u32 s3, $0xA;
	s3 =	simm.s32 $0x0;
	v36 =	vor.u32 $0x180, v0;
	[tilespmem:$0x1FE10] =	vst v35  }
0x6: {  	[smem:$0x7FF] =	sst s3;
	v37 =	vor.u32 $0x200, v0;
	[tilespmem:$0x1FE20] =	vst v36  }
0x7: {  	s5 =	rddreg [dreg:$0x2];
	v38 =	vor.u32 $0x280, v0;
	_ =	strace $0x80000047;
	[tilespmem:$0x1FE30] =	vst v37  }
0x8: {  	v39 =	vor.u32 $0x300, v0;
	[tilespmem:$0x1FE40] =	vst v38  }
0x9: {  	v40 =	vor.u32 $0x380, v0;
	[tilespmem:$0x1FE50] =	vst v39  }
0xa: {  	v41 =	vor.u32 $0x400, v0;
	[tilespmem:$0x1FE60] =	vst v40  }
0xb: {  	v42 =	vor.u32 $0x480, v0;
	[tilespmem:$0x1FE70] =	vst v41  }
0xc: {  	v43 =	vor.u32 $0x500, v0;
	[tilespmem:$0x1FE80] =	vst v42  }
0xd: {  	v44 =	vor.u32 $0x580, v0;
	[tilespmem:$0x1FE90] =	vst v43  }
0xe: {  	v45 =	vor.u32 $0x600, v0;
	[tilespmem:$0x1FEA0] =	vst v44  }
0xf: {  	v46 =	vor.u32 $0x680, v0;
	[tilespmem:$0x1FEB0] =	vst v45  }
0x10: {  	v47 =	vor.u32 $0x700, v0;
	[tilespmem:$0x1FEC0] =	vst v46  }
0x11: {  	v48 =	vor.u32 $0x780, v0;
	[tilespmem:$0x1FED0] =	vst v47  }
0x12: {  	v49 =	vor.u32 $0x800, v0;
	[tilespmem:$0x1FEE0] =	vst v48  }
0x13: {  	v50 =	vor.u32 $0x880, v0;
	[tilespmem:$0x1FEF0] =	vst v49  }
0x14: {  	v51 =	vor.u32 $0x900, v0;
	[tilespmem:$0x1FF00] =	vst v50  }
0x15: {  	v52 =	vor.u32 $0x980, v0;
	[tilespmem:$0x1FF10] =	vst v51  }
0x16: {  	v53 =	vor.u32 $0xA00, v0;
	[tilespmem:$0x1FF20] =	vst v52  }
0x17: {  	v54 =	vor.u32 $0xA80, v0;
	[tilespmem:$0x1FF30] =	vst v53  }
0x18: {  	s2 =	srdreg.scid;
	s8 =	simm.s32 $0x3;
	v55 =	vor.u32 $0xB00, v0;
	[tilespmem:$0x1FF40] =	vst v54  }
0x19: {  	s9 =	simm.s32 $0x7A1400;
	s10 =	simm.s32 $0x200;
	s11 =	simm.s32 $0x1200;
	v56 =	vor.u32 $0xB80, v0;
	[tilespmem:$0x1FF50] =	vst v55  }
0x1a: {  	s12 =	simm.s32 $0x2200;
	s13 =	simm.s32 $0x3200;
	s14 =	simm.s32 $0x4200;
	v57 =	vor.u32 $0xC00, v0;
	[tilespmem:$0x1FF60] =	vst v56  }
0x1b: {  	s15 =	simm.s32 $0x5200;
	s16 =	simm.s32 $0x6200;
	s17 =	simm.s32 $0x7200;
	v58 =	vor.u32 $0xC80, v0;
	[tilespmem:$0x1FF70] =	vst v57  }
0x1c: {  	s18 =	simm.s32 $0x8200;
	s19 =	simm.s32 $0x9200;
	s20 =	simm.s32 $0xA200;
	v59 =	vor.u32 $0xD00, v0;
	[tilespmem:$0x1FF80] =	vst v58  }
0x1d: {  	s21 =	simm.s32 $0xB200;
	s22 =	simm.s32 $0xC200;
	s23 =	simm.s32 $0xD200;
	v60 =	vor.u32 $0xD80, v0;
	[tilespmem:$0x1FF90] =	vst v59  }
0x1e: {  	s24 =	simm.s32 $0xE200;
	s25 =	simm.s32 $0xF200;
	s2 =	sand.u32 $0x1, s2;
	v61 =	vor.u32 $0xE00, v0;
	[tilespmem:$0x1FFA0] =	vst v60  }
.Ltmp0:
0x1f: {  	s26 =	simm.s32 $0x1;
	s6 =	sshll.u32 s2, $0x9;
	v62 =	vor.u32 $0xE80, v0;
	[tilespmem:$0x1FFB0] =	vst v61;
	(pc) =	sbr.rel .LBB2_1-.Ltmp0, $4  }
0x20: {  	s28 =	simm.s32 $0x10200;
	s2 =	ssub.s32 $0x2, s2;
	s6 =	sor.u32 s6, s4;
	v63 =	vor.u32 $0xF00, v0;
	[tilespmem:$0x1FFC0] =	vst v62  }
0x21: {  	s29 =	simm.s32 $0x2;
	s31 =	sshrl.u32 s2, $0x1;
	s7 =	sshrl.u32 s6, $0x3;
	[tilespmem:$0x1FFD0] =	vst v63  }
0x22: {  	s2 =	ssub.s32 s2, s31;
	s5 =	sadd.s32 s5, s6;
	s4 =	sadd.s32 s0, s7;
	[tilespmem:$0x1FFE0] =	vst v0;
	v0 =	vor.u32 $0xF80, v0  }
0x23: {  	vm0 =	vcmask $0x3F20;
	s6 =	smax.u32 s2, $0x1;
	s7 =	simm.s32 $0x400;
	s2 =	simm.s32 $0x0;
	[tilespmem:$0x1FFF0] =	vst v0  }
.LBB2_7:
0x24: {  	s2 =	sadd.s32 $0x1, s2  }
0x25: {  	p0 =	sne.s32 s2, s6  }
.Ltmp1:
0x26: {  	s0 =	simm.s32 $0x1000;
	s30 =	simm.s32 $0x20000;
	(pc) =	sbr.rel @!p0 .LBB2_8-.Ltmp1, $4  }
0x27: {  	[hbm4b:s5+s0] =	stream.strided.scatter [tilespmem:s28], [sflag:$0x3], $0x4000, s30, s0, $0x38;
	[tilespmem:$0x14200] =	vst v63  }
0x28: {  	_ =	swait.ge [sflag:s8], $0x4000  }
0x29: {  	[sflag:s8] =	ssyncset.done $0x0  }
0x2a: {  	[sflag:s8] =	ssyncadd.s32 $0xFFFFC000  }
.LBB2_1:
0x2b: {  	[tilespmem:s3], [sflag:$0x3] =	stream.linear.gather [hbm4b:s4+s3], $0x200, $0x38;
	[tilespmem:$0x14200] =	vst v63  }
0x2c: {  	_ =	swait.ge [sflag:s8], $0x200  }
0x2d: {  	[sflag:s8] =	ssyncset.done $0x0  }
0x2e: {  	[sflag:s8] =	ssyncadd.s32 $0xFFFFFE00  }
0x2f: {  	v0 =	vld [tilespmem:$0x0];
	_ =	sdelay $0x4  }
0x30: {  	(v2sf) =	vpush v0, $0x0;
	_ =	sdelay $0x5  }
0x31: {  	(v2sf) =	vpush v0, $0x1;
	_ =	sdelay $0x5  }
0x32: {  	(v2sf) =	vpush v0, $0x2;
	_ =	sdelay $0x2  }
0x33: {  	s0 =	spop (v2sf)  }
0x34: {  	p0 =	slt.s32 s0, $0xF423F  }
0x35: {  	s0 =	simm.s32 @!p0 $0xF423F  }
0x36: {  	(v2sf) =	vpush v0, $0x3;
	s0 =	sand.u32 $0xFFFFF80, s0  }
0x37: {  	s0 =	sadd.s32 s1, s0  }
0x38: {  	[tilespmem:s10], [sflag:$0x1] =	stream.strided.gather [hbm4b:s0+s7], $0x1000, s9, s7, $0x38;
	[tilespmem:$0x14200] =	vst v63  }
0x39: {  	s0 =	spop (v2sf)  }
0x3a: {  	p0 =	slt.s32 s0, $0xF423F  }
0x3b: {  	s0 =	simm.s32 @!p0 $0xF423F  }
0x3c: {  	(v2sf) =	vpush v0, $0x4;
	s0 =	sand.u32 $0xFFFFF80, s0  }
0x3d: {  	s0 =	sadd.s32 s1, s0  }
0x3e: {  	[tilespmem:s11], [sflag:$0x1] =	stream.strided.gather [hbm4b:s0+s7], $0x1000, s9, s7, $0x38;
	[tilespmem:$0x14200] =	vst v63  }
0x3f: {  	s0 =	spop (v2sf)  }
0x40: {  	(v2sf) =	vpush v0, $0x5;
	p0 =	slt.s32 s0, $0xF423F  }
0x41: {  	s0 =	simm.s32 @!p0 $0xF423F  }
0x42: {  	s0 =	sand.u32 $0xFFFFF80, s0  }
0x43: {  	s0 =	sadd.s32 s1, s0  }
0x44: {  	[tilespmem:s12], [sflag:$0x1] =	stream.strided.gather [hbm4b:s0+s7], $0x1000, s9, s7, $0x38;
	[tilespmem:$0x14200] =	vst v63  }
0x45: {  	s0 =	spop (v2sf);
	(v2sf) =	vpush v0, $0x6  }
0x46: {  	p0 =	slt.s32 s0, $0xF423F  }
0x47: {  	s0 =	simm.s32 @!p0 $0xF423F  }
0x48: {  	s0 =	sand.u32 $0xFFFFF80, s0  }
0x49: {  	s0 =	sadd.s32 s1, s0  }
0x4a: {  	[tilespmem:s13], [sflag:$0x1] =	stream.strided.gather [hbm4b:s0+s7], $0x1000, s9, s7, $0x38;
	[tilespmem:$0x14200] =	vst v63  }
0x4b: {  	s0 =	spop (v2sf)  }
0x4c: {  	(v2sf) =	vpush v0, $0x7;
	p0 =	slt.s32 s0, $0xF423F  }
0x4d: {  	s0 =	simm.s32 @!p0 $0xF423F  }
0x4e: {  	s0 =	sand.u32 $0xFFFFF80, s0  }
0x4f: {  	s0 =	sadd.s32 s1, s0;
	s30 =	spop (v2sf)  }
0x50: {  	[tilespmem:s14], [sflag:$0x1] =	stream.strided.gather [hbm4b:s0+s7], $0x1000, s9, s7, $0x38;
	[tilespmem:$0x14200] =	vst v63  }
0x51: {  	p0 =	slt.s32 s30, $0xF423F  }
0x52: {  	s30 =	simm.s32 @!p0 $0xF423F  }
0x53: {  	s31 =	sand.u32 $0xFFFFF80, s30  }
0x54: {  	s0 =	sadd.s32 s1, s31;
	s30 =	spop (v2sf)  }
0x55: {  	[tilespmem:s15], [sflag:$0x1] =	stream.strided.gather [hbm4b:s0+s7], $0x1000, s9, s7, $0x38;
	[tilespmem:$0x14200] =	vst v63  }
0x56: {  	p0 =	slt.s32 s30, $0xF423F  }
0x57: {  	s30 =	simm.s32 @!p0 $0xF423F  }
0x58: {  	s31 =	sand.u32 $0xFFFFF80, s30  }
0x59: {  	s0 =	sadd.s32 s1, s31  }
0x5a: {  	[tilespmem:s16], [sflag:$0x1] =	stream.strided.gather [hbm4b:s0+s7], $0x1000, s9, s7, $0x38;
	[tilespmem:$0x14200] =	vst v63  }
0x5b: {  	s0 =	spop (v2sf)  }
0x5c: {  	p0 =	slt.s32 s0, $0xF423F  }
.Ltmp2:
0x5d: {  	s0 =	simm.s32 @!p0 $0xF423F;
	(pc) =	sbr.rel .LBB2_2-.Ltmp2, $4  }
0x5e: {  	s0 =	sand.u32 $0xFFFFF80, s0  }
0x5f: {  	s0 =	sadd.s32 s1, s0  }
0x60: {  	[tilespmem:s17], [sflag:$0x1] =	stream.strided.gather [hbm4b:s0+s7], $0x1000, s9, s7, $0x38;
	[tilespmem:$0x14200] =	vst v63  }
0x61: {  	v35 =	vimm.s32 $0x0;
	s30 =	simm.s32 $0x0;
	s0 =	simm.s32 $0x10  }
.LBB2_4:
0x62: {  	_ =	swait.ge [sflag:s29], $0x1000  }
0x63: {  	[sflag:s29] =	ssyncset.done $0x0  }
0x64: {  	[sflag:s29] =	ssyncadd.s32 $0xFFFFF000  }
0x65: {  	_ =	swait.ge [sflag:s29], $0x1000  }
0x66: {  	[sflag:s29] =	ssyncset.done $0x0  }
0x67: {  	[sflag:s29] =	ssyncadd.s32 $0xFFFFF000  }
0x68: {  	_ =	swait.ge [sflag:s29], $0x1000  }
0x69: {  	[sflag:s29] =	ssyncset.done $0x0  }
0x6a: {  	[sflag:s29] =	ssyncadd.s32 $0xFFFFF000  }
0x6b: {  	_ =	swait.ge [sflag:s29], $0x1000  }
0x6c: {  	[sflag:s29] =	ssyncset.done $0x0  }
0x6d: {  	[sflag:s29] =	ssyncadd.s32 $0xFFFFF000  }
0x6e: {  	_ =	swait.ge [sflag:s29], $0x1000  }
0x6f: {  	[sflag:s29] =	ssyncset.done $0x0  }
0x70: {  	[sflag:s29] =	ssyncadd.s32 $0xFFFFF000  }
0x71: {  	_ =	swait.ge [sflag:s29], $0x1000  }
0x72: {  	[sflag:s29] =	ssyncset.done $0x0  }
0x73: {  	[sflag:s29] =	ssyncadd.s32 $0xFFFFF000  }
0x74: {  	_ =	swait.ge [sflag:s29], $0x1000  }
0x75: {  	[sflag:s29] =	ssyncset.done $0x0  }
0x76: {  	[sflag:s29] =	ssyncadd.s32 $0xFFFFF000  }
0x77: {  	_ =	swait.ge [sflag:s29], $0x1000  }
0x78: {  	v40 =	vld [tilespmem:$0x1FDC0];
	_ =	sdelay $0x5  }
0x79: {  	[sflag:s29] =	ssyncset.done $0x0  }
0x7a: {  	[sflag:s29] =	ssyncadd.s32 $0xFFFFF000  }
0x7b: {  	v40 =	vld.idx.msk [tilespmem:v40+s10+$0x0], $0xffff;
	_ =	sdelay $0x4  }
0x7c: {  	[tilespmem:v37+s28+$0x0] =	vst.idx.msk vm0, v40;
	v40 =	vld [tilespmem:$0x1FDD0];
	_ =	sdelay $0x7  }
0x7d: {  	v37 =	vld.idx.msk [tilespmem:v40+s10+$0x0], $0xffff  }
0x7e: {  	v40 =	vld [tilespmem:$0x1FDE0]  }
0x7f: {  	v41 =	vld [tilespmem:$0x1FDF0];
	_ =	sdelay $0x6  }
0x80: {  	[tilespmem:v40+s28+$0x0] =	vst.idx.msk vm0, v37  }
0x81: {  	v37 =	vld.idx.msk [tilespmem:v41+s10+$0x0], $0xffff;
	_ =	sdelay $0x4  }
0x82: {  	[tilespmem:v42+s28+$0x0] =	vst.idx.msk vm0, v37  }
0x83: {  	v37 =	vld.idx.msk [tilespmem:v43+s10+$0x0], $0xffff;
	_ =	sdelay $0x4  }
0x84: {  	[tilespmem:v44+s28+$0x0] =	vst.idx.msk vm0, v37  }
0x85: {  	v37 =	vld.idx.msk [tilespmem:v45+s10+$0x0], $0xffff;
	_ =	sdelay $0x4  }
0x86: {  	[tilespmem:v46+s28+$0x0] =	vst.idx.msk vm0, v37  }
0x87: {  	v37 =	vld.idx.msk [tilespmem:v47+s10+$0x0], $0xffff;
	_ =	sdelay $0x4  }
0x88: {  	[tilespmem:v48+s28+$0x0] =	vst.idx.msk vm0, v37  }
0x89: {  	v37 =	vld.idx.msk [tilespmem:v49+s10+$0x0], $0xffff;
	_ =	sdelay $0x4  }
0x8a: {  	[tilespmem:v50+s28+$0x0] =	vst.idx.msk vm0, v37  }
0x8b: {  	v37 =	vld.idx.msk [tilespmem:v51+s10+$0x0], $0xffff;
	_ =	sdelay $0x4  }
0x8c: {  	[tilespmem:v52+s28+$0x0] =	vst.idx.msk vm0, v37  }
0x8d: {  	v37 =	vld.idx.msk [tilespmem:v53+s10+$0x0], $0xffff;
	_ =	sdelay $0x4  }
0x8e: {  	[tilespmem:v54+s28+$0x0] =	vst.idx.msk vm0, v37  }
0x8f: {  	v37 =	vld.idx.msk [tilespmem:v55+s10+$0x0], $0xffff;
	_ =	sdelay $0x4  }
0x90: {  	[tilespmem:v56+s28+$0x0] =	vst.idx.msk vm0, v37  }
0x91: {  	v37 =	vld.idx.msk [tilespmem:v57+s10+$0x0], $0xffff;
	_ =	sdelay $0x4  }
0x92: {  	[tilespmem:v58+s28+$0x0] =	vst.idx.msk vm0, v37  }
0x93: {  	v37 =	vld.idx.msk [tilespmem:v59+s10+$0x0], $0xffff;
	_ =	sdelay $0x4  }
0x94: {  	[tilespmem:v60+s28+$0x0] =	vst.idx.msk vm0, v37  }
0x95: {  	v37 =	vld.idx.msk [tilespmem:v61+s10+$0x0], $0xffff;
	_ =	sdelay $0x4  }
0x96: {  	[tilespmem:v62+s28+$0x0] =	vst.idx.msk vm0, v37  }
0x97: {  	v37 =	vld.idx.msk [tilespmem:v63+s10+$0x0], $0xffff;
	_ =	sdelay $0x4  }
0x98: {  	[tilespmem:v2+s28+$0x0] =	vst.idx.msk vm0, v37  }
0x99: {  	v2 =	vld.idx.msk [tilespmem:v3+s10+$0x0], $0xffff;
	_ =	sdelay $0x4  }
0x9a: {  	[tilespmem:v4+s28+$0x0] =	vst.idx.msk vm0, v2  }
0x9b: {  	v2 =	vld.idx.msk [tilespmem:v5+s10+$0x0], $0xffff;
	_ =	sdelay $0x4  }
0x9c: {  	[tilespmem:v6+s28+$0x0] =	vst.idx.msk vm0, v2  }
0x9d: {  	v2 =	vld.idx.msk [tilespmem:v7+s10+$0x0], $0xffff;
	_ =	sdelay $0x4  }
0x9e: {  	[tilespmem:v8+s28+$0x0] =	vst.idx.msk vm0, v2  }
0x9f: {  	v2 =	vld.idx.msk [tilespmem:v9+s10+$0x0], $0xffff;
	_ =	sdelay $0x4  }
0xa0: {  	[tilespmem:v10+s28+$0x0] =	vst.idx.msk vm0, v2  }
0xa1: {  	v2 =	vld.idx.msk [tilespmem:v11+s10+$0x0], $0xffff;
	_ =	sdelay $0x4  }
0xa2: {  	[tilespmem:v12+s28+$0x0] =	vst.idx.msk vm0, v2  }
0xa3: {  	v2 =	vld.idx.msk [tilespmem:v13+s10+$0x0], $0xffff;
	_ =	sdelay $0x4  }
0xa4: {  	[tilespmem:v14+s28+$0x0] =	vst.idx.msk vm0, v2  }
0xa5: {  	v2 =	vld.idx.msk [tilespmem:v15+s10+$0x0], $0xffff;
	_ =	sdelay $0x4  }
0xa6: {  	[tilespmem:v16+s28+$0x0] =	vst.idx.msk vm0, v2  }
0xa7: {  	v2 =	vld.idx.msk [tilespmem:v17+s10+$0x0], $0xffff;
	_ =	sdelay $0x4  }
0xa8: {  	[tilespmem:v18+s28+$0x0] =	vst.idx.msk vm0, v2  }
0xa9: {  	v2 =	vld.idx.msk [tilespmem:v19+s10+$0x0], $0xffff;
	_ =	sdelay $0x4  }
0xaa: {  	[tilespmem:v20+s28+$0x0] =	vst.idx.msk vm0, v2  }
0xab: {  	v2 =	vld.idx.msk [tilespmem:v21+s10+$0x0], $0xffff;
	_ =	sdelay $0x4  }
0xac: {  	[tilespmem:v22+s28+$0x0] =	vst.idx.msk vm0, v2  }
0xad: {  	v2 =	vld.idx.msk [tilespmem:v23+s10+$0x0], $0xffff;
	_ =	sdelay $0x4  }
0xae: {  	[tilespmem:v24+s28+$0x0] =	vst.idx.msk vm0, v2  }
0xaf: {  	v2 =	vld.idx.msk [tilespmem:v25+s10+$0x0], $0xffff;
	_ =	sdelay $0x4  }
0xb0: {  	[tilespmem:v26+s28+$0x0] =	vst.idx.msk vm0, v2  }
0xb1: {  	v2 =	vld.idx.msk [tilespmem:v27+s10+$0x0], $0xffff;
	_ =	sdelay $0x4  }
0xb2: {  	[tilespmem:v28+s28+$0x0] =	vst.idx.msk vm0, v2  }
0xb3: {  	v2 =	vld.idx.msk [tilespmem:v29+s10+$0x0], $0xffff;
	_ =	sdelay $0x4  }
0xb4: {  	[tilespmem:v30+s28+$0x0] =	vst.idx.msk vm0, v2  }
0xb5: {  	v2 =	vld.idx.msk [tilespmem:v31+s10+$0x0], $0xffff;
	_ =	sdelay $0x4  }
0xb6: {  	[tilespmem:v32+s28+$0x0] =	vst.idx.msk vm0, v2  }
0xb7: {  	v2 =	vld.idx.msk [tilespmem:v33+s10+$0x0], $0xffff;
	_ =	sdelay $0x4  }
0xb8: {  	[tilespmem:v1+s28+$0x0] =	vst.idx.msk vm0, v2  }
0xb9: {  	v1 =	vld.idx.msk [tilespmem:v34+s10+$0x0], $0xffff;
	_ =	sdelay $0x4  }
0xba: {  	s30 =	sadd.s32 $0x10, s30;
	[tilespmem:v36+s28+$0x0] =	vst.idx.msk vm0, v1  }
0xbb: {  	p0 =	sne.s32 s30, $0x200;
	v1 =	vld.idx.msk [tilespmem:v38+s10+$0x0], $0xffff  }
.Ltmp3:
0xbc: {  	_ = 	snop;
	(pc) =	sbr.rel @!p0 .LBB2_5-.Ltmp3, $2  }
0xbd: {  	_ =	sdelay $0x2  }
0xbe: {  	v35 =	vsel vm1, v35, v39;
	s0 =	sadd.s32 $0x10, s0;
	[tilespmem:v0+s28+$0x0] =	vst.idx.msk vm0, v1  }
.LBB2_2:
0xbf: {  	v39 =	vld [tilespmem:s0+$0xFFFFFFF0];
	_ =	sdelay $0x4  }
0xc0: {  	(v2sf) =	vpush v39, $0x8;
	_ =	sdelay $0x5  }
0xc1: {  	(v2sf) =	vpush v39, $0x9;
	_ =	sdelay $0x5  }
0xc2: {  	(v2sf) =	vpush v39, $0xA;
	_ =	sdelay $0x2  }
0xc3: {  	s31 =	spop (v2sf)  }
0xc4: {  	p0 =	slt.s32 s31, $0xF423F  }
0xc5: {  	s31 =	simm.s32 @!p0 $0xF423F  }
0xc6: {  	(v2sf) =	vpush v39, $0xB;
	s31 =	sand.u32 $0xFFFFF80, s31  }
0xc7: {  	s31 =	sadd.s32 s1, s31  }
0xc8: {  	[tilespmem:s18], [sflag:$0x2] =	stream.strided.gather [hbm4b:s31+s7], $0x1000, s9, s7, $0x38;
	[tilespmem:$0x14200] =	vst v63  }
0xc9: {  	s31 =	spop (v2sf)  }
0xca: {  	p0 =	slt.s32 s31, $0xF423F  }
0xcb: {  	s31 =	simm.s32 @!p0 $0xF423F  }
0xcc: {  	(v2sf) =	vpush v39, $0xC;
	s31 =	sand.u32 $0xFFFFF80, s31  }
0xcd: {  	s31 =	sadd.s32 s1, s31  }
0xce: {  	[tilespmem:s19], [sflag:$0x2] =	stream.strided.gather [hbm4b:s31+s7], $0x1000, s9, s7, $0x38;
	[tilespmem:$0x14200] =	vst v63  }
0xcf: {  	s31 =	spop (v2sf)  }
0xd0: {  	p0 =	slt.s32 s31, $0xF423F  }
0xd1: {  	s31 =	simm.s32 @!p0 $0xF423F  }
0xd2: {  	(v2sf) =	vpush v39, $0xD;
	s31 =	sand.u32 $0xFFFFF80, s31  }
0xd3: {  	s31 =	sadd.s32 s1, s31  }
0xd4: {  	[tilespmem:s20], [sflag:$0x2] =	stream.strided.gather [hbm4b:s31+s7], $0x1000, s9, s7, $0x38;
	[tilespmem:$0x14200] =	vst v63  }
0xd5: {  	s31 =	spop (v2sf)  }
0xd6: {  	p0 =	slt.s32 s31, $0xF423F  }
0xd7: {  	s31 =	simm.s32 @!p0 $0xF423F  }
0xd8: {  	(v2sf) =	vpush v39, $0xE;
	s31 =	sand.u32 $0xFFFFF80, s31  }
0xd9: {  	s31 =	sadd.s32 s1, s31  }
0xda: {  	[tilespmem:s21], [sflag:$0x2] =	stream.strided.gather [hbm4b:s31+s7], $0x1000, s9, s7, $0x38;
	[tilespmem:$0x14200] =	vst v63  }
0xdb: {  	s31 =	spop (v2sf)  }
0xdc: {  	p0 =	slt.s32 s31, $0xF423F  }
0xdd: {  	s31 =	simm.s32 @!p0 $0xF423F  }
0xde: {  	(v2sf) =	vpush v39, $0xF;
	s31 =	sand.u32 $0xFFFFF80, s31  }
0xdf: {  	s31 =	sadd.s32 s1, s31  }
0xe0: {  	[tilespmem:s22], [sflag:$0x2] =	stream.strided.gather [hbm4b:s31+s7], $0x1000, s9, s7, $0x38;
	[tilespmem:$0x14200] =	vst v63  }
0xe1: {  	s31 =	spop (v2sf)  }
0xe2: {  	p0 =	slt.s32 s31, $0xF423F  }
0xe3: {  	s31 =	simm.s32 @!p0 $0xF423F  }
0xe4: {  	s31 =	sand.u32 $0xFFFFF80, s31  }
0xe5: {  	s31 =	sadd.s32 s1, s31  }
0xe6: {  	[tilespmem:s23], [sflag:$0x2] =	stream.strided.gather [hbm4b:s31+s7], $0x1000, s9, s7, $0x38;
	[tilespmem:$0x14200] =	vst v63  }
0xe7: {  	s31 =	spop (v2sf)  }
0xe8: {  	p0 =	slt.s32 s31, $0xF423F  }
0xe9: {  	s31 =	simm.s32 @!p0 $0xF423F  }
0xea: {  	s31 =	sand.u32 $0xFFFFF80, s31  }
0xeb: {  	s31 =	sadd.s32 s1, s31  }
0xec: {  	[tilespmem:s24], [sflag:$0x2] =	stream.strided.gather [hbm4b:s31+s7], $0x1000, s9, s7, $0x38;
	[tilespmem:$0x14200] =	vst v63  }
0xed: {  	s31 =	spop (v2sf)  }
0xee: {  	p0 =	slt.s32 s31, $0xF423F  }
0xef: {  	s31 =	simm.s32 @!p0 $0xF423F  }
0xf0: {  	s31 =	sand.u32 $0xFFFFF80, s31  }
0xf1: {  	s31 =	sadd.s32 s1, s31  }
0xf2: {  	[tilespmem:s25], [sflag:$0x2] =	stream.strided.gather [hbm4b:s31+s7], $0x1000, s9, s7, $0x38;
	[tilespmem:$0x14200] =	vst v63  }
0xf3: {  	_ =	swait.ge [sflag:s26], $0x1000  }
0xf4: {  	[sflag:s26] =	ssyncset.done $0x0  }
0xf5: {  	[sflag:s26] =	ssyncadd.s32 $0xFFFFF000  }
0xf6: {  	_ =	swait.ge [sflag:s26], $0x1000  }
0xf7: {  	[sflag:s26] =	ssyncset.done $0x0  }
0xf8: {  	[sflag:s26] =	ssyncadd.s32 $0xFFFFF000  }
0xf9: {  	_ =	swait.ge [sflag:s26], $0x1000  }
0xfa: {  	[sflag:s26] =	ssyncset.done $0x0  }
0xfb: {  	[sflag:s26] =	ssyncadd.s32 $0xFFFFF000  }
0xfc: {  	_ =	swait.ge [sflag:s26], $0x1000  }
0xfd: {  	[sflag:s26] =	ssyncset.done $0x0  }
0xfe: {  	[sflag:s26] =	ssyncadd.s32 $0xFFFFF000  }
0xff: {  	_ =	swait.ge [sflag:s26], $0x1000  }
0x100: {  	[sflag:s26] =	ssyncset.done $0x0  }
0x101: {  	[sflag:s26] =	ssyncadd.s32 $0xFFFFF000  }
0x102: {  	_ =	swait.ge [sflag:s26], $0x1000  }
0x103: {  	[sflag:s26] =	ssyncset.done $0x0  }
0x104: {  	[sflag:s26] =	ssyncadd.s32 $0xFFFFF000  }
0x105: {  	_ =	swait.ge [sflag:s26], $0x1000  }
0x106: {  	v1 =	vld [tilespmem:$0x1FFE0];
	_ =	sdelay $0x1  }
0x107: {  	vm1 =	vlt.s32 v39, $0xF423F  }
0x108: {  	v0 =	vnsel vm1, $0xF423F, v39  }
0x109: {  	v0 =	vand.u32 $0x7F, v0  }
0x10a: {  	[sflag:s26] =	ssyncset.done $0x0;
	v4 =	vor.u32 v1, v0  }
0x10b: {  	v2 =	vlaneseq.u32;
	[sflag:s26] =	ssyncadd.s32 $0xFFFFF000;
	v1 =	vmov s30  }
0x10c: {  	v2 =	vor.u32 s30, v2;
	_ =	swait.ge [sflag:s26], $0x1000;
	v1 =	vshll.u32 v1, $0x3  }
0x10d: {  	v2 =	vand.u32 $0x7F, v2;
	[sflag:s26] =	ssyncset.done $0x0;
	v3 =	vand.u32 $0xC00, v1  }
0x10e: {  	[sflag:s26] =	ssyncadd.s32 $0xFFFFF000;
	v37 =	vor.u32 v2, v3;
	v3 =	vld [tilespmem:$0x1FE00]  }
0x10f: {  	[tilespmem:$0x1FDC0] =	vst v4;
	v4 =	vld.idx.msk [tilespmem:v4+s10+$0x0], $0xffff;
	_ =	sdelay $0x3  }
0x110: {  	v3 =	vor.u32 v3, v0  }
0x111: {  	[tilespmem:v37+s28+$0x0] =	vst.idx.msk $0xff, v4;
	v4 =	vld [tilespmem:$0x1FE10];
	_ =	sdelay $0x3  }
0x112: {  	v5 =	vor.u32 $0x80, v37;
	[tilespmem:$0x1FDD0] =	vst v3;
	v3 =	vld.idx.msk [tilespmem:v3+s10+$0x0], $0xffff  }
0x113: {  	v4 =	vor.u32 v4, v0;
	_ =	sdelay $0x3  }
0x114: {  	[tilespmem:v5+s28+$0x0] =	vst.idx.msk $0xff, v3  }
0x115: {  	v3 =	vld.idx.msk [tilespmem:v4+s10+$0x0], $0xffff  }
0x116: {  	[tilespmem:$0x1FDF0] =	vst v4;
	v4 =	vld [tilespmem:$0x1FE20];
	_ =	sdelay $0x3  }
0x117: {  	v42 =	vor.u32 $0x100, v37  }
0x118: {  	v43 =	vor.u32 v4, v0  }
0x119: {  	v4 =	vld [tilespmem:$0x1FE30];
	_ =	sdelay $0x2  }
0x11a: {  	[tilespmem:v42+s28+$0x0] =	vst.idx.msk $0xff, v3  }
0x11b: {  	v44 =	vor.u32 $0x180, v37;
	v3 =	vld.idx.msk [tilespmem:v43+s10+$0x0], $0xffff  }
0x11c: {  	v45 =	vor.u32 v4, v0  }
0x11d: {  	v4 =	vld [tilespmem:$0x1FE40];
	_ =	sdelay $0x2  }
0x11e: {  	[tilespmem:v44+s28+$0x0] =	vst.idx.msk $0xff, v3  }
0x11f: {  	v46 =	vor.u32 $0x200, v37;
	v3 =	vld.idx.msk [tilespmem:v45+s10+$0x0], $0xffff  }
0x120: {  	v47 =	vor.u32 v4, v0  }
0x121: {  	v4 =	vld [tilespmem:$0x1FE50];
	_ =	sdelay $0x2  }
0x122: {  	[tilespmem:v46+s28+$0x0] =	vst.idx.msk $0xff, v3  }
0x123: {  	v48 =	vor.u32 $0x280, v37;
	v3 =	vld.idx.msk [tilespmem:v47+s10+$0x0], $0xffff  }
0x124: {  	v49 =	vor.u32 v4, v0  }
0x125: {  	v4 =	vld [tilespmem:$0x1FE60];
	_ =	sdelay $0x2  }
0x126: {  	[tilespmem:v48+s28+$0x0] =	vst.idx.msk $0xff, v3  }
0x127: {  	v50 =	vor.u32 $0x300, v37;
	v3 =	vld.idx.msk [tilespmem:v49+s10+$0x0], $0xffff  }
0x128: {  	v51 =	vor.u32 v4, v0  }
0x129: {  	v40 =	vor.u32 v1, v2;
	v2 =	vld [tilespmem:$0x1FE70];
	_ =	sdelay $0x2  }
0x12a: {  	[tilespmem:v50+s28+$0x0] =	vst.idx.msk $0xff, v3  }
0x12b: {  	v52 =	vor.u32 $0x380, v40;
	v1 =	vld.idx.msk [tilespmem:v51+s10+$0x0], $0xffff  }
0x12c: {  	v53 =	vor.u32 v2, v0  }
0x12d: {  	v2 =	vld [tilespmem:$0x1FE80];
	_ =	sdelay $0x2  }
0x12e: {  	[tilespmem:v52+s28+$0x0] =	vst.idx.msk $0xff, v1  }
0x12f: {  	v54 =	vor.u32 $0x1000, v37;
	v1 =	vld.idx.msk [tilespmem:v53+s10+$0x0], $0xffff  }
0x130: {  	v55 =	vor.u32 v2, v0  }
0x131: {  	v2 =	vld [tilespmem:$0x1FE90];
	_ =	sdelay $0x2  }
0x132: {  	[tilespmem:v54+s28+$0x0] =	vst.idx.msk $0xff, v1  }
0x133: {  	v56 =	vor.u32 $0x1080, v37;
	v1 =	vld.idx.msk [tilespmem:v55+s10+$0x0], $0xffff  }
0x134: {  	v57 =	vor.u32 v2, v0  }
0x135: {  	v2 =	vld [tilespmem:$0x1FEA0];
	_ =	sdelay $0x2  }
0x136: {  	[tilespmem:v56+s28+$0x0] =	vst.idx.msk $0xff, v1  }
0x137: {  	v58 =	vor.u32 $0x1100, v37;
	v1 =	vld.idx.msk [tilespmem:v57+s10+$0x0], $0xffff  }
0x138: {  	v59 =	vor.u32 v2, v0  }
0x139: {  	v2 =	vld [tilespmem:$0x1FEB0];
	_ =	sdelay $0x2  }
0x13a: {  	[tilespmem:v58+s28+$0x0] =	vst.idx.msk $0xff, v1  }
0x13b: {  	v60 =	vor.u32 $0x1180, v37;
	v1 =	vld.idx.msk [tilespmem:v59+s10+$0x0], $0xffff  }
0x13c: {  	v61 =	vor.u32 v2, v0  }
0x13d: {  	v2 =	vld [tilespmem:$0x1FEC0];
	_ =	sdelay $0x2  }
0x13e: {  	[tilespmem:v60+s28+$0x0] =	vst.idx.msk $0xff, v1  }
0x13f: {  	v62 =	vor.u32 $0x1200, v37;
	v1 =	vld.idx.msk [tilespmem:v61+s10+$0x0], $0xffff  }
0x140: {  	v63 =	vor.u32 v2, v0  }
0x141: {  	v3 =	vld [tilespmem:$0x1FED0];
	_ =	sdelay $0x2  }
0x142: {  	[tilespmem:v62+s28+$0x0] =	vst.idx.msk $0xff, v1  }
0x143: {  	v2 =	vor.u32 $0x1280, v37;
	v1 =	vld.idx.msk [tilespmem:v63+s10+$0x0], $0xffff  }
0x144: {  	v3 =	vor.u32 v3, v0  }
0x145: {  	[tilespmem:$0x1FDE0] =	vst v5;
	v5 =	vld [tilespmem:$0x1FEE0];
	_ =	sdelay $0x2  }
0x146: {  	[tilespmem:v2+s28+$0x0] =	vst.idx.msk $0xff, v1  }
0x147: {  	v4 =	vor.u32 $0x1300, v37;
	v1 =	vld.idx.msk [tilespmem:v3+s10+$0x0], $0xffff  }
0x148: {  	v5 =	vor.u32 v5, v0  }
0x149: {  	v7 =	vld [tilespmem:$0x1FEF0];
	_ =	sdelay $0x2  }
0x14a: {  	[tilespmem:v4+s28+$0x0] =	vst.idx.msk $0xff, v1  }
0x14b: {  	v6 =	vor.u32 $0x1380, v40;
	v1 =	vld.idx.msk [tilespmem:v5+s10+$0x0], $0xffff  }
0x14c: {  	v7 =	vor.u32 v7, v0  }
0x14d: {  	v9 =	vld [tilespmem:$0x1FF00];
	_ =	sdelay $0x2  }
0x14e: {  	[tilespmem:v6+s28+$0x0] =	vst.idx.msk $0xff, v1  }
0x14f: {  	v8 =	vor.u32 $0x2000, v37;
	v1 =	vld.idx.msk [tilespmem:v7+s10+$0x0], $0xffff  }
0x150: {  	v9 =	vor.u32 v9, v0  }
0x151: {  	v11 =	vld [tilespmem:$0x1FF10];
	_ =	sdelay $0x2  }
0x152: {  	[tilespmem:v8+s28+$0x0] =	vst.idx.msk $0xff, v1  }
0x153: {  	v10 =	vor.u32 $0x2080, v37;
	v1 =	vld.idx.msk [tilespmem:v9+s10+$0x0], $0xffff  }
0x154: {  	v11 =	vor.u32 v11, v0  }
0x155: {  	v13 =	vld [tilespmem:$0x1FF20];
	_ =	sdelay $0x2  }
0x156: {  	[tilespmem:v10+s28+$0x0] =	vst.idx.msk $0xff, v1  }
0x157: {  	v12 =	vor.u32 $0x2100, v37;
	v1 =	vld.idx.msk [tilespmem:v11+s10+$0x0], $0xffff  }
0x158: {  	v13 =	vor.u32 v13, v0  }
0x159: {  	v15 =	vld [tilespmem:$0x1FF30];
	_ =	sdelay $0x2  }
0x15a: {  	[tilespmem:v12+s28+$0x0] =	vst.idx.msk $0xff, v1  }
0x15b: {  	v14 =	vor.u32 $0x2180, v37;
	v1 =	vld.idx.msk [tilespmem:v13+s10+$0x0], $0xffff  }
0x15c: {  	v15 =	vor.u32 v15, v0  }
0x15d: {  	v17 =	vld [tilespmem:$0x1FF40];
	_ =	sdelay $0x2  }
0x15e: {  	[tilespmem:v14+s28+$0x0] =	vst.idx.msk $0xff, v1  }
0x15f: {  	v16 =	vor.u32 $0x2200, v37;
	v1 =	vld.idx.msk [tilespmem:v15+s10+$0x0], $0xffff  }
0x160: {  	v17 =	vor.u32 v17, v0  }
0x161: {  	v19 =	vld [tilespmem:$0x1FF50];
	_ =	sdelay $0x2  }
0x162: {  	[tilespmem:v16+s28+$0x0] =	vst.idx.msk $0xff, v1  }
0x163: {  	v18 =	vor.u32 $0x2280, v37;
	v1 =	vld.idx.msk [tilespmem:v17+s10+$0x0], $0xffff  }
0x164: {  	v19 =	vor.u32 v19, v0  }
0x165: {  	v21 =	vld [tilespmem:$0x1FF60];
	_ =	sdelay $0x2  }
0x166: {  	[tilespmem:v18+s28+$0x0] =	vst.idx.msk $0xff, v1  }
0x167: {  	v20 =	vor.u32 $0x2300, v37;
	v1 =	vld.idx.msk [tilespmem:v19+s10+$0x0], $0xffff  }
0x168: {  	v21 =	vor.u32 v21, v0  }
0x169: {  	v23 =	vld [tilespmem:$0x1FF70];
	_ =	sdelay $0x2  }
0x16a: {  	[tilespmem:v20+s28+$0x0] =	vst.idx.msk $0xff, v1  }
0x16b: {  	v22 =	vor.u32 $0x2380, v40;
	v1 =	vld.idx.msk [tilespmem:v21+s10+$0x0], $0xffff  }
0x16c: {  	v23 =	vor.u32 v23, v0  }
0x16d: {  	v25 =	vld [tilespmem:$0x1FF80];
	_ =	sdelay $0x2  }
0x16e: {  	[tilespmem:v22+s28+$0x0] =	vst.idx.msk $0xff, v1  }
0x16f: {  	v24 =	vor.u32 $0x3000, v37;
	v1 =	vld.idx.msk [tilespmem:v23+s10+$0x0], $0xffff  }
0x170: {  	v25 =	vor.u32 v25, v0  }
0x171: {  	v27 =	vld [tilespmem:$0x1FF90];
	_ =	sdelay $0x2  }
0x172: {  	[tilespmem:v24+s28+$0x0] =	vst.idx.msk $0xff, v1  }
0x173: {  	v26 =	vor.u32 $0x3080, v37;
	v1 =	vld.idx.msk [tilespmem:v25+s10+$0x0], $0xffff  }
0x174: {  	v27 =	vor.u32 v27, v0  }
0x175: {  	v29 =	vld [tilespmem:$0x1FFA0];
	_ =	sdelay $0x2  }
0x176: {  	[tilespmem:v26+s28+$0x0] =	vst.idx.msk $0xff, v1  }
0x177: {  	v28 =	vor.u32 $0x3100, v37;
	v1 =	vld.idx.msk [tilespmem:v27+s10+$0x0], $0xffff  }
0x178: {  	v29 =	vor.u32 v29, v0  }
0x179: {  	v31 =	vld [tilespmem:$0x1FFB0];
	_ =	sdelay $0x2  }
0x17a: {  	[tilespmem:v28+s28+$0x0] =	vst.idx.msk $0xff, v1  }
0x17b: {  	v30 =	vor.u32 $0x3180, v37;
	v1 =	vld.idx.msk [tilespmem:v29+s10+$0x0], $0xffff  }
0x17c: {  	v31 =	vor.u32 v31, v0  }
0x17d: {  	v33 =	vld [tilespmem:$0x1FFC0];
	_ =	sdelay $0x2  }
0x17e: {  	[tilespmem:v30+s28+$0x0] =	vst.idx.msk $0xff, v1  }
0x17f: {  	v32 =	vor.u32 $0x3200, v37;
	v1 =	vld.idx.msk [tilespmem:v31+s10+$0x0], $0xffff  }
0x180: {  	v33 =	vor.u32 v33, v0  }
0x181: {  	v34 =	vld [tilespmem:$0x1FFD0];
	_ =	sdelay $0x2  }
0x182: {  	[tilespmem:v32+s28+$0x0] =	vst.idx.msk $0xff, v1  }
0x183: {  	v1 =	vor.u32 $0x3280, v37;
	v36 =	vld.idx.msk [tilespmem:v33+s10+$0x0], $0xffff  }
0x184: {  	v34 =	vor.u32 v34, v0  }
0x185: {  	v38 =	vld [tilespmem:$0x1FFF0];
	_ =	sdelay $0x2  }
0x186: {  	[tilespmem:v1+s28+$0x0] =	vst.idx.msk $0xff, v36  }
0x187: {  	v36 =	vor.u32 $0x3300, v37;
	v41 =	vld.idx.msk [tilespmem:v34+s10+$0x0], $0xffff  }
0x188: {  	v38 =	vor.u32 v38, v0;
	_ =	sdelay $0x3  }
0x189: {  	[tilespmem:v36+s28+$0x0] =	vst.idx.msk $0xff, v41  }
0x18a: {  	p0 =	seq.s32 s30, $0x1F0;
	v0 =	vor.u32 $0x3380, v40;
	v40 =	vld.idx.msk [tilespmem:v38+s10+$0x0], $0xffff  }
.Ltmp4:
0x18b: {  	_ = 	snop;
	(pc) =	sbr.rel @p0 .LBB2_4-.Ltmp4, $4  }
0x18c: {  	_ = 	snop  }
0x18d: {  	vm1 =	veq.s32 v39, $0xF4240;
	v39 =	vimm.s32 $0x0  }
0x18e: {  	v39 =	vsel vm1, $0x1, v39  }
0x18f: {  	vm1 =	vgt.s32 v35, v39;
	[tilespmem:v0+s28+$0x0] =	vst.idx.msk $0xff, v40  }
0x190: {  	v40 =	vld [tilespmem:s0+$0x0];
	_ =	sdelay $0x4  }
0x191: {  	(v2sf) =	vpush v40, $0x0;
	_ =	sdelay $0x5  }
0x192: {  	(v2sf) =	vpush v40, $0x1;
	_ =	sdelay $0x5  }
0x193: {  	(v2sf) =	vpush v40, $0x2;
	_ =	sdelay $0x2  }
0x194: {  	s31 =	spop (v2sf)  }
0x195: {  	p0 =	slt.s32 s31, $0xF423F  }
0x196: {  	s31 =	simm.s32 @!p0 $0xF423F  }
0x197: {  	(v2sf) =	vpush v40, $0x3;
	s31 =	sand.u32 $0xFFFFF80, s31  }
0x198: {  	s31 =	sadd.s32 s1, s31  }
0x199: {  	[tilespmem:s10], [sflag:$0x1] =	stream.strided.gather [hbm4b:s31+s7], $0x1000, s9, s7, $0x38;
	[tilespmem:$0x14200] =	vst v63  }
0x19a: {  	s31 =	spop (v2sf)  }
0x19b: {  	p0 =	slt.s32 s31, $0xF423F  }
0x19c: {  	s31 =	simm.s32 @!p0 $0xF423F  }
0x19d: {  	(v2sf) =	vpush v40, $0x4;
	s31 =	sand.u32 $0xFFFFF80, s31  }
0x19e: {  	s31 =	sadd.s32 s1, s31  }
0x19f: {  	[tilespmem:s11], [sflag:$0x1] =	stream.strided.gather [hbm4b:s31+s7], $0x1000, s9, s7, $0x38;
	[tilespmem:$0x14200] =	vst v63  }
0x1a0: {  	s31 =	spop (v2sf)  }
0x1a1: {  	p0 =	slt.s32 s31, $0xF423F  }
0x1a2: {  	s31 =	simm.s32 @!p0 $0xF423F  }
0x1a3: {  	(v2sf) =	vpush v40, $0x5;
	s31 =	sand.u32 $0xFFFFF80, s31  }
0x1a4: {  	s31 =	sadd.s32 s1, s31  }
0x1a5: {  	[tilespmem:s12], [sflag:$0x1] =	stream.strided.gather [hbm4b:s31+s7], $0x1000, s9, s7, $0x38;
	[tilespmem:$0x14200] =	vst v63  }
0x1a6: {  	s31 =	spop (v2sf)  }
0x1a7: {  	p0 =	slt.s32 s31, $0xF423F  }
0x1a8: {  	s31 =	simm.s32 @!p0 $0xF423F  }
0x1a9: {  	(v2sf) =	vpush v40, $0x6;
	s31 =	sand.u32 $0xFFFFF80, s31  }
0x1aa: {  	s31 =	sadd.s32 s1, s31  }
0x1ab: {  	[tilespmem:s13], [sflag:$0x1] =	stream.strided.gather [hbm4b:s31+s7], $0x1000, s9, s7, $0x38;
	[tilespmem:$0x14200] =	vst v63  }
0x1ac: {  	s31 =	spop (v2sf)  }
0x1ad: {  	p0 =	slt.s32 s31, $0xF423F  }
0x1ae: {  	s31 =	simm.s32 @!p0 $0xF423F  }
0x1af: {  	(v2sf) =	vpush v40, $0x7;
	s31 =	sand.u32 $0xFFFFF80, s31  }
0x1b0: {  	s31 =	sadd.s32 s1, s31  }
0x1b1: {  	[tilespmem:s14], [sflag:$0x1] =	stream.strided.gather [hbm4b:s31+s7], $0x1000, s9, s7, $0x38;
	[tilespmem:$0x14200] =	vst v63  }
0x1b2: {  	s31 =	spop (v2sf)  }
0x1b3: {  	p0 =	slt.s32 s31, $0xF423F  }
0x1b4: {  	s31 =	simm.s32 @!p0 $0xF423F  }
0x1b5: {  	s31 =	sand.u32 $0xFFFFF80, s31  }
0x1b6: {  	s31 =	sadd.s32 s1, s31  }
0x1b7: {  	[tilespmem:s15], [sflag:$0x1] =	stream.strided.gather [hbm4b:s31+s7], $0x1000, s9, s7, $0x38;
	[tilespmem:$0x14200] =	vst v63  }
0x1b8: {  	s31 =	spop (v2sf)  }
0x1b9: {  	p0 =	slt.s32 s31, $0xF423F  }
0x1ba: {  	s31 =	simm.s32 @!p0 $0xF423F  }
0x1bb: {  	s31 =	sand.u32 $0xFFFFF80, s31  }
0x1bc: {  	s31 =	sadd.s32 s1, s31  }
0x1bd: {  	[tilespmem:s16], [sflag:$0x1] =	stream.strided.gather [hbm4b:s31+s7], $0x1000, s9, s7, $0x38;
	[tilespmem:$0x14200] =	vst v63  }
0x1be: {  	s31 =	spop (v2sf)  }
.Ltmp5:
0x1bf: {  	p0 =	slt.s32 s31, $0xF423F;
	(pc) =	sbr.rel .LBB2_4-.Ltmp5, $4  }
0x1c0: {  	s31 =	simm.s32 @!p0 $0xF423F  }
0x1c1: {  	s31 =	sand.u32 $0xFFFFF80, s31  }
0x1c2: {  	s31 =	sadd.s32 s1, s31  }
0x1c3: {  	[tilespmem:s17], [sflag:$0x1] =	stream.strided.gather [hbm4b:s31+s7], $0x1000, s9, s7, $0x38;
	[tilespmem:$0x14200] =	vst v63  }
.LBB2_5:
0x1c4: {  	v0 =	vor.u32 $0x80000000, v35  }
0x1c5: {  	(xrf0) =	vmax.scan.msk.u32 $0xffff, v0;
	_ =	sdelay $0x5  }
0x1c6: {  	v0, _, _ =	vpop (xrf0)  }
0x1c7: {  	(v2sf) =	vpush v0, $0xF;
	_ =	sdelay $0xe  }
0x1c8: {  	s0 =	spop (v2sf)  }
0x1c9: {  	p0 =	slt.u32 s0, $0x80000001  }
.Ltmp6:
0x1ca: {  	_ = 	snop;
	(pc) =	sbr.rel @p0 .LBB2_7-.Ltmp6, $1  }
0x1cb: {  	_ =	sdelay $0x3  }
0x1cc: {  	v0 =	vld [tilespmem:$0x0];
	_ =	sdelay $0x4  }
0x1cd: {  	vm1 =	veq.s32 v0, $0xF4240  }
0x1ce: {  	v5 =	vlaneseq.u32  }
0x1cf: {  	v55 =	vor.u32 $0x80, v5  }
0x1d0: {  	v1 =	vor.u32 $0x100, v5  }
0x1d1: {  	v2 =	vor.u32 $0x180, v5  }
0x1d2: {  	v6 =	vimm.f32 $0.0e+00;
	v3 =	vor.u32 $0x200, v5  }
0x1d3: {  	v4 =	vor.u32 $0x280, v5;
	[tilespmem:v5+s28+$0x0] =	vst.idx.msk vm1, v6  }
0x1d4: {  	v56 =	vor.u32 $0x300, v5;
	[tilespmem:v55+s28+$0x0] =	vst.idx.msk vm1, v6  }
0x1d5: {  	v57 =	vor.u32 $0x380, v5;
	[tilespmem:v1+s28+$0x0] =	vst.idx.msk vm1, v6  }
0x1d6: {  	v58 =	vor.u32 $0x1000, v5;
	[tilespmem:v2+s28+$0x0] =	vst.idx.msk vm1, v6  }
0x1d7: {  	v59 =	vor.u32 $0x1080, v5;
	[tilespmem:v3+s28+$0x0] =	vst.idx.msk vm1, v6  }
0x1d8: {  	v60 =	vor.u32 $0x1100, v5;
	[tilespmem:v4+s28+$0x0] =	vst.idx.msk vm1, v6  }
0x1d9: {  	v61 =	vor.u32 $0x1180, v5;
	[tilespmem:v56+s28+$0x0] =	vst.idx.msk vm1, v6  }
0x1da: {  	v62 =	vor.u32 $0x1200, v5;
	[tilespmem:v57+s28+$0x0] =	vst.idx.msk vm1, v6  }
0x1db: {  	v63 =	vor.u32 $0x1280, v5;
	[tilespmem:v58+s28+$0x0] =	vst.idx.msk vm1, v6  }
0x1dc: {  	v8 =	vor.u32 $0x1300, v5;
	[tilespmem:v59+s28+$0x0] =	vst.idx.msk vm1, v6  }
0x1dd: {  	v9 =	vor.u32 $0x1380, v5;
	[tilespmem:v60+s28+$0x0] =	vst.idx.msk vm1, v6  }
0x1de: {  	v10 =	vor.u32 $0x2000, v5;
	[tilespmem:v61+s28+$0x0] =	vst.idx.msk vm1, v6  }
0x1df: {  	v11 =	vor.u32 $0x2080, v5;
	[tilespmem:v62+s28+$0x0] =	vst.idx.msk vm1, v6  }
0x1e0: {  	v12 =	vor.u32 $0x2100, v5;
	[tilespmem:v63+s28+$0x0] =	vst.idx.msk vm1, v6  }
0x1e1: {  	v13 =	vor.u32 $0x2180, v5;
	[tilespmem:v8+s28+$0x0] =	vst.idx.msk vm1, v6  }
0x1e2: {  	v14 =	vor.u32 $0x2200, v5;
	[tilespmem:v9+s28+$0x0] =	vst.idx.msk vm1, v6  }
0x1e3: {  	v15 =	vor.u32 $0x2280, v5;
	[tilespmem:v10+s28+$0x0] =	vst.idx.msk vm1, v6  }
0x1e4: {  	v16 =	vor.u32 $0x2300, v5;
	[tilespmem:v11+s28+$0x0] =	vst.idx.msk vm1, v6  }
0x1e5: {  	v17 =	vor.u32 $0x2380, v5;
	[tilespmem:v12+s28+$0x0] =	vst.idx.msk vm1, v6  }
0x1e6: {  	v18 =	vor.u32 $0x3000, v5;
	[tilespmem:v13+s28+$0x0] =	vst.idx.msk vm1, v6  }
0x1e7: {  	v19 =	vor.u32 $0x3080, v5;
	[tilespmem:v14+s28+$0x0] =	vst.idx.msk vm1, v6  }
0x1e8: {  	v20 =	vor.u32 $0x3100, v5;
	[tilespmem:v15+s28+$0x0] =	vst.idx.msk vm1, v6  }
0x1e9: {  	v21 =	vor.u32 $0x3180, v5;
	[tilespmem:v16+s28+$0x0] =	vst.idx.msk vm1, v6  }
0x1ea: {  	v22 =	vor.u32 $0x3200, v5;
	[tilespmem:v17+s28+$0x0] =	vst.idx.msk vm1, v6  }
0x1eb: {  	v23 =	vor.u32 $0x3280, v5;
	[tilespmem:v18+s28+$0x0] =	vst.idx.msk vm1, v6  }
0x1ec: {  	v24 =	vor.u32 $0x3300, v5;
	[tilespmem:v19+s28+$0x0] =	vst.idx.msk vm1, v6  }
0x1ed: {  	v25 =	vor.u32 $0x3380, v5;
	[tilespmem:v20+s28+$0x0] =	vst.idx.msk vm1, v6  }
0x1ee: {  	[tilespmem:v21+s28+$0x0] =	vst.idx.msk vm1, v6  }
0x1ef: {  	[tilespmem:v22+s28+$0x0] =	vst.idx.msk vm1, v6  }
0x1f0: {  	[tilespmem:v23+s28+$0x0] =	vst.idx.msk vm1, v6  }
0x1f1: {  	[tilespmem:v24+s28+$0x0] =	vst.idx.msk vm1, v6  }
0x1f2: {  	[tilespmem:v25+s28+$0x0] =	vst.idx.msk vm1, v6  }
0x1f3: {  	v0 =	vld [tilespmem:$0x10];
	_ =	sdelay $0x4  }
0x1f4: {  	vm1 =	veq.s32 v0, $0xF4240  }
0x1f5: {  	v26 =	vor.u32 $0x10, v5  }
0x1f6: {  	v27 =	vor.u32 $0x90, v5  }
0x1f7: {  	v28 =	vor.u32 $0x110, v5  }
0x1f8: {  	v29 =	vor.u32 $0x190, v5  }
0x1f9: {  	v30 =	vor.u32 $0x210, v5  }
0x1fa: {  	v31 =	vor.u32 $0x290, v5;
	[tilespmem:v26+s28+$0x0] =	vst.idx.msk vm1, v6  }
0x1fb: {  	v32 =	vor.u32 $0x310, v5;
	[tilespmem:v27+s28+$0x0] =	vst.idx.msk vm1, v6  }
0x1fc: {  	v33 =	vor.u32 $0x390, v5;
	[tilespmem:v28+s28+$0x0] =	vst.idx.msk vm1, v6  }
0x1fd: {  	v34 =	vor.u32 $0x1010, v5;
	[tilespmem:v29+s28+$0x0] =	vst.idx.msk vm1, v6  }
0x1fe: {  	v35 =	vor.u32 $0x1090, v5;
	[tilespmem:v30+s28+$0x0] =	vst.idx.msk vm1, v6  }
0x1ff: {  	v36 =	vor.u32 $0x1110, v5;
	[tilespmem:v31+s28+$0x0] =	vst.idx.msk vm1, v6  }
0x200: {  	v37 =	vor.u32 $0x1190, v5;
	[tilespmem:v32+s28+$0x0] =	vst.idx.msk vm1, v6  }
0x201: {  	v38 =	vor.u32 $0x1210, v5;
	[tilespmem:v33+s28+$0x0] =	vst.idx.msk vm1, v6  }
0x202: {  	v39 =	vor.u32 $0x1290, v5;
	[tilespmem:v34+s28+$0x0] =	vst.idx.msk vm1, v6  }
0x203: {  	v40 =	vor.u32 $0x1310, v5;
	[tilespmem:v35+s28+$0x0] =	vst.idx.msk vm1, v6  }
0x204: {  	v41 =	vor.u32 $0x1390, v5;
	[tilespmem:v36+s28+$0x0] =	vst.idx.msk vm1, v6  }
0x205: {  	v42 =	vor.u32 $0x2010, v5;
	[tilespmem:v37+s28+$0x0] =	vst.idx.msk vm1, v6  }
0x206: {  	v43 =	vor.u32 $0x2090, v5;
	[tilespmem:v38+s28+$0x0] =	vst.idx.msk vm1, v6  }
0x207: {  	v44 =	vor.u32 $0x2110, v5;
	[tilespmem:v39+s28+$0x0] =	vst.idx.msk vm1, v6  }
0x208: {  	v45 =	vor.u32 $0x2190, v5;
	[tilespmem:v40+s28+$0x0] =	vst.idx.msk vm1, v6  }
0x209: {  	v46 =	vor.u32 $0x2210, v5;
	[tilespmem:v41+s28+$0x0] =	vst.idx.msk vm1, v6  }
0x20a: {  	v47 =	vor.u32 $0x2290, v5;
	[tilespmem:v42+s28+$0x0] =	vst.idx.msk vm1, v6  }
0x20b: {  	v48 =	vor.u32 $0x2310, v5;
	[tilespmem:v43+s28+$0x0] =	vst.idx.msk vm1, v6  }
0x20c: {  	v49 =	vor.u32 $0x2390, v5;
	[tilespmem:v44+s28+$0x0] =	vst.idx.msk vm1, v6  }
0x20d: {  	v50 =	vor.u32 $0x3010, v5;
	[tilespmem:v45+s28+$0x0] =	vst.idx.msk vm1, v6  }
0x20e: {  	v51 =	vor.u32 $0x3090, v5;
	[tilespmem:v46+s28+$0x0] =	vst.idx.msk vm1, v6  }
0x20f: {  	v52 =	vor.u32 $0x3110, v5;
	[tilespmem:v47+s28+$0x0] =	vst.idx.msk vm1, v6  }
0x210: {  	v53 =	vor.u32 $0x3190, v5;
	[tilespmem:v48+s28+$0x0] =	vst.idx.msk vm1, v6  }
0x211: {  	v54 =	vor.u32 $0x3210, v5;
	[tilespmem:v49+s28+$0x0] =	vst.idx.msk vm1, v6  }
0x212: {  	v55 =	vor.u32 $0x3290, v5;
	[tilespmem:v50+s28+$0x0] =	vst.idx.msk vm1, v6  }
0x213: {  	v56 =	vor.u32 $0x3310, v5;
	[tilespmem:v51+s28+$0x0] =	vst.idx.msk vm1, v6  }
0x214: {  	v57 =	vor.u32 $0x3390, v5;
	[tilespmem:v52+s28+$0x0] =	vst.idx.msk vm1, v6  }
0x215: {  	[tilespmem:v53+s28+$0x0] =	vst.idx.msk vm1, v6  }
0x216: {  	[tilespmem:v54+s28+$0x0] =	vst.idx.msk vm1, v6  }
0x217: {  	[tilespmem:v55+s28+$0x0] =	vst.idx.msk vm1, v6  }
0x218: {  	[tilespmem:v56+s28+$0x0] =	vst.idx.msk vm1, v6  }
0x219: {  	[tilespmem:v57+s28+$0x0] =	vst.idx.msk vm1, v6  }
0x21a: {  	v0 =	vld [tilespmem:$0x20];
	_ =	sdelay $0x4  }
0x21b: {  	vm1 =	veq.s32 v0, $0xF4240  }
0x21c: {  	v58 =	vor.u32 $0x20, v5  }
0x21d: {  	v59 =	vor.u32 $0xA0, v5  }
0x21e: {  	v60 =	vor.u32 $0x120, v5  }
0x21f: {  	v61 =	vor.u32 $0x1A0, v5  }
0x220: {  	v62 =	vor.u32 $0x220, v5  }
0x221: {  	v63 =	vor.u32 $0x2A0, v5;
	[tilespmem:v58+s28+$0x0] =	vst.idx.msk vm1, v6  }
0x222: {  	v8 =	vor.u32 $0x320, v5;
	[tilespmem:v59+s28+$0x0] =	vst.idx.msk vm1, v6  }
0x223: {  	v9 =	vor.u32 $0x3A0, v5;
	[tilespmem:v60+s28+$0x0] =	vst.idx.msk vm1, v6  }
0x224: {  	v10 =	vor.u32 $0x1020, v5;
	[tilespmem:v61+s28+$0x0] =	vst.idx.msk vm1, v6  }
0x225: {  	v11 =	vor.u32 $0x10A0, v5;
	[tilespmem:v62+s28+$0x0] =	vst.idx.msk vm1, v6  }
0x226: {  	v12 =	vor.u32 $0x1120, v5;
	[tilespmem:v63+s28+$0x0] =	vst.idx.msk vm1, v6  }
0x227: {  	v13 =	vor.u32 $0x11A0, v5;
	[tilespmem:v8+s28+$0x0] =	vst.idx.msk vm1, v6  }
0x228: {  	v14 =	vor.u32 $0x1220, v5;
	[tilespmem:v9+s28+$0x0] =	vst.idx.msk vm1, v6  }
0x229: {  	v15 =	vor.u32 $0x12A0, v5;
	[tilespmem:v10+s28+$0x0] =	vst.idx.msk vm1, v6  }
0x22a: {  	v16 =	vor.u32 $0x1320, v5;
	[tilespmem:v11+s28+$0x0] =	vst.idx.msk vm1, v6  }
0x22b: {  	v17 =	vor.u32 $0x13A0, v5;
	[tilespmem:v12+s28+$0x0] =	vst.idx.msk vm1, v6  }
0x22c: {  	v18 =	vor.u32 $0x2020, v5;
	[tilespmem:v13+s28+$0x0] =	vst.idx.msk vm1, v6  }
0x22d: {  	v19 =	vor.u32 $0x20A0, v5;
	[tilespmem:v14+s28+$0x0] =	vst.idx.msk vm1, v6  }
0x22e: {  	v20 =	vor.u32 $0x2120, v5;
	[tilespmem:v15+s28+$0x0] =	vst.idx.msk vm1, v6  }
0x22f: {  	v21 =	vor.u32 $0x21A0, v5;
	[tilespmem:v16+s28+$0x0] =	vst.idx.msk vm1, v6  }
0x230: {  	v22 =	vor.u32 $0x2220, v5;
	[tilespmem:v17+s28+$0x0] =	vst.idx.msk vm1, v6  }
0x231: {  	v23 =	vor.u32 $0x22A0, v5;
	[tilespmem:v18+s28+$0x0] =	vst.idx.msk vm1, v6  }
0x232: {  	v24 =	vor.u32 $0x2320, v5;
	[tilespmem:v19+s28+$0x0] =	vst.idx.msk vm1, v6  }
0x233: {  	v25 =	vor.u32 $0x23A0, v5;
	[tilespmem:v20+s28+$0x0] =	vst.idx.msk vm1, v6  }
0x234: {  	v26 =	vor.u32 $0x3020, v5;
	[tilespmem:v21+s28+$0x0] =	vst.idx.msk vm1, v6  }
0x235: {  	v27 =	vor.u32 $0x30A0, v5;
	[tilespmem:v22+s28+$0x0] =	vst.idx.msk vm1, v6  }
0x236: {  	v28 =	vor.u32 $0x3120, v5;
	[tilespmem:v23+s28+$0x0] =	vst.idx.msk vm1, v6  }
0x237: {  	v29 =	vor.u32 $0x31A0, v5;
	[tilespmem:v24+s28+$0x0] =	vst.idx.msk vm1, v6  }
0x238: {  	v30 =	vor.u32 $0x3220, v5;
	[tilespmem:v25+s28+$0x0] =	vst.idx.msk vm1, v6  }
0x239: {  	v31 =	vor.u32 $0x32A0, v5;
	[tilespmem:v26+s28+$0x0] =	vst.idx.msk vm1, v6  }
0x23a: {  	v32 =	vor.u32 $0x3320, v5;
	[tilespmem:v27+s28+$0x0] =	vst.idx.msk vm1, v6  }
0x23b: {  	v33 =	vor.u32 $0x33A0, v5;
	[tilespmem:v28+s28+$0x0] =	vst.idx.msk vm1, v6  }
0x23c: {  	[tilespmem:v29+s28+$0x0] =	vst.idx.msk vm1, v6  }
0x23d: {  	[tilespmem:v30+s28+$0x0] =	vst.idx.msk vm1, v6  }
0x23e: {  	[tilespmem:v31+s28+$0x0] =	vst.idx.msk vm1, v6  }
0x23f: {  	[tilespmem:v32+s28+$0x0] =	vst.idx.msk vm1, v6  }
0x240: {  	[tilespmem:v33+s28+$0x0] =	vst.idx.msk vm1, v6  }
0x241: {  	v0 =	vld [tilespmem:$0x30];
	_ =	sdelay $0x4  }
0x242: {  	vm1 =	veq.s32 v0, $0xF4240  }
0x243: {  	v34 =	vor.u32 $0x30, v5  }
0x244: {  	v35 =	vor.u32 $0xB0, v5  }
0x245: {  	v36 =	vor.u32 $0x130, v5  }
0x246: {  	v37 =	vor.u32 $0x1B0, v5  }
0x247: {  	v38 =	vor.u32 $0x230, v5  }
0x248: {  	v39 =	vor.u32 $0x2B0, v5;
	[tilespmem:v34+s28+$0x0] =	vst.idx.msk vm1, v6  }
0x249: {  	v40 =	vor.u32 $0x330, v5;
	[tilespmem:v35+s28+$0x0] =	vst.idx.msk vm1, v6  }
0x24a: {  	v41 =	vor.u32 $0x3B0, v5;
	[tilespmem:v36+s28+$0x0] =	vst.idx.msk vm1, v6  }
0x24b: {  	v42 =	vor.u32 $0x1030, v5;
	[tilespmem:v37+s28+$0x0] =	vst.idx.msk vm1, v6  }
0x24c: {  	v43 =	vor.u32 $0x10B0, v5;
	[tilespmem:v38+s28+$0x0] =	vst.idx.msk vm1, v6  }
0x24d: {  	v44 =	vor.u32 $0x1130, v5;
	[tilespmem:v39+s28+$0x0] =	vst.idx.msk vm1, v6  }
0x24e: {  	v45 =	vor.u32 $0x11B0, v5;
	[tilespmem:v40+s28+$0x0] =	vst.idx.msk vm1, v6  }
0x24f: {  	v46 =	vor.u32 $0x1230, v5;
	[tilespmem:v41+s28+$0x0] =	vst.idx.msk vm1, v6  }
0x250: {  	v47 =	vor.u32 $0x12B0, v5;
	[tilespmem:v42+s28+$0x0] =	vst.idx.msk vm1, v6  }
0x251: {  	v48 =	vor.u32 $0x1330, v5;
	[tilespmem:v43+s28+$0x0] =	vst.idx.msk vm1, v6  }
0x252: {  	v49 =	vor.u32 $0x13B0, v5;
	[tilespmem:v44+s28+$0x0] =	vst.idx.msk vm1, v6  }
0x253: {  	v50 =	vor.u32 $0x2030, v5;
	[tilespmem:v45+s28+$0x0] =	vst.idx.msk vm1, v6  }
0x254: {  	v51 =	vor.u32 $0x20B0, v5;
	[tilespmem:v46+s28+$0x0] =	vst.idx.msk vm1, v6  }
0x255: {  	v52 =	vor.u32 $0x2130, v5;
	[tilespmem:v47+s28+$0x0] =	vst.idx.msk vm1, v6  }
0x256: {  	v53 =	vor.u32 $0x21B0, v5;
	[tilespmem:v48+s28+$0x0] =	vst.idx.msk vm1, v6  }
0x257: {  	v54 =	vor.u32 $0x2230, v5;
	[tilespmem:v49+s28+$0x0] =	vst.idx.msk vm1, v6  }
0x258: {  	v55 =	vor.u32 $0x22B0, v5;
	[tilespmem:v50+s28+$0x0] =	vst.idx.msk vm1, v6  }
0x259: {  	v56 =	vor.u32 $0x2330, v5;
	[tilespmem:v51+s28+$0x0] =	vst.idx.msk vm1, v6  }
0x25a: {  	v57 =	vor.u32 $0x23B0, v5;
	[tilespmem:v52+s28+$0x0] =	vst.idx.msk vm1, v6  }
0x25b: {  	v58 =	vor.u32 $0x3030, v5;
	[tilespmem:v53+s28+$0x0] =	vst.idx.msk vm1, v6  }
0x25c: {  	v59 =	vor.u32 $0x30B0, v5;
	[tilespmem:v54+s28+$0x0] =	vst.idx.msk vm1, v6  }
0x25d: {  	v60 =	vor.u32 $0x3130, v5;
	[tilespmem:v55+s28+$0x0] =	vst.idx.msk vm1, v6  }
0x25e: {  	v61 =	vor.u32 $0x31B0, v5;
	[tilespmem:v56+s28+$0x0] =	vst.idx.msk vm1, v6  }
0x25f: {  	v62 =	vor.u32 $0x3230, v5;
	[tilespmem:v57+s28+$0x0] =	vst.idx.msk vm1, v6  }
0x260: {  	v63 =	vor.u32 $0x32B0, v5;
	[tilespmem:v58+s28+$0x0] =	vst.idx.msk vm1, v6  }
0x261: {  	v8 =	vor.u32 $0x3330, v5;
	[tilespmem:v59+s28+$0x0] =	vst.idx.msk vm1, v6  }
0x262: {  	v9 =	vor.u32 $0x33B0, v5;
	[tilespmem:v60+s28+$0x0] =	vst.idx.msk vm1, v6  }
0x263: {  	[tilespmem:v61+s28+$0x0] =	vst.idx.msk vm1, v6  }
0x264: {  	[tilespmem:v62+s28+$0x0] =	vst.idx.msk vm1, v6  }
0x265: {  	[tilespmem:v63+s28+$0x0] =	vst.idx.msk vm1, v6  }
0x266: {  	[tilespmem:v8+s28+$0x0] =	vst.idx.msk vm1, v6  }
0x267: {  	[tilespmem:v9+s28+$0x0] =	vst.idx.msk vm1, v6  }
0x268: {  	v0 =	vld [tilespmem:$0x40];
	_ =	sdelay $0x4  }
0x269: {  	vm1 =	veq.s32 v0, $0xF4240  }
0x26a: {  	v10 =	vor.u32 $0x40, v5  }
0x26b: {  	v11 =	vor.u32 $0xC0, v5  }
0x26c: {  	v12 =	vor.u32 $0x140, v5  }
0x26d: {  	v13 =	vor.u32 $0x1C0, v5  }
0x26e: {  	v14 =	vor.u32 $0x240, v5  }
0x26f: {  	v15 =	vor.u32 $0x2C0, v5;
	[tilespmem:v10+s28+$0x0] =	vst.idx.msk vm1, v6  }
0x270: {  	v16 =	vor.u32 $0x340, v5;
	[tilespmem:v11+s28+$0x0] =	vst.idx.msk vm1, v6  }
0x271: {  	v17 =	vor.u32 $0x3C0, v5;
	[tilespmem:v12+s28+$0x0] =	vst.idx.msk vm1, v6  }
0x272: {  	v18 =	vor.u32 $0x1040, v5;
	[tilespmem:v13+s28+$0x0] =	vst.idx.msk vm1, v6  }
0x273: {  	v19 =	vor.u32 $0x10C0, v5;
	[tilespmem:v14+s28+$0x0] =	vst.idx.msk vm1, v6  }
0x274: {  	v20 =	vor.u32 $0x1140, v5;
	[tilespmem:v15+s28+$0x0] =	vst.idx.msk vm1, v6  }
0x275: {  	v21 =	vor.u32 $0x11C0, v5;
	[tilespmem:v16+s28+$0x0] =	vst.idx.msk vm1, v6  }
0x276: {  	v22 =	vor.u32 $0x1240, v5;
	[tilespmem:v17+s28+$0x0] =	vst.idx.msk vm1, v6  }
0x277: {  	v23 =	vor.u32 $0x12C0, v5;
	[tilespmem:v18+s28+$0x0] =	vst.idx.msk vm1, v6  }
0x278: {  	v24 =	vor.u32 $0x1340, v5;
	[tilespmem:v19+s28+$0x0] =	vst.idx.msk vm1, v6  }
0x279: {  	v25 =	vor.u32 $0x13C0, v5;
	[tilespmem:v20+s28+$0x0] =	vst.idx.msk vm1, v6  }
0x27a: {  	v26 =	vor.u32 $0x2040, v5;
	[tilespmem:v21+s28+$0x0] =	vst.idx.msk vm1, v6  }
0x27b: {  	v27 =	vor.u32 $0x20C0, v5;
	[tilespmem:v22+s28+$0x0] =	vst.idx.msk vm1, v6  }
0x27c: {  	v28 =	vor.u32 $0x2140, v5;
	[tilespmem:v23+s28+$0x0] =	vst.idx.msk vm1, v6  }
0x27d: {  	v29 =	vor.u32 $0x21C0, v5;
	[tilespmem:v24+s28+$0x0] =	vst.idx.msk vm1, v6  }
0x27e: {  	v30 =	vor.u32 $0x2240, v5;
	[tilespmem:v25+s28+$0x0] =	vst.idx.msk vm1, v6  }
0x27f: {  	v31 =	vor.u32 $0x22C0, v5;
	[tilespmem:v26+s28+$0x0] =	vst.idx.msk vm1, v6  }
0x280: {  	v32 =	vor.u32 $0x2340, v5;
	[tilespmem:v27+s28+$0x0] =	vst.idx.msk vm1, v6  }
0x281: {  	v33 =	vor.u32 $0x23C0, v5;
	[tilespmem:v28+s28+$0x0] =	vst.idx.msk vm1, v6  }
0x282: {  	v34 =	vor.u32 $0x3040, v5;
	[tilespmem:v29+s28+$0x0] =	vst.idx.msk vm1, v6  }
0x283: {  	v35 =	vor.u32 $0x30C0, v5;
	[tilespmem:v30+s28+$0x0] =	vst.idx.msk vm1, v6  }
0x284: {  	v36 =	vor.u32 $0x3140, v5;
	[tilespmem:v31+s28+$0x0] =	vst.idx.msk vm1, v6  }
0x285: {  	v37 =	vor.u32 $0x31C0, v5;
	[tilespmem:v32+s28+$0x0] =	vst.idx.msk vm1, v6  }
0x286: {  	v38 =	vor.u32 $0x3240, v5;
	[tilespmem:v33+s28+$0x0] =	vst.idx.msk vm1, v6  }
0x287: {  	v39 =	vor.u32 $0x32C0, v5;
	[tilespmem:v34+s28+$0x0] =	vst.idx.msk vm1, v6  }
0x288: {  	v40 =	vor.u32 $0x3340, v5;
	[tilespmem:v35+s28+$0x0] =	vst.idx.msk vm1, v6  }
0x289: {  	v41 =	vor.u32 $0x33C0, v5;
	[tilespmem:v36+s28+$0x0] =	vst.idx.msk vm1, v6  }
0x28a: {  	[tilespmem:v37+s28+$0x0] =	vst.idx.msk vm1, v6  }
0x28b: {  	[tilespmem:v38+s28+$0x0] =	vst.idx.msk vm1, v6  }
0x28c: {  	[tilespmem:v39+s28+$0x0] =	vst.idx.msk vm1, v6  }
0x28d: {  	[tilespmem:v40+s28+$0x0] =	vst.idx.msk vm1, v6  }
0x28e: {  	[tilespmem:v41+s28+$0x0] =	vst.idx.msk vm1, v6  }
0x28f: {  	v0 =	vld [tilespmem:$0x50];
	_ =	sdelay $0x4  }
0x290: {  	vm1 =	veq.s32 v0, $0xF4240  }
0x291: {  	v42 =	vor.u32 $0x50, v5  }
0x292: {  	v43 =	vor.u32 $0xD0, v5  }
0x293: {  	v44 =	vor.u32 $0x150, v5  }
0x294: {  	v45 =	vor.u32 $0x1D0, v5  }
0x295: {  	v46 =	vor.u32 $0x250, v5  }
0x296: {  	v47 =	vor.u32 $0x2D0, v5;
	[tilespmem:v42+s28+$0x0] =	vst.idx.msk vm1, v6  }
0x297: {  	v48 =	vor.u32 $0x350, v5;
	[tilespmem:v43+s28+$0x0] =	vst.idx.msk vm1, v6  }
0x298: {  	v49 =	vor.u32 $0x3D0, v5;
	[tilespmem:v44+s28+$0x0] =	vst.idx.msk vm1, v6  }
0x299: {  	v50 =	vor.u32 $0x1050, v5;
	[tilespmem:v45+s28+$0x0] =	vst.idx.msk vm1, v6  }
0x29a: {  	v51 =	vor.u32 $0x10D0, v5;
	[tilespmem:v46+s28+$0x0] =	vst.idx.msk vm1, v6  }
0x29b: {  	v52 =	vor.u32 $0x1150, v5;
	[tilespmem:v47+s28+$0x0] =	vst.idx.msk vm1, v6  }
0x29c: {  	v53 =	vor.u32 $0x11D0, v5;
	[tilespmem:v48+s28+$0x0] =	vst.idx.msk vm1, v6  }
0x29d: {  	v54 =	vor.u32 $0x1250, v5;
	[tilespmem:v49+s28+$0x0] =	vst.idx.msk vm1, v6  }
0x29e: {  	v55 =	vor.u32 $0x12D0, v5;
	[tilespmem:v50+s28+$0x0] =	vst.idx.msk vm1, v6  }
0x29f: {  	v56 =	vor.u32 $0x1350, v5;
	[tilespmem:v51+s28+$0x0] =	vst.idx.msk vm1, v6  }
0x2a0: {  	v57 =	vor.u32 $0x13D0, v5;
	[tilespmem:v52+s28+$0x0] =	vst.idx.msk vm1, v6  }
0x2a1: {  	v58 =	vor.u32 $0x2050, v5;
	[tilespmem:v53+s28+$0x0] =	vst.idx.msk vm1, v6  }
0x2a2: {  	v59 =	vor.u32 $0x20D0, v5;
	[tilespmem:v54+s28+$0x0] =	vst.idx.msk vm1, v6  }
0x2a3: {  	v60 =	vor.u32 $0x2150, v5;
	[tilespmem:v55+s28+$0x0] =	vst.idx.msk vm1, v6  }
0x2a4: {  	v61 =	vor.u32 $0x21D0, v5;
	[tilespmem:v56+s28+$0x0] =	vst.idx.msk vm1, v6  }
0x2a5: {  	v62 =	vor.u32 $0x2250, v5;
	[tilespmem:v57+s28+$0x0] =	vst.idx.msk vm1, v6  }
0x2a6: {  	v63 =	vor.u32 $0x22D0, v5;
	[tilespmem:v58+s28+$0x0] =	vst.idx.msk vm1, v6  }
0x2a7: {  	v8 =	vor.u32 $0x2350, v5;
	[tilespmem:v59+s28+$0x0] =	vst.idx.msk vm1, v6  }
0x2a8: {  	v9 =	vor.u32 $0x23D0, v5;
	[tilespmem:v60+s28+$0x0] =	vst.idx.msk vm1, v6  }
0x2a9: {  	v10 =	vor.u32 $0x3050, v5;
	[tilespmem:v61+s28+$0x0] =	vst.idx.msk vm1, v6  }
0x2aa: {  	v11 =	vor.u32 $0x30D0, v5;
	[tilespmem:v62+s28+$0x0] =	vst.idx.msk vm1, v6  }
0x2ab: {  	v12 =	vor.u32 $0x3150, v5;
	[tilespmem:v63+s28+$0x0] =	vst.idx.msk vm1, v6  }
0x2ac: {  	v13 =	vor.u32 $0x31D0, v5;
	[tilespmem:v8+s28+$0x0] =	vst.idx.msk vm1, v6  }
0x2ad: {  	v14 =	vor.u32 $0x3250, v5;
	[tilespmem:v9+s28+$0x0] =	vst.idx.msk vm1, v6  }
0x2ae: {  	v15 =	vor.u32 $0x32D0, v5;
	[tilespmem:v10+s28+$0x0] =	vst.idx.msk vm1, v6  }
0x2af: {  	v16 =	vor.u32 $0x3350, v5;
	[tilespmem:v11+s28+$0x0] =	vst.idx.msk vm1, v6  }
0x2b0: {  	v17 =	vor.u32 $0x33D0, v5;
	[tilespmem:v12+s28+$0x0] =	vst.idx.msk vm1, v6  }
0x2b1: {  	[tilespmem:v13+s28+$0x0] =	vst.idx.msk vm1, v6  }
0x2b2: {  	[tilespmem:v14+s28+$0x0] =	vst.idx.msk vm1, v6  }
0x2b3: {  	[tilespmem:v15+s28+$0x0] =	vst.idx.msk vm1, v6  }
0x2b4: {  	[tilespmem:v16+s28+$0x0] =	vst.idx.msk vm1, v6  }
0x2b5: {  	[tilespmem:v17+s28+$0x0] =	vst.idx.msk vm1, v6  }
0x2b6: {  	v0 =	vld [tilespmem:$0x60];
	_ =	sdelay $0x4  }
0x2b7: {  	vm1 =	veq.s32 v0, $0xF4240  }
0x2b8: {  	v18 =	vor.u32 $0x60, v5  }
0x2b9: {  	v19 =	vor.u32 $0xE0, v5  }
0x2ba: {  	v20 =	vor.u32 $0x160, v5  }
0x2bb: {  	v21 =	vor.u32 $0x1E0, v5  }
0x2bc: {  	v22 =	vor.u32 $0x260, v5  }
0x2bd: {  	v23 =	vor.u32 $0x2E0, v5;
	[tilespmem:v18+s28+$0x0] =	vst.idx.msk vm1, v6  }
0x2be: {  	v24 =	vor.u32 $0x360, v5;
	[tilespmem:v19+s28+$0x0] =	vst.idx.msk vm1, v6  }
0x2bf: {  	v25 =	vor.u32 $0x3E0, v5;
	[tilespmem:v20+s28+$0x0] =	vst.idx.msk vm1, v6  }
0x2c0: {  	v26 =	vor.u32 $0x1060, v5;
	[tilespmem:v21+s28+$0x0] =	vst.idx.msk vm1, v6  }
0x2c1: {  	v27 =	vor.u32 $0x10E0, v5;
	[tilespmem:v22+s28+$0x0] =	vst.idx.msk vm1, v6  }
0x2c2: {  	v28 =	vor.u32 $0x1160, v5;
	[tilespmem:v23+s28+$0x0] =	vst.idx.msk vm1, v6  }
0x2c3: {  	v29 =	vor.u32 $0x11E0, v5;
	[tilespmem:v24+s28+$0x0] =	vst.idx.msk vm1, v6  }
0x2c4: {  	v30 =	vor.u32 $0x1260, v5;
	[tilespmem:v25+s28+$0x0] =	vst.idx.msk vm1, v6  }
0x2c5: {  	v31 =	vor.u32 $0x12E0, v5;
	[tilespmem:v26+s28+$0x0] =	vst.idx.msk vm1, v6  }
0x2c6: {  	v32 =	vor.u32 $0x1360, v5;
	[tilespmem:v27+s28+$0x0] =	vst.idx.msk vm1, v6  }
0x2c7: {  	v33 =	vor.u32 $0x13E0, v5;
	[tilespmem:v28+s28+$0x0] =	vst.idx.msk vm1, v6  }
0x2c8: {  	v34 =	vor.u32 $0x2060, v5;
	[tilespmem:v29+s28+$0x0] =	vst.idx.msk vm1, v6  }
0x2c9: {  	v35 =	vor.u32 $0x20E0, v5;
	[tilespmem:v30+s28+$0x0] =	vst.idx.msk vm1, v6  }
0x2ca: {  	v36 =	vor.u32 $0x2160, v5;
	[tilespmem:v31+s28+$0x0] =	vst.idx.msk vm1, v6  }
0x2cb: {  	v37 =	vor.u32 $0x21E0, v5;
	[tilespmem:v32+s28+$0x0] =	vst.idx.msk vm1, v6  }
0x2cc: {  	v38 =	vor.u32 $0x2260, v5;
	[tilespmem:v33+s28+$0x0] =	vst.idx.msk vm1, v6  }
0x2cd: {  	v39 =	vor.u32 $0x22E0, v5;
	[tilespmem:v34+s28+$0x0] =	vst.idx.msk vm1, v6  }
0x2ce: {  	v40 =	vor.u32 $0x2360, v5;
	[tilespmem:v35+s28+$0x0] =	vst.idx.msk vm1, v6  }
0x2cf: {  	v41 =	vor.u32 $0x23E0, v5;
	[tilespmem:v36+s28+$0x0] =	vst.idx.msk vm1, v6  }
0x2d0: {  	v42 =	vor.u32 $0x3060, v5;
	[tilespmem:v37+s28+$0x0] =	vst.idx.msk vm1, v6  }
0x2d1: {  	v43 =	vor.u32 $0x30E0, v5;
	[tilespmem:v38+s28+$0x0] =	vst.idx.msk vm1, v6  }
0x2d2: {  	v44 =	vor.u32 $0x3160, v5;
	[tilespmem:v39+s28+$0x0] =	vst.idx.msk vm1, v6  }
0x2d3: {  	v45 =	vor.u32 $0x31E0, v5;
	[tilespmem:v40+s28+$0x0] =	vst.idx.msk vm1, v6  }
0x2d4: {  	v46 =	vor.u32 $0x3260, v5;
	[tilespmem:v41+s28+$0x0] =	vst.idx.msk vm1, v6  }
0x2d5: {  	v47 =	vor.u32 $0x32E0, v5;
	[tilespmem:v42+s28+$0x0] =	vst.idx.msk vm1, v6  }
0x2d6: {  	v48 =	vor.u32 $0x3360, v5;
	[tilespmem:v43+s28+$0x0] =	vst.idx.msk vm1, v6  }
0x2d7: {  	v49 =	vor.u32 $0x33E0, v5;
	[tilespmem:v44+s28+$0x0] =	vst.idx.msk vm1, v6  }
0x2d8: {  	[tilespmem:v45+s28+$0x0] =	vst.idx.msk vm1, v6  }
0x2d9: {  	[tilespmem:v46+s28+$0x0] =	vst.idx.msk vm1, v6  }
0x2da: {  	[tilespmem:v47+s28+$0x0] =	vst.idx.msk vm1, v6  }
0x2db: {  	[tilespmem:v48+s28+$0x0] =	vst.idx.msk vm1, v6  }
0x2dc: {  	[tilespmem:v49+s28+$0x0] =	vst.idx.msk vm1, v6  }
0x2dd: {  	v0 =	vld [tilespmem:$0x70];
	_ =	sdelay $0x4  }
0x2de: {  	vm1 =	veq.s32 v0, $0xF4240  }
0x2df: {  	v50 =	vor.u32 $0x70, v5  }
0x2e0: {  	v51 =	vor.u32 $0xF0, v5  }
0x2e1: {  	v52 =	vor.u32 $0x170, v5  }
0x2e2: {  	v53 =	vor.u32 $0x1F0, v5  }
0x2e3: {  	v54 =	vor.u32 $0x270, v5  }
0x2e4: {  	v55 =	vor.u32 $0x2F0, v5;
	[tilespmem:v50+s28+$0x0] =	vst.idx.msk vm1, v6  }
0x2e5: {  	v56 =	vor.u32 $0x370, v5;
	[tilespmem:v51+s28+$0x0] =	vst.idx.msk vm1, v6  }
0x2e6: {  	v57 =	vor.u32 $0x3F0, v5;
	[tilespmem:v52+s28+$0x0] =	vst.idx.msk vm1, v6  }
0x2e7: {  	v58 =	vor.u32 $0x1070, v5;
	[tilespmem:v53+s28+$0x0] =	vst.idx.msk vm1, v6  }
0x2e8: {  	v59 =	vor.u32 $0x10F0, v5;
	[tilespmem:v54+s28+$0x0] =	vst.idx.msk vm1, v6  }
0x2e9: {  	v60 =	vor.u32 $0x1170, v5;
	[tilespmem:v55+s28+$0x0] =	vst.idx.msk vm1, v6  }
0x2ea: {  	v61 =	vor.u32 $0x11F0, v5;
	[tilespmem:v56+s28+$0x0] =	vst.idx.msk vm1, v6  }
0x2eb: {  	v62 =	vor.u32 $0x1270, v5;
	[tilespmem:v57+s28+$0x0] =	vst.idx.msk vm1, v6  }
0x2ec: {  	v63 =	vor.u32 $0x12F0, v5;
	[tilespmem:v58+s28+$0x0] =	vst.idx.msk vm1, v6  }
0x2ed: {  	v8 =	vor.u32 $0x1370, v5;
	[tilespmem:v59+s28+$0x0] =	vst.idx.msk vm1, v6  }
0x2ee: {  	v9 =	vor.u32 $0x13F0, v5;
	[tilespmem:v60+s28+$0x0] =	vst.idx.msk vm1, v6  }
0x2ef: {  	v10 =	vor.u32 $0x2070, v5;
	[tilespmem:v61+s28+$0x0] =	vst.idx.msk vm1, v6  }
0x2f0: {  	v11 =	vor.u32 $0x20F0, v5;
	[tilespmem:v62+s28+$0x0] =	vst.idx.msk vm1, v6  }
0x2f1: {  	v12 =	vor.u32 $0x2170, v5;
	[tilespmem:v63+s28+$0x0] =	vst.idx.msk vm1, v6  }
0x2f2: {  	v13 =	vor.u32 $0x21F0, v5;
	[tilespmem:v8+s28+$0x0] =	vst.idx.msk vm1, v6  }
0x2f3: {  	v14 =	vor.u32 $0x2270, v5;
	[tilespmem:v9+s28+$0x0] =	vst.idx.msk vm1, v6  }
0x2f4: {  	v15 =	vor.u32 $0x22F0, v5;
	[tilespmem:v10+s28+$0x0] =	vst.idx.msk vm1, v6  }
0x2f5: {  	v16 =	vor.u32 $0x2370, v5;
	[tilespmem:v11+s28+$0x0] =	vst.idx.msk vm1, v6  }
0x2f6: {  	v17 =	vor.u32 $0x23F0, v5;
	[tilespmem:v12+s28+$0x0] =	vst.idx.msk vm1, v6  }
0x2f7: {  	v18 =	vor.u32 $0x3070, v5;
	[tilespmem:v13+s28+$0x0] =	vst.idx.msk vm1, v6  }
0x2f8: {  	v19 =	vor.u32 $0x30F0, v5;
	[tilespmem:v14+s28+$0x0] =	vst.idx.msk vm1, v6  }
0x2f9: {  	v20 =	vor.u32 $0x3170, v5;
	[tilespmem:v15+s28+$0x0] =	vst.idx.msk vm1, v6  }
0x2fa: {  	v21 =	vor.u32 $0x31F0, v5;
	[tilespmem:v16+s28+$0x0] =	vst.idx.msk vm1, v6  }
0x2fb: {  	v22 =	vor.u32 $0x3270, v5;
	[tilespmem:v17+s28+$0x0] =	vst.idx.msk vm1, v6  }
0x2fc: {  	v23 =	vor.u32 $0x32F0, v5;
	[tilespmem:v18+s28+$0x0] =	vst.idx.msk vm1, v6  }
0x2fd: {  	v24 =	vor.u32 $0x3370, v5;
	[tilespmem:v19+s28+$0x0] =	vst.idx.msk vm1, v6  }
0x2fe: {  	v25 =	vor.u32 $0x33F0, v5;
	[tilespmem:v20+s28+$0x0] =	vst.idx.msk vm1, v6  }
0x2ff: {  	[tilespmem:v21+s28+$0x0] =	vst.idx.msk vm1, v6  }
0x300: {  	[tilespmem:v22+s28+$0x0] =	vst.idx.msk vm1, v6  }
0x301: {  	[tilespmem:v23+s28+$0x0] =	vst.idx.msk vm1, v6  }
0x302: {  	[tilespmem:v24+s28+$0x0] =	vst.idx.msk vm1, v6  }
0x303: {  	[tilespmem:v25+s28+$0x0] =	vst.idx.msk vm1, v6  }
0x304: {  	v0 =	vld [tilespmem:$0x80];
	_ =	sdelay $0x4  }
0x305: {  	vm1 =	veq.s32 v0, $0xF4240  }
0x306: {  	v26 =	vor.u32 $0x400, v5  }
0x307: {  	v27 =	vor.u32 $0x480, v5  }
0x308: {  	v28 =	vor.u32 $0x500, v5  }
0x309: {  	v29 =	vor.u32 $0x580, v5  }
0x30a: {  	v30 =	vor.u32 $0x600, v5  }
0x30b: {  	v31 =	vor.u32 $0x680, v5;
	[tilespmem:v26+s28+$0x0] =	vst.idx.msk vm1, v6  }
0x30c: {  	v32 =	vor.u32 $0x700, v5;
	[tilespmem:v27+s28+$0x0] =	vst.idx.msk vm1, v6  }
0x30d: {  	v33 =	vor.u32 $0x780, v5;
	[tilespmem:v28+s28+$0x0] =	vst.idx.msk vm1, v6  }
0x30e: {  	v34 =	vor.u32 $0x1400, v5;
	[tilespmem:v29+s28+$0x0] =	vst.idx.msk vm1, v6  }
0x30f: {  	v35 =	vor.u32 $0x1480, v5;
	[tilespmem:v30+s28+$0x0] =	vst.idx.msk vm1, v6  }
0x310: {  	v36 =	vor.u32 $0x1500, v5;
	[tilespmem:v31+s28+$0x0] =	vst.idx.msk vm1, v6  }
0x311: {  	v37 =	vor.u32 $0x1580, v5;
	[tilespmem:v32+s28+$0x0] =	vst.idx.msk vm1, v6  }
0x312: {  	v38 =	vor.u32 $0x1600, v5;
	[tilespmem:v33+s28+$0x0] =	vst.idx.msk vm1, v6  }
0x313: {  	v39 =	vor.u32 $0x1680, v5;
	[tilespmem:v34+s28+$0x0] =	vst.idx.msk vm1, v6  }
0x314: {  	v40 =	vor.u32 $0x1700, v5;
	[tilespmem:v35+s28+$0x0] =	vst.idx.msk vm1, v6  }
0x315: {  	v41 =	vor.u32 $0x1780, v5;
	[tilespmem:v36+s28+$0x0] =	vst.idx.msk vm1, v6  }
0x316: {  	v42 =	vor.u32 $0x2400, v5;
	[tilespmem:v37+s28+$0x0] =	vst.idx.msk vm1, v6  }
0x317: {  	v43 =	vor.u32 $0x2480, v5;
	[tilespmem:v38+s28+$0x0] =	vst.idx.msk vm1, v6  }
0x318: {  	v44 =	vor.u32 $0x2500, v5;
	[tilespmem:v39+s28+$0x0] =	vst.idx.msk vm1, v6  }
0x319: {  	v45 =	vor.u32 $0x2580, v5;
	[tilespmem:v40+s28+$0x0] =	vst.idx.msk vm1, v6  }
0x31a: {  	v46 =	vor.u32 $0x2600, v5;
	[tilespmem:v41+s28+$0x0] =	vst.idx.msk vm1, v6  }
0x31b: {  	v47 =	vor.u32 $0x2680, v5;
	[tilespmem:v42+s28+$0x0] =	vst.idx.msk vm1, v6  }
0x31c: {  	v48 =	vor.u32 $0x2700, v5;
	[tilespmem:v43+s28+$0x0] =	vst.idx.msk vm1, v6  }
0x31d: {  	v49 =	vor.u32 $0x2780, v5;
	[tilespmem:v44+s28+$0x0] =	vst.idx.msk vm1, v6  }
0x31e: {  	v50 =	vor.u32 $0x3400, v5;
	[tilespmem:v45+s28+$0x0] =	vst.idx.msk vm1, v6  }
0x31f: {  	v51 =	vor.u32 $0x3480, v5;
	[tilespmem:v46+s28+$0x0] =	vst.idx.msk vm1, v6  }
0x320: {  	v52 =	vor.u32 $0x3500, v5;
	[tilespmem:v47+s28+$0x0] =	vst.idx.msk vm1, v6  }
0x321: {  	v53 =	vor.u32 $0x3580, v5;
	[tilespmem:v48+s28+$0x0] =	vst.idx.msk vm1, v6  }
0x322: {  	v54 =	vor.u32 $0x3600, v5;
	[tilespmem:v49+s28+$0x0] =	vst.idx.msk vm1, v6  }
0x323: {  	v55 =	vor.u32 $0x3680, v5;
	[tilespmem:v50+s28+$0x0] =	vst.idx.msk vm1, v6  }
0x324: {  	v56 =	vor.u32 $0x3700, v5;
	[tilespmem:v51+s28+$0x0] =	vst.idx.msk vm1, v6  }
0x325: {  	v57 =	vor.u32 $0x3780, v5;
	[tilespmem:v52+s28+$0x0] =	vst.idx.msk vm1, v6  }
0x326: {  	[tilespmem:v53+s28+$0x0] =	vst.idx.msk vm1, v6  }
0x327: {  	[tilespmem:v54+s28+$0x0] =	vst.idx.msk vm1, v6  }
0x328: {  	[tilespmem:v55+s28+$0x0] =	vst.idx.msk vm1, v6  }
0x329: {  	[tilespmem:v56+s28+$0x0] =	vst.idx.msk vm1, v6  }
0x32a: {  	[tilespmem:v57+s28+$0x0] =	vst.idx.msk vm1, v6  }
0x32b: {  	v0 =	vld [tilespmem:$0x90];
	_ =	sdelay $0x4  }
0x32c: {  	vm1 =	veq.s32 v0, $0xF4240  }
0x32d: {  	v58 =	vor.u32 $0x410, v5  }
0x32e: {  	v59 =	vor.u32 $0x490, v5  }
0x32f: {  	v60 =	vor.u32 $0x510, v5  }
0x330: {  	v61 =	vor.u32 $0x590, v5  }
0x331: {  	v62 =	vor.u32 $0x610, v5  }
0x332: {  	v63 =	vor.u32 $0x690, v5;
	[tilespmem:v58+s28+$0x0] =	vst.idx.msk vm1, v6  }
0x333: {  	v8 =	vor.u32 $0x710, v5;
	[tilespmem:v59+s28+$0x0] =	vst.idx.msk vm1, v6  }
0x334: {  	v9 =	vor.u32 $0x790, v5;
	[tilespmem:v60+s28+$0x0] =	vst.idx.msk vm1, v6  }
0x335: {  	v10 =	vor.u32 $0x1410, v5;
	[tilespmem:v61+s28+$0x0] =	vst.idx.msk vm1, v6  }
0x336: {  	v11 =	vor.u32 $0x1490, v5;
	[tilespmem:v62+s28+$0x0] =	vst.idx.msk vm1, v6  }
0x337: {  	v12 =	vor.u32 $0x1510, v5;
	[tilespmem:v63+s28+$0x0] =	vst.idx.msk vm1, v6  }
0x338: {  	v13 =	vor.u32 $0x1590, v5;
	[tilespmem:v8+s28+$0x0] =	vst.idx.msk vm1, v6  }
0x339: {  	v14 =	vor.u32 $0x1610, v5;
	[tilespmem:v9+s28+$0x0] =	vst.idx.msk vm1, v6  }
0x33a: {  	v15 =	vor.u32 $0x1690, v5;
	[tilespmem:v10+s28+$0x0] =	vst.idx.msk vm1, v6  }
0x33b: {  	v16 =	vor.u32 $0x1710, v5;
	[tilespmem:v11+s28+$0x0] =	vst.idx.msk vm1, v6  }
0x33c: {  	v17 =	vor.u32 $0x1790, v5;
	[tilespmem:v12+s28+$0x0] =	vst.idx.msk vm1, v6  }
0x33d: {  	v18 =	vor.u32 $0x2410, v5;
	[tilespmem:v13+s28+$0x0] =	vst.idx.msk vm1, v6  }
0x33e: {  	v19 =	vor.u32 $0x2490, v5;
	[tilespmem:v14+s28+$0x0] =	vst.idx.msk vm1, v6  }
0x33f: {  	v20 =	vor.u32 $0x2510, v5;
	[tilespmem:v15+s28+$0x0] =	vst.idx.msk vm1, v6  }
0x340: {  	v21 =	vor.u32 $0x2590, v5;
	[tilespmem:v16+s28+$0x0] =	vst.idx.msk vm1, v6  }
0x341: {  	v22 =	vor.u32 $0x2610, v5;
	[tilespmem:v17+s28+$0x0] =	vst.idx.msk vm1, v6  }
0x342: {  	v23 =	vor.u32 $0x2690, v5;
	[tilespmem:v18+s28+$0x0] =	vst.idx.msk vm1, v6  }
0x343: {  	v24 =	vor.u32 $0x2710, v5;
	[tilespmem:v19+s28+$0x0] =	vst.idx.msk vm1, v6  }
0x344: {  	v25 =	vor.u32 $0x2790, v5;
	[tilespmem:v20+s28+$0x0] =	vst.idx.msk vm1, v6  }
0x345: {  	v26 =	vor.u32 $0x3410, v5;
	[tilespmem:v21+s28+$0x0] =	vst.idx.msk vm1, v6  }
0x346: {  	v27 =	vor.u32 $0x3490, v5;
	[tilespmem:v22+s28+$0x0] =	vst.idx.msk vm1, v6  }
0x347: {  	v28 =	vor.u32 $0x3510, v5;
	[tilespmem:v23+s28+$0x0] =	vst.idx.msk vm1, v6  }
0x348: {  	v29 =	vor.u32 $0x3590, v5;
	[tilespmem:v24+s28+$0x0] =	vst.idx.msk vm1, v6  }
0x349: {  	v30 =	vor.u32 $0x3610, v5;
	[tilespmem:v25+s28+$0x0] =	vst.idx.msk vm1, v6  }
0x34a: {  	v31 =	vor.u32 $0x3690, v5;
	[tilespmem:v26+s28+$0x0] =	vst.idx.msk vm1, v6  }
0x34b: {  	v32 =	vor.u32 $0x3710, v5;
	[tilespmem:v27+s28+$0x0] =	vst.idx.msk vm1, v6  }
0x34c: {  	v33 =	vor.u32 $0x3790, v5;
	[tilespmem:v28+s28+$0x0] =	vst.idx.msk vm1, v6  }
0x34d: {  	[tilespmem:v29+s28+$0x0] =	vst.idx.msk vm1, v6  }
0x34e: {  	[tilespmem:v30+s28+$0x0] =	vst.idx.msk vm1, v6  }
0x34f: {  	[tilespmem:v31+s28+$0x0] =	vst.idx.msk vm1, v6  }
0x350: {  	[tilespmem:v32+s28+$0x0] =	vst.idx.msk vm1, v6  }
0x351: {  	[tilespmem:v33+s28+$0x0] =	vst.idx.msk vm1, v6  }
0x352: {  	v0 =	vld [tilespmem:$0xA0];
	_ =	sdelay $0x4  }
0x353: {  	vm1 =	veq.s32 v0, $0xF4240  }
0x354: {  	v34 =	vor.u32 $0x420, v5  }
0x355: {  	v35 =	vor.u32 $0x4A0, v5  }
0x356: {  	v36 =	vor.u32 $0x520, v5  }
0x357: {  	v37 =	vor.u32 $0x5A0, v5  }
0x358: {  	v38 =	vor.u32 $0x620, v5  }
0x359: {  	v39 =	vor.u32 $0x6A0, v5;
	[tilespmem:v34+s28+$0x0] =	vst.idx.msk vm1, v6  }
0x35a: {  	v40 =	vor.u32 $0x720, v5;
	[tilespmem:v35+s28+$0x0] =	vst.idx.msk vm1, v6  }
0x35b: {  	v41 =	vor.u32 $0x7A0, v5;
	[tilespmem:v36+s28+$0x0] =	vst.idx.msk vm1, v6  }
0x35c: {  	v42 =	vor.u32 $0x1420, v5;
	[tilespmem:v37+s28+$0x0] =	vst.idx.msk vm1, v6  }
0x35d: {  	v43 =	vor.u32 $0x14A0, v5;
	[tilespmem:v38+s28+$0x0] =	vst.idx.msk vm1, v6  }
0x35e: {  	v44 =	vor.u32 $0x1520, v5;
	[tilespmem:v39+s28+$0x0] =	vst.idx.msk vm1, v6  }
0x35f: {  	v45 =	vor.u32 $0x15A0, v5;
	[tilespmem:v40+s28+$0x0] =	vst.idx.msk vm1, v6  }
0x360: {  	v46 =	vor.u32 $0x1620, v5;
	[tilespmem:v41+s28+$0x0] =	vst.idx.msk vm1, v6  }
0x361: {  	v47 =	vor.u32 $0x16A0, v5;
	[tilespmem:v42+s28+$0x0] =	vst.idx.msk vm1, v6  }
0x362: {  	v48 =	vor.u32 $0x1720, v5;
	[tilespmem:v43+s28+$0x0] =	vst.idx.msk vm1, v6  }
0x363: {  	v49 =	vor.u32 $0x17A0, v5;
	[tilespmem:v44+s28+$0x0] =	vst.idx.msk vm1, v6  }
0x364: {  	v50 =	vor.u32 $0x2420, v5;
	[tilespmem:v45+s28+$0x0] =	vst.idx.msk vm1, v6  }
0x365: {  	v51 =	vor.u32 $0x24A0, v5;
	[tilespmem:v46+s28+$0x0] =	vst.idx.msk vm1, v6  }
0x366: {  	v52 =	vor.u32 $0x2520, v5;
	[tilespmem:v47+s28+$0x0] =	vst.idx.msk vm1, v6  }
0x367: {  	v53 =	vor.u32 $0x25A0, v5;
	[tilespmem:v48+s28+$0x0] =	vst.idx.msk vm1, v6  }
0x368: {  	v54 =	vor.u32 $0x2620, v5;
	[tilespmem:v49+s28+$0x0] =	vst.idx.msk vm1, v6  }
0x369: {  	v55 =	vor.u32 $0x26A0, v5;
	[tilespmem:v50+s28+$0x0] =	vst.idx.msk vm1, v6  }
0x36a: {  	v56 =	vor.u32 $0x2720, v5;
	[tilespmem:v51+s28+$0x0] =	vst.idx.msk vm1, v6  }
0x36b: {  	v57 =	vor.u32 $0x27A0, v5;
	[tilespmem:v52+s28+$0x0] =	vst.idx.msk vm1, v6  }
0x36c: {  	v58 =	vor.u32 $0x3420, v5;
	[tilespmem:v53+s28+$0x0] =	vst.idx.msk vm1, v6  }
0x36d: {  	v59 =	vor.u32 $0x34A0, v5;
	[tilespmem:v54+s28+$0x0] =	vst.idx.msk vm1, v6  }
0x36e: {  	v60 =	vor.u32 $0x3520, v5;
	[tilespmem:v55+s28+$0x0] =	vst.idx.msk vm1, v6  }
0x36f: {  	v61 =	vor.u32 $0x35A0, v5;
	[tilespmem:v56+s28+$0x0] =	vst.idx.msk vm1, v6  }
0x370: {  	v62 =	vor.u32 $0x3620, v5;
	[tilespmem:v57+s28+$0x0] =	vst.idx.msk vm1, v6  }
0x371: {  	v63 =	vor.u32 $0x36A0, v5;
	[tilespmem:v58+s28+$0x0] =	vst.idx.msk vm1, v6  }
0x372: {  	v8 =	vor.u32 $0x3720, v5;
	[tilespmem:v59+s28+$0x0] =	vst.idx.msk vm1, v6  }
0x373: {  	v9 =	vor.u32 $0x37A0, v5;
	[tilespmem:v60+s28+$0x0] =	vst.idx.msk vm1, v6  }
0x374: {  	[tilespmem:v61+s28+$0x0] =	vst.idx.msk vm1, v6  }
0x375: {  	[tilespmem:v62+s28+$0x0] =	vst.idx.msk vm1, v6  }
0x376: {  	[tilespmem:v63+s28+$0x0] =	vst.idx.msk vm1, v6  }
0x377: {  	[tilespmem:v8+s28+$0x0] =	vst.idx.msk vm1, v6  }
0x378: {  	[tilespmem:v9+s28+$0x0] =	vst.idx.msk vm1, v6  }
0x379: {  	v0 =	vld [tilespmem:$0xB0];
	_ =	sdelay $0x4  }
0x37a: {  	vm1 =	veq.s32 v0, $0xF4240  }
0x37b: {  	v10 =	vor.u32 $0x430, v5  }
0x37c: {  	v11 =	vor.u32 $0x4B0, v5  }
0x37d: {  	v12 =	vor.u32 $0x530, v5  }
0x37e: {  	v13 =	vor.u32 $0x5B0, v5  }
0x37f: {  	v14 =	vor.u32 $0x630, v5  }
0x380: {  	v15 =	vor.u32 $0x6B0, v5;
	[tilespmem:v10+s28+$0x0] =	vst.idx.msk vm1, v6  }
0x381: {  	v16 =	vor.u32 $0x730, v5;
	[tilespmem:v11+s28+$0x0] =	vst.idx.msk vm1, v6  }
0x382: {  	v17 =	vor.u32 $0x7B0, v5;
	[tilespmem:v12+s28+$0x0] =	vst.idx.msk vm1, v6  }
0x383: {  	v18 =	vor.u32 $0x1430, v5;
	[tilespmem:v13+s28+$0x0] =	vst.idx.msk vm1, v6  }
0x384: {  	v19 =	vor.u32 $0x14B0, v5;
	[tilespmem:v14+s28+$0x0] =	vst.idx.msk vm1, v6  }
0x385: {  	v20 =	vor.u32 $0x1530, v5;
	[tilespmem:v15+s28+$0x0] =	vst.idx.msk vm1, v6  }
0x386: {  	v21 =	vor.u32 $0x15B0, v5;
	[tilespmem:v16+s28+$0x0] =	vst.idx.msk vm1, v6  }
0x387: {  	v22 =	vor.u32 $0x1630, v5;
	[tilespmem:v17+s28+$0x0] =	vst.idx.msk vm1, v6  }
0x388: {  	v23 =	vor.u32 $0x16B0, v5;
	[tilespmem:v18+s28+$0x0] =	vst.idx.msk vm1, v6  }
0x389: {  	v24 =	vor.u32 $0x1730, v5;
	[tilespmem:v19+s28+$0x0] =	vst.idx.msk vm1, v6  }
0x38a: {  	v25 =	vor.u32 $0x17B0, v5;
	[tilespmem:v20+s28+$0x0] =	vst.idx.msk vm1, v6  }
0x38b: {  	v26 =	vor.u32 $0x2430, v5;
	[tilespmem:v21+s28+$0x0] =	vst.idx.msk vm1, v6  }
0x38c: {  	v27 =	vor.u32 $0x24B0, v5;
	[tilespmem:v22+s28+$0x0] =	vst.idx.msk vm1, v6  }
0x38d: {  	v28 =	vor.u32 $0x2530, v5;
	[tilespmem:v23+s28+$0x0] =	vst.idx.msk vm1, v6  }
0x38e: {  	v29 =	vor.u32 $0x25B0, v5;
	[tilespmem:v24+s28+$0x0] =	vst.idx.msk vm1, v6  }
0x38f: {  	v30 =	vor.u32 $0x2630, v5;
	[tilespmem:v25+s28+$0x0] =	vst.idx.msk vm1, v6  }
0x390: {  	v31 =	vor.u32 $0x26B0, v5;
	[tilespmem:v26+s28+$0x0] =	vst.idx.msk vm1, v6  }
0x391: {  	v32 =	vor.u32 $0x2730, v5;
	[tilespmem:v27+s28+$0x0] =	vst.idx.msk vm1, v6  }
0x392: {  	v33 =	vor.u32 $0x27B0, v5;
	[tilespmem:v28+s28+$0x0] =	vst.idx.msk vm1, v6  }
0x393: {  	v34 =	vor.u32 $0x3430, v5;
	[tilespmem:v29+s28+$0x0] =	vst.idx.msk vm1, v6  }
0x394: {  	v35 =	vor.u32 $0x34B0, v5;
	[tilespmem:v30+s28+$0x0] =	vst.idx.msk vm1, v6  }
0x395: {  	v36 =	vor.u32 $0x3530, v5;
	[tilespmem:v31+s28+$0x0] =	vst.idx.msk vm1, v6  }
0x396: {  	v37 =	vor.u32 $0x35B0, v5;
	[tilespmem:v32+s28+$0x0] =	vst.idx.msk vm1, v6  }
0x397: {  	v38 =	vor.u32 $0x3630, v5;
	[tilespmem:v33+s28+$0x0] =	vst.idx.msk vm1, v6  }
0x398: {  	v39 =	vor.u32 $0x36B0, v5;
	[tilespmem:v34+s28+$0x0] =	vst.idx.msk vm1, v6  }
0x399: {  	v40 =	vor.u32 $0x3730, v5;
	[tilespmem:v35+s28+$0x0] =	vst.idx.msk vm1, v6  }
0x39a: {  	v41 =	vor.u32 $0x37B0, v5;
	[tilespmem:v36+s28+$0x0] =	vst.idx.msk vm1, v6  }
0x39b: {  	[tilespmem:v37+s28+$0x0] =	vst.idx.msk vm1, v6  }
0x39c: {  	[tilespmem:v38+s28+$0x0] =	vst.idx.msk vm1, v6  }
0x39d: {  	[tilespmem:v39+s28+$0x0] =	vst.idx.msk vm1, v6  }
0x39e: {  	[tilespmem:v40+s28+$0x0] =	vst.idx.msk vm1, v6  }
0x39f: {  	[tilespmem:v41+s28+$0x0] =	vst.idx.msk vm1, v6  }
0x3a0: {  	v0 =	vld [tilespmem:$0xC0];
	_ =	sdelay $0x4  }
0x3a1: {  	vm1 =	veq.s32 v0, $0xF4240  }
0x3a2: {  	v42 =	vor.u32 $0x440, v5  }
0x3a3: {  	v43 =	vor.u32 $0x4C0, v5  }
0x3a4: {  	v44 =	vor.u32 $0x540, v5  }
0x3a5: {  	v45 =	vor.u32 $0x5C0, v5  }
0x3a6: {  	v46 =	vor.u32 $0x640, v5  }
0x3a7: {  	v47 =	vor.u32 $0x6C0, v5;
	[tilespmem:v42+s28+$0x0] =	vst.idx.msk vm1, v6  }
0x3a8: {  	v48 =	vor.u32 $0x740, v5;
	[tilespmem:v43+s28+$0x0] =	vst.idx.msk vm1, v6  }
0x3a9: {  	v49 =	vor.u32 $0x7C0, v5;
	[tilespmem:v44+s28+$0x0] =	vst.idx.msk vm1, v6  }
0x3aa: {  	v50 =	vor.u32 $0x1440, v5;
	[tilespmem:v45+s28+$0x0] =	vst.idx.msk vm1, v6  }
0x3ab: {  	v51 =	vor.u32 $0x14C0, v5;
	[tilespmem:v46+s28+$0x0] =	vst.idx.msk vm1, v6  }
0x3ac: {  	v52 =	vor.u32 $0x1540, v5;
	[tilespmem:v47+s28+$0x0] =	vst.idx.msk vm1, v6  }
0x3ad: {  	v53 =	vor.u32 $0x15C0, v5;
	[tilespmem:v48+s28+$0x0] =	vst.idx.msk vm1, v6  }
0x3ae: {  	v54 =	vor.u32 $0x1640, v5;
	[tilespmem:v49+s28+$0x0] =	vst.idx.msk vm1, v6  }
0x3af: {  	v55 =	vor.u32 $0x16C0, v5;
	[tilespmem:v50+s28+$0x0] =	vst.idx.msk vm1, v6  }
0x3b0: {  	v56 =	vor.u32 $0x1740, v5;
	[tilespmem:v51+s28+$0x0] =	vst.idx.msk vm1, v6  }
0x3b1: {  	v57 =	vor.u32 $0x17C0, v5;
	[tilespmem:v52+s28+$0x0] =	vst.idx.msk vm1, v6  }
0x3b2: {  	v58 =	vor.u32 $0x2440, v5;
	[tilespmem:v53+s28+$0x0] =	vst.idx.msk vm1, v6  }
0x3b3: {  	v59 =	vor.u32 $0x24C0, v5;
	[tilespmem:v54+s28+$0x0] =	vst.idx.msk vm1, v6  }
0x3b4: {  	v60 =	vor.u32 $0x2540, v5;
	[tilespmem:v55+s28+$0x0] =	vst.idx.msk vm1, v6  }
0x3b5: {  	v61 =	vor.u32 $0x25C0, v5;
	[tilespmem:v56+s28+$0x0] =	vst.idx.msk vm1, v6  }
0x3b6: {  	v62 =	vor.u32 $0x2640, v5;
	[tilespmem:v57+s28+$0x0] =	vst.idx.msk vm1, v6  }
0x3b7: {  	v63 =	vor.u32 $0x26C0, v5;
	[tilespmem:v58+s28+$0x0] =	vst.idx.msk vm1, v6  }
0x3b8: {  	v8 =	vor.u32 $0x2740, v5;
	[tilespmem:v59+s28+$0x0] =	vst.idx.msk vm1, v6  }
0x3b9: {  	v9 =	vor.u32 $0x27C0, v5;
	[tilespmem:v60+s28+$0x0] =	vst.idx.msk vm1, v6  }
0x3ba: {  	v10 =	vor.u32 $0x3440, v5;
	[tilespmem:v61+s28+$0x0] =	vst.idx.msk vm1, v6  }
0x3bb: {  	v11 =	vor.u32 $0x34C0, v5;
	[tilespmem:v62+s28+$0x0] =	vst.idx.msk vm1, v6  }
0x3bc: {  	v12 =	vor.u32 $0x3540, v5;
	[tilespmem:v63+s28+$0x0] =	vst.idx.msk vm1, v6  }
0x3bd: {  	v13 =	vor.u32 $0x35C0, v5;
	[tilespmem:v8+s28+$0x0] =	vst.idx.msk vm1, v6  }
0x3be: {  	v14 =	vor.u32 $0x3640, v5;
	[tilespmem:v9+s28+$0x0] =	vst.idx.msk vm1, v6  }
0x3bf: {  	v15 =	vor.u32 $0x36C0, v5;
	[tilespmem:v10+s28+$0x0] =	vst.idx.msk vm1, v6  }
0x3c0: {  	v16 =	vor.u32 $0x3740, v5;
	[tilespmem:v11+s28+$0x0] =	vst.idx.msk vm1, v6  }
0x3c1: {  	v17 =	vor.u32 $0x37C0, v5;
	[tilespmem:v12+s28+$0x0] =	vst.idx.msk vm1, v6  }
0x3c2: {  	[tilespmem:v13+s28+$0x0] =	vst.idx.msk vm1, v6  }
0x3c3: {  	[tilespmem:v14+s28+$0x0] =	vst.idx.msk vm1, v6  }
0x3c4: {  	[tilespmem:v15+s28+$0x0] =	vst.idx.msk vm1, v6  }
0x3c5: {  	[tilespmem:v16+s28+$0x0] =	vst.idx.msk vm1, v6  }
0x3c6: {  	[tilespmem:v17+s28+$0x0] =	vst.idx.msk vm1, v6  }
0x3c7: {  	v0 =	vld [tilespmem:$0xD0];
	_ =	sdelay $0x4  }
0x3c8: {  	vm1 =	veq.s32 v0, $0xF4240  }
0x3c9: {  	v18 =	vor.u32 $0x450, v5  }
0x3ca: {  	v19 =	vor.u32 $0x4D0, v5  }
0x3cb: {  	v20 =	vor.u32 $0x550, v5  }
0x3cc: {  	v21 =	vor.u32 $0x5D0, v5  }
0x3cd: {  	v22 =	vor.u32 $0x650, v5  }
0x3ce: {  	v23 =	vor.u32 $0x6D0, v5;
	[tilespmem:v18+s28+$0x0] =	vst.idx.msk vm1, v6  }
0x3cf: {  	v24 =	vor.u32 $0x750, v5;
	[tilespmem:v19+s28+$0x0] =	vst.idx.msk vm1, v6  }
0x3d0: {  	v25 =	vor.u32 $0x7D0, v5;
	[tilespmem:v20+s28+$0x0] =	vst.idx.msk vm1, v6  }
0x3d1: {  	v26 =	vor.u32 $0x1450, v5;
	[tilespmem:v21+s28+$0x0] =	vst.idx.msk vm1, v6  }
0x3d2: {  	v27 =	vor.u32 $0x14D0, v5;
	[tilespmem:v22+s28+$0x0] =	vst.idx.msk vm1, v6  }
0x3d3: {  	v28 =	vor.u32 $0x1550, v5;
	[tilespmem:v23+s28+$0x0] =	vst.idx.msk vm1, v6  }
0x3d4: {  	v29 =	vor.u32 $0x15D0, v5;
	[tilespmem:v24+s28+$0x0] =	vst.idx.msk vm1, v6  }
0x3d5: {  	v30 =	vor.u32 $0x1650, v5;
	[tilespmem:v25+s28+$0x0] =	vst.idx.msk vm1, v6  }
0x3d6: {  	v31 =	vor.u32 $0x16D0, v5;
	[tilespmem:v26+s28+$0x0] =	vst.idx.msk vm1, v6  }
0x3d7: {  	v32 =	vor.u32 $0x1750, v5;
	[tilespmem:v27+s28+$0x0] =	vst.idx.msk vm1, v6  }
0x3d8: {  	v33 =	vor.u32 $0x17D0, v5;
	[tilespmem:v28+s28+$0x0] =	vst.idx.msk vm1, v6  }
0x3d9: {  	v34 =	vor.u32 $0x2450, v5;
	[tilespmem:v29+s28+$0x0] =	vst.idx.msk vm1, v6  }
0x3da: {  	v35 =	vor.u32 $0x24D0, v5;
	[tilespmem:v30+s28+$0x0] =	vst.idx.msk vm1, v6  }
0x3db: {  	v36 =	vor.u32 $0x2550, v5;
	[tilespmem:v31+s28+$0x0] =	vst.idx.msk vm1, v6  }
0x3dc: {  	v37 =	vor.u32 $0x25D0, v5;
	[tilespmem:v32+s28+$0x0] =	vst.idx.msk vm1, v6  }
0x3dd: {  	v38 =	vor.u32 $0x2650, v5;
	[tilespmem:v33+s28+$0x0] =	vst.idx.msk vm1, v6  }
0x3de: {  	v39 =	vor.u32 $0x26D0, v5;
	[tilespmem:v34+s28+$0x0] =	vst.idx.msk vm1, v6  }
0x3df: {  	v40 =	vor.u32 $0x2750, v5;
	[tilespmem:v35+s28+$0x0] =	vst.idx.msk vm1, v6  }
0x3e0: {  	v41 =	vor.u32 $0x27D0, v5;
	[tilespmem:v36+s28+$0x0] =	vst.idx.msk vm1, v6  }
0x3e1: {  	v42 =	vor.u32 $0x3450, v5;
	[tilespmem:v37+s28+$0x0] =	vst.idx.msk vm1, v6  }
0x3e2: {  	v43 =	vor.u32 $0x34D0, v5;
	[tilespmem:v38+s28+$0x0] =	vst.idx.msk vm1, v6  }
0x3e3: {  	v44 =	vor.u32 $0x3550, v5;
	[tilespmem:v39+s28+$0x0] =	vst.idx.msk vm1, v6  }
0x3e4: {  	v45 =	vor.u32 $0x35D0, v5;
	[tilespmem:v40+s28+$0x0] =	vst.idx.msk vm1, v6  }
0x3e5: {  	v46 =	vor.u32 $0x3650, v5;
	[tilespmem:v41+s28+$0x0] =	vst.idx.msk vm1, v6  }
0x3e6: {  	v47 =	vor.u32 $0x36D0, v5;
	[tilespmem:v42+s28+$0x0] =	vst.idx.msk vm1, v6  }
0x3e7: {  	v48 =	vor.u32 $0x3750, v5;
	[tilespmem:v43+s28+$0x0] =	vst.idx.msk vm1, v6  }
0x3e8: {  	v49 =	vor.u32 $0x37D0, v5;
	[tilespmem:v44+s28+$0x0] =	vst.idx.msk vm1, v6  }
0x3e9: {  	[tilespmem:v45+s28+$0x0] =	vst.idx.msk vm1, v6  }
0x3ea: {  	[tilespmem:v46+s28+$0x0] =	vst.idx.msk vm1, v6  }
0x3eb: {  	[tilespmem:v47+s28+$0x0] =	vst.idx.msk vm1, v6  }
0x3ec: {  	[tilespmem:v48+s28+$0x0] =	vst.idx.msk vm1, v6  }
0x3ed: {  	[tilespmem:v49+s28+$0x0] =	vst.idx.msk vm1, v6  }
0x3ee: {  	v0 =	vld [tilespmem:$0xE0];
	_ =	sdelay $0x4  }
0x3ef: {  	vm1 =	veq.s32 v0, $0xF4240  }
0x3f0: {  	v50 =	vor.u32 $0x460, v5  }
0x3f1: {  	v51 =	vor.u32 $0x4E0, v5  }
0x3f2: {  	v52 =	vor.u32 $0x560, v5  }
0x3f3: {  	v53 =	vor.u32 $0x5E0, v5  }
0x3f4: {  	v54 =	vor.u32 $0x660, v5  }
0x3f5: {  	v55 =	vor.u32 $0x6E0, v5;
	[tilespmem:v50+s28+$0x0] =	vst.idx.msk vm1, v6  }
0x3f6: {  	v56 =	vor.u32 $0x760, v5;
	[tilespmem:v51+s28+$0x0] =	vst.idx.msk vm1, v6  }
0x3f7: {  	v57 =	vor.u32 $0x7E0, v5;
	[tilespmem:v52+s28+$0x0] =	vst.idx.msk vm1, v6  }
0x3f8: {  	v58 =	vor.u32 $0x1460, v5;
	[tilespmem:v53+s28+$0x0] =	vst.idx.msk vm1, v6  }
0x3f9: {  	v59 =	vor.u32 $0x14E0, v5;
	[tilespmem:v54+s28+$0x0] =	vst.idx.msk vm1, v6  }
0x3fa: {  	v60 =	vor.u32 $0x1560, v5;
	[tilespmem:v55+s28+$0x0] =	vst.idx.msk vm1, v6  }
0x3fb: {  	v61 =	vor.u32 $0x15E0, v5;
	[tilespmem:v56+s28+$0x0] =	vst.idx.msk vm1, v6  }
0x3fc: {  	v62 =	vor.u32 $0x1660, v5;
	[tilespmem:v57+s28+$0x0] =	vst.idx.msk vm1, v6  }
0x3fd: {  	v63 =	vor.u32 $0x16E0, v5;
	[tilespmem:v58+s28+$0x0] =	vst.idx.msk vm1, v6  }
0x3fe: {  	v8 =	vor.u32 $0x1760, v5;
	[tilespmem:v59+s28+$0x0] =	vst.idx.msk vm1, v6  }
0x3ff: {  	v9 =	vor.u32 $0x17E0, v5;
	[tilespmem:v60+s28+$0x0] =	vst.idx.msk vm1, v6  }
0x400: {  	v10 =	vor.u32 $0x2460, v5;
	[tilespmem:v61+s28+$0x0] =	vst.idx.msk vm1, v6  }
0x401: {  	v11 =	vor.u32 $0x24E0, v5;
	[tilespmem:v62+s28+$0x0] =	vst.idx.msk vm1, v6  }
0x402: {  	v12 =	vor.u32 $0x2560, v5;
	[tilespmem:v63+s28+$0x0] =	vst.idx.msk vm1, v6  }
0x403: {  	v13 =	vor.u32 $0x25E0, v5;
	[tilespmem:v8+s28+$0x0] =	vst.idx.msk vm1, v6  }
0x404: {  	v14 =	vor.u32 $0x2660, v5;
	[tilespmem:v9+s28+$0x0] =	vst.idx.msk vm1, v6  }
0x405: {  	v15 =	vor.u32 $0x26E0, v5;
	[tilespmem:v10+s28+$0x0] =	vst.idx.msk vm1, v6  }
0x406: {  	v16 =	vor.u32 $0x2760, v5;
	[tilespmem:v11+s28+$0x0] =	vst.idx.msk vm1, v6  }
0x407: {  	v17 =	vor.u32 $0x27E0, v5;
	[tilespmem:v12+s28+$0x0] =	vst.idx.msk vm1, v6  }
0x408: {  	v18 =	vor.u32 $0x3460, v5;
	[tilespmem:v13+s28+$0x0] =	vst.idx.msk vm1, v6  }
0x409: {  	v19 =	vor.u32 $0x34E0, v5;
	[tilespmem:v14+s28+$0x0] =	vst.idx.msk vm1, v6  }
0x40a: {  	v20 =	vor.u32 $0x3560, v5;
	[tilespmem:v15+s28+$0x0] =	vst.idx.msk vm1, v6  }
0x40b: {  	v21 =	vor.u32 $0x35E0, v5;
	[tilespmem:v16+s28+$0x0] =	vst.idx.msk vm1, v6  }
0x40c: {  	v22 =	vor.u32 $0x3660, v5;
	[tilespmem:v17+s28+$0x0] =	vst.idx.msk vm1, v6  }
0x40d: {  	v23 =	vor.u32 $0x36E0, v5;
	[tilespmem:v18+s28+$0x0] =	vst.idx.msk vm1, v6  }
0x40e: {  	v24 =	vor.u32 $0x3760, v5;
	[tilespmem:v19+s28+$0x0] =	vst.idx.msk vm1, v6  }
0x40f: {  	v25 =	vor.u32 $0x37E0, v5;
	[tilespmem:v20+s28+$0x0] =	vst.idx.msk vm1, v6  }
0x410: {  	[tilespmem:v21+s28+$0x0] =	vst.idx.msk vm1, v6  }
0x411: {  	[tilespmem:v22+s28+$0x0] =	vst.idx.msk vm1, v6  }
0x412: {  	[tilespmem:v23+s28+$0x0] =	vst.idx.msk vm1, v6  }
0x413: {  	[tilespmem:v24+s28+$0x0] =	vst.idx.msk vm1, v6  }
0x414: {  	[tilespmem:v25+s28+$0x0] =	vst.idx.msk vm1, v6  }
0x415: {  	v0 =	vld [tilespmem:$0xF0];
	_ =	sdelay $0x4  }
0x416: {  	vm1 =	veq.s32 v0, $0xF4240  }
0x417: {  	v26 =	vor.u32 $0x470, v5  }
0x418: {  	v27 =	vor.u32 $0x4F0, v5  }
0x419: {  	v28 =	vor.u32 $0x570, v5  }
0x41a: {  	v29 =	vor.u32 $0x5F0, v5  }
0x41b: {  	v30 =	vor.u32 $0x670, v5  }
0x41c: {  	v31 =	vor.u32 $0x6F0, v5;
	[tilespmem:v26+s28+$0x0] =	vst.idx.msk vm1, v6  }
0x41d: {  	v32 =	vor.u32 $0x770, v5;
	[tilespmem:v27+s28+$0x0] =	vst.idx.msk vm1, v6  }
0x41e: {  	v33 =	vor.u32 $0x7F0, v5;
	[tilespmem:v28+s28+$0x0] =	vst.idx.msk vm1, v6  }
0x41f: {  	v34 =	vor.u32 $0x1470, v5;
	[tilespmem:v29+s28+$0x0] =	vst.idx.msk vm1, v6  }
0x420: {  	v35 =	vor.u32 $0x14F0, v5;
	[tilespmem:v30+s28+$0x0] =	vst.idx.msk vm1, v6  }
0x421: {  	v36 =	vor.u32 $0x1570, v5;
	[tilespmem:v31+s28+$0x0] =	vst.idx.msk vm1, v6  }
0x422: {  	v37 =	vor.u32 $0x15F0, v5;
	[tilespmem:v32+s28+$0x0] =	vst.idx.msk vm1, v6  }
0x423: {  	v38 =	vor.u32 $0x1670, v5;
	[tilespmem:v33+s28+$0x0] =	vst.idx.msk vm1, v6  }
0x424: {  	v39 =	vor.u32 $0x16F0, v5;
	[tilespmem:v34+s28+$0x0] =	vst.idx.msk vm1, v6  }
0x425: {  	v40 =	vor.u32 $0x1770, v5;
	[tilespmem:v35+s28+$0x0] =	vst.idx.msk vm1, v6  }
0x426: {  	v41 =	vor.u32 $0x17F0, v5;
	[tilespmem:v36+s28+$0x0] =	vst.idx.msk vm1, v6  }
0x427: {  	v42 =	vor.u32 $0x2470, v5;
	[tilespmem:v37+s28+$0x0] =	vst.idx.msk vm1, v6  }
0x428: {  	v43 =	vor.u32 $0x24F0, v5;
	[tilespmem:v38+s28+$0x0] =	vst.idx.msk vm1, v6  }
0x429: {  	v44 =	vor.u32 $0x2570, v5;
	[tilespmem:v39+s28+$0x0] =	vst.idx.msk vm1, v6  }
0x42a: {  	v45 =	vor.u32 $0x25F0, v5;
	[tilespmem:v40+s28+$0x0] =	vst.idx.msk vm1, v6  }
0x42b: {  	v46 =	vor.u32 $0x2670, v5;
	[tilespmem:v41+s28+$0x0] =	vst.idx.msk vm1, v6  }
0x42c: {  	v47 =	vor.u32 $0x26F0, v5;
	[tilespmem:v42+s28+$0x0] =	vst.idx.msk vm1, v6  }
0x42d: {  	v48 =	vor.u32 $0x2770, v5;
	[tilespmem:v43+s28+$0x0] =	vst.idx.msk vm1, v6  }
0x42e: {  	v49 =	vor.u32 $0x27F0, v5;
	[tilespmem:v44+s28+$0x0] =	vst.idx.msk vm1, v6  }
0x42f: {  	v50 =	vor.u32 $0x3470, v5;
	[tilespmem:v45+s28+$0x0] =	vst.idx.msk vm1, v6  }
0x430: {  	v51 =	vor.u32 $0x34F0, v5;
	[tilespmem:v46+s28+$0x0] =	vst.idx.msk vm1, v6  }
0x431: {  	v52 =	vor.u32 $0x3570, v5;
	[tilespmem:v47+s28+$0x0] =	vst.idx.msk vm1, v6  }
0x432: {  	v53 =	vor.u32 $0x35F0, v5;
	[tilespmem:v48+s28+$0x0] =	vst.idx.msk vm1, v6  }
0x433: {  	v54 =	vor.u32 $0x3670, v5;
	[tilespmem:v49+s28+$0x0] =	vst.idx.msk vm1, v6  }
0x434: {  	v55 =	vor.u32 $0x36F0, v5;
	[tilespmem:v50+s28+$0x0] =	vst.idx.msk vm1, v6  }
0x435: {  	v56 =	vor.u32 $0x3770, v5;
	[tilespmem:v51+s28+$0x0] =	vst.idx.msk vm1, v6  }
0x436: {  	v57 =	vor.u32 $0x37F0, v5;
	[tilespmem:v52+s28+$0x0] =	vst.idx.msk vm1, v6  }
0x437: {  	[tilespmem:v53+s28+$0x0] =	vst.idx.msk vm1, v6  }
0x438: {  	[tilespmem:v54+s28+$0x0] =	vst.idx.msk vm1, v6  }
0x439: {  	[tilespmem:v55+s28+$0x0] =	vst.idx.msk vm1, v6  }
0x43a: {  	[tilespmem:v56+s28+$0x0] =	vst.idx.msk vm1, v6  }
0x43b: {  	[tilespmem:v57+s28+$0x0] =	vst.idx.msk vm1, v6  }
0x43c: {  	v0 =	vld [tilespmem:$0x100];
	_ =	sdelay $0x4  }
0x43d: {  	vm1 =	veq.s32 v0, $0xF4240  }
0x43e: {  	v58 =	vor.u32 $0x800, v5  }
0x43f: {  	v59 =	vor.u32 $0x880, v5  }
0x440: {  	v60 =	vor.u32 $0x900, v5  }
0x441: {  	v61 =	vor.u32 $0x980, v5  }
0x442: {  	v62 =	vor.u32 $0xA00, v5  }
0x443: {  	v63 =	vor.u32 $0xA80, v5;
	[tilespmem:v58+s28+$0x0] =	vst.idx.msk vm1, v6  }
0x444: {  	v8 =	vor.u32 $0xB00, v5;
	[tilespmem:v59+s28+$0x0] =	vst.idx.msk vm1, v6  }
0x445: {  	v9 =	vor.u32 $0xB80, v5;
	[tilespmem:v60+s28+$0x0] =	vst.idx.msk vm1, v6  }
0x446: {  	v10 =	vor.u32 $0x1800, v5;
	[tilespmem:v61+s28+$0x0] =	vst.idx.msk vm1, v6  }
0x447: {  	v11 =	vor.u32 $0x1880, v5;
	[tilespmem:v62+s28+$0x0] =	vst.idx.msk vm1, v6  }
0x448: {  	v12 =	vor.u32 $0x1900, v5;
	[tilespmem:v63+s28+$0x0] =	vst.idx.msk vm1, v6  }
0x449: {  	v13 =	vor.u32 $0x1980, v5;
	[tilespmem:v8+s28+$0x0] =	vst.idx.msk vm1, v6  }
0x44a: {  	v14 =	vor.u32 $0x1A00, v5;
	[tilespmem:v9+s28+$0x0] =	vst.idx.msk vm1, v6  }
0x44b: {  	v15 =	vor.u32 $0x1A80, v5;
	[tilespmem:v10+s28+$0x0] =	vst.idx.msk vm1, v6  }
0x44c: {  	v16 =	vor.u32 $0x1B00, v5;
	[tilespmem:v11+s28+$0x0] =	vst.idx.msk vm1, v6  }
0x44d: {  	v17 =	vor.u32 $0x1B80, v5;
	[tilespmem:v12+s28+$0x0] =	vst.idx.msk vm1, v6  }
0x44e: {  	v18 =	vor.u32 $0x2800, v5;
	[tilespmem:v13+s28+$0x0] =	vst.idx.msk vm1, v6  }
0x44f: {  	v19 =	vor.u32 $0x2880, v5;
	[tilespmem:v14+s28+$0x0] =	vst.idx.msk vm1, v6  }
0x450: {  	v20 =	vor.u32 $0x2900, v5;
	[tilespmem:v15+s28+$0x0] =	vst.idx.msk vm1, v6  }
0x451: {  	v21 =	vor.u32 $0x2980, v5;
	[tilespmem:v16+s28+$0x0] =	vst.idx.msk vm1, v6  }
0x452: {  	v22 =	vor.u32 $0x2A00, v5;
	[tilespmem:v17+s28+$0x0] =	vst.idx.msk vm1, v6  }
0x453: {  	v23 =	vor.u32 $0x2A80, v5;
	[tilespmem:v18+s28+$0x0] =	vst.idx.msk vm1, v6  }
0x454: {  	v24 =	vor.u32 $0x2B00, v5;
	[tilespmem:v19+s28+$0x0] =	vst.idx.msk vm1, v6  }
0x455: {  	v25 =	vor.u32 $0x2B80, v5;
	[tilespmem:v20+s28+$0x0] =	vst.idx.msk vm1, v6  }
0x456: {  	v26 =	vor.u32 $0x3800, v5;
	[tilespmem:v21+s28+$0x0] =	vst.idx.msk vm1, v6  }
0x457: {  	v27 =	vor.u32 $0x3880, v5;
	[tilespmem:v22+s28+$0x0] =	vst.idx.msk vm1, v6  }
0x458: {  	v28 =	vor.u32 $0x3900, v5;
	[tilespmem:v23+s28+$0x0] =	vst.idx.msk vm1, v6  }
0x459: {  	v29 =	vor.u32 $0x3980, v5;
	[tilespmem:v24+s28+$0x0] =	vst.idx.msk vm1, v6  }
0x45a: {  	v30 =	vor.u32 $0x3A00, v5;
	[tilespmem:v25+s28+$0x0] =	vst.idx.msk vm1, v6  }
0x45b: {  	v31 =	vor.u32 $0x3A80, v5;
	[tilespmem:v26+s28+$0x0] =	vst.idx.msk vm1, v6  }
0x45c: {  	v32 =	vor.u32 $0x3B00, v5;
	[tilespmem:v27+s28+$0x0] =	vst.idx.msk vm1, v6  }
0x45d: {  	v33 =	vor.u32 $0x3B80, v5;
	[tilespmem:v28+s28+$0x0] =	vst.idx.msk vm1, v6  }
0x45e: {  	[tilespmem:v29+s28+$0x0] =	vst.idx.msk vm1, v6  }
0x45f: {  	[tilespmem:v30+s28+$0x0] =	vst.idx.msk vm1, v6  }
0x460: {  	[tilespmem:v31+s28+$0x0] =	vst.idx.msk vm1, v6  }
0x461: {  	[tilespmem:v32+s28+$0x0] =	vst.idx.msk vm1, v6  }
0x462: {  	[tilespmem:v33+s28+$0x0] =	vst.idx.msk vm1, v6  }
0x463: {  	v0 =	vld [tilespmem:$0x110];
	_ =	sdelay $0x4  }
0x464: {  	vm1 =	veq.s32 v0, $0xF4240  }
0x465: {  	v34 =	vor.u32 $0x810, v5  }
0x466: {  	v35 =	vor.u32 $0x890, v5  }
0x467: {  	v36 =	vor.u32 $0x910, v5  }
0x468: {  	v37 =	vor.u32 $0x990, v5  }
0x469: {  	v38 =	vor.u32 $0xA10, v5  }
0x46a: {  	v39 =	vor.u32 $0xA90, v5;
	[tilespmem:v34+s28+$0x0] =	vst.idx.msk vm1, v6  }
0x46b: {  	v40 =	vor.u32 $0xB10, v5;
	[tilespmem:v35+s28+$0x0] =	vst.idx.msk vm1, v6  }
0x46c: {  	v41 =	vor.u32 $0xB90, v5;
	[tilespmem:v36+s28+$0x0] =	vst.idx.msk vm1, v6  }
0x46d: {  	v42 =	vor.u32 $0x1810, v5;
	[tilespmem:v37+s28+$0x0] =	vst.idx.msk vm1, v6  }
0x46e: {  	v43 =	vor.u32 $0x1890, v5;
	[tilespmem:v38+s28+$0x0] =	vst.idx.msk vm1, v6  }
0x46f: {  	v44 =	vor.u32 $0x1910, v5;
	[tilespmem:v39+s28+$0x0] =	vst.idx.msk vm1, v6  }
0x470: {  	v45 =	vor.u32 $0x1990, v5;
	[tilespmem:v40+s28+$0x0] =	vst.idx.msk vm1, v6  }
0x471: {  	v46 =	vor.u32 $0x1A10, v5;
	[tilespmem:v41+s28+$0x0] =	vst.idx.msk vm1, v6  }
0x472: {  	v47 =	vor.u32 $0x1A90, v5;
	[tilespmem:v42+s28+$0x0] =	vst.idx.msk vm1, v6  }
0x473: {  	v48 =	vor.u32 $0x1B10, v5;
	[tilespmem:v43+s28+$0x0] =	vst.idx.msk vm1, v6  }
0x474: {  	v49 =	vor.u32 $0x1B90, v5;
	[tilespmem:v44+s28+$0x0] =	vst.idx.msk vm1, v6  }
0x475: {  	v50 =	vor.u32 $0x2810, v5;
	[tilespmem:v45+s28+$0x0] =	vst.idx.msk vm1, v6  }
0x476: {  	v51 =	vor.u32 $0x2890, v5;
	[tilespmem:v46+s28+$0x0] =	vst.idx.msk vm1, v6  }
0x477: {  	v52 =	vor.u32 $0x2910, v5;
	[tilespmem:v47+s28+$0x0] =	vst.idx.msk vm1, v6  }
0x478: {  	v53 =	vor.u32 $0x2990, v5;
	[tilespmem:v48+s28+$0x0] =	vst.idx.msk vm1, v6  }
0x479: {  	v54 =	vor.u32 $0x2A10, v5;
	[tilespmem:v49+s28+$0x0] =	vst.idx.msk vm1, v6  }
0x47a: {  	v55 =	vor.u32 $0x2A90, v5;
	[tilespmem:v50+s28+$0x0] =	vst.idx.msk vm1, v6  }
0x47b: {  	v56 =	vor.u32 $0x2B10, v5;
	[tilespmem:v51+s28+$0x0] =	vst.idx.msk vm1, v6  }
0x47c: {  	v57 =	vor.u32 $0x2B90, v5;
	[tilespmem:v52+s28+$0x0] =	vst.idx.msk vm1, v6  }
0x47d: {  	v58 =	vor.u32 $0x3810, v5;
	[tilespmem:v53+s28+$0x0] =	vst.idx.msk vm1, v6  }
0x47e: {  	v59 =	vor.u32 $0x3890, v5;
	[tilespmem:v54+s28+$0x0] =	vst.idx.msk vm1, v6  }
0x47f: {  	v60 =	vor.u32 $0x3910, v5;
	[tilespmem:v55+s28+$0x0] =	vst.idx.msk vm1, v6  }
0x480: {  	v61 =	vor.u32 $0x3990, v5;
	[tilespmem:v56+s28+$0x0] =	vst.idx.msk vm1, v6  }
0x481: {  	v62 =	vor.u32 $0x3A10, v5;
	[tilespmem:v57+s28+$0x0] =	vst.idx.msk vm1, v6  }
0x482: {  	v63 =	vor.u32 $0x3A90, v5;
	[tilespmem:v58+s28+$0x0] =	vst.idx.msk vm1, v6  }
0x483: {  	v7 =	vor.u32 $0x3B10, v5;
	[tilespmem:v59+s28+$0x0] =	vst.idx.msk vm1, v6  }
0x484: {  	v8 =	vor.u32 $0x3B90, v5;
	[tilespmem:v60+s28+$0x0] =	vst.idx.msk vm1, v6  }
0x485: {  	[tilespmem:v61+s28+$0x0] =	vst.idx.msk vm1, v6  }
0x486: {  	[tilespmem:v62+s28+$0x0] =	vst.idx.msk vm1, v6  }
0x487: {  	[tilespmem:v63+s28+$0x0] =	vst.idx.msk vm1, v6  }
0x488: {  	[tilespmem:v7+s28+$0x0] =	vst.idx.msk vm1, v6  }
0x489: {  	[tilespmem:v8+s28+$0x0] =	vst.idx.msk vm1, v6  }
0x48a: {  	v0 =	vld [tilespmem:$0x120];
	_ =	sdelay $0x4  }
0x48b: {  	vm1 =	veq.s32 v0, $0xF4240  }
0x48c: {  	v9 =	vor.u32 $0x820, v5  }
0x48d: {  	v10 =	vor.u32 $0x8A0, v5  }
0x48e: {  	v11 =	vor.u32 $0x920, v5  }
0x48f: {  	v12 =	vor.u32 $0x9A0, v5  }
0x490: {  	v13 =	vor.u32 $0xA20, v5  }
0x491: {  	v14 =	vor.u32 $0xAA0, v5;
	[tilespmem:v9+s28+$0x0] =	vst.idx.msk vm1, v6  }
0x492: {  	v15 =	vor.u32 $0xB20, v5;
	[tilespmem:v10+s28+$0x0] =	vst.idx.msk vm1, v6  }
0x493: {  	v16 =	vor.u32 $0xBA0, v5;
	[tilespmem:v11+s28+$0x0] =	vst.idx.msk vm1, v6  }
0x494: {  	v17 =	vor.u32 $0x1820, v5;
	[tilespmem:v12+s28+$0x0] =	vst.idx.msk vm1, v6  }
0x495: {  	v18 =	vor.u32 $0x18A0, v5;
	[tilespmem:v13+s28+$0x0] =	vst.idx.msk vm1, v6  }
0x496: {  	v19 =	vor.u32 $0x1920, v5;
	[tilespmem:v14+s28+$0x0] =	vst.idx.msk vm1, v6  }
0x497: {  	v20 =	vor.u32 $0x19A0, v5;
	[tilespmem:v15+s28+$0x0] =	vst.idx.msk vm1, v6  }
0x498: {  	v21 =	vor.u32 $0x1A20, v5;
	[tilespmem:v16+s28+$0x0] =	vst.idx.msk vm1, v6  }
0x499: {  	v22 =	vor.u32 $0x1AA0, v5;
	[tilespmem:v17+s28+$0x0] =	vst.idx.msk vm1, v6  }
0x49a: {  	v23 =	vor.u32 $0x1B20, v5;
	[tilespmem:v18+s28+$0x0] =	vst.idx.msk vm1, v6  }
0x49b: {  	v24 =	vor.u32 $0x1BA0, v5;
	[tilespmem:v19+s28+$0x0] =	vst.idx.msk vm1, v6  }
0x49c: {  	v25 =	vor.u32 $0x2820, v5;
	[tilespmem:v20+s28+$0x0] =	vst.idx.msk vm1, v6  }
0x49d: {  	v26 =	vor.u32 $0x28A0, v5;
	[tilespmem:v21+s28+$0x0] =	vst.idx.msk vm1, v6  }
0x49e: {  	v27 =	vor.u32 $0x2920, v5;
	[tilespmem:v22+s28+$0x0] =	vst.idx.msk vm1, v6  }
0x49f: {  	v28 =	vor.u32 $0x29A0, v5;
	[tilespmem:v23+s28+$0x0] =	vst.idx.msk vm1, v6  }
0x4a0: {  	v29 =	vor.u32 $0x2A20, v5;
	[tilespmem:v24+s28+$0x0] =	vst.idx.msk vm1, v6  }
0x4a1: {  	v30 =	vor.u32 $0x2AA0, v5;
	[tilespmem:v25+s28+$0x0] =	vst.idx.msk vm1, v6  }
0x4a2: {  	v31 =	vor.u32 $0x2B20, v5;
	[tilespmem:v26+s28+$0x0] =	vst.idx.msk vm1, v6  }
0x4a3: {  	v32 =	vor.u32 $0x2BA0, v5;
	[tilespmem:v27+s28+$0x0] =	vst.idx.msk vm1, v6  }
0x4a4: {  	v33 =	vor.u32 $0x3820, v5;
	[tilespmem:v28+s28+$0x0] =	vst.idx.msk vm1, v6  }
0x4a5: {  	v34 =	vor.u32 $0x38A0, v5;
	[tilespmem:v29+s28+$0x0] =	vst.idx.msk vm1, v6  }
0x4a6: {  	v35 =	vor.u32 $0x3920, v5;
	[tilespmem:v30+s28+$0x0] =	vst.idx.msk vm1, v6  }
0x4a7: {  	v36 =	vor.u32 $0x39A0, v5;
	[tilespmem:v31+s28+$0x0] =	vst.idx.msk vm1, v6  }
0x4a8: {  	v37 =	vor.u32 $0x3A20, v5;
	[tilespmem:v32+s28+$0x0] =	vst.idx.msk vm1, v6  }
0x4a9: {  	v38 =	vor.u32 $0x3AA0, v5;
	[tilespmem:v33+s28+$0x0] =	vst.idx.msk vm1, v6  }
0x4aa: {  	v39 =	vor.u32 $0x3B20, v5;
	[tilespmem:v34+s28+$0x0] =	vst.idx.msk vm1, v6  }
0x4ab: {  	v40 =	vor.u32 $0x3BA0, v5;
	[tilespmem:v35+s28+$0x0] =	vst.idx.msk vm1, v6  }
0x4ac: {  	[tilespmem:v36+s28+$0x0] =	vst.idx.msk vm1, v6  }
0x4ad: {  	[tilespmem:v37+s28+$0x0] =	vst.idx.msk vm1, v6  }
0x4ae: {  	[tilespmem:v38+s28+$0x0] =	vst.idx.msk vm1, v6  }
0x4af: {  	[tilespmem:v39+s28+$0x0] =	vst.idx.msk vm1, v6  }
0x4b0: {  	[tilespmem:v40+s28+$0x0] =	vst.idx.msk vm1, v6  }
0x4b1: {  	v0 =	vld [tilespmem:$0x130];
	_ =	sdelay $0x4  }
0x4b2: {  	vm1 =	veq.s32 v0, $0xF4240  }
0x4b3: {  	v41 =	vor.u32 $0x830, v5  }
0x4b4: {  	v42 =	vor.u32 $0x8B0, v5  }
0x4b5: {  	v43 =	vor.u32 $0x930, v5  }
0x4b6: {  	v44 =	vor.u32 $0x9B0, v5  }
0x4b7: {  	v45 =	vor.u32 $0xA30, v5  }
0x4b8: {  	v46 =	vor.u32 $0xAB0, v5;
	[tilespmem:v41+s28+$0x0] =	vst.idx.msk vm1, v6  }
0x4b9: {  	v47 =	vor.u32 $0xB30, v5;
	[tilespmem:v42+s28+$0x0] =	vst.idx.msk vm1, v6  }
0x4ba: {  	v48 =	vor.u32 $0xBB0, v5;
	[tilespmem:v43+s28+$0x0] =	vst.idx.msk vm1, v6  }
0x4bb: {  	v49 =	vor.u32 $0x1830, v5;
	[tilespmem:v44+s28+$0x0] =	vst.idx.msk vm1, v6  }
0x4bc: {  	v50 =	vor.u32 $0x18B0, v5;
	[tilespmem:v45+s28+$0x0] =	vst.idx.msk vm1, v6  }
0x4bd: {  	v51 =	vor.u32 $0x1930, v5;
	[tilespmem:v46+s28+$0x0] =	vst.idx.msk vm1, v6  }
0x4be: {  	v52 =	vor.u32 $0x19B0, v5;
	[tilespmem:v47+s28+$0x0] =	vst.idx.msk vm1, v6  }
0x4bf: {  	v53 =	vor.u32 $0x1A30, v5;
	[tilespmem:v48+s28+$0x0] =	vst.idx.msk vm1, v6  }
0x4c0: {  	v54 =	vor.u32 $0x1AB0, v5;
	[tilespmem:v49+s28+$0x0] =	vst.idx.msk vm1, v6  }
0x4c1: {  	v55 =	vor.u32 $0x1B30, v5;
	[tilespmem:v50+s28+$0x0] =	vst.idx.msk vm1, v6  }
0x4c2: {  	v56 =	vor.u32 $0x1BB0, v5;
	[tilespmem:v51+s28+$0x0] =	vst.idx.msk vm1, v6  }
0x4c3: {  	v57 =	vor.u32 $0x2830, v5;
	[tilespmem:v52+s28+$0x0] =	vst.idx.msk vm1, v6  }
0x4c4: {  	v58 =	vor.u32 $0x28B0, v5;
	[tilespmem:v53+s28+$0x0] =	vst.idx.msk vm1, v6  }
0x4c5: {  	v59 =	vor.u32 $0x2930, v5;
	[tilespmem:v54+s28+$0x0] =	vst.idx.msk vm1, v6  }
0x4c6: {  	v60 =	vor.u32 $0x29B0, v5;
	[tilespmem:v55+s28+$0x0] =	vst.idx.msk vm1, v6  }
0x4c7: {  	v61 =	vor.u32 $0x2A30, v5;
	[tilespmem:v56+s28+$0x0] =	vst.idx.msk vm1, v6  }
0x4c8: {  	v62 =	vor.u32 $0x2AB0, v5;
	[tilespmem:v57+s28+$0x0] =	vst.idx.msk vm1, v6  }
0x4c9: {  	v63 =	vor.u32 $0x2B30, v5;
	[tilespmem:v58+s28+$0x0] =	vst.idx.msk vm1, v6  }
0x4ca: {  	v8 =	vor.u32 $0x2BB0, v5;
	[tilespmem:v59+s28+$0x0] =	vst.idx.msk vm1, v6  }
0x4cb: {  	v9 =	vor.u32 $0x3830, v5;
	[tilespmem:v60+s28+$0x0] =	vst.idx.msk vm1, v6  }
0x4cc: {  	v10 =	vor.u32 $0x38B0, v5;
	[tilespmem:v61+s28+$0x0] =	vst.idx.msk vm1, v6  }
0x4cd: {  	v11 =	vor.u32 $0x3930, v5;
	[tilespmem:v62+s28+$0x0] =	vst.idx.msk vm1, v6  }
0x4ce: {  	v12 =	vor.u32 $0x39B0, v5;
	[tilespmem:v63+s28+$0x0] =	vst.idx.msk vm1, v6  }
0x4cf: {  	v13 =	vor.u32 $0x3A30, v5;
	[tilespmem:v8+s28+$0x0] =	vst.idx.msk vm1, v6  }
0x4d0: {  	v14 =	vor.u32 $0x3AB0, v5;
	[tilespmem:v9+s28+$0x0] =	vst.idx.msk vm1, v6  }
0x4d1: {  	v15 =	vor.u32 $0x3B30, v5;
	[tilespmem:v10+s28+$0x0] =	vst.idx.msk vm1, v6  }
0x4d2: {  	v16 =	vor.u32 $0x3BB0, v5;
	[tilespmem:v11+s28+$0x0] =	vst.idx.msk vm1, v6  }
0x4d3: {  	[tilespmem:v12+s28+$0x0] =	vst.idx.msk vm1, v6  }
0x4d4: {  	[tilespmem:v13+s28+$0x0] =	vst.idx.msk vm1, v6  }
0x4d5: {  	[tilespmem:v14+s28+$0x0] =	vst.idx.msk vm1, v6  }
0x4d6: {  	[tilespmem:v15+s28+$0x0] =	vst.idx.msk vm1, v6  }
0x4d7: {  	[tilespmem:v16+s28+$0x0] =	vst.idx.msk vm1, v6  }
0x4d8: {  	v0 =	vld [tilespmem:$0x140];
	_ =	sdelay $0x4  }
0x4d9: {  	vm1 =	veq.s32 v0, $0xF4240  }
0x4da: {  	v17 =	vor.u32 $0x840, v5  }
0x4db: {  	v18 =	vor.u32 $0x8C0, v5  }
0x4dc: {  	v19 =	vor.u32 $0x940, v5  }
0x4dd: {  	v20 =	vor.u32 $0x9C0, v5  }
0x4de: {  	v21 =	vor.u32 $0xA40, v5  }
0x4df: {  	v22 =	vor.u32 $0xAC0, v5;
	[tilespmem:v17+s28+$0x0] =	vst.idx.msk vm1, v6  }
0x4e0: {  	v23 =	vor.u32 $0xB40, v5;
	[tilespmem:v18+s28+$0x0] =	vst.idx.msk vm1, v6  }
0x4e1: {  	v24 =	vor.u32 $0xBC0, v5;
	[tilespmem:v19+s28+$0x0] =	vst.idx.msk vm1, v6  }
0x4e2: {  	v25 =	vor.u32 $0x1840, v5;
	[tilespmem:v20+s28+$0x0] =	vst.idx.msk vm1, v6  }
0x4e3: {  	v26 =	vor.u32 $0x18C0, v5;
	[tilespmem:v21+s28+$0x0] =	vst.idx.msk vm1, v6  }
0x4e4: {  	v27 =	vor.u32 $0x1940, v5;
	[tilespmem:v22+s28+$0x0] =	vst.idx.msk vm1, v6  }
0x4e5: {  	v28 =	vor.u32 $0x19C0, v5;
	[tilespmem:v23+s28+$0x0] =	vst.idx.msk vm1, v6  }
0x4e6: {  	v29 =	vor.u32 $0x1A40, v5;
	[tilespmem:v24+s28+$0x0] =	vst.idx.msk vm1, v6  }
0x4e7: {  	v30 =	vor.u32 $0x1AC0, v5;
	[tilespmem:v25+s28+$0x0] =	vst.idx.msk vm1, v6  }
0x4e8: {  	v31 =	vor.u32 $0x1B40, v5;
	[tilespmem:v26+s28+$0x0] =	vst.idx.msk vm1, v6  }
0x4e9: {  	v32 =	vor.u32 $0x1BC0, v5;
	[tilespmem:v27+s28+$0x0] =	vst.idx.msk vm1, v6  }
0x4ea: {  	v33 =	vor.u32 $0x2840, v5;
	[tilespmem:v28+s28+$0x0] =	vst.idx.msk vm1, v6  }
0x4eb: {  	v34 =	vor.u32 $0x28C0, v5;
	[tilespmem:v29+s28+$0x0] =	vst.idx.msk vm1, v6  }
0x4ec: {  	v35 =	vor.u32 $0x2940, v5;
	[tilespmem:v30+s28+$0x0] =	vst.idx.msk vm1, v6  }
0x4ed: {  	v36 =	vor.u32 $0x29C0, v5;
	[tilespmem:v31+s28+$0x0] =	vst.idx.msk vm1, v6  }
0x4ee: {  	v37 =	vor.u32 $0x2A40, v5;
	[tilespmem:v32+s28+$0x0] =	vst.idx.msk vm1, v6  }
0x4ef: {  	v38 =	vor.u32 $0x2AC0, v5;
	[tilespmem:v33+s28+$0x0] =	vst.idx.msk vm1, v6  }
0x4f0: {  	v39 =	vor.u32 $0x2B40, v5;
	[tilespmem:v34+s28+$0x0] =	vst.idx.msk vm1, v6  }
0x4f1: {  	v40 =	vor.u32 $0x2BC0, v5;
	[tilespmem:v35+s28+$0x0] =	vst.idx.msk vm1, v6  }
0x4f2: {  	v41 =	vor.u32 $0x3840, v5;
	[tilespmem:v36+s28+$0x0] =	vst.idx.msk vm1, v6  }
0x4f3: {  	v42 =	vor.u32 $0x38C0, v5;
	[tilespmem:v37+s28+$0x0] =	vst.idx.msk vm1, v6  }
0x4f4: {  	v43 =	vor.u32 $0x3940, v5;
	[tilespmem:v38+s28+$0x0] =	vst.idx.msk vm1, v6  }
0x4f5: {  	v44 =	vor.u32 $0x39C0, v5;
	[tilespmem:v39+s28+$0x0] =	vst.idx.msk vm1, v6  }
0x4f6: {  	v45 =	vor.u32 $0x3A40, v5;
	[tilespmem:v40+s28+$0x0] =	vst.idx.msk vm1, v6  }
0x4f7: {  	v46 =	vor.u32 $0x3AC0, v5;
	[tilespmem:v41+s28+$0x0] =	vst.idx.msk vm1, v6  }
0x4f8: {  	v47 =	vor.u32 $0x3B40, v5;
	[tilespmem:v42+s28+$0x0] =	vst.idx.msk vm1, v6  }
0x4f9: {  	v48 =	vor.u32 $0x3BC0, v5;
	[tilespmem:v43+s28+$0x0] =	vst.idx.msk vm1, v6  }
0x4fa: {  	[tilespmem:v44+s28+$0x0] =	vst.idx.msk vm1, v6  }
0x4fb: {  	[tilespmem:v45+s28+$0x0] =	vst.idx.msk vm1, v6  }
0x4fc: {  	[tilespmem:v46+s28+$0x0] =	vst.idx.msk vm1, v6  }
0x4fd: {  	[tilespmem:v47+s28+$0x0] =	vst.idx.msk vm1, v6  }
0x4fe: {  	[tilespmem:v48+s28+$0x0] =	vst.idx.msk vm1, v6  }
0x4ff: {  	v0 =	vld [tilespmem:$0x150];
	_ =	sdelay $0x4  }
0x500: {  	vm1 =	veq.s32 v0, $0xF4240  }
0x501: {  	v49 =	vor.u32 $0x850, v5  }
0x502: {  	v50 =	vor.u32 $0x8D0, v5  }
0x503: {  	v51 =	vor.u32 $0x950, v5  }
0x504: {  	v52 =	vor.u32 $0x9D0, v5  }
0x505: {  	v53 =	vor.u32 $0xA50, v5  }
0x506: {  	v54 =	vor.u32 $0xAD0, v5;
	[tilespmem:v49+s28+$0x0] =	vst.idx.msk vm1, v6  }
0x507: {  	v55 =	vor.u32 $0xB50, v5;
	[tilespmem:v50+s28+$0x0] =	vst.idx.msk vm1, v6  }
0x508: {  	v56 =	vor.u32 $0xBD0, v5;
	[tilespmem:v51+s28+$0x0] =	vst.idx.msk vm1, v6  }
0x509: {  	v57 =	vor.u32 $0x1850, v5;
	[tilespmem:v52+s28+$0x0] =	vst.idx.msk vm1, v6  }
0x50a: {  	v58 =	vor.u32 $0x18D0, v5;
	[tilespmem:v53+s28+$0x0] =	vst.idx.msk vm1, v6  }
0x50b: {  	v59 =	vor.u32 $0x1950, v5;
	[tilespmem:v54+s28+$0x0] =	vst.idx.msk vm1, v6  }
0x50c: {  	v60 =	vor.u32 $0x19D0, v5;
	[tilespmem:v55+s28+$0x0] =	vst.idx.msk vm1, v6  }
0x50d: {  	v61 =	vor.u32 $0x1A50, v5;
	[tilespmem:v56+s28+$0x0] =	vst.idx.msk vm1, v6  }
0x50e: {  	v62 =	vor.u32 $0x1AD0, v5;
	[tilespmem:v57+s28+$0x0] =	vst.idx.msk vm1, v6  }
0x50f: {  	v63 =	vor.u32 $0x1B50, v5;
	[tilespmem:v58+s28+$0x0] =	vst.idx.msk vm1, v6  }
0x510: {  	v8 =	vor.u32 $0x1BD0, v5;
	[tilespmem:v59+s28+$0x0] =	vst.idx.msk vm1, v6  }
0x511: {  	v9 =	vor.u32 $0x2850, v5;
	[tilespmem:v60+s28+$0x0] =	vst.idx.msk vm1, v6  }
0x512: {  	v10 =	vor.u32 $0x28D0, v5;
	[tilespmem:v61+s28+$0x0] =	vst.idx.msk vm1, v6  }
0x513: {  	v11 =	vor.u32 $0x2950, v5;
	[tilespmem:v62+s28+$0x0] =	vst.idx.msk vm1, v6  }
0x514: {  	v12 =	vor.u32 $0x29D0, v5;
	[tilespmem:v63+s28+$0x0] =	vst.idx.msk vm1, v6  }
0x515: {  	v13 =	vor.u32 $0x2A50, v5;
	[tilespmem:v8+s28+$0x0] =	vst.idx.msk vm1, v6  }
0x516: {  	v14 =	vor.u32 $0x2AD0, v5;
	[tilespmem:v9+s28+$0x0] =	vst.idx.msk vm1, v6  }
0x517: {  	v15 =	vor.u32 $0x2B50, v5;
	[tilespmem:v10+s28+$0x0] =	vst.idx.msk vm1, v6  }
0x518: {  	v16 =	vor.u32 $0x2BD0, v5;
	[tilespmem:v11+s28+$0x0] =	vst.idx.msk vm1, v6  }
0x519: {  	v17 =	vor.u32 $0x3850, v5;
	[tilespmem:v12+s28+$0x0] =	vst.idx.msk vm1, v6  }
0x51a: {  	v18 =	vor.u32 $0x38D0, v5;
	[tilespmem:v13+s28+$0x0] =	vst.idx.msk vm1, v6  }
0x51b: {  	v19 =	vor.u32 $0x3950, v5;
	[tilespmem:v14+s28+$0x0] =	vst.idx.msk vm1, v6  }
0x51c: {  	v20 =	vor.u32 $0x39D0, v5;
	[tilespmem:v15+s28+$0x0] =	vst.idx.msk vm1, v6  }
0x51d: {  	v21 =	vor.u32 $0x3A50, v5;
	[tilespmem:v16+s28+$0x0] =	vst.idx.msk vm1, v6  }
0x51e: {  	v22 =	vor.u32 $0x3AD0, v5;
	[tilespmem:v17+s28+$0x0] =	vst.idx.msk vm1, v6  }
0x51f: {  	v23 =	vor.u32 $0x3B50, v5;
	[tilespmem:v18+s28+$0x0] =	vst.idx.msk vm1, v6  }
0x520: {  	v24 =	vor.u32 $0x3BD0, v5;
	[tilespmem:v19+s28+$0x0] =	vst.idx.msk vm1, v6  }
0x521: {  	[tilespmem:v20+s28+$0x0] =	vst.idx.msk vm1, v6  }
0x522: {  	[tilespmem:v21+s28+$0x0] =	vst.idx.msk vm1, v6  }
0x523: {  	[tilespmem:v22+s28+$0x0] =	vst.idx.msk vm1, v6  }
0x524: {  	[tilespmem:v23+s28+$0x0] =	vst.idx.msk vm1, v6  }
0x525: {  	[tilespmem:v24+s28+$0x0] =	vst.idx.msk vm1, v6  }
0x526: {  	v0 =	vld [tilespmem:$0x160];
	_ =	sdelay $0x4  }
0x527: {  	vm1 =	veq.s32 v0, $0xF4240  }
0x528: {  	v25 =	vor.u32 $0x860, v5  }
0x529: {  	v26 =	vor.u32 $0x8E0, v5  }
0x52a: {  	v27 =	vor.u32 $0x960, v5  }
0x52b: {  	v28 =	vor.u32 $0x9E0, v5  }
0x52c: {  	v29 =	vor.u32 $0xA60, v5  }
0x52d: {  	v30 =	vor.u32 $0xAE0, v5;
	[tilespmem:v25+s28+$0x0] =	vst.idx.msk vm1, v6  }
0x52e: {  	v31 =	vor.u32 $0xB60, v5;
	[tilespmem:v26+s28+$0x0] =	vst.idx.msk vm1, v6  }
0x52f: {  	v32 =	vor.u32 $0xBE0, v5;
	[tilespmem:v27+s28+$0x0] =	vst.idx.msk vm1, v6  }
0x530: {  	v33 =	vor.u32 $0x1860, v5;
	[tilespmem:v28+s28+$0x0] =	vst.idx.msk vm1, v6  }
0x531: {  	v34 =	vor.u32 $0x18E0, v5;
	[tilespmem:v29+s28+$0x0] =	vst.idx.msk vm1, v6  }
0x532: {  	v35 =	vor.u32 $0x1960, v5;
	[tilespmem:v30+s28+$0x0] =	vst.idx.msk vm1, v6  }
0x533: {  	v36 =	vor.u32 $0x19E0, v5;
	[tilespmem:v31+s28+$0x0] =	vst.idx.msk vm1, v6  }
0x534: {  	v37 =	vor.u32 $0x1A60, v5;
	[tilespmem:v32+s28+$0x0] =	vst.idx.msk vm1, v6  }
0x535: {  	v38 =	vor.u32 $0x1AE0, v5;
	[tilespmem:v33+s28+$0x0] =	vst.idx.msk vm1, v6  }
0x536: {  	v39 =	vor.u32 $0x1B60, v5;
	[tilespmem:v34+s28+$0x0] =	vst.idx.msk vm1, v6  }
0x537: {  	v40 =	vor.u32 $0x1BE0, v5;
	[tilespmem:v35+s28+$0x0] =	vst.idx.msk vm1, v6  }
0x538: {  	v41 =	vor.u32 $0x2860, v5;
	[tilespmem:v36+s28+$0x0] =	vst.idx.msk vm1, v6  }
0x539: {  	v42 =	vor.u32 $0x28E0, v5;
	[tilespmem:v37+s28+$0x0] =	vst.idx.msk vm1, v6  }
0x53a: {  	v43 =	vor.u32 $0x2960, v5;
	[tilespmem:v38+s28+$0x0] =	vst.idx.msk vm1, v6  }
0x53b: {  	v44 =	vor.u32 $0x29E0, v5;
	[tilespmem:v39+s28+$0x0] =	vst.idx.msk vm1, v6  }
0x53c: {  	v45 =	vor.u32 $0x2A60, v5;
	[tilespmem:v40+s28+$0x0] =	vst.idx.msk vm1, v6  }
0x53d: {  	v46 =	vor.u32 $0x2AE0, v5;
	[tilespmem:v41+s28+$0x0] =	vst.idx.msk vm1, v6  }
0x53e: {  	v47 =	vor.u32 $0x2B60, v5;
	[tilespmem:v42+s28+$0x0] =	vst.idx.msk vm1, v6  }
0x53f: {  	v48 =	vor.u32 $0x2BE0, v5;
	[tilespmem:v43+s28+$0x0] =	vst.idx.msk vm1, v6  }
0x540: {  	v49 =	vor.u32 $0x3860, v5;
	[tilespmem:v44+s28+$0x0] =	vst.idx.msk vm1, v6  }
0x541: {  	v50 =	vor.u32 $0x38E0, v5;
	[tilespmem:v45+s28+$0x0] =	vst.idx.msk vm1, v6  }
0x542: {  	v51 =	vor.u32 $0x3960, v5;
	[tilespmem:v46+s28+$0x0] =	vst.idx.msk vm1, v6  }
0x543: {  	v52 =	vor.u32 $0x39E0, v5;
	[tilespmem:v47+s28+$0x0] =	vst.idx.msk vm1, v6  }
0x544: {  	v53 =	vor.u32 $0x3A60, v5;
	[tilespmem:v48+s28+$0x0] =	vst.idx.msk vm1, v6  }
0x545: {  	v54 =	vor.u32 $0x3AE0, v5;
	[tilespmem:v49+s28+$0x0] =	vst.idx.msk vm1, v6  }
0x546: {  	v55 =	vor.u32 $0x3B60, v5;
	[tilespmem:v50+s28+$0x0] =	vst.idx.msk vm1, v6  }
0x547: {  	v56 =	vor.u32 $0x3BE0, v5;
	[tilespmem:v51+s28+$0x0] =	vst.idx.msk vm1, v6  }
0x548: {  	[tilespmem:v52+s28+$0x0] =	vst.idx.msk vm1, v6  }
0x549: {  	[tilespmem:v53+s28+$0x0] =	vst.idx.msk vm1, v6  }
0x54a: {  	[tilespmem:v54+s28+$0x0] =	vst.idx.msk vm1, v6  }
0x54b: {  	[tilespmem:v55+s28+$0x0] =	vst.idx.msk vm1, v6  }
0x54c: {  	[tilespmem:v56+s28+$0x0] =	vst.idx.msk vm1, v6  }
0x54d: {  	v0 =	vld [tilespmem:$0x170];
	_ =	sdelay $0x4  }
0x54e: {  	vm1 =	veq.s32 v0, $0xF4240  }
0x54f: {  	v57 =	vor.u32 $0x870, v5  }
0x550: {  	v58 =	vor.u32 $0x8F0, v5  }
0x551: {  	v59 =	vor.u32 $0x970, v5  }
0x552: {  	v60 =	vor.u32 $0x9F0, v5  }
0x553: {  	v61 =	vor.u32 $0xA70, v5  }
0x554: {  	v62 =	vor.u32 $0xAF0, v5;
	[tilespmem:v57+s28+$0x0] =	vst.idx.msk vm1, v6  }
0x555: {  	v63 =	vor.u32 $0xB70, v5;
	[tilespmem:v58+s28+$0x0] =	vst.idx.msk vm1, v6  }
0x556: {  	v8 =	vor.u32 $0xBF0, v5;
	[tilespmem:v59+s28+$0x0] =	vst.idx.msk vm1, v6  }
0x557: {  	v9 =	vor.u32 $0x1870, v5;
	[tilespmem:v60+s28+$0x0] =	vst.idx.msk vm1, v6  }
0x558: {  	v10 =	vor.u32 $0x18F0, v5;
	[tilespmem:v61+s28+$0x0] =	vst.idx.msk vm1, v6  }
0x559: {  	v11 =	vor.u32 $0x1970, v5;
	[tilespmem:v62+s28+$0x0] =	vst.idx.msk vm1, v6  }
0x55a: {  	v12 =	vor.u32 $0x19F0, v5;
	[tilespmem:v63+s28+$0x0] =	vst.idx.msk vm1, v6  }
0x55b: {  	v13 =	vor.u32 $0x1A70, v5;
	[tilespmem:v8+s28+$0x0] =	vst.idx.msk vm1, v6  }
0x55c: {  	v14 =	vor.u32 $0x1AF0, v5;
	[tilespmem:v9+s28+$0x0] =	vst.idx.msk vm1, v6  }
0x55d: {  	v15 =	vor.u32 $0x1B70, v5;
	[tilespmem:v10+s28+$0x0] =	vst.idx.msk vm1, v6  }
0x55e: {  	v16 =	vor.u32 $0x1BF0, v5;
	[tilespmem:v11+s28+$0x0] =	vst.idx.msk vm1, v6  }
0x55f: {  	v17 =	vor.u32 $0x2870, v5;
	[tilespmem:v12+s28+$0x0] =	vst.idx.msk vm1, v6  }
0x560: {  	v18 =	vor.u32 $0x28F0, v5;
	[tilespmem:v13+s28+$0x0] =	vst.idx.msk vm1, v6  }
0x561: {  	v19 =	vor.u32 $0x2970, v5;
	[tilespmem:v14+s28+$0x0] =	vst.idx.msk vm1, v6  }
0x562: {  	v20 =	vor.u32 $0x29F0, v5;
	[tilespmem:v15+s28+$0x0] =	vst.idx.msk vm1, v6  }
0x563: {  	v21 =	vor.u32 $0x2A70, v5;
	[tilespmem:v16+s28+$0x0] =	vst.idx.msk vm1, v6  }
0x564: {  	v22 =	vor.u32 $0x2AF0, v5;
	[tilespmem:v17+s28+$0x0] =	vst.idx.msk vm1, v6  }
0x565: {  	v23 =	vor.u32 $0x2B70, v5;
	[tilespmem:v18+s28+$0x0] =	vst.idx.msk vm1, v6  }
0x566: {  	v24 =	vor.u32 $0x2BF0, v5;
	[tilespmem:v19+s28+$0x0] =	vst.idx.msk vm1, v6  }
0x567: {  	v25 =	vor.u32 $0x3870, v5;
	[tilespmem:v20+s28+$0x0] =	vst.idx.msk vm1, v6  }
0x568: {  	v26 =	vor.u32 $0x38F0, v5;
	[tilespmem:v21+s28+$0x0] =	vst.idx.msk vm1, v6  }
0x569: {  	v27 =	vor.u32 $0x3970, v5;
	[tilespmem:v22+s28+$0x0] =	vst.idx.msk vm1, v6  }
0x56a: {  	v28 =	vor.u32 $0x39F0, v5;
	[tilespmem:v23+s28+$0x0] =	vst.idx.msk vm1, v6  }
0x56b: {  	v29 =	vor.u32 $0x3A70, v5;
	[tilespmem:v24+s28+$0x0] =	vst.idx.msk vm1, v6  }
0x56c: {  	v30 =	vor.u32 $0x3AF0, v5;
	[tilespmem:v25+s28+$0x0] =	vst.idx.msk vm1, v6  }
0x56d: {  	v31 =	vor.u32 $0x3B70, v5;
	[tilespmem:v26+s28+$0x0] =	vst.idx.msk vm1, v6  }
0x56e: {  	v32 =	vor.u32 $0x3BF0, v5;
	[tilespmem:v27+s28+$0x0] =	vst.idx.msk vm1, v6  }
0x56f: {  	[tilespmem:v28+s28+$0x0] =	vst.idx.msk vm1, v6  }
0x570: {  	[tilespmem:v29+s28+$0x0] =	vst.idx.msk vm1, v6  }
0x571: {  	[tilespmem:v30+s28+$0x0] =	vst.idx.msk vm1, v6  }
0x572: {  	[tilespmem:v31+s28+$0x0] =	vst.idx.msk vm1, v6  }
0x573: {  	[tilespmem:v32+s28+$0x0] =	vst.idx.msk vm1, v6  }
0x574: {  	v0 =	vld [tilespmem:$0x180];
	_ =	sdelay $0x4  }
0x575: {  	vm1 =	veq.s32 v0, $0xF4240  }
0x576: {  	v33 =	vor.u32 $0xC00, v5  }
0x577: {  	v34 =	vor.u32 $0xC80, v5  }
0x578: {  	v35 =	vor.u32 $0xD00, v5  }
0x579: {  	v36 =	vor.u32 $0xD80, v5  }
0x57a: {  	v37 =	vor.u32 $0xE00, v5  }
0x57b: {  	v38 =	vor.u32 $0xE80, v5;
	[tilespmem:v33+s28+$0x0] =	vst.idx.msk vm1, v6  }
0x57c: {  	v39 =	vor.u32 $0xF00, v5;
	[tilespmem:v34+s28+$0x0] =	vst.idx.msk vm1, v6  }
0x57d: {  	v40 =	vor.u32 $0xF80, v5;
	[tilespmem:v35+s28+$0x0] =	vst.idx.msk vm1, v6  }
0x57e: {  	v41 =	vor.u32 $0x1C00, v5;
	[tilespmem:v36+s28+$0x0] =	vst.idx.msk vm1, v6  }
0x57f: {  	v42 =	vor.u32 $0x1C80, v5;
	[tilespmem:v37+s28+$0x0] =	vst.idx.msk vm1, v6  }
0x580: {  	v43 =	vor.u32 $0x1D00, v5;
	[tilespmem:v38+s28+$0x0] =	vst.idx.msk vm1, v6  }
0x581: {  	v44 =	vor.u32 $0x1D80, v5;
	[tilespmem:v39+s28+$0x0] =	vst.idx.msk vm1, v6  }
0x582: {  	v45 =	vor.u32 $0x1E00, v5;
	[tilespmem:v40+s28+$0x0] =	vst.idx.msk vm1, v6  }
0x583: {  	v46 =	vor.u32 $0x1E80, v5;
	[tilespmem:v41+s28+$0x0] =	vst.idx.msk vm1, v6  }
0x584: {  	v47 =	vor.u32 $0x1F00, v5;
	[tilespmem:v42+s28+$0x0] =	vst.idx.msk vm1, v6  }
0x585: {  	v48 =	vor.u32 $0x1F80, v5;
	[tilespmem:v43+s28+$0x0] =	vst.idx.msk vm1, v6  }
0x586: {  	v49 =	vor.u32 $0x2C00, v5;
	[tilespmem:v44+s28+$0x0] =	vst.idx.msk vm1, v6  }
0x587: {  	v50 =	vor.u32 $0x2C80, v5;
	[tilespmem:v45+s28+$0x0] =	vst.idx.msk vm1, v6  }
0x588: {  	v51 =	vor.u32 $0x2D00, v5;
	[tilespmem:v46+s28+$0x0] =	vst.idx.msk vm1, v6  }
0x589: {  	v52 =	vor.u32 $0x2D80, v5;
	[tilespmem:v47+s28+$0x0] =	vst.idx.msk vm1, v6  }
0x58a: {  	v53 =	vor.u32 $0x2E00, v5;
	[tilespmem:v48+s28+$0x0] =	vst.idx.msk vm1, v6  }
0x58b: {  	v54 =	vor.u32 $0x2E80, v5;
	[tilespmem:v49+s28+$0x0] =	vst.idx.msk vm1, v6  }
0x58c: {  	v55 =	vor.u32 $0x2F00, v5;
	[tilespmem:v50+s28+$0x0] =	vst.idx.msk vm1, v6  }
0x58d: {  	v56 =	vor.u32 $0x2F80, v5;
	[tilespmem:v51+s28+$0x0] =	vst.idx.msk vm1, v6  }
0x58e: {  	v57 =	vor.u32 $0x3C00, v5;
	[tilespmem:v52+s28+$0x0] =	vst.idx.msk vm1, v6  }
0x58f: {  	v58 =	vor.u32 $0x3C80, v5;
	[tilespmem:v53+s28+$0x0] =	vst.idx.msk vm1, v6  }
0x590: {  	v59 =	vor.u32 $0x3D00, v5;
	[tilespmem:v54+s28+$0x0] =	vst.idx.msk vm1, v6  }
0x591: {  	v60 =	vor.u32 $0x3D80, v5;
	[tilespmem:v55+s28+$0x0] =	vst.idx.msk vm1, v6  }
0x592: {  	v61 =	vor.u32 $0x3E00, v5;
	[tilespmem:v56+s28+$0x0] =	vst.idx.msk vm1, v6  }
0x593: {  	v62 =	vor.u32 $0x3E80, v5;
	[tilespmem:v57+s28+$0x0] =	vst.idx.msk vm1, v6  }
0x594: {  	v63 =	vor.u32 $0x3F00, v5;
	[tilespmem:v58+s28+$0x0] =	vst.idx.msk vm1, v6  }
0x595: {  	v7 =	vor.u32 $0x3F80, v5;
	[tilespmem:v59+s28+$0x0] =	vst.idx.msk vm1, v6  }
0x596: {  	[tilespmem:v60+s28+$0x0] =	vst.idx.msk vm1, v6  }
0x597: {  	[tilespmem:v61+s28+$0x0] =	vst.idx.msk vm1, v6  }
0x598: {  	[tilespmem:v62+s28+$0x0] =	vst.idx.msk vm1, v6  }
0x599: {  	[tilespmem:v63+s28+$0x0] =	vst.idx.msk vm1, v6  }
0x59a: {  	[tilespmem:v7+s28+$0x0] =	vst.idx.msk vm1, v6  }
0x59b: {  	v0 =	vld [tilespmem:$0x190];
	_ =	sdelay $0x4  }
0x59c: {  	vm1 =	veq.s32 v0, $0xF4240  }
0x59d: {  	v8 =	vor.u32 $0xC10, v5  }
0x59e: {  	v9 =	vor.u32 $0xC90, v5  }
0x59f: {  	v10 =	vor.u32 $0xD10, v5  }
0x5a0: {  	v11 =	vor.u32 $0xD90, v5  }
0x5a1: {  	v12 =	vor.u32 $0xE10, v5  }
0x5a2: {  	v13 =	vor.u32 $0xE90, v5;
	[tilespmem:v8+s28+$0x0] =	vst.idx.msk vm1, v6  }
0x5a3: {  	v14 =	vor.u32 $0xF10, v5;
	[tilespmem:v9+s28+$0x0] =	vst.idx.msk vm1, v6  }
0x5a4: {  	v15 =	vor.u32 $0xF90, v5;
	[tilespmem:v10+s28+$0x0] =	vst.idx.msk vm1, v6  }
0x5a5: {  	v16 =	vor.u32 $0x1C10, v5;
	[tilespmem:v11+s28+$0x0] =	vst.idx.msk vm1, v6  }
0x5a6: {  	v17 =	vor.u32 $0x1C90, v5;
	[tilespmem:v12+s28+$0x0] =	vst.idx.msk vm1, v6  }
0x5a7: {  	v18 =	vor.u32 $0x1D10, v5;
	[tilespmem:v13+s28+$0x0] =	vst.idx.msk vm1, v6  }
0x5a8: {  	v19 =	vor.u32 $0x1D90, v5;
	[tilespmem:v14+s28+$0x0] =	vst.idx.msk vm1, v6  }
0x5a9: {  	v20 =	vor.u32 $0x1E10, v5;
	[tilespmem:v15+s28+$0x0] =	vst.idx.msk vm1, v6  }
0x5aa: {  	v21 =	vor.u32 $0x1E90, v5;
	[tilespmem:v16+s28+$0x0] =	vst.idx.msk vm1, v6  }
0x5ab: {  	v22 =	vor.u32 $0x1F10, v5;
	[tilespmem:v17+s28+$0x0] =	vst.idx.msk vm1, v6  }
0x5ac: {  	v23 =	vor.u32 $0x1F90, v5;
	[tilespmem:v18+s28+$0x0] =	vst.idx.msk vm1, v6  }
0x5ad: {  	v24 =	vor.u32 $0x2C10, v5;
	[tilespmem:v19+s28+$0x0] =	vst.idx.msk vm1, v6  }
0x5ae: {  	v25 =	vor.u32 $0x2C90, v5;
	[tilespmem:v20+s28+$0x0] =	vst.idx.msk vm1, v6  }
0x5af: {  	v26 =	vor.u32 $0x2D10, v5;
	[tilespmem:v21+s28+$0x0] =	vst.idx.msk vm1, v6  }
0x5b0: {  	v27 =	vor.u32 $0x2D90, v5;
	[tilespmem:v22+s28+$0x0] =	vst.idx.msk vm1, v6  }
0x5b1: {  	v28 =	vor.u32 $0x2E10, v5;
	[tilespmem:v23+s28+$0x0] =	vst.idx.msk vm1, v6  }
0x5b2: {  	v29 =	vor.u32 $0x2E90, v5;
	[tilespmem:v24+s28+$0x0] =	vst.idx.msk vm1, v6  }
0x5b3: {  	v30 =	vor.u32 $0x2F10, v5;
	[tilespmem:v25+s28+$0x0] =	vst.idx.msk vm1, v6  }
0x5b4: {  	v31 =	vor.u32 $0x2F90, v5;
	[tilespmem:v26+s28+$0x0] =	vst.idx.msk vm1, v6  }
0x5b5: {  	v32 =	vor.u32 $0x3C10, v5;
	[tilespmem:v27+s28+$0x0] =	vst.idx.msk vm1, v6  }
0x5b6: {  	v33 =	vor.u32 $0x3C90, v5;
	[tilespmem:v28+s28+$0x0] =	vst.idx.msk vm1, v6  }
0x5b7: {  	v34 =	vor.u32 $0x3D10, v5;
	[tilespmem:v29+s28+$0x0] =	vst.idx.msk vm1, v6  }
0x5b8: {  	v35 =	vor.u32 $0x3D90, v5;
	[tilespmem:v30+s28+$0x0] =	vst.idx.msk vm1, v6  }
0x5b9: {  	v36 =	vor.u32 $0x3E10, v5;
	[tilespmem:v31+s28+$0x0] =	vst.idx.msk vm1, v6  }
0x5ba: {  	v37 =	vor.u32 $0x3E90, v5;
	[tilespmem:v32+s28+$0x0] =	vst.idx.msk vm1, v6  }
0x5bb: {  	v38 =	vor.u32 $0x3F10, v5;
	[tilespmem:v33+s28+$0x0] =	vst.idx.msk vm1, v6  }
0x5bc: {  	v39 =	vor.u32 $0x3F90, v5;
	[tilespmem:v34+s28+$0x0] =	vst.idx.msk vm1, v6  }
0x5bd: {  	[tilespmem:v35+s28+$0x0] =	vst.idx.msk vm1, v6  }
0x5be: {  	[tilespmem:v36+s28+$0x0] =	vst.idx.msk vm1, v6  }
0x5bf: {  	[tilespmem:v37+s28+$0x0] =	vst.idx.msk vm1, v6  }
0x5c0: {  	[tilespmem:v38+s28+$0x0] =	vst.idx.msk vm1, v6  }
0x5c1: {  	[tilespmem:v39+s28+$0x0] =	vst.idx.msk vm1, v6  }
0x5c2: {  	v0 =	vld [tilespmem:$0x1A0];
	_ =	sdelay $0x4  }
0x5c3: {  	vm1 =	veq.s32 v0, $0xF4240  }
0x5c4: {  	v40 =	vor.u32 $0xC20, v5  }
0x5c5: {  	v41 =	vor.u32 $0xCA0, v5  }
0x5c6: {  	v42 =	vor.u32 $0xD20, v5  }
0x5c7: {  	v43 =	vor.u32 $0xDA0, v5  }
0x5c8: {  	v44 =	vor.u32 $0xE20, v5  }
0x5c9: {  	v45 =	vor.u32 $0xEA0, v5;
	[tilespmem:v40+s28+$0x0] =	vst.idx.msk vm1, v6  }
0x5ca: {  	v46 =	vor.u32 $0xF20, v5;
	[tilespmem:v41+s28+$0x0] =	vst.idx.msk vm1, v6  }
0x5cb: {  	v47 =	vor.u32 $0xFA0, v5;
	[tilespmem:v42+s28+$0x0] =	vst.idx.msk vm1, v6  }
0x5cc: {  	v48 =	vor.u32 $0x1C20, v5;
	[tilespmem:v43+s28+$0x0] =	vst.idx.msk vm1, v6  }
0x5cd: {  	v49 =	vor.u32 $0x1CA0, v5;
	[tilespmem:v44+s28+$0x0] =	vst.idx.msk vm1, v6  }
0x5ce: {  	v50 =	vor.u32 $0x1D20, v5;
	[tilespmem:v45+s28+$0x0] =	vst.idx.msk vm1, v6  }
0x5cf: {  	v51 =	vor.u32 $0x1DA0, v5;
	[tilespmem:v46+s28+$0x0] =	vst.idx.msk vm1, v6  }
0x5d0: {  	v52 =	vor.u32 $0x1E20, v5;
	[tilespmem:v47+s28+$0x0] =	vst.idx.msk vm1, v6  }
0x5d1: {  	v53 =	vor.u32 $0x1EA0, v5;
	[tilespmem:v48+s28+$0x0] =	vst.idx.msk vm1, v6  }
0x5d2: {  	v54 =	vor.u32 $0x1F20, v5;
	[tilespmem:v49+s28+$0x0] =	vst.idx.msk vm1, v6  }
0x5d3: {  	v55 =	vor.u32 $0x1FA0, v5;
	[tilespmem:v50+s28+$0x0] =	vst.idx.msk vm1, v6  }
0x5d4: {  	v56 =	vor.u32 $0x2C20, v5;
	[tilespmem:v51+s28+$0x0] =	vst.idx.msk vm1, v6  }
0x5d5: {  	v57 =	vor.u32 $0x2CA0, v5;
	[tilespmem:v52+s28+$0x0] =	vst.idx.msk vm1, v6  }
0x5d6: {  	v58 =	vor.u32 $0x2D20, v5;
	[tilespmem:v53+s28+$0x0] =	vst.idx.msk vm1, v6  }
0x5d7: {  	v59 =	vor.u32 $0x2DA0, v5;
	[tilespmem:v54+s28+$0x0] =	vst.idx.msk vm1, v6  }
0x5d8: {  	v60 =	vor.u32 $0x2E20, v5;
	[tilespmem:v55+s28+$0x0] =	vst.idx.msk vm1, v6  }
0x5d9: {  	v61 =	vor.u32 $0x2EA0, v5;
	[tilespmem:v56+s28+$0x0] =	vst.idx.msk vm1, v6  }
0x5da: {  	v62 =	vor.u32 $0x2F20, v5;
	[tilespmem:v57+s28+$0x0] =	vst.idx.msk vm1, v6  }
0x5db: {  	v63 =	vor.u32 $0x2FA0, v5;
	[tilespmem:v58+s28+$0x0] =	vst.idx.msk vm1, v6  }
0x5dc: {  	v8 =	vor.u32 $0x3C20, v5;
	[tilespmem:v59+s28+$0x0] =	vst.idx.msk vm1, v6  }
0x5dd: {  	v9 =	vor.u32 $0x3CA0, v5;
	[tilespmem:v60+s28+$0x0] =	vst.idx.msk vm1, v6  }
0x5de: {  	v10 =	vor.u32 $0x3D20, v5;
	[tilespmem:v61+s28+$0x0] =	vst.idx.msk vm1, v6  }
0x5df: {  	v11 =	vor.u32 $0x3DA0, v5;
	[tilespmem:v62+s28+$0x0] =	vst.idx.msk vm1, v6  }
0x5e0: {  	v12 =	vor.u32 $0x3E20, v5;
	[tilespmem:v63+s28+$0x0] =	vst.idx.msk vm1, v6  }
0x5e1: {  	v13 =	vor.u32 $0x3EA0, v5;
	[tilespmem:v8+s28+$0x0] =	vst.idx.msk vm1, v6  }
0x5e2: {  	v14 =	vor.u32 $0x3F20, v5;
	[tilespmem:v9+s28+$0x0] =	vst.idx.msk vm1, v6  }
0x5e3: {  	v15 =	vor.u32 $0x3FA0, v5;
	[tilespmem:v10+s28+$0x0] =	vst.idx.msk vm1, v6  }
0x5e4: {  	[tilespmem:v11+s28+$0x0] =	vst.idx.msk vm1, v6  }
0x5e5: {  	[tilespmem:v12+s28+$0x0] =	vst.idx.msk vm1, v6  }
0x5e6: {  	[tilespmem:v13+s28+$0x0] =	vst.idx.msk vm1, v6  }
0x5e7: {  	[tilespmem:v14+s28+$0x0] =	vst.idx.msk vm1, v6  }
0x5e8: {  	[tilespmem:v15+s28+$0x0] =	vst.idx.msk vm1, v6  }
0x5e9: {  	v0 =	vld [tilespmem:$0x1B0];
	_ =	sdelay $0x4  }
0x5ea: {  	vm1 =	veq.s32 v0, $0xF4240  }
0x5eb: {  	v16 =	vor.u32 $0xC30, v5  }
0x5ec: {  	v17 =	vor.u32 $0xCB0, v5  }
0x5ed: {  	v18 =	vor.u32 $0xD30, v5  }
0x5ee: {  	v19 =	vor.u32 $0xDB0, v5  }
0x5ef: {  	v20 =	vor.u32 $0xE30, v5  }
0x5f0: {  	v21 =	vor.u32 $0xEB0, v5;
	[tilespmem:v16+s28+$0x0] =	vst.idx.msk vm1, v6  }
0x5f1: {  	v22 =	vor.u32 $0xF30, v5;
	[tilespmem:v17+s28+$0x0] =	vst.idx.msk vm1, v6  }
0x5f2: {  	v23 =	vor.u32 $0xFB0, v5;
	[tilespmem:v18+s28+$0x0] =	vst.idx.msk vm1, v6  }
0x5f3: {  	v24 =	vor.u32 $0x1C30, v5;
	[tilespmem:v19+s28+$0x0] =	vst.idx.msk vm1, v6  }
0x5f4: {  	v25 =	vor.u32 $0x1CB0, v5;
	[tilespmem:v20+s28+$0x0] =	vst.idx.msk vm1, v6  }
0x5f5: {  	v26 =	vor.u32 $0x1D30, v5;
	[tilespmem:v21+s28+$0x0] =	vst.idx.msk vm1, v6  }
0x5f6: {  	v27 =	vor.u32 $0x1DB0, v5;
	[tilespmem:v22+s28+$0x0] =	vst.idx.msk vm1, v6  }
0x5f7: {  	v28 =	vor.u32 $0x1E30, v5;
	[tilespmem:v23+s28+$0x0] =	vst.idx.msk vm1, v6  }
0x5f8: {  	v29 =	vor.u32 $0x1EB0, v5;
	[tilespmem:v24+s28+$0x0] =	vst.idx.msk vm1, v6  }
0x5f9: {  	v30 =	vor.u32 $0x1F30, v5;
	[tilespmem:v25+s28+$0x0] =	vst.idx.msk vm1, v6  }
0x5fa: {  	v31 =	vor.u32 $0x1FB0, v5;
	[tilespmem:v26+s28+$0x0] =	vst.idx.msk vm1, v6  }
0x5fb: {  	v32 =	vor.u32 $0x2C30, v5;
	[tilespmem:v27+s28+$0x0] =	vst.idx.msk vm1, v6  }
0x5fc: {  	v33 =	vor.u32 $0x2CB0, v5;
	[tilespmem:v28+s28+$0x0] =	vst.idx.msk vm1, v6  }
0x5fd: {  	v34 =	vor.u32 $0x2D30, v5;
	[tilespmem:v29+s28+$0x0] =	vst.idx.msk vm1, v6  }
0x5fe: {  	v35 =	vor.u32 $0x2DB0, v5;
	[tilespmem:v30+s28+$0x0] =	vst.idx.msk vm1, v6  }
0x5ff: {  	v36 =	vor.u32 $0x2E30, v5;
	[tilespmem:v31+s28+$0x0] =	vst.idx.msk vm1, v6  }
0x600: {  	v37 =	vor.u32 $0x2EB0, v5;
	[tilespmem:v32+s28+$0x0] =	vst.idx.msk vm1, v6  }
0x601: {  	v38 =	vor.u32 $0x2F30, v5;
	[tilespmem:v33+s28+$0x0] =	vst.idx.msk vm1, v6  }
0x602: {  	v39 =	vor.u32 $0x2FB0, v5;
	[tilespmem:v34+s28+$0x0] =	vst.idx.msk vm1, v6  }
0x603: {  	v40 =	vor.u32 $0x3C30, v5;
	[tilespmem:v35+s28+$0x0] =	vst.idx.msk vm1, v6  }
0x604: {  	v41 =	vor.u32 $0x3CB0, v5;
	[tilespmem:v36+s28+$0x0] =	vst.idx.msk vm1, v6  }
0x605: {  	v42 =	vor.u32 $0x3D30, v5;
	[tilespmem:v37+s28+$0x0] =	vst.idx.msk vm1, v6  }
0x606: {  	v43 =	vor.u32 $0x3DB0, v5;
	[tilespmem:v38+s28+$0x0] =	vst.idx.msk vm1, v6  }
0x607: {  	v44 =	vor.u32 $0x3E30, v5;
	[tilespmem:v39+s28+$0x0] =	vst.idx.msk vm1, v6  }
0x608: {  	v45 =	vor.u32 $0x3EB0, v5;
	[tilespmem:v40+s28+$0x0] =	vst.idx.msk vm1, v6  }
0x609: {  	v46 =	vor.u32 $0x3F30, v5;
	[tilespmem:v41+s28+$0x0] =	vst.idx.msk vm1, v6  }
0x60a: {  	v47 =	vor.u32 $0x3FB0, v5;
	[tilespmem:v42+s28+$0x0] =	vst.idx.msk vm1, v6  }
0x60b: {  	[tilespmem:v43+s28+$0x0] =	vst.idx.msk vm1, v6  }
0x60c: {  	[tilespmem:v44+s28+$0x0] =	vst.idx.msk vm1, v6  }
0x60d: {  	[tilespmem:v45+s28+$0x0] =	vst.idx.msk vm1, v6  }
0x60e: {  	[tilespmem:v46+s28+$0x0] =	vst.idx.msk vm1, v6  }
0x60f: {  	[tilespmem:v47+s28+$0x0] =	vst.idx.msk vm1, v6  }
0x610: {  	v0 =	vld [tilespmem:$0x1C0];
	_ =	sdelay $0x4  }
0x611: {  	vm1 =	veq.s32 v0, $0xF4240  }
0x612: {  	v48 =	vor.u32 $0xC40, v5  }
0x613: {  	v49 =	vor.u32 $0xCC0, v5  }
0x614: {  	v50 =	vor.u32 $0xD40, v5  }
0x615: {  	v51 =	vor.u32 $0xDC0, v5  }
0x616: {  	v52 =	vor.u32 $0xE40, v5  }
0x617: {  	v53 =	vor.u32 $0xEC0, v5;
	[tilespmem:v48+s28+$0x0] =	vst.idx.msk vm1, v6  }
0x618: {  	v54 =	vor.u32 $0xF40, v5;
	[tilespmem:v49+s28+$0x0] =	vst.idx.msk vm1, v6  }
0x619: {  	v55 =	vor.u32 $0xFC0, v5;
	[tilespmem:v50+s28+$0x0] =	vst.idx.msk vm1, v6  }
0x61a: {  	v56 =	vor.u32 $0x1C40, v5;
	[tilespmem:v51+s28+$0x0] =	vst.idx.msk vm1, v6  }
0x61b: {  	v57 =	vor.u32 $0x1CC0, v5;
	[tilespmem:v52+s28+$0x0] =	vst.idx.msk vm1, v6  }
0x61c: {  	v58 =	vor.u32 $0x1D40, v5;
	[tilespmem:v53+s28+$0x0] =	vst.idx.msk vm1, v6  }
0x61d: {  	v59 =	vor.u32 $0x1DC0, v5;
	[tilespmem:v54+s28+$0x0] =	vst.idx.msk vm1, v6  }
0x61e: {  	v60 =	vor.u32 $0x1E40, v5;
	[tilespmem:v55+s28+$0x0] =	vst.idx.msk vm1, v6  }
0x61f: {  	v61 =	vor.u32 $0x1EC0, v5;
	[tilespmem:v56+s28+$0x0] =	vst.idx.msk vm1, v6  }
0x620: {  	v62 =	vor.u32 $0x1F40, v5;
	[tilespmem:v57+s28+$0x0] =	vst.idx.msk vm1, v6  }
0x621: {  	v63 =	vor.u32 $0x1FC0, v5;
	[tilespmem:v58+s28+$0x0] =	vst.idx.msk vm1, v6  }
0x622: {  	v8 =	vor.u32 $0x2C40, v5;
	[tilespmem:v59+s28+$0x0] =	vst.idx.msk vm1, v6  }
0x623: {  	v9 =	vor.u32 $0x2CC0, v5;
	[tilespmem:v60+s28+$0x0] =	vst.idx.msk vm1, v6  }
0x624: {  	v10 =	vor.u32 $0x2D40, v5;
	[tilespmem:v61+s28+$0x0] =	vst.idx.msk vm1, v6  }
0x625: {  	v11 =	vor.u32 $0x2DC0, v5;
	[tilespmem:v62+s28+$0x0] =	vst.idx.msk vm1, v6  }
0x626: {  	v12 =	vor.u32 $0x2E40, v5;
	[tilespmem:v63+s28+$0x0] =	vst.idx.msk vm1, v6  }
0x627: {  	v13 =	vor.u32 $0x2EC0, v5;
	[tilespmem:v8+s28+$0x0] =	vst.idx.msk vm1, v6  }
0x628: {  	v14 =	vor.u32 $0x2F40, v5;
	[tilespmem:v9+s28+$0x0] =	vst.idx.msk vm1, v6  }
0x629: {  	v15 =	vor.u32 $0x2FC0, v5;
	[tilespmem:v10+s28+$0x0] =	vst.idx.msk vm1, v6  }
0x62a: {  	v16 =	vor.u32 $0x3C40, v5;
	[tilespmem:v11+s28+$0x0] =	vst.idx.msk vm1, v6  }
0x62b: {  	v17 =	vor.u32 $0x3CC0, v5;
	[tilespmem:v12+s28+$0x0] =	vst.idx.msk vm1, v6  }
0x62c: {  	v18 =	vor.u32 $0x3D40, v5;
	[tilespmem:v13+s28+$0x0] =	vst.idx.msk vm1, v6  }
0x62d: {  	v19 =	vor.u32 $0x3DC0, v5;
	[tilespmem:v14+s28+$0x0] =	vst.idx.msk vm1, v6  }
0x62e: {  	v20 =	vor.u32 $0x3E40, v5;
	[tilespmem:v15+s28+$0x0] =	vst.idx.msk vm1, v6  }
0x62f: {  	v21 =	vor.u32 $0x3EC0, v5;
	[tilespmem:v16+s28+$0x0] =	vst.idx.msk vm1, v6  }
0x630: {  	v22 =	vor.u32 $0x3F40, v5;
	[tilespmem:v17+s28+$0x0] =	vst.idx.msk vm1, v6  }
0x631: {  	v23 =	vor.u32 $0x3FC0, v5;
	[tilespmem:v18+s28+$0x0] =	vst.idx.msk vm1, v6  }
0x632: {  	[tilespmem:v19+s28+$0x0] =	vst.idx.msk vm1, v6  }
0x633: {  	[tilespmem:v20+s28+$0x0] =	vst.idx.msk vm1, v6  }
0x634: {  	[tilespmem:v21+s28+$0x0] =	vst.idx.msk vm1, v6  }
0x635: {  	[tilespmem:v22+s28+$0x0] =	vst.idx.msk vm1, v6  }
0x636: {  	[tilespmem:v23+s28+$0x0] =	vst.idx.msk vm1, v6  }
0x637: {  	v0 =	vld [tilespmem:$0x1D0];
	_ =	sdelay $0x4  }
0x638: {  	vm1 =	veq.s32 v0, $0xF4240  }
0x639: {  	v24 =	vor.u32 $0xC50, v5  }
0x63a: {  	v25 =	vor.u32 $0xCD0, v5  }
0x63b: {  	v26 =	vor.u32 $0xD50, v5  }
0x63c: {  	v27 =	vor.u32 $0xDD0, v5  }
0x63d: {  	v28 =	vor.u32 $0xE50, v5  }
0x63e: {  	v29 =	vor.u32 $0xED0, v5;
	[tilespmem:v24+s28+$0x0] =	vst.idx.msk vm1, v6  }
0x63f: {  	v30 =	vor.u32 $0xF50, v5;
	[tilespmem:v25+s28+$0x0] =	vst.idx.msk vm1, v6  }
0x640: {  	v31 =	vor.u32 $0xFD0, v5;
	[tilespmem:v26+s28+$0x0] =	vst.idx.msk vm1, v6  }
0x641: {  	v32 =	vor.u32 $0x1C50, v5;
	[tilespmem:v27+s28+$0x0] =	vst.idx.msk vm1, v6  }
0x642: {  	v33 =	vor.u32 $0x1CD0, v5;
	[tilespmem:v28+s28+$0x0] =	vst.idx.msk vm1, v6  }
0x643: {  	v34 =	vor.u32 $0x1D50, v5;
	[tilespmem:v29+s28+$0x0] =	vst.idx.msk vm1, v6  }
0x644: {  	v35 =	vor.u32 $0x1DD0, v5;
	[tilespmem:v30+s28+$0x0] =	vst.idx.msk vm1, v6  }
0x645: {  	v36 =	vor.u32 $0x1E50, v5;
	[tilespmem:v31+s28+$0x0] =	vst.idx.msk vm1, v6  }
0x646: {  	v37 =	vor.u32 $0x1ED0, v5;
	[tilespmem:v32+s28+$0x0] =	vst.idx.msk vm1, v6  }
0x647: {  	v38 =	vor.u32 $0x1F50, v5;
	[tilespmem:v33+s28+$0x0] =	vst.idx.msk vm1, v6  }
0x648: {  	v39 =	vor.u32 $0x1FD0, v5;
	[tilespmem:v34+s28+$0x0] =	vst.idx.msk vm1, v6  }
0x649: {  	v40 =	vor.u32 $0x2C50, v5;
	[tilespmem:v35+s28+$0x0] =	vst.idx.msk vm1, v6  }
0x64a: {  	v41 =	vor.u32 $0x2CD0, v5;
	[tilespmem:v36+s28+$0x0] =	vst.idx.msk vm1, v6  }
0x64b: {  	v42 =	vor.u32 $0x2D50, v5;
	[tilespmem:v37+s28+$0x0] =	vst.idx.msk vm1, v6  }
0x64c: {  	v43 =	vor.u32 $0x2DD0, v5;
	[tilespmem:v38+s28+$0x0] =	vst.idx.msk vm1, v6  }
0x64d: {  	v44 =	vor.u32 $0x2E50, v5;
	[tilespmem:v39+s28+$0x0] =	vst.idx.msk vm1, v6  }
0x64e: {  	v45 =	vor.u32 $0x2ED0, v5;
	[tilespmem:v40+s28+$0x0] =	vst.idx.msk vm1, v6  }
0x64f: {  	v46 =	vor.u32 $0x2F50, v5;
	[tilespmem:v41+s28+$0x0] =	vst.idx.msk vm1, v6  }
0x650: {  	v47 =	vor.u32 $0x2FD0, v5;
	[tilespmem:v42+s28+$0x0] =	vst.idx.msk vm1, v6  }
0x651: {  	v48 =	vor.u32 $0x3C50, v5;
	[tilespmem:v43+s28+$0x0] =	vst.idx.msk vm1, v6  }
0x652: {  	v49 =	vor.u32 $0x3CD0, v5;
	[tilespmem:v44+s28+$0x0] =	vst.idx.msk vm1, v6  }
0x653: {  	v50 =	vor.u32 $0x3D50, v5;
	[tilespmem:v45+s28+$0x0] =	vst.idx.msk vm1, v6  }
0x654: {  	v51 =	vor.u32 $0x3DD0, v5;
	[tilespmem:v46+s28+$0x0] =	vst.idx.msk vm1, v6  }
0x655: {  	v52 =	vor.u32 $0x3E50, v5;
	[tilespmem:v47+s28+$0x0] =	vst.idx.msk vm1, v6  }
0x656: {  	v53 =	vor.u32 $0x3ED0, v5;
	[tilespmem:v48+s28+$0x0] =	vst.idx.msk vm1, v6  }
0x657: {  	v54 =	vor.u32 $0x3F50, v5;
	[tilespmem:v49+s28+$0x0] =	vst.idx.msk vm1, v6  }
0x658: {  	v55 =	vor.u32 $0x3FD0, v5;
	[tilespmem:v50+s28+$0x0] =	vst.idx.msk vm1, v6  }
0x659: {  	[tilespmem:v51+s28+$0x0] =	vst.idx.msk vm1, v6  }
0x65a: {  	[tilespmem:v52+s28+$0x0] =	vst.idx.msk vm1, v6  }
0x65b: {  	[tilespmem:v53+s28+$0x0] =	vst.idx.msk vm1, v6  }
0x65c: {  	[tilespmem:v54+s28+$0x0] =	vst.idx.msk vm1, v6  }
0x65d: {  	[tilespmem:v55+s28+$0x0] =	vst.idx.msk vm1, v6  }
0x65e: {  	v0 =	vld [tilespmem:$0x1E0];
	_ =	sdelay $0x4  }
0x65f: {  	vm1 =	veq.s32 v0, $0xF4240  }
0x660: {  	v56 =	vor.u32 $0xC60, v5  }
0x661: {  	v57 =	vor.u32 $0xCE0, v5  }
0x662: {  	v58 =	vor.u32 $0xD60, v5  }
0x663: {  	v59 =	vor.u32 $0xDE0, v5  }
0x664: {  	v60 =	vor.u32 $0xE60, v5  }
0x665: {  	v61 =	vor.u32 $0xEE0, v5;
	[tilespmem:v56+s28+$0x0] =	vst.idx.msk vm1, v6  }
0x666: {  	v62 =	vor.u32 $0xF60, v5;
	[tilespmem:v57+s28+$0x0] =	vst.idx.msk vm1, v6  }
0x667: {  	v63 =	vor.u32 $0xFE0, v5;
	[tilespmem:v58+s28+$0x0] =	vst.idx.msk vm1, v6  }
0x668: {  	v8 =	vor.u32 $0x1C60, v5;
	[tilespmem:v59+s28+$0x0] =	vst.idx.msk vm1, v6  }
0x669: {  	v9 =	vor.u32 $0x1CE0, v5;
	[tilespmem:v60+s28+$0x0] =	vst.idx.msk vm1, v6  }
0x66a: {  	v10 =	vor.u32 $0x1D60, v5;
	[tilespmem:v61+s28+$0x0] =	vst.idx.msk vm1, v6  }
0x66b: {  	v11 =	vor.u32 $0x1DE0, v5;
	[tilespmem:v62+s28+$0x0] =	vst.idx.msk vm1, v6  }
0x66c: {  	v12 =	vor.u32 $0x1E60, v5;
	[tilespmem:v63+s28+$0x0] =	vst.idx.msk vm1, v6  }
0x66d: {  	v13 =	vor.u32 $0x1EE0, v5;
	[tilespmem:v8+s28+$0x0] =	vst.idx.msk vm1, v6  }
0x66e: {  	v14 =	vor.u32 $0x1F60, v5;
	[tilespmem:v9+s28+$0x0] =	vst.idx.msk vm1, v6  }
0x66f: {  	v15 =	vor.u32 $0x1FE0, v5;
	[tilespmem:v10+s28+$0x0] =	vst.idx.msk vm1, v6  }
0x670: {  	v16 =	vor.u32 $0x2C60, v5;
	[tilespmem:v11+s28+$0x0] =	vst.idx.msk vm1, v6  }
0x671: {  	v17 =	vor.u32 $0x2CE0, v5;
	[tilespmem:v12+s28+$0x0] =	vst.idx.msk vm1, v6  }
0x672: {  	v18 =	vor.u32 $0x2D60, v5;
	[tilespmem:v13+s28+$0x0] =	vst.idx.msk vm1, v6  }
0x673: {  	v19 =	vor.u32 $0x2DE0, v5;
	[tilespmem:v14+s28+$0x0] =	vst.idx.msk vm1, v6  }
0x674: {  	v20 =	vor.u32 $0x2E60, v5;
	[tilespmem:v15+s28+$0x0] =	vst.idx.msk vm1, v6  }
0x675: {  	v21 =	vor.u32 $0x2EE0, v5;
	[tilespmem:v16+s28+$0x0] =	vst.idx.msk vm1, v6  }
0x676: {  	v22 =	vor.u32 $0x2F60, v5;
	[tilespmem:v17+s28+$0x0] =	vst.idx.msk vm1, v6  }
0x677: {  	v23 =	vor.u32 $0x2FE0, v5;
	[tilespmem:v18+s28+$0x0] =	vst.idx.msk vm1, v6  }
0x678: {  	v24 =	vor.u32 $0x3C60, v5;
	[tilespmem:v19+s28+$0x0] =	vst.idx.msk vm1, v6  }
0x679: {  	v25 =	vor.u32 $0x3CE0, v5;
	[tilespmem:v20+s28+$0x0] =	vst.idx.msk vm1, v6  }
0x67a: {  	v26 =	vor.u32 $0x3D60, v5;
	[tilespmem:v21+s28+$0x0] =	vst.idx.msk vm1, v6  }
0x67b: {  	v27 =	vor.u32 $0x3DE0, v5;
	[tilespmem:v22+s28+$0x0] =	vst.idx.msk vm1, v6  }
0x67c: {  	v28 =	vor.u32 $0x3E60, v5;
	[tilespmem:v23+s28+$0x0] =	vst.idx.msk vm1, v6  }
0x67d: {  	v29 =	vor.u32 $0x3EE0, v5;
	[tilespmem:v24+s28+$0x0] =	vst.idx.msk vm1, v6  }
0x67e: {  	v30 =	vor.u32 $0x3F60, v5;
	[tilespmem:v25+s28+$0x0] =	vst.idx.msk vm1, v6  }
0x67f: {  	v31 =	vor.u32 $0x3FE0, v5;
	[tilespmem:v26+s28+$0x0] =	vst.idx.msk vm1, v6  }
0x680: {  	[tilespmem:v27+s28+$0x0] =	vst.idx.msk vm1, v6  }
0x681: {  	[tilespmem:v28+s28+$0x0] =	vst.idx.msk vm1, v6  }
0x682: {  	[tilespmem:v29+s28+$0x0] =	vst.idx.msk vm1, v6  }
0x683: {  	[tilespmem:v30+s28+$0x0] =	vst.idx.msk vm1, v6  }
0x684: {  	[tilespmem:v31+s28+$0x0] =	vst.idx.msk vm1, v6  }
0x685: {  	v0 =	vld [tilespmem:$0x1F0];
	_ =	sdelay $0x4  }
0x686: {  	vm1 =	veq.s32 v0, $0xF4240  }
0x687: {  	v32 =	vor.u32 $0xC70, v5  }
0x688: {  	v33 =	vor.u32 $0xCF0, v5  }
0x689: {  	v34 =	vor.u32 $0xD70, v5  }
0x68a: {  	v35 =	vor.u32 $0xDF0, v5  }
0x68b: {  	v36 =	vor.u32 $0xE70, v5  }
0x68c: {  	v37 =	vor.u32 $0xEF0, v5;
	[tilespmem:v32+s28+$0x0] =	vst.idx.msk vm1, v6  }
0x68d: {  	v38 =	vor.u32 $0xF70, v5;
	[tilespmem:v33+s28+$0x0] =	vst.idx.msk vm1, v6  }
0x68e: {  	v39 =	vor.u32 $0xFF0, v5;
	[tilespmem:v34+s28+$0x0] =	vst.idx.msk vm1, v6  }
0x68f: {  	v40 =	vor.u32 $0x1C70, v5;
	[tilespmem:v35+s28+$0x0] =	vst.idx.msk vm1, v6  }
0x690: {  	v41 =	vor.u32 $0x1CF0, v5;
	[tilespmem:v36+s28+$0x0] =	vst.idx.msk vm1, v6  }
0x691: {  	v42 =	vor.u32 $0x1D70, v5;
	[tilespmem:v37+s28+$0x0] =	vst.idx.msk vm1, v6  }
0x692: {  	v43 =	vor.u32 $0x1DF0, v5;
	[tilespmem:v38+s28+$0x0] =	vst.idx.msk vm1, v6  }
0x693: {  	v44 =	vor.u32 $0x1E70, v5;
	[tilespmem:v39+s28+$0x0] =	vst.idx.msk vm1, v6  }
0x694: {  	v45 =	vor.u32 $0x1EF0, v5;
	[tilespmem:v40+s28+$0x0] =	vst.idx.msk vm1, v6  }
0x695: {  	v46 =	vor.u32 $0x1F70, v5;
	[tilespmem:v41+s28+$0x0] =	vst.idx.msk vm1, v6  }
0x696: {  	v47 =	vor.u32 $0x1FF0, v5;
	[tilespmem:v42+s28+$0x0] =	vst.idx.msk vm1, v6  }
0x697: {  	v48 =	vor.u32 $0x2C70, v5;
	[tilespmem:v43+s28+$0x0] =	vst.idx.msk vm1, v6  }
0x698: {  	v49 =	vor.u32 $0x2CF0, v5;
	[tilespmem:v44+s28+$0x0] =	vst.idx.msk vm1, v6  }
0x699: {  	v50 =	vor.u32 $0x2D70, v5;
	[tilespmem:v45+s28+$0x0] =	vst.idx.msk vm1, v6  }
0x69a: {  	v51 =	vor.u32 $0x2DF0, v5;
	[tilespmem:v46+s28+$0x0] =	vst.idx.msk vm1, v6  }
0x69b: {  	v52 =	vor.u32 $0x2E70, v5;
	[tilespmem:v47+s28+$0x0] =	vst.idx.msk vm1, v6  }
0x69c: {  	v53 =	vor.u32 $0x2EF0, v5;
	[tilespmem:v48+s28+$0x0] =	vst.idx.msk vm1, v6  }
0x69d: {  	v54 =	vor.u32 $0x2F70, v5;
	[tilespmem:v49+s28+$0x0] =	vst.idx.msk vm1, v6  }
0x69e: {  	v55 =	vor.u32 $0x2FF0, v5;
	[tilespmem:v50+s28+$0x0] =	vst.idx.msk vm1, v6  }
0x69f: {  	v56 =	vor.u32 $0x3C70, v5;
	[tilespmem:v51+s28+$0x0] =	vst.idx.msk vm1, v6  }
0x6a0: {  	v57 =	vor.u32 $0x3CF0, v5;
	[tilespmem:v52+s28+$0x0] =	vst.idx.msk vm1, v6  }
0x6a1: {  	v58 =	vor.u32 $0x3D70, v5;
	[tilespmem:v53+s28+$0x0] =	vst.idx.msk vm1, v6  }
0x6a2: {  	v59 =	vor.u32 $0x3DF0, v5;
	[tilespmem:v54+s28+$0x0] =	vst.idx.msk vm1, v6  }
0x6a3: {  	v60 =	vor.u32 $0x3E70, v5;
	[tilespmem:v55+s28+$0x0] =	vst.idx.msk vm1, v6  }
0x6a4: {  	v61 =	vor.u32 $0x3EF0, v5;
	[tilespmem:v56+s28+$0x0] =	vst.idx.msk vm1, v6  }
0x6a5: {  	v62 =	vor.u32 $0x3F70, v5;
	[tilespmem:v57+s28+$0x0] =	vst.idx.msk vm1, v6  }
0x6a6: {  	v63 =	vor.u32 $0x3FF0, v5;
	[tilespmem:v58+s28+$0x0] =	vst.idx.msk vm1, v6  }
.Ltmp7:
0x6a7: {  	[tilespmem:v59+s28+$0x0] =	vst.idx.msk vm1, v6;
	(pc) =	sbr.rel .LBB2_7-.Ltmp7, $4  }
0x6a8: {  	[tilespmem:v60+s28+$0x0] =	vst.idx.msk vm1, v6  }
0x6a9: {  	[tilespmem:v61+s28+$0x0] =	vst.idx.msk vm1, v6  }
0x6aa: {  	[tilespmem:v62+s28+$0x0] =	vst.idx.msk vm1, v6  }
0x6ab: {  	[tilespmem:v63+s28+$0x0] =	vst.idx.msk vm1, v6  }
.LBB2_8:
0x6ac: {  	_ =	sfence.sel $0x180000  }
0x6ad: {  	[bflag:$0x0] =	sbarrier.arrive $0xFFFF  }
0x6ae: {  	_ =	strace $0x90000047  }
0x6af: {  	s0 =	stileid.u32;
	[bflag:$0x2] =	sbarrier.arrive $0xFFFF  }
0x6b0: {  	p0 =	sne.s32 s0, $0x0;
	s0 =	rddreg [dreg:$0x3]  }
0x6b1: {  	s0 =	sadd.s32 @!p0 $0x100000, s0  }
0x6b2: {  	[sflag:s0] =	ssyncadd.tile.s32 @!p0 $0x1;
	_ =	shalt  }
.Lfunc_end2:
_tile_overlayer_lowered:
.L_overlay_start_2:
0x6b3: {  	(tag) =	ssettag $0x2  }
0x6b4: {  	s0 =	rddreg [dreg:$0x0];
	s2 =	stileid.u32  }
0x6b5: {  	s1 =	rddreg [dreg:$0x1];
	p0 =	sne.s32 s2, $0x0  }
0x6b6: {  	s3 =	rddreg [dreg:$0x2];
	[bflag:$0x3] =	sbarrier.arrive $0xFFFF;
	s2 =	simm.s32 @!p0 $0x1C03  }
0x6b7: {  	[timem:s3], [sflag:s2] =	dma.local @!p0 [hbm:s0], s1  }
0x6b8: {  	s0 =	simm.s32 @!p0 $0x3  }
0x6b9: {  	_ =	swait.ge @!p0 [sflag:s0], s1  }
0x6ba: {  	s1 =	ssub.s32 @!p0 $0x0, s1;
	[sflag:s0] =	ssyncset.done @!p0 $0x0  }
0x6bb: {  	[sflag:s0] =	ssyncadd.s32 @!p0 s1  }
0x6bc: {  	[bflag:$0x3] =	sbarrier.arrive $0xFFFF  }
0x6bd: {  	_ =	shalt  }

</sc_bundles>
